<compile_context>
chip_gen: v7x
topology: tpu7x:2x2x1
jax: 0.10.2.dev20260603
libtpu: 0.0.44.dev20260713+nightly
codegen_flags: <defaults>
</compile_context>

<pallas_src>
import functools

import jax
import jax.numpy as jnp
from jax import lax
from jax.experimental import pallas as pl
from jax.experimental.pallas import tpu as pltpu
from jax.experimental.pallas import tpu_sc as plsc

_L = 16
_NC = 2
_BITS = 10
_BINS = 1 << _BITS
_KMAX = 0x3FFFFFFF


def _score_body(x_ref, w1_ref, b1_ref, w2_ref, out_ref):
    xb = x_ref[0]
    h = jnp.dot(w1_ref[...], xb, preferred_element_type=jnp.float32)
    h = jax.nn.relu(h + b1_ref[...][:, None])
    s = jnp.dot(w2_ref[...], h, preferred_element_type=jnp.float32)
    out_ref[0] = jax.nn.sigmoid(s)


def _scores(x, W1, b1, W2):
    B, C, N = x.shape
    out = pl.pallas_call(
        _score_body,
        grid=(B,),
        in_specs=[
            pl.BlockSpec((1, C, N), lambda b: (b, 0, 0)),
            pl.BlockSpec((C // 4, C), lambda b: (0, 0)),
            pl.BlockSpec((C // 4,), lambda b: (0,)),
            pl.BlockSpec((1, C // 4), lambda b: (0, 0)),
        ],
        out_specs=pl.BlockSpec((1, 1, N), lambda b: (b, 0, 0)),
        out_shape=jax.ShapeDtypeStruct((B, 1, N), jnp.float32),
    )(x, W1, b1, W2)
    return out[:, 0, :]


def _sort_body(score_hbm, idx_hbm, sck_hbm,
               srow, val0, val1, hist0, hist1, hist2, hist3, tvec, sck_v):
    B, N = score_hbm.shape
    K = N // 2
    vpl = N // _L
    qv = vpl // 4
    wid = lax.axis_index("s") * _NC + lax.axis_index("c")

    @pl.when(wid < B)
    def _():
        lane = lax.iota(jnp.int32, _L)
        pltpu.sync_copy(score_hbm.at[wid], srow)

        lvpl = lane * vpl
        ones = jnp.ones((_L,), jnp.int32)
        zeros = jnp.zeros((_L,), jnp.int32)

        def key_at(vi, iv):
            if vi is None:
                vv = iv
            else:
                vv = plsc.load_gather(vi, [iv])
            u = plsc.bitcast(plsc.load_gather(srow, [vv]), jnp.int32)
            return _KMAX - u, vv

        def rs_pass(vi, vo, shift):
            @plsc.parallel_loop(0, _BINS, unroll=4)
            def _(i):
                sl = pl.ds(i * _L, _L)
                hist0[sl] = zeros
                hist1[sl] = zeros
                hist2[sl] = zeros
                hist3[sl] = zeros

            def h1(v, _):
                k0, _v0 = key_at(vi, lvpl + v)
                k1, _v1 = key_at(vi, lvpl + (qv + v))
                k2, _v2 = key_at(vi, lvpl + (2 * qv + v))
                k3, _v3 = key_at(vi, lvpl + (3 * qv + v))
                a0 = ((k0 >> shift) & (_BINS - 1)) * _L + lane
                a1 = ((k1 >> shift) & (_BINS - 1)) * _L + lane
                a2 = ((k2 >> shift) & (_BINS - 1)) * _L + lane
                a3 = ((k3 >> shift) & (_BINS - 1)) * _L + lane
                plsc.addupdate_scatter(hist0, [a0], ones)
                plsc.addupdate_scatter(hist1, [a1], ones)
                plsc.addupdate_scatter(hist2, [a2], ones)
                plsc.addupdate_scatter(hist3, [a3], ones)
                return 0

            lax.fori_loop(0, qv, h1, 0, unroll=2)

            @plsc.parallel_loop(0, _BINS, unroll=4)
            def _(i):
                sl = pl.ds(i * _L, _L)
                c0 = hist0[sl]
                c1 = hist1[sl]
                c2 = hist2[sl]
                c3 = hist3[sl]
                t = c0 + c1 + c2 + c3
                ic = plsc.cumsum(t)
                r0 = ic - t
                hist0[sl] = r0
                hist1[sl] = r0 + c0
                hist2[sl] = r0 + c0 + c1
                hist3[sl] = ic

            def lvl2(i, carry):
                addr15 = (i * _L + lane) * _L + (_L - 1)
                t = plsc.load_gather(hist3, [addr15])
                eb = (plsc.cumsum(t) - t) + carry
                plsc.store_scatter(tvec, [i * _L + lane], eb)
                return carry + jnp.sum(t)

            lax.fori_loop(0, _BINS // _L, lvl2, jnp.int32(0))

            @plsc.parallel_loop(0, _BINS, unroll=4)
            def _(i):
                sl = pl.ds(i * _L, _L)
                base = plsc.load_gather(tvec, [lane * 0 + i])
                hist0[sl] = hist0[sl] + base
                hist1[sl] = hist1[sl] + base
                hist2[sl] = hist2[sl] + base
                hist3[sl] = hist3[sl] + base

            def h3(v, _):
                k0, v0 = key_at(vi, lvpl + v)
                k1, v1 = key_at(vi, lvpl + (qv + v))
                k2, v2 = key_at(vi, lvpl + (2 * qv + v))
                k3, v3 = key_at(vi, lvpl + (3 * qv + (qv - 1 - v)))
                a0 = ((k0 >> shift) & (_BINS - 1)) * _L + lane
                a1 = ((k1 >> shift) & (_BINS - 1)) * _L + lane
                a2 = ((k2 >> shift) & (_BINS - 1)) * _L + lane
                a3 = ((k3 >> shift) & (_BINS - 1)) * _L + lane
                cur0 = plsc.load_gather(hist0, [a0])
                cur1 = plsc.load_gather(hist1, [a1])
                cur2 = plsc.load_gather(hist2, [a2])
                cur3 = plsc.load_gather(hist3, [a3]) - 1
                plsc.store_scatter(hist0, [a0], cur0 + 1)
                plsc.store_scatter(hist1, [a1], cur1 + 1)
                plsc.store_scatter(hist2, [a2], cur2 + 1)
                plsc.store_scatter(hist3, [a3], cur3)
                plsc.store_scatter(vo, [cur0], v0)
                plsc.store_scatter(vo, [cur1], v1)
                plsc.store_scatter(vo, [cur2], v2)
                plsc.store_scatter(vo, [cur3], v3)
                return 0

            lax.fori_loop(0, qv, h3, 0, unroll=2)

        rs_pass(None, val1, 0)
        rs_pass(val1, val0, _BITS)
        rs_pass(val0, val1, 2 * _BITS)

        @plsc.parallel_loop(0, K // _L, unroll=4)
        def _(i):
            sl = pl.ds(i * _L, _L)
            sck_v[sl] = plsc.load_gather(srow, [val1[sl]])

        pltpu.sync_copy(val1.at[pl.ds(0, K)], idx_hbm.at[wid])
        pltpu.sync_copy(sck_v, sck_hbm.at[wid])


def _sort(score):
    B, N = score.shape
    K = N // 2
    mesh = plsc.VectorSubcoreMesh(core_axis_name="c", subcore_axis_name="s")
    f = pl.kernel(
        _sort_body,
        out_type=[
            jax.ShapeDtypeStruct((B, K), jnp.int32),
            jax.ShapeDtypeStruct((B, K), jnp.float32),
        ],
        mesh=mesh,
        scratch_types=[
            pltpu.VMEM((N,), jnp.float32),
            pltpu.VMEM((N,), jnp.int32),
            pltpu.VMEM((N,), jnp.int32),
            pltpu.VMEM((_BINS * _L,), jnp.int32),
            pltpu.VMEM((_BINS * _L,), jnp.int32),
            pltpu.VMEM((_BINS * _L,), jnp.int32),
            pltpu.VMEM((_BINS * _L,), jnp.int32),
            pltpu.VMEM((_BINS,), jnp.int32),
            pltpu.VMEM((K,), jnp.float32),
        ],
        compiler_params=pltpu.CompilerParams(needs_layout_passes=False),
    )
    return f(score)


def _gather_body(pos_hbm, feat_hbm, x_hbm, idx_hbm, sck_hbm,
                 posk_hbm, lfk_hbm, fk_hbm,
                 idx_v, sck_v, rowa0, rowb0, rowa1, rowb1,
                 outa0, outb0, outa1, outb1,
                 isa0, isb0, isa1, isb1, osa0, osb0, osa1, osb1):
    B = pos_hbm.shape[0]
    C = x_hbm.shape[1]
    CF = feat_hbm.shape[1]
    N = x_hbm.shape[2]
    K = N // 2
    wid = lax.axis_index("s") * _NC + lax.axis_index("c")
    b = wid // 4
    sub = wid % 4
    rows_a = (rowa0, rowa1)
    rows_b = (rowb0, rowb1)
    outs_a = (outa0, outa1)
    outs_b = (outb0, outb1)
    isa = (isa0, isa1)
    isb = (isb0, isb1)
    osa = (osa0, osa1)
    osb = (osb0, osb1)

    pltpu.sync_copy(idx_hbm.at[b], idx_v)
    pltpu.sync_copy(sck_hbm.at[b], sck_v)

    def start_in(p, par):
        @pl.when(p < 16)
        def _():
            pltpu.async_copy(x_hbm.at[b, sub * 32 + 2 * p], rows_a[par], isa[par])
            pltpu.async_copy(x_hbm.at[b, sub * 32 + 2 * p + 1], rows_b[par],
                             isb[par])

        @pl.when(p >= 16)
        def _():
            pltpu.async_copy(feat_hbm.at[b, sub * 16 + 2 * (p - 16)], rows_a[par],
                             isa[par])
            pltpu.async_copy(feat_hbm.at[b, sub * 16 + 2 * (p - 16) + 1],
                             rows_b[par], isb[par])

    def wait_in(par):
        pltpu.make_async_copy(x_hbm.at[0, 0], rows_a[par], isa[par]).wait()
        pltpu.make_async_copy(x_hbm.at[0, 0], rows_b[par], isb[par]).wait()

    def start_out(p, par):
        @pl.when(p < 16)
        def _():
            pltpu.async_copy(outs_a[par], fk_hbm.at[b, sub * 32 + 2 * p], osa[par])
            pltpu.async_copy(outs_b[par], fk_hbm.at[b, sub * 32 + 2 * p + 1],
                             osb[par])

        @pl.when(p >= 16)
        def _():
            pltpu.async_copy(outs_a[par], lfk_hbm.at[b, sub * 16 + 2 * (p - 16)],
                             osa[par])
            pltpu.async_copy(outs_b[par], lfk_hbm.at[b, sub * 16 + 2 * (p - 16) + 1],
                             osb[par])

    def wait_out(par):
        pltpu.make_async_copy(outs_a[par], fk_hbm.at[0, 0], osa[par]).wait()
        pltpu.make_async_copy(outs_b[par], fk_hbm.at[0, 0], osb[par]).wait()

    def gather_pair(par, scale):
        @plsc.parallel_loop(0, K // _L, unroll=4)
        def _(i):
            sl = pl.ds(i * _L, _L)
            iv = idx_v[sl]
            ga = plsc.load_gather(rows_a[par], [iv])
            gb = plsc.load_gather(rows_b[par], [iv])
            if scale:
                sc = sck_v[sl]
                ga = ga * sc
                gb = gb * sc
            outs_a[par][sl] = ga
            outs_b[par][sl] = gb

    start_in(0, 0)
    start_in(1, 1)

    def step(p2, _):
        for par in (0, 1):
            p = p2 * 2 + par
            wait_in(par)

            @pl.when(p >= 2)
            def _():
                wait_out(par)

            @pl.when(p < 16)
            def _():
                gather_pair(par, True)

            @pl.when(p >= 16)
            def _():
                gather_pair(par, False)

            start_out(p, par)

            @pl.when(p + 2 < 24)
            def _():
                start_in(p + 2, par)

        return 0

    lax.fori_loop(0, 12, step, 0)
    wait_out(0)
    wait_out(1)

    @pl.when(sub < 3)
    def _():
        pltpu.sync_copy(pos_hbm.at[b, sub], rowa0)

        @plsc.parallel_loop(0, K // _L, unroll=4)
        def _(i):
            sl = pl.ds(i * _L, _L)
            outa0[sl] = plsc.load_gather(rowa0, [idx_v[sl]])

        pltpu.sync_copy(outa0, posk_hbm.at[b, sub])


def _gather(pos, feat, x, idx, sck):
    B, C, N = x.shape
    CF = feat.shape[1]
    K = N // 2
    mesh = plsc.VectorSubcoreMesh(core_axis_name="c", subcore_axis_name="s")
    f = pl.kernel(
        _gather_body,
        out_type=[
            jax.ShapeDtypeStruct((B, 3, K), jnp.float32),
            jax.ShapeDtypeStruct((B, CF, K), jnp.float32),
            jax.ShapeDtypeStruct((B, C, K), jnp.float32),
        ],
        mesh=mesh,
        scratch_types=[
            pltpu.VMEM((K,), jnp.int32),
            pltpu.VMEM((K,), jnp.float32),
            pltpu.VMEM((N,), jnp.float32),
            pltpu.VMEM((N,), jnp.float32),
            pltpu.VMEM((N,), jnp.float32),
            pltpu.VMEM((N,), jnp.float32),
            pltpu.VMEM((K,), jnp.float32),
            pltpu.VMEM((K,), jnp.float32),
            pltpu.VMEM((K,), jnp.float32),
            pltpu.VMEM((K,), jnp.float32),
            pltpu.SemaphoreType.DMA,
            pltpu.SemaphoreType.DMA,
            pltpu.SemaphoreType.DMA,
            pltpu.SemaphoreType.DMA,
            pltpu.SemaphoreType.DMA,
            pltpu.SemaphoreType.DMA,
            pltpu.SemaphoreType.DMA,
            pltpu.SemaphoreType.DMA,
        ],
        compiler_params=pltpu.CompilerParams(needs_layout_passes=False),
    )
    return f(pos, feat, x, idx, sck)


def kernel(pos, feat, x, W1, b1, W2):
    score = _scores(x, W1, b1, W2)
    top_idx, score_k = _sort(score)
    return tuple(_gather(pos, feat, x, top_idx, score_k))

# --- scband reference (transcript-rebuilt; emitter-appended) ---
"""Pipeline reference for scband-gpool-88527865905284 (READ-ONLY COPY).

The authoritative reference and input builder live on the scoring server;
editing this copy changes nothing except your own understanding.
"""

import jax, jax.numpy as jnp
import numpy as np

B, N, C, CF = 8, 16384, 128, 64
RATIO = 0.5

def setup_inputs(seed: int = 0) -> dict:
    key = jax.random.key(seed)
    ks = jax.random.split(key, 5)
    pos = jax.random.normal(ks[0], (B, 3, N), dtype=jnp.float32)
    feat = jax.random.normal(ks[1], (B, CF, N), dtype=jnp.float32)
    x = jax.random.normal(ks[2], (B, C, N), dtype=jnp.float32)
    W1 = jax.random.normal(ks[3], (C // 4, C), dtype=jnp.float32) * (1.0 / np.sqrt(C))
    b1 = jnp.zeros((C // 4,), dtype=jnp.float32)
    W2 = jax.random.normal(ks[4], (1, C // 4), dtype=jnp.float32) * (1.0 / np.sqrt(C // 4))
    return {"pos": pos, "feat": feat, "x": x, "W1": W1, "b1": b1, "W2": W2}

def reference(pos, feat, x, W1, b1, W2):
    Bv = x.shape[0]
    Nv = x.shape[2]
    k = int(Nv * RATIO)
    # Score MLP: Conv1d(C, C//4, 1) + ReLU + Conv1d(C//4, 1, 1, bias=False) + Sigmoid
    h = jnp.einsum('oi,bin->bon', W1, x) + b1[None, :, None]
    h = jax.nn.relu(h)
    s = jnp.einsum('oi,bin->bon', W2, h)
    score = jax.nn.sigmoid(s)[:, 0, :]  # [B, N]
    # argsort descending, take top k indices
    top_idx = jnp.argsort(-score, axis=1)[:, :k]  # [B, k]
    score_k = jnp.take_along_axis(score, top_idx, axis=1)  # [B, k]
    idx3 = jnp.broadcast_to(top_idx[:, None, :], (Bv, 3, k))
    pos_k = jnp.take_along_axis(pos, idx3, axis=2)
    idxf = jnp.broadcast_to(top_idx[:, None, :], (Bv, feat.shape[1], k))
    local_feat_k = jnp.take_along_axis(feat, idxf, axis=2)
    idxx = jnp.broadcast_to(top_idx[:, None, :], (Bv, x.shape[1], k))
    feat_k = jnp.take_along_axis(x, idxx, axis=2)
    feat_k = feat_k * score_k[:, None, :]
    return (pos_k, local_feat_k, feat_k)

if __name__ == "__main__":
    import jax
    _d = setup_inputs()
    print(jax.jit(kernel)(*tuple(_d.values())))

</pallas_src>

<mosaic_0001>
#map = affine_map<(d0, d1) -> (0, 0)>
module attributes {stable_mosaic.version = 14 : i64} {
  func.func @_sort_body(%arg0: i32, %arg1: i32, %arg2: memref<8x16384xf32, #tpu.memory_space<hbm>>, %arg3: memref<8x8192xi32, #tpu.memory_space<hbm>>, %arg4: memref<8x8192xf32, #tpu.memory_space<hbm>>, %arg5: memref<16384xf32, #tpu.memory_space<vmem>>, %arg6: memref<16384xi32, #tpu.memory_space<vmem>>, %arg7: memref<16384xi32, #tpu.memory_space<vmem>>, %arg8: memref<16384xi32, #tpu.memory_space<vmem>>, %arg9: memref<16384xi32, #tpu.memory_space<vmem>>, %arg10: memref<16384xi32, #tpu.memory_space<vmem>>, %arg11: memref<16384xi32, #tpu.memory_space<vmem>>, %arg12: memref<1024xi32, #tpu.memory_space<vmem>>, %arg13: memref<8192xf32, #tpu.memory_space<vmem>>) attributes {dimension_semantics = [#tpu.dimension_semantics<core_parallel>, #tpu.dimension_semantics<subcore_parallel>], iteration_bounds = array<i64: 2, 16>, scalar_prefetch = 0 : i64, scratch_operands = 9 : i64, tpu.core_type = #tpu.core_type<sc_vector_subcore>, window_params = [{transform_indices = #map}, {transform_indices = #map}, {transform_indices = #map}]} {
    %mul3A = arith.constant 2 : i32
    %mul3A_0 = arith.muli %arg1, %mul3A : i32
    %add3A = arith.addi %mul3A_0, %arg0 : i32
    %lt3A = arith.constant 8 : i32
    %lt3A_1 = arith.cmpi slt, %add3A, %lt3A : i32
    %convert_element_type3A = arith.extui %lt3A_1 : i1 to i32
    %cond3A = arith.constant 0 : i32
    %cond3A_2 = arith.cmpi ne, %convert_element_type3A, %cond3A : i32
    scf.if %cond3A_2 {
      %iota3A = tpu.iota {dimensions = array<i32: 0>} : vector<16xi32>
      "tpu.region"() ({
        %run_scoped3A = tpu.sem_alloc : memref<!tpu.dma_semaphore, #tpu.memory_space<semaphore_mem>>
        %dma_start3A = arith.constant 0 : i32
        %dma_start3A_100 = tpu.memref_slice %arg2[%add3A, %dma_start3A] : memref<8x16384xf32, #tpu.memory_space<hbm>> -> memref<1x16384xf32, #tpu.memory_space<hbm>>
        %dma_start3A_101 = tpu.memref_squeeze %dma_start3A_100 : memref<1x16384xf32, #tpu.memory_space<hbm>> -> memref<16384xf32, #tpu.memory_space<hbm>>
        %dma_start3A_102 = arith.constant 0 : i32
        %dma_start3A_103 = tpu.memref_slice %arg2[%add3A, %dma_start3A_102] : memref<8x16384xf32, #tpu.memory_space<hbm>> -> memref<1x16384xf32, #tpu.memory_space<hbm>>
        %dma_start3A_104 = tpu.memref_squeeze %dma_start3A_103 : memref<1x16384xf32, #tpu.memory_space<hbm>> -> memref<16384xf32, #tpu.memory_space<hbm>>
        tpu.enqueue_dma source(%dma_start3A_104 : memref<16384xf32, #tpu.memory_space<hbm>>) target(%arg5 : memref<16384xf32, #tpu.memory_space<vmem>>) target_semaphore(%run_scoped3A : memref<!tpu.dma_semaphore, #tpu.memory_space<semaphore_mem>>)
        %dma_wait3A = arith.constant 0 : i32
        %dma_wait3A_105 = tpu.memref_slice %arg2[%add3A, %dma_wait3A] : memref<8x16384xf32, #tpu.memory_space<hbm>> -> memref<1x16384xf32, #tpu.memory_space<hbm>>
        %dma_wait3A_106 = tpu.memref_squeeze %dma_wait3A_105 : memref<1x16384xf32, #tpu.memory_space<hbm>> -> memref<16384xf32, #tpu.memory_space<hbm>>
        %dma_wait3A_107 = arith.constant 0 : i32
        %dma_wait3A_108 = tpu.memref_slice %arg2[%add3A, %dma_wait3A_107] : memref<8x16384xf32, #tpu.memory_space<hbm>> -> memref<1x16384xf32, #tpu.memory_space<hbm>>
        %dma_wait3A_109 = tpu.memref_squeeze %dma_wait3A_108 : memref<1x16384xf32, #tpu.memory_space<hbm>> -> memref<16384xf32, #tpu.memory_space<hbm>>
        tpu.wait_dma2 semaphore(%run_scoped3A : memref<!tpu.dma_semaphore, #tpu.memory_space<semaphore_mem>>) src(%dma_wait3A_109 : memref<16384xf32, #tpu.memory_space<hbm>>) dst(%arg5 : memref<16384xf32, #tpu.memory_space<vmem>>)
        tpu.yield
      }) : () -> ()
      %mul3A_3 = arith.constant 1024 : i32
      %mul3A_4 = vector.broadcast %mul3A_3 : i32 to vector<16xi32>
      %mul3A_5 = arith.muli %iota3A, %mul3A_4 : vector<16xi32>
      %broadcast_in_dim3A = arith.constant 1 : i32
      %broadcast_in_dim3A_6 = vector.broadcast %broadcast_in_dim3A : i32 to vector<16xi32>
      %broadcast_in_dim3A_7 = arith.constant 0 : i32
      %broadcast_in_dim3A_8 = vector.broadcast %broadcast_in_dim3A_7 : i32 to vector<16xi32>
      %parallel_loop3A = arith.constant 0 : i32
      %parallel_loop3A_9 = arith.constant 1024 : i32
      %parallel_loop3A_10 = arith.constant 1 : i32
      scf.for %parallel_loop3A_100 = %parallel_loop3A to %parallel_loop3A_9 step %parallel_loop3A_10  : i32 {
        %parallel_loop3A_101 = arith.constant 16 : i32
        %parallel_loop3A_102 = arith.muli %parallel_loop3A_100, %parallel_loop3A_101 : i32
        %parallel_loop3A_103 = arith.index_cast %parallel_loop3A_102 : i32 to index
        %parallel_loop3A_104 = tpu.vector_load %arg8[%parallel_loop3A_103] {strides = array<i32>} : memref<16384xi32, #tpu.memory_space<vmem>>, vector<16xi32>,
        tpu.vector_store %arg8[%parallel_loop3A_103], %broadcast_in_dim3A_8 {strides = array<i32>} : memref<16384xi32, #tpu.memory_space<vmem>>, vector<16xi32>,
        %parallel_loop3A_105 = arith.index_cast %parallel_loop3A_102 : i32 to index
        %parallel_loop3A_106 = tpu.vector_load %arg9[%parallel_loop3A_105] {strides = array<i32>} : memref<16384xi32, #tpu.memory_space<vmem>>, vector<16xi32>,
        tpu.vector_store %arg9[%parallel_loop3A_105], %broadcast_in_dim3A_8 {strides = array<i32>} : memref<16384xi32, #tpu.memory_space<vmem>>, vector<16xi32>,
        %parallel_loop3A_107 = arith.index_cast %parallel_loop3A_102 : i32 to index
        %parallel_loop3A_108 = tpu.vector_load %arg10[%parallel_loop3A_107] {strides = array<i32>} : memref<16384xi32, #tpu.memory_space<vmem>>, vector<16xi32>,
        tpu.vector_store %arg10[%parallel_loop3A_107], %broadcast_in_dim3A_8 {strides = array<i32>} : memref<16384xi32, #tpu.memory_space<vmem>>, vector<16xi32>,
        %parallel_loop3A_109 = arith.index_cast %parallel_loop3A_102 : i32 to index
        %parallel_loop3A_110 = tpu.vector_load %arg11[%parallel_loop3A_109] {strides = array<i32>} : memref<16384xi32, #tpu.memory_space<vmem>>, vector<16xi32>,
        tpu.vector_store %arg11[%parallel_loop3A_109], %broadcast_in_dim3A_8 {strides = array<i32>} : memref<16384xi32, #tpu.memory_space<vmem>>, vector<16xi32>,
      } {sc.loop_unroll_factor = 4 : i64, sc.parallel_access}
      %scan3A = arith.constant 0 : i32
      %scan3A_11 = arith.constant 0 : i32
      %scan3A_12 = arith.constant 256 : i32
      %scan3A_13 = arith.addi %scan3A_11, %scan3A_12 : i32
      %scan3A_14 = arith.constant 2 : i32
      %scan3A_15 = scf.for %scan3A_100 = %scan3A_11 to %scan3A_13 step %scan3A_14 iter_args(%scan3A_101 = %scan3A) -> (i32)  : i32 {
        %add3A_102 = vector.broadcast %scan3A_100 : i32 to vector<16xi32>
        %add3A_103 = arith.addi %mul3A_5, %add3A_102 : vector<16xi32>
        %gather3A = tpu.vector_load_idx %arg5[%add3A_103] : memref<16384xf32, #tpu.memory_space<vmem>>[vector<16xi32>], vector<16xf32>,
        %bitcast3A = vector.bitcast %gather3A : vector<16xf32> to vector<16xi32>
        %sub3A = arith.constant 1073741823 : i32
        %sub3A_104 = vector.broadcast %sub3A : i32 to vector<16xi32>
        %sub3A_105 = arith.subi %sub3A_104, %bitcast3A : vector<16xi32>
        %add3A_106 = arith.constant 256 : i32
        %add3A_107 = arith.addi %add3A_106, %scan3A_100 : i32
        %add3A_108 = vector.broadcast %add3A_107 : i32 to vector<16xi32>
        %add3A_109 = arith.addi %mul3A_5, %add3A_108 : vector<16xi32>
        %gather3A_110 = tpu.vector_load_idx %arg5[%add3A_109] : memref<16384xf32, #tpu.memory_space<vmem>>[vector<16xi32>], vector<16xf32>,
        %bitcast3A_111 = vector.bitcast %gather3A_110 : vector<16xf32> to vector<16xi32>
        %sub3A_112 = arith.constant 1073741823 : i32
        %sub3A_113 = vector.broadcast %sub3A_112 : i32 to vector<16xi32>
        %sub3A_114 = arith.subi %sub3A_113, %bitcast3A_111 : vector<16xi32>
        %add3A_115 = arith.constant 512 : i32
        %add3A_116 = arith.addi %add3A_115, %scan3A_100 : i32
        %add3A_117 = vector.broadcast %add3A_116 : i32 to vector<16xi32>
        %add3A_118 = arith.addi %mul3A_5, %add3A_117 : vector<16xi32>
        %gather3A_119 = tpu.vector_load_idx %arg5[%add3A_118] : memref<16384xf32, #tpu.memory_space<vmem>>[vector<16xi32>], vector<16xf32>,
        %bitcast3A_120 = vector.bitcast %gather3A_119 : vector<16xf32> to vector<16xi32>
        %sub3A_121 = arith.constant 1073741823 : i32
        %sub3A_122 = vector.broadcast %sub3A_121 : i32 to vector<16xi32>
        %sub3A_123 = arith.subi %sub3A_122, %bitcast3A_120 : vector<16xi32>
        %add3A_124 = arith.constant 768 : i32
        %add3A_125 = arith.addi %add3A_124, %scan3A_100 : i32
        %add3A_126 = vector.broadcast %add3A_125 : i32 to vector<16xi32>
        %add3A_127 = arith.addi %mul3A_5, %add3A_126 : vector<16xi32>
        %gather3A_128 = tpu.vector_load_idx %arg5[%add3A_127] : memref<16384xf32, #tpu.memory_space<vmem>>[vector<16xi32>], vector<16xf32>,
        %bitcast3A_129 = vector.bitcast %gather3A_128 : vector<16xf32> to vector<16xi32>
        %sub3A_130 = arith.constant 1073741823 : i32
        %sub3A_131 = vector.broadcast %sub3A_130 : i32 to vector<16xi32>
        %sub3A_132 = arith.subi %sub3A_131, %bitcast3A_129 : vector<16xi32>
        %shift_right_arithmetic3A = arith.constant 0 : i32
        %shift_right_arithmetic3A_133 = vector.broadcast %shift_right_arithmetic3A : i32 to vector<16xi32>
        %shift_right_arithmetic3A_134 = arith.shrsi %sub3A_105, %shift_right_arithmetic3A_133 : vector<16xi32>
        %and3A = arith.constant 1023 : i32
        %and3A_135 = vector.broadcast %and3A : i32 to vector<16xi32>
        %and3A_136 = arith.andi %shift_right_arithmetic3A_134, %and3A_135 : vector<16xi32>
        %mul3A_137 = arith.constant 16 : i32
        %mul3A_138 = vector.broadcast %mul3A_137 : i32 to vector<16xi32>
        %mul3A_139 = arith.muli %and3A_136, %mul3A_138 : vector<16xi32>
        %add3A_140 = arith.addi %mul3A_139, %iota3A : vector<16xi32>
        %shift_right_arithmetic3A_141 = arith.constant 0 : i32
        %shift_right_arithmetic3A_142 = vector.broadcast %shift_right_arithmetic3A_141 : i32 to vector<16xi32>
        %shift_right_arithmetic3A_143 = arith.shrsi %sub3A_114, %shift_right_arithmetic3A_142 : vector<16xi32>
        %and3A_144 = arith.constant 1023 : i32
        %and3A_145 = vector.broadcast %and3A_144 : i32 to vector<16xi32>
        %and3A_146 = arith.andi %shift_right_arithmetic3A_143, %and3A_145 : vector<16xi32>
        %mul3A_147 = arith.constant 16 : i32
        %mul3A_148 = vector.broadcast %mul3A_147 : i32 to vector<16xi32>
        %mul3A_149 = arith.muli %and3A_146, %mul3A_148 : vector<16xi32>
        %add3A_150 = arith.addi %mul3A_149, %iota3A : vector<16xi32>
        %shift_right_arithmetic3A_151 = arith.constant 0 : i32
        %shift_right_arithmetic3A_152 = vector.broadcast %shift_right_arithmetic3A_151 : i32 to vector<16xi32>
        %shift_right_arithmetic3A_153 = arith.shrsi %sub3A_123, %shift_right_arithmetic3A_152 : vector<16xi32>
        %and3A_154 = arith.constant 1023 : i32
        %and3A_155 = vector.broadcast %and3A_154 : i32 to vector<16xi32>
        %and3A_156 = arith.andi %shift_right_arithmetic3A_153, %and3A_155 : vector<16xi32>
        %mul3A_157 = arith.constant 16 : i32
        %mul3A_158 = vector.broadcast %mul3A_157 : i32 to vector<16xi32>
        %mul3A_159 = arith.muli %and3A_156, %mul3A_158 : vector<16xi32>
        %add3A_160 = arith.addi %mul3A_159, %iota3A : vector<16xi32>
        %shift_right_arithmetic3A_161 = arith.constant 0 : i32
        %shift_right_arithmetic3A_162 = vector.broadcast %shift_right_arithmetic3A_161 : i32 to vector<16xi32>
        %shift_right_arithmetic3A_163 = arith.shrsi %sub3A_132, %shift_right_arithmetic3A_162 : vector<16xi32>
        %and3A_164 = arith.constant 1023 : i32
        %and3A_165 = vector.broadcast %and3A_164 : i32 to vector<16xi32>
        %and3A_166 = arith.andi %shift_right_arithmetic3A_163, %and3A_165 : vector<16xi32>
        %mul3A_167 = arith.constant 16 : i32
        %mul3A_168 = vector.broadcast %mul3A_167 : i32 to vector<16xi32>
        %mul3A_169 = arith.muli %and3A_166, %mul3A_168 : vector<16xi32>
        %add3A_170 = arith.addi %mul3A_169, %iota3A : vector<16xi32>
        tpu.vector_store_idx %arg8[%add3A_140], %broadcast_in_dim3A_6 {add = true} : memref<16384xi32, #tpu.memory_space<vmem>>[vector<16xi32>], vector<16xi32>,
        tpu.vector_store_idx %arg9[%add3A_150], %broadcast_in_dim3A_6 {add = true} : memref<16384xi32, #tpu.memory_space<vmem>>[vector<16xi32>], vector<16xi32>,
        tpu.vector_store_idx %arg10[%add3A_160], %broadcast_in_dim3A_6 {add = true} : memref<16384xi32, #tpu.memory_space<vmem>>[vector<16xi32>], vector<16xi32>,
        tpu.vector_store_idx %arg11[%add3A_170], %broadcast_in_dim3A_6 {add = true} : memref<16384xi32, #tpu.memory_space<vmem>>[vector<16xi32>], vector<16xi32>,
        %scan3A_171 = arith.constant 0 : i32
        %scan3A_172 = arith.constant 1 : i32
        %scan3A_173 = arith.addi %scan3A_100, %scan3A_172 : i32
        %add3A_174 = vector.broadcast %scan3A_173 : i32 to vector<16xi32>
        %add3A_175 = arith.addi %mul3A_5, %add3A_174 : vector<16xi32>
        %gather3A_176 = tpu.vector_load_idx %arg5[%add3A_175] : memref<16384xf32, #tpu.memory_space<vmem>>[vector<16xi32>], vector<16xf32>,
        %bitcast3A_177 = vector.bitcast %gather3A_176 : vector<16xf32> to vector<16xi32>
        %sub3A_178 = arith.constant 1073741823 : i32
        %sub3A_179 = vector.broadcast %sub3A_178 : i32 to vector<16xi32>
        %sub3A_180 = arith.subi %sub3A_179, %bitcast3A_177 : vector<16xi32>
        %add3A_181 = arith.constant 256 : i32
        %add3A_182 = arith.addi %add3A_181, %scan3A_173 : i32
        %add3A_183 = vector.broadcast %add3A_182 : i32 to vector<16xi32>
        %add3A_184 = arith.addi %mul3A_5, %add3A_183 : vector<16xi32>
        %gather3A_185 = tpu.vector_load_idx %arg5[%add3A_184] : memref<16384xf32, #tpu.memory_space<vmem>>[vector<16xi32>], vector<16xf32>,
        %bitcast3A_186 = vector.bitcast %gather3A_185 : vector<16xf32> to vector<16xi32>
        %sub3A_187 = arith.constant 1073741823 : i32
        %sub3A_188 = vector.broadcast %sub3A_187 : i32 to vector<16xi32>
        %sub3A_189 = arith.subi %sub3A_188, %bitcast3A_186 : vector<16xi32>
        %add3A_190 = arith.constant 512 : i32
        %add3A_191 = arith.addi %add3A_190, %scan3A_173 : i32
        %add3A_192 = vector.broadcast %add3A_191 : i32 to vector<16xi32>
        %add3A_193 = arith.addi %mul3A_5, %add3A_192 : vector<16xi32>
        %gather3A_194 = tpu.vector_load_idx %arg5[%add3A_193] : memref<16384xf32, #tpu.memory_space<vmem>>[vector<16xi32>], vector<16xf32>,
        %bitcast3A_195 = vector.bitcast %gather3A_194 : vector<16xf32> to vector<16xi32>
        %sub3A_196 = arith.constant 1073741823 : i32
        %sub3A_197 = vector.broadcast %sub3A_196 : i32 to vector<16xi32>
        %sub3A_198 = arith.subi %sub3A_197, %bitcast3A_195 : vector<16xi32>
        %add3A_199 = arith.constant 768 : i32
        %add3A_200 = arith.addi %add3A_199, %scan3A_173 : i32
        %add3A_201 = vector.broadcast %add3A_200 : i32 to vector<16xi32>
        %add3A_202 = arith.addi %mul3A_5, %add3A_201 : vector<16xi32>
        %gather3A_203 = tpu.vector_load_idx %arg5[%add3A_202] : memref<16384xf32, #tpu.memory_space<vmem>>[vector<16xi32>], vector<16xf32>,
        %bitcast3A_204 = vector.bitcast %gather3A_203 : vector<16xf32> to vector<16xi32>
        %sub3A_205 = arith.constant 1073741823 : i32
        %sub3A_206 = vector.broadcast %sub3A_205 : i32 to vector<16xi32>
        %sub3A_207 = arith.subi %sub3A_206, %bitcast3A_204 : vector<16xi32>
        %shift_right_arithmetic3A_208 = arith.constant 0 : i32
        %shift_right_arithmetic3A_209 = vector.broadcast %shift_right_arithmetic3A_208 : i32 to vector<16xi32>
        %shift_right_arithmetic3A_210 = arith.shrsi %sub3A_180, %shift_right_arithmetic3A_209 : vector<16xi32>
        %and3A_211 = arith.constant 1023 : i32
        %and3A_212 = vector.broadcast %and3A_211 : i32 to vector<16xi32>
        %and3A_213 = arith.andi %shift_right_arithmetic3A_210, %and3A_212 : vector<16xi32>
        %mul3A_214 = arith.constant 16 : i32
        %mul3A_215 = vector.broadcast %mul3A_214 : i32 to vector<16xi32>
        %mul3A_216 = arith.muli %and3A_213, %mul3A_215 : vector<16xi32>
        %add3A_217 = arith.addi %mul3A_216, %iota3A : vector<16xi32>
        %shift_right_arithmetic3A_218 = arith.constant 0 : i32
        %shift_right_arithmetic3A_219 = vector.broadcast %shift_right_arithmetic3A_218 : i32 to vector<16xi32>
        %shift_right_arithmetic3A_220 = arith.shrsi %sub3A_189, %shift_right_arithmetic3A_219 : vector<16xi32>
        %and3A_221 = arith.constant 1023 : i32
        %and3A_222 = vector.broadcast %and3A_221 : i32 to vector<16xi32>
        %and3A_223 = arith.andi %shift_right_arithmetic3A_220, %and3A_222 : vector<16xi32>
        %mul3A_224 = arith.constant 16 : i32
        %mul3A_225 = vector.broadcast %mul3A_224 : i32 to vector<16xi32>
        %mul3A_226 = arith.muli %and3A_223, %mul3A_225 : vector<16xi32>
        %add3A_227 = arith.addi %mul3A_226, %iota3A : vector<16xi32>
        %shift_right_arithmetic3A_228 = arith.constant 0 : i32
        %shift_right_arithmetic3A_229 = vector.broadcast %shift_right_arithmetic3A_228 : i32 to vector<16xi32>
        %shift_right_arithmetic3A_230 = arith.shrsi %sub3A_198, %shift_right_arithmetic3A_229 : vector<16xi32>
        %and3A_231 = arith.constant 1023 : i32
        %and3A_232 = vector.broadcast %and3A_231 : i32 to vector<16xi32>
        %and3A_233 = arith.andi %shift_right_arithmetic3A_230, %and3A_232 : vector<16xi32>
        %mul3A_234 = arith.constant 16 : i32
        %mul3A_235 = vector.broadcast %mul3A_234 : i32 to vector<16xi32>
        %mul3A_236 = arith.muli %and3A_233, %mul3A_235 : vector<16xi32>
        %add3A_237 = arith.addi %mul3A_236, %iota3A : vector<16xi32>
        %shift_right_arithmetic3A_238 = arith.constant 0 : i32
        %shift_right_arithmetic3A_239 = vector.broadcast %shift_right_arithmetic3A_238 : i32 to vector<16xi32>
        %shift_right_arithmetic3A_240 = arith.shrsi %sub3A_207, %shift_right_arithmetic3A_239 : vector<16xi32>
        %and3A_241 = arith.constant 1023 : i32
        %and3A_242 = vector.broadcast %and3A_241 : i32 to vector<16xi32>
        %and3A_243 = arith.andi %shift_right_arithmetic3A_240, %and3A_242 : vector<16xi32>
        %mul3A_244 = arith.constant 16 : i32
        %mul3A_245 = vector.broadcast %mul3A_244 : i32 to vector<16xi32>
        %mul3A_246 = arith.muli %and3A_243, %mul3A_245 : vector<16xi32>
        %add3A_247 = arith.addi %mul3A_246, %iota3A : vector<16xi32>
        tpu.vector_store_idx %arg8[%add3A_217], %broadcast_in_dim3A_6 {add = true} : memref<16384xi32, #tpu.memory_space<vmem>>[vector<16xi32>], vector<16xi32>,
        tpu.vector_store_idx %arg9[%add3A_227], %broadcast_in_dim3A_6 {add = true} : memref<16384xi32, #tpu.memory_space<vmem>>[vector<16xi32>], vector<16xi32>,
        tpu.vector_store_idx %arg10[%add3A_237], %broadcast_in_dim3A_6 {add = true} : memref<16384xi32, #tpu.memory_space<vmem>>[vector<16xi32>], vector<16xi32>,
        tpu.vector_store_idx %arg11[%add3A_247], %broadcast_in_dim3A_6 {add = true} : memref<16384xi32, #tpu.memory_space<vmem>>[vector<16xi32>], vector<16xi32>,
        %scan3A_248 = arith.constant 0 : i32
        scf.yield %scan3A_248 : i32
      }
      %scan3A_16 = arith.constant 256 : i32
      %parallel_loop3A_17 = arith.constant 0 : i32
      %parallel_loop3A_18 = arith.constant 1024 : i32
      %parallel_loop3A_19 = arith.constant 1 : i32
      scf.for %parallel_loop3A_100 = %parallel_loop3A_17 to %parallel_loop3A_18 step %parallel_loop3A_19  : i32 {
        %parallel_loop3A_101 = arith.constant 16 : i32
        %parallel_loop3A_102 = arith.muli %parallel_loop3A_100, %parallel_loop3A_101 : i32
        %parallel_loop3A_103 = arith.index_cast %parallel_loop3A_102 : i32 to index
        %parallel_loop3A_104 = tpu.vector_load %arg8[%parallel_loop3A_103] {strides = array<i32>} : memref<16384xi32, #tpu.memory_space<vmem>>, vector<16xi32>,
        %parallel_loop3A_105 = arith.index_cast %parallel_loop3A_102 : i32 to index
        %parallel_loop3A_106 = tpu.vector_load %arg9[%parallel_loop3A_105] {strides = array<i32>} : memref<16384xi32, #tpu.memory_space<vmem>>, vector<16xi32>,
        %parallel_loop3A_107 = arith.index_cast %parallel_loop3A_102 : i32 to index
        %parallel_loop3A_108 = tpu.vector_load %arg10[%parallel_loop3A_107] {strides = array<i32>} : memref<16384xi32, #tpu.memory_space<vmem>>, vector<16xi32>,
        %parallel_loop3A_109 = arith.index_cast %parallel_loop3A_102 : i32 to index
        %parallel_loop3A_110 = tpu.vector_load %arg11[%parallel_loop3A_109] {strides = array<i32>} : memref<16384xi32, #tpu.memory_space<vmem>>, vector<16xi32>,
        %parallel_loop3A_111 = arith.addi %parallel_loop3A_104, %parallel_loop3A_106 : vector<16xi32>
        %parallel_loop3A_112 = arith.addi %parallel_loop3A_111, %parallel_loop3A_108 : vector<16xi32>
        %parallel_loop3A_113 = arith.addi %parallel_loop3A_112, %parallel_loop3A_110 : vector<16xi32>
        %parallel_loop3A_114 = arith.constant true
        %parallel_loop3A_115 = vector.broadcast %parallel_loop3A_114 : i1 to vector<16xi1>
        %parallel_loop3A_116 = tpu.scan <sum>, %parallel_loop3A_113 masked %parallel_loop3A_115 : vector<16xi32>, vector<16xi1> -> vector<16xi32>
        %parallel_loop3A_117 = arith.subi %parallel_loop3A_116, %parallel_loop3A_113 : vector<16xi32>
        %parallel_loop3A_118 = arith.index_cast %parallel_loop3A_102 : i32 to index
        %parallel_loop3A_119 = tpu.vector_load %arg8[%parallel_loop3A_118] {strides = array<i32>} : memref<16384xi32, #tpu.memory_space<vmem>>, vector<16xi32>,
        tpu.vector_store %arg8[%parallel_loop3A_118], %parallel_loop3A_117 {strides = array<i32>} : memref<16384xi32, #tpu.memory_space<vmem>>, vector<16xi32>,
        %parallel_loop3A_120 = arith.addi %parallel_loop3A_117, %parallel_loop3A_104 : vector<16xi32>
        %parallel_loop3A_121 = arith.index_cast %parallel_loop3A_102 : i32 to index
        %parallel_loop3A_122 = tpu.vector_load %arg9[%parallel_loop3A_121] {strides = array<i32>} : memref<16384xi32, #tpu.memory_space<vmem>>, vector<16xi32>,
        tpu.vector_store %arg9[%parallel_loop3A_121], %parallel_loop3A_120 {strides = array<i32>} : memref<16384xi32, #tpu.memory_space<vmem>>, vector<16xi32>,
        %parallel_loop3A_123 = arith.addi %parallel_loop3A_117, %parallel_loop3A_104 : vector<16xi32>
        %parallel_loop3A_124 = arith.addi %parallel_loop3A_123, %parallel_loop3A_106 : vector<16xi32>
        %parallel_loop3A_125 = arith.index_cast %parallel_loop3A_102 : i32 to index
        %parallel_loop3A_126 = tpu.vector_load %arg10[%parallel_loop3A_125] {strides = array<i32>} : memref<16384xi32, #tpu.memory_space<vmem>>, vector<16xi32>,
        tpu.vector_store %arg10[%parallel_loop3A_125], %parallel_loop3A_124 {strides = array<i32>} : memref<16384xi32, #tpu.memory_space<vmem>>, vector<16xi32>,
        %parallel_loop3A_127 = arith.index_cast %parallel_loop3A_102 : i32 to index
        %parallel_loop3A_128 = tpu.vector_load %arg11[%parallel_loop3A_127] {strides = array<i32>} : memref<16384xi32, #tpu.memory_space<vmem>>, vector<16xi32>,
        tpu.vector_store %arg11[%parallel_loop3A_127], %parallel_loop3A_116 {strides = array<i32>} : memref<16384xi32, #tpu.memory_space<vmem>>, vector<16xi32>,
      } {sc.loop_unroll_factor = 4 : i64, sc.parallel_access}
      %scan3A_20 = arith.constant 0 : i32
      %scan3A_21 = arith.constant 0 : i32
      %scan3A_22 = arith.constant 64 : i32
      %scan3A_23 = arith.addi %scan3A_21, %scan3A_22 : i32
      %scan3A_24 = arith.constant 1 : i32
      %scan3A_25 = scf.for %scan3A_100 = %scan3A_21 to %scan3A_23 step %scan3A_24 iter_args(%scan3A_101 = %scan3A_20) -> (i32)  : i32 {
        %mul3A_102 = arith.constant 16 : i32
        %mul3A_103 = arith.muli %scan3A_100, %mul3A_102 : i32
        %add3A_104 = vector.broadcast %mul3A_103 : i32 to vector<16xi32>
        %add3A_105 = arith.addi %add3A_104, %iota3A : vector<16xi32>
        %mul3A_106 = arith.constant 16 : i32
        %mul3A_107 = vector.broadcast %mul3A_106 : i32 to vector<16xi32>
        %mul3A_108 = arith.muli %add3A_105, %mul3A_107 : vector<16xi32>
        %add3A_109 = arith.constant 15 : i32
        %add3A_110 = vector.broadcast %add3A_109 : i32 to vector<16xi32>
        %add3A_111 = arith.addi %mul3A_108, %add3A_110 : vector<16xi32>
        %gather3A = tpu.vector_load_idx %arg11[%add3A_111] : memref<16384xi32, #tpu.memory_space<vmem>>[vector<16xi32>], vector<16xi32>,
        %broadcast_in_dim3A_112 = arith.constant true
        %broadcast_in_dim3A_113 = vector.broadcast %broadcast_in_dim3A_112 : i1 to vector<16xi1>
        %masked_cumsum3A = tpu.scan <sum>, %gather3A masked %broadcast_in_dim3A_113 : vector<16xi32>, vector<16xi1> -> vector<16xi32>
        %sub3A = arith.subi %masked_cumsum3A, %gather3A : vector<16xi32>
        %add3A_114 = vector.broadcast %scan3A_101 : i32 to vector<16xi32>
        %add3A_115 = arith.addi %sub3A, %add3A_114 : vector<16xi32>
        %mul3A_116 = arith.constant 16 : i32
        %mul3A_117 = arith.muli %scan3A_100, %mul3A_116 : i32
        %add3A_118 = vector.broadcast %mul3A_117 : i32 to vector<16xi32>
        %add3A_119 = arith.addi %add3A_118, %iota3A : vector<16xi32>
        tpu.vector_store_idx %arg12[%add3A_119], %add3A_115 : memref<1024xi32, #tpu.memory_space<vmem>>[vector<16xi32>], vector<16xi32>,
        %reduce_sum3A = arith.constant true
        %reduce_sum3A_120 = vector.broadcast %reduce_sum3A : i1 to vector<16xi1>
        %reduce_sum3A_121 = tpu.scan <sum>, %gather3A masked %reduce_sum3A_120 : vector<16xi32>, vector<16xi1> -> vector<16xi32>
        %reduce_sum3A_122 = vector.extract %reduce_sum3A_121[15] : i32 from vector<16xi32>
        %add3A_123 = arith.addi %scan3A_101, %reduce_sum3A_122 : i32
        scf.yield %add3A_123 : i32
      }
      %scan3A_26 = arith.constant 64 : i32
      %parallel_loop3A_27 = arith.constant 0 : i32
      %parallel_loop3A_28 = arith.constant 1024 : i32
      %parallel_loop3A_29 = arith.constant 1 : i32
      scf.for %parallel_loop3A_100 = %parallel_loop3A_27 to %parallel_loop3A_28 step %parallel_loop3A_29  : i32 {
        %parallel_loop3A_101 = arith.constant 16 : i32
        %parallel_loop3A_102 = arith.muli %parallel_loop3A_100, %parallel_loop3A_101 : i32
        %parallel_loop3A_103 = arith.constant 0 : i32
        %parallel_loop3A_104 = vector.broadcast %parallel_loop3A_103 : i32 to vector<16xi32>
        %parallel_loop3A_105 = arith.muli %iota3A, %parallel_loop3A_104 : vector<16xi32>
        %parallel_loop3A_106 = vector.broadcast %parallel_loop3A_100 : i32 to vector<16xi32>
        %parallel_loop3A_107 = arith.addi %parallel_loop3A_105, %parallel_loop3A_106 : vector<16xi32>
        %parallel_loop3A_108 = tpu.vector_load_idx %arg12[%parallel_loop3A_107] : memref<1024xi32, #tpu.memory_space<vmem>>[vector<16xi32>], vector<16xi32>,
        %parallel_loop3A_109 = arith.index_cast %parallel_loop3A_102 : i32 to index
        %parallel_loop3A_110 = tpu.vector_load %arg8[%parallel_loop3A_109] {strides = array<i32>} : memref<16384xi32, #tpu.memory_space<vmem>>, vector<16xi32>,
        %parallel_loop3A_111 = arith.addi %parallel_loop3A_110, %parallel_loop3A_108 : vector<16xi32>
        %parallel_loop3A_112 = arith.index_cast %parallel_loop3A_102 : i32 to index
        %parallel_loop3A_113 = tpu.vector_load %arg8[%parallel_loop3A_112] {strides = array<i32>} : memref<16384xi32, #tpu.memory_space<vmem>>, vector<16xi32>,
        tpu.vector_store %arg8[%parallel_loop3A_112], %parallel_loop3A_111 {strides = array<i32>} : memref<16384xi32, #tpu.memory_space<vmem>>, vector<16xi32>,
        %parallel_loop3A_114 = arith.index_cast %parallel_loop3A_102 : i32 to index
        %parallel_loop3A_115 = tpu.vector_load %arg9[%parallel_loop3A_114] {strides = array<i32>} : memref<16384xi32, #tpu.memory_space<vmem>>, vector<16xi32>,
        %parallel_loop3A_116 = arith.addi %parallel_loop3A_115, %parallel_loop3A_108 : vector<16xi32>
        %parallel_loop3A_117 = arith.index_cast %parallel_loop3A_102 : i32 to index
        %parallel_loop3A_118 = tpu.vector_load %arg9[%parallel_loop3A_117] {strides = array<i32>} : memref<16384xi32, #tpu.memory_space<vmem>>, vector<16xi32>,
        tpu.vector_store %arg9[%parallel_loop3A_117], %parallel_loop3A_116 {strides = array<i32>} : memref<16384xi32, #tpu.memory_space<vmem>>, vector<16xi32>,
        %parallel_loop3A_119 = arith.index_cast %parallel_loop3A_102 : i32 to index
        %parallel_loop3A_120 = tpu.vector_load %arg10[%parallel_loop3A_119] {strides = array<i32>} : memref<16384xi32, #tpu.memory_space<vmem>>, vector<16xi32>,
        %parallel_loop3A_121 = arith.addi %parallel_loop3A_120, %parallel_loop3A_108 : vector<16xi32>
        %parallel_loop3A_122 = arith.index_cast %parallel_loop3A_102 : i32 to index
        %parallel_loop3A_123 = tpu.vector_load %arg10[%parallel_loop3A_122] {strides = array<i32>} : memref<16384xi32, #tpu.memory_space<vmem>>, vector<16xi32>,
        tpu.vector_store %arg10[%parallel_loop3A_122], %parallel_loop3A_121 {strides = array<i32>} : memref<16384xi32, #tpu.memory_space<vmem>>, vector<16xi32>,
        %parallel_loop3A_124 = arith.index_cast %parallel_loop3A_102 : i32 to index
        %parallel_loop3A_125 = tpu.vector_load %arg11[%parallel_loop3A_124] {strides = array<i32>} : memref<16384xi32, #tpu.memory_space<vmem>>, vector<16xi32>,
        %parallel_loop3A_126 = arith.addi %parallel_loop3A_125, %parallel_loop3A_108 : vector<16xi32>
        %parallel_loop3A_127 = arith.index_cast %parallel_loop3A_102 : i32 to index
        %parallel_loop3A_128 = tpu.vector_load %arg11[%parallel_loop3A_127] {strides = array<i32>} : memref<16384xi32, #tpu.memory_space<vmem>>, vector<16xi32>,
        tpu.vector_store %arg11[%parallel_loop3A_127], %parallel_loop3A_126 {strides = array<i32>} : memref<16384xi32, #tpu.memory_space<vmem>>, vector<16xi32>,
      } {sc.loop_unroll_factor = 4 : i64, sc.parallel_access}
      %scan3A_30 = arith.constant 0 : i32
      %scan3A_31 = arith.constant 0 : i32
      %scan3A_32 = arith.constant 256 : i32
      %scan3A_33 = arith.addi %scan3A_31, %scan3A_32 : i32
      %scan3A_34 = arith.constant 2 : i32
      %scan3A_35 = scf.for %scan3A_100 = %scan3A_31 to %scan3A_33 step %scan3A_34 iter_args(%scan3A_101 = %scan3A_30) -> (i32)  : i32 {
        %add3A_102 = vector.broadcast %scan3A_100 : i32 to vector<16xi32>
        %add3A_103 = arith.addi %mul3A_5, %add3A_102 : vector<16xi32>
        %gather3A = tpu.vector_load_idx %arg5[%add3A_103] : memref<16384xf32, #tpu.memory_space<vmem>>[vector<16xi32>], vector<16xf32>,
        %bitcast3A = vector.bitcast %gather3A : vector<16xf32> to vector<16xi32>
        %sub3A = arith.constant 1073741823 : i32
        %sub3A_104 = vector.broadcast %sub3A : i32 to vector<16xi32>
        %sub3A_105 = arith.subi %sub3A_104, %bitcast3A : vector<16xi32>
        %add3A_106 = arith.constant 256 : i32
        %add3A_107 = arith.addi %add3A_106, %scan3A_100 : i32
        %add3A_108 = vector.broadcast %add3A_107 : i32 to vector<16xi32>
        %add3A_109 = arith.addi %mul3A_5, %add3A_108 : vector<16xi32>
        %gather3A_110 = tpu.vector_load_idx %arg5[%add3A_109] : memref<16384xf32, #tpu.memory_space<vmem>>[vector<16xi32>], vector<16xf32>,
        %bitcast3A_111 = vector.bitcast %gather3A_110 : vector<16xf32> to vector<16xi32>
        %sub3A_112 = arith.constant 1073741823 : i32
        %sub3A_113 = vector.broadcast %sub3A_112 : i32 to vector<16xi32>
        %sub3A_114 = arith.subi %sub3A_113, %bitcast3A_111 : vector<16xi32>
        %add3A_115 = arith.constant 512 : i32
        %add3A_116 = arith.addi %add3A_115, %scan3A_100 : i32
        %add3A_117 = vector.broadcast %add3A_116 : i32 to vector<16xi32>
        %add3A_118 = arith.addi %mul3A_5, %add3A_117 : vector<16xi32>
        %gather3A_119 = tpu.vector_load_idx %arg5[%add3A_118] : memref<16384xf32, #tpu.memory_space<vmem>>[vector<16xi32>], vector<16xf32>,
        %bitcast3A_120 = vector.bitcast %gather3A_119 : vector<16xf32> to vector<16xi32>
        %sub3A_121 = arith.constant 1073741823 : i32
        %sub3A_122 = vector.broadcast %sub3A_121 : i32 to vector<16xi32>
        %sub3A_123 = arith.subi %sub3A_122, %bitcast3A_120 : vector<16xi32>
        %sub3A_124 = arith.constant 255 : i32
        %sub3A_125 = arith.subi %sub3A_124, %scan3A_100 : i32
        %add3A_126 = arith.constant 768 : i32
        %add3A_127 = arith.addi %add3A_126, %sub3A_125 : i32
        %add3A_128 = vector.broadcast %add3A_127 : i32 to vector<16xi32>
        %add3A_129 = arith.addi %mul3A_5, %add3A_128 : vector<16xi32>
        %gather3A_130 = tpu.vector_load_idx %arg5[%add3A_129] : memref<16384xf32, #tpu.memory_space<vmem>>[vector<16xi32>], vector<16xf32>,
        %bitcast3A_131 = vector.bitcast %gather3A_130 : vector<16xf32> to vector<16xi32>
        %sub3A_132 = arith.constant 1073741823 : i32
        %sub3A_133 = vector.broadcast %sub3A_132 : i32 to vector<16xi32>
        %sub3A_134 = arith.subi %sub3A_133, %bitcast3A_131 : vector<16xi32>
        %shift_right_arithmetic3A = arith.constant 0 : i32
        %shift_right_arithmetic3A_135 = vector.broadcast %shift_right_arithmetic3A : i32 to vector<16xi32>
        %shift_right_arithmetic3A_136 = arith.shrsi %sub3A_105, %shift_right_arithmetic3A_135 : vector<16xi32>
        %and3A = arith.constant 1023 : i32
        %and3A_137 = vector.broadcast %and3A : i32 to vector<16xi32>
        %and3A_138 = arith.andi %shift_right_arithmetic3A_136, %and3A_137 : vector<16xi32>
        %mul3A_139 = arith.constant 16 : i32
        %mul3A_140 = vector.broadcast %mul3A_139 : i32 to vector<16xi32>
        %mul3A_141 = arith.muli %and3A_138, %mul3A_140 : vector<16xi32>
        %add3A_142 = arith.addi %mul3A_141, %iota3A : vector<16xi32>
        %shift_right_arithmetic3A_143 = arith.constant 0 : i32
        %shift_right_arithmetic3A_144 = vector.broadcast %shift_right_arithmetic3A_143 : i32 to vector<16xi32>
        %shift_right_arithmetic3A_145 = arith.shrsi %sub3A_114, %shift_right_arithmetic3A_144 : vector<16xi32>
        %and3A_146 = arith.constant 1023 : i32
        %and3A_147 = vector.broadcast %and3A_146 : i32 to vector<16xi32>
        %and3A_148 = arith.andi %shift_right_arithmetic3A_145, %and3A_147 : vector<16xi32>
        %mul3A_149 = arith.constant 16 : i32
        %mul3A_150 = vector.broadcast %mul3A_149 : i32 to vector<16xi32>
        %mul3A_151 = arith.muli %and3A_148, %mul3A_150 : vector<16xi32>
        %add3A_152 = arith.addi %mul3A_151, %iota3A : vector<16xi32>
        %shift_right_arithmetic3A_153 = arith.constant 0 : i32
        %shift_right_arithmetic3A_154 = vector.broadcast %shift_right_arithmetic3A_153 : i32 to vector<16xi32>
        %shift_right_arithmetic3A_155 = arith.shrsi %sub3A_123, %shift_right_arithmetic3A_154 : vector<16xi32>
        %and3A_156 = arith.constant 1023 : i32
        %and3A_157 = vector.broadcast %and3A_156 : i32 to vector<16xi32>
        %and3A_158 = arith.andi %shift_right_arithmetic3A_155, %and3A_157 : vector<16xi32>
        %mul3A_159 = arith.constant 16 : i32
        %mul3A_160 = vector.broadcast %mul3A_159 : i32 to vector<16xi32>
        %mul3A_161 = arith.muli %and3A_158, %mul3A_160 : vector<16xi32>
        %add3A_162 = arith.addi %mul3A_161, %iota3A : vector<16xi32>
        %shift_right_arithmetic3A_163 = arith.constant 0 : i32
        %shift_right_arithmetic3A_164 = vector.broadcast %shift_right_arithmetic3A_163 : i32 to vector<16xi32>
        %shift_right_arithmetic3A_165 = arith.shrsi %sub3A_134, %shift_right_arithmetic3A_164 : vector<16xi32>
        %and3A_166 = arith.constant 1023 : i32
        %and3A_167 = vector.broadcast %and3A_166 : i32 to vector<16xi32>
        %and3A_168 = arith.andi %shift_right_arithmetic3A_165, %and3A_167 : vector<16xi32>
        %mul3A_169 = arith.constant 16 : i32
        %mul3A_170 = vector.broadcast %mul3A_169 : i32 to vector<16xi32>
        %mul3A_171 = arith.muli %and3A_168, %mul3A_170 : vector<16xi32>
        %add3A_172 = arith.addi %mul3A_171, %iota3A : vector<16xi32>
        %gather3A_173 = tpu.vector_load_idx %arg8[%add3A_142] : memref<16384xi32, #tpu.memory_space<vmem>>[vector<16xi32>], vector<16xi32>,
        %gather3A_174 = tpu.vector_load_idx %arg9[%add3A_152] : memref<16384xi32, #tpu.memory_space<vmem>>[vector<16xi32>], vector<16xi32>,
        %gather3A_175 = tpu.vector_load_idx %arg10[%add3A_162] : memref<16384xi32, #tpu.memory_space<vmem>>[vector<16xi32>], vector<16xi32>,
        %gather3A_176 = tpu.vector_load_idx %arg11[%add3A_172] : memref<16384xi32, #tpu.memory_space<vmem>>[vector<16xi32>], vector<16xi32>,
        %sub3A_177 = arith.constant 1 : i32
        %sub3A_178 = vector.broadcast %sub3A_177 : i32 to vector<16xi32>
        %sub3A_179 = arith.subi %gather3A_176, %sub3A_178 : vector<16xi32>
        %add3A_180 = arith.constant 1 : i32
        %add3A_181 = vector.broadcast %add3A_180 : i32 to vector<16xi32>
        %add3A_182 = arith.addi %gather3A_173, %add3A_181 : vector<16xi32>
        tpu.vector_store_idx %arg8[%add3A_142], %add3A_182 : memref<16384xi32, #tpu.memory_space<vmem>>[vector<16xi32>], vector<16xi32>,
        %add3A_183 = arith.constant 1 : i32
        %add3A_184 = vector.broadcast %add3A_183 : i32 to vector<16xi32>
        %add3A_185 = arith.addi %gather3A_174, %add3A_184 : vector<16xi32>
        tpu.vector_store_idx %arg9[%add3A_152], %add3A_185 : memref<16384xi32, #tpu.memory_space<vmem>>[vector<16xi32>], vector<16xi32>,
        %add3A_186 = arith.constant 1 : i32
        %add3A_187 = vector.broadcast %add3A_186 : i32 to vector<16xi32>
        %add3A_188 = arith.addi %gather3A_175, %add3A_187 : vector<16xi32>
        tpu.vector_store_idx %arg10[%add3A_162], %add3A_188 : memref<16384xi32, #tpu.memory_space<vmem>>[vector<16xi32>], vector<16xi32>,
        tpu.vector_store_idx %arg11[%add3A_172], %sub3A_179 : memref<16384xi32, #tpu.memory_space<vmem>>[vector<16xi32>], vector<16xi32>,
        tpu.vector_store_idx %arg7[%gather3A_173], %add3A_103 : memref<16384xi32, #tpu.memory_space<vmem>>[vector<16xi32>], vector<16xi32>,
        tpu.vector_store_idx %arg7[%gather3A_174], %add3A_109 : memref<16384xi32, #tpu.memory_space<vmem>>[vector<16xi32>], vector<16xi32>,
        tpu.vector_store_idx %arg7[%gather3A_175], %add3A_118 : memref<16384xi32, #tpu.memory_space<vmem>>[vector<16xi32>], vector<16xi32>,
        tpu.vector_store_idx %arg7[%sub3A_179], %add3A_129 : memref<16384xi32, #tpu.memory_space<vmem>>[vector<16xi32>], vector<16xi32>,
        %scan3A_189 = arith.constant 0 : i32
        %scan3A_190 = arith.constant 1 : i32
        %scan3A_191 = arith.addi %scan3A_100, %scan3A_190 : i32
        %add3A_192 = vector.broadcast %scan3A_191 : i32 to vector<16xi32>
        %add3A_193 = arith.addi %mul3A_5, %add3A_192 : vector<16xi32>
        %gather3A_194 = tpu.vector_load_idx %arg5[%add3A_193] : memref<16384xf32, #tpu.memory_space<vmem>>[vector<16xi32>], vector<16xf32>,
        %bitcast3A_195 = vector.bitcast %gather3A_194 : vector<16xf32> to vector<16xi32>
        %sub3A_196 = arith.constant 1073741823 : i32
        %sub3A_197 = vector.broadcast %sub3A_196 : i32 to vector<16xi32>
        %sub3A_198 = arith.subi %sub3A_197, %bitcast3A_195 : vector<16xi32>
        %add3A_199 = arith.constant 256 : i32
        %add3A_200 = arith.addi %add3A_199, %scan3A_191 : i32
        %add3A_201 = vector.broadcast %add3A_200 : i32 to vector<16xi32>
        %add3A_202 = arith.addi %mul3A_5, %add3A_201 : vector<16xi32>
        %gather3A_203 = tpu.vector_load_idx %arg5[%add3A_202] : memref<16384xf32, #tpu.memory_space<vmem>>[vector<16xi32>], vector<16xf32>,
        %bitcast3A_204 = vector.bitcast %gather3A_203 : vector<16xf32> to vector<16xi32>
        %sub3A_205 = arith.constant 1073741823 : i32
        %sub3A_206 = vector.broadcast %sub3A_205 : i32 to vector<16xi32>
        %sub3A_207 = arith.subi %sub3A_206, %bitcast3A_204 : vector<16xi32>
        %add3A_208 = arith.constant 512 : i32
        %add3A_209 = arith.addi %add3A_208, %scan3A_191 : i32
        %add3A_210 = vector.broadcast %add3A_209 : i32 to vector<16xi32>
        %add3A_211 = arith.addi %mul3A_5, %add3A_210 : vector<16xi32>
        %gather3A_212 = tpu.vector_load_idx %arg5[%add3A_211] : memref<16384xf32, #tpu.memory_space<vmem>>[vector<16xi32>], vector<16xf32>,
        %bitcast3A_213 = vector.bitcast %gather3A_212 : vector<16xf32> to vector<16xi32>
        %sub3A_214 = arith.constant 1073741823 : i32
        %sub3A_215 = vector.broadcast %sub3A_214 : i32 to vector<16xi32>
        %sub3A_216 = arith.subi %sub3A_215, %bitcast3A_213 : vector<16xi32>
        %sub3A_217 = arith.constant 255 : i32
        %sub3A_218 = arith.subi %sub3A_217, %scan3A_191 : i32
        %add3A_219 = arith.constant 768 : i32
        %add3A_220 = arith.addi %add3A_219, %sub3A_218 : i32
        %add3A_221 = vector.broadcast %add3A_220 : i32 to vector<16xi32>
        %add3A_222 = arith.addi %mul3A_5, %add3A_221 : vector<16xi32>
        %gather3A_223 = tpu.vector_load_idx %arg5[%add3A_222] : memref<16384xf32, #tpu.memory_space<vmem>>[vector<16xi32>], vector<16xf32>,
        %bitcast3A_224 = vector.bitcast %gather3A_223 : vector<16xf32> to vector<16xi32>
        %sub3A_225 = arith.constant 1073741823 : i32
        %sub3A_226 = vector.broadcast %sub3A_225 : i32 to vector<16xi32>
        %sub3A_227 = arith.subi %sub3A_226, %bitcast3A_224 : vector<16xi32>
        %shift_right_arithmetic3A_228 = arith.constant 0 : i32
        %shift_right_arithmetic3A_229 = vector.broadcast %shift_right_arithmetic3A_228 : i32 to vector<16xi32>
        %shift_right_arithmetic3A_230 = arith.shrsi %sub3A_198, %shift_right_arithmetic3A_229 : vector<16xi32>
        %and3A_231 = arith.constant 1023 : i32
        %and3A_232 = vector.broadcast %and3A_231 : i32 to vector<16xi32>
        %and3A_233 = arith.andi %shift_right_arithmetic3A_230, %and3A_232 : vector<16xi32>
        %mul3A_234 = arith.constant 16 : i32
        %mul3A_235 = vector.broadcast %mul3A_234 : i32 to vector<16xi32>
        %mul3A_236 = arith.muli %and3A_233, %mul3A_235 : vector<16xi32>
        %add3A_237 = arith.addi %mul3A_236, %iota3A : vector<16xi32>
        %shift_right_arithmetic3A_238 = arith.constant 0 : i32
        %shift_right_arithmetic3A_239 = vector.broadcast %shift_right_arithmetic3A_238 : i32 to vector<16xi32>
        %shift_right_arithmetic3A_240 = arith.shrsi %sub3A_207, %shift_right_arithmetic3A_239 : vector<16xi32>
        %and3A_241 = arith.constant 1023 : i32
        %and3A_242 = vector.broadcast %and3A_241 : i32 to vector<16xi32>
        %and3A_243 = arith.andi %shift_right_arithmetic3A_240, %and3A_242 : vector<16xi32>
        %mul3A_244 = arith.constant 16 : i32
        %mul3A_245 = vector.broadcast %mul3A_244 : i32 to vector<16xi32>
        %mul3A_246 = arith.muli %and3A_243, %mul3A_245 : vector<16xi32>
        %add3A_247 = arith.addi %mul3A_246, %iota3A : vector<16xi32>
        %shift_right_arithmetic3A_248 = arith.constant 0 : i32
        %shift_right_arithmetic3A_249 = vector.broadcast %shift_right_arithmetic3A_248 : i32 to vector<16xi32>
        %shift_right_arithmetic3A_250 = arith.shrsi %sub3A_216, %shift_right_arithmetic3A_249 : vector<16xi32>
        %and3A_251 = arith.constant 1023 : i32
        %and3A_252 = vector.broadcast %and3A_251 : i32 to vector<16xi32>
        %and3A_253 = arith.andi %shift_right_arithmetic3A_250, %and3A_252 : vector<16xi32>
        %mul3A_254 = arith.constant 16 : i32
        %mul3A_255 = vector.broadcast %mul3A_254 : i32 to vector<16xi32>
        %mul3A_256 = arith.muli %and3A_253, %mul3A_255 : vector<16xi32>
        %add3A_257 = arith.addi %mul3A_256, %iota3A : vector<16xi32>
        %shift_right_arithmetic3A_258 = arith.constant 0 : i32
        %shift_right_arithmetic3A_259 = vector.broadcast %shift_right_arithmetic3A_258 : i32 to vector<16xi32>
        %shift_right_arithmetic3A_260 = arith.shrsi %sub3A_227, %shift_right_arithmetic3A_259 : vector<16xi32>
        %and3A_261 = arith.constant 1023 : i32
        %and3A_262 = vector.broadcast %and3A_261 : i32 to vector<16xi32>
        %and3A_263 = arith.andi %shift_right_arithmetic3A_260, %and3A_262 : vector<16xi32>
        %mul3A_264 = arith.constant 16 : i32
        %mul3A_265 = vector.broadcast %mul3A_264 : i32 to vector<16xi32>
        %mul3A_266 = arith.muli %and3A_263, %mul3A_265 : vector<16xi32>
        %add3A_267 = arith.addi %mul3A_266, %iota3A : vector<16xi32>
        %gather3A_268 = tpu.vector_load_idx %arg8[%add3A_237] : memref<16384xi32, #tpu.memory_space<vmem>>[vector<16xi32>], vector<16xi32>,
        %gather3A_269 = tpu.vector_load_idx %arg9[%add3A_247] : memref<16384xi32, #tpu.memory_space<vmem>>[vector<16xi32>], vector<16xi32>,
        %gather3A_270 = tpu.vector_load_idx %arg10[%add3A_257] : memref<16384xi32, #tpu.memory_space<vmem>>[vector<16xi32>], vector<16xi32>,
        %gather3A_271 = tpu.vector_load_idx %arg11[%add3A_267] : memref<16384xi32, #tpu.memory_space<vmem>>[vector<16xi32>], vector<16xi32>,
        %sub3A_272 = arith.constant 1 : i32
        %sub3A_273 = vector.broadcast %sub3A_272 : i32 to vector<16xi32>
        %sub3A_274 = arith.subi %gather3A_271, %sub3A_273 : vector<16xi32>
        %add3A_275 = arith.constant 1 : i32
        %add3A_276 = vector.broadcast %add3A_275 : i32 to vector<16xi32>
        %add3A_277 = arith.addi %gather3A_268, %add3A_276 : vector<16xi32>
        tpu.vector_store_idx %arg8[%add3A_237], %add3A_277 : memref<16384xi32, #tpu.memory_space<vmem>>[vector<16xi32>], vector<16xi32>,
        %add3A_278 = arith.constant 1 : i32
        %add3A_279 = vector.broadcast %add3A_278 : i32 to vector<16xi32>
        %add3A_280 = arith.addi %gather3A_269, %add3A_279 : vector<16xi32>
        tpu.vector_store_idx %arg9[%add3A_247], %add3A_280 : memref<16384xi32, #tpu.memory_space<vmem>>[vector<16xi32>], vector<16xi32>,
        %add3A_281 = arith.constant 1 : i32
        %add3A_282 = vector.broadcast %add3A_281 : i32 to vector<16xi32>
        %add3A_283 = arith.addi %gather3A_270, %add3A_282 : vector<16xi32>
        tpu.vector_store_idx %arg10[%add3A_257], %add3A_283 : memref<16384xi32, #tpu.memory_space<vmem>>[vector<16xi32>], vector<16xi32>,
        tpu.vector_store_idx %arg11[%add3A_267], %sub3A_274 : memref<16384xi32, #tpu.memory_space<vmem>>[vector<16xi32>], vector<16xi32>,
        tpu.vector_store_idx %arg7[%gather3A_268], %add3A_193 : memref<16384xi32, #tpu.memory_space<vmem>>[vector<16xi32>], vector<16xi32>,
        tpu.vector_store_idx %arg7[%gather3A_269], %add3A_202 : memref<16384xi32, #tpu.memory_space<vmem>>[vector<16xi32>], vector<16xi32>,
        tpu.vector_store_idx %arg7[%gather3A_270], %add3A_211 : memref<16384xi32, #tpu.memory_space<vmem>>[vector<16xi32>], vector<16xi32>,
        tpu.vector_store_idx %arg7[%sub3A_274], %add3A_222 : memref<16384xi32, #tpu.memory_space<vmem>>[vector<16xi32>], vector<16xi32>,
        %scan3A_284 = arith.constant 0 : i32
        scf.yield %scan3A_284 : i32
      }
      %scan3A_36 = arith.constant 256 : i32
      %parallel_loop3A_37 = arith.constant 0 : i32
      %parallel_loop3A_38 = arith.constant 1024 : i32
      %parallel_loop3A_39 = arith.constant 1 : i32
      scf.for %parallel_loop3A_100 = %parallel_loop3A_37 to %parallel_loop3A_38 step %parallel_loop3A_39  : i32 {
        %parallel_loop3A_101 = arith.constant 16 : i32
        %parallel_loop3A_102 = arith.muli %parallel_loop3A_100, %parallel_loop3A_101 : i32
        %parallel_loop3A_103 = arith.index_cast %parallel_loop3A_102 : i32 to index
        %parallel_loop3A_104 = tpu.vector_load %arg8[%parallel_loop3A_103] {strides = array<i32>} : memref<16384xi32, #tpu.memory_space<vmem>>, vector<16xi32>,
        tpu.vector_store %arg8[%parallel_loop3A_103], %broadcast_in_dim3A_8 {strides = array<i32>} : memref<16384xi32, #tpu.memory_space<vmem>>, vector<16xi32>,
        %parallel_loop3A_105 = arith.index_cast %parallel_loop3A_102 : i32 to index
        %parallel_loop3A_106 = tpu.vector_load %arg9[%parallel_loop3A_105] {strides = array<i32>} : memref<16384xi32, #tpu.memory_space<vmem>>, vector<16xi32>,
        tpu.vector_store %arg9[%parallel_loop3A_105], %broadcast_in_dim3A_8 {strides = array<i32>} : memref<16384xi32, #tpu.memory_space<vmem>>, vector<16xi32>,
        %parallel_loop3A_107 = arith.index_cast %parallel_loop3A_102 : i32 to index
        %parallel_loop3A_108 = tpu.vector_load %arg10[%parallel_loop3A_107] {strides = array<i32>} : memref<16384xi32, #tpu.memory_space<vmem>>, vector<16xi32>,
        tpu.vector_store %arg10[%parallel_loop3A_107], %broadcast_in_dim3A_8 {strides = array<i32>} : memref<16384xi32, #tpu.memory_space<vmem>>, vector<16xi32>,
        %parallel_loop3A_109 = arith.index_cast %parallel_loop3A_102 : i32 to index
        %parallel_loop3A_110 = tpu.vector_load %arg11[%parallel_loop3A_109] {strides = array<i32>} : memref<16384xi32, #tpu.memory_space<vmem>>, vector<16xi32>,
        tpu.vector_store %arg11[%parallel_loop3A_109], %broadcast_in_dim3A_8 {strides = array<i32>} : memref<16384xi32, #tpu.memory_space<vmem>>, vector<16xi32>,
      } {sc.loop_unroll_factor = 4 : i64, sc.parallel_access}
      %scan3A_40 = arith.constant 0 : i32
      %scan3A_41 = arith.constant 0 : i32
      %scan3A_42 = arith.constant 256 : i32
      %scan3A_43 = arith.addi %scan3A_41, %scan3A_42 : i32
      %scan3A_44 = arith.constant 2 : i32
      %scan3A_45 = scf.for %scan3A_100 = %scan3A_41 to %scan3A_43 step %scan3A_44 iter_args(%scan3A_101 = %scan3A_40) -> (i32)  : i32 {
        %add3A_102 = vector.broadcast %scan3A_100 : i32 to vector<16xi32>
        %add3A_103 = arith.addi %mul3A_5, %add3A_102 : vector<16xi32>
        %gather3A = tpu.vector_load_idx %arg7[%add3A_103] : memref<16384xi32, #tpu.memory_space<vmem>>[vector<16xi32>], vector<16xi32>,
        %gather3A_104 = tpu.vector_load_idx %arg5[%gather3A] : memref<16384xf32, #tpu.memory_space<vmem>>[vector<16xi32>], vector<16xf32>,
        %bitcast3A = vector.bitcast %gather3A_104 : vector<16xf32> to vector<16xi32>
        %sub3A = arith.constant 1073741823 : i32
        %sub3A_105 = vector.broadcast %sub3A : i32 to vector<16xi32>
        %sub3A_106 = arith.subi %sub3A_105, %bitcast3A : vector<16xi32>
        %add3A_107 = arith.constant 256 : i32
        %add3A_108 = arith.addi %add3A_107, %scan3A_100 : i32
        %add3A_109 = vector.broadcast %add3A_108 : i32 to vector<16xi32>
        %add3A_110 = arith.addi %mul3A_5, %add3A_109 : vector<16xi32>
        %gather3A_111 = tpu.vector_load_idx %arg7[%add3A_110] : memref<16384xi32, #tpu.memory_space<vmem>>[vector<16xi32>], vector<16xi32>,
        %gather3A_112 = tpu.vector_load_idx %arg5[%gather3A_111] : memref<16384xf32, #tpu.memory_space<vmem>>[vector<16xi32>], vector<16xf32>,
        %bitcast3A_113 = vector.bitcast %gather3A_112 : vector<16xf32> to vector<16xi32>
        %sub3A_114 = arith.constant 1073741823 : i32
        %sub3A_115 = vector.broadcast %sub3A_114 : i32 to vector<16xi32>
        %sub3A_116 = arith.subi %sub3A_115, %bitcast3A_113 : vector<16xi32>
        %add3A_117 = arith.constant 512 : i32
        %add3A_118 = arith.addi %add3A_117, %scan3A_100 : i32
        %add3A_119 = vector.broadcast %add3A_118 : i32 to vector<16xi32>
        %add3A_120 = arith.addi %mul3A_5, %add3A_119 : vector<16xi32>
        %gather3A_121 = tpu.vector_load_idx %arg7[%add3A_120] : memref<16384xi32, #tpu.memory_space<vmem>>[vector<16xi32>], vector<16xi32>,
        %gather3A_122 = tpu.vector_load_idx %arg5[%gather3A_121] : memref<16384xf32, #tpu.memory_space<vmem>>[vector<16xi32>], vector<16xf32>,
        %bitcast3A_123 = vector.bitcast %gather3A_122 : vector<16xf32> to vector<16xi32>
        %sub3A_124 = arith.constant 1073741823 : i32
        %sub3A_125 = vector.broadcast %sub3A_124 : i32 to vector<16xi32>
        %sub3A_126 = arith.subi %sub3A_125, %bitcast3A_123 : vector<16xi32>
        %add3A_127 = arith.constant 768 : i32
        %add3A_128 = arith.addi %add3A_127, %scan3A_100 : i32
        %add3A_129 = vector.broadcast %add3A_128 : i32 to vector<16xi32>
        %add3A_130 = arith.addi %mul3A_5, %add3A_129 : vector<16xi32>
        %gather3A_131 = tpu.vector_load_idx %arg7[%add3A_130] : memref<16384xi32, #tpu.memory_space<vmem>>[vector<16xi32>], vector<16xi32>,
        %gather3A_132 = tpu.vector_load_idx %arg5[%gather3A_131] : memref<16384xf32, #tpu.memory_space<vmem>>[vector<16xi32>], vector<16xf32>,
        %bitcast3A_133 = vector.bitcast %gather3A_132 : vector<16xf32> to vector<16xi32>
        %sub3A_134 = arith.constant 1073741823 : i32
        %sub3A_135 = vector.broadcast %sub3A_134 : i32 to vector<16xi32>
        %sub3A_136 = arith.subi %sub3A_135, %bitcast3A_133 : vector<16xi32>
        %shift_right_arithmetic3A = arith.constant 10 : i32
        %shift_right_arithmetic3A_137 = vector.broadcast %shift_right_arithmetic3A : i32 to vector<16xi32>
        %shift_right_arithmetic3A_138 = arith.shrsi %sub3A_106, %shift_right_arithmetic3A_137 : vector<16xi32>
        %and3A = arith.constant 1023 : i32
        %and3A_139 = vector.broadcast %and3A : i32 to vector<16xi32>
        %and3A_140 = arith.andi %shift_right_arithmetic3A_138, %and3A_139 : vector<16xi32>
        %mul3A_141 = arith.constant 16 : i32
        %mul3A_142 = vector.broadcast %mul3A_141 : i32 to vector<16xi32>
        %mul3A_143 = arith.muli %and3A_140, %mul3A_142 : vector<16xi32>
        %add3A_144 = arith.addi %mul3A_143, %iota3A : vector<16xi32>
        %shift_right_arithmetic3A_145 = arith.constant 10 : i32
        %shift_right_arithmetic3A_146 = vector.broadcast %shift_right_arithmetic3A_145 : i32 to vector<16xi32>
        %shift_right_arithmetic3A_147 = arith.shrsi %sub3A_116, %shift_right_arithmetic3A_146 : vector<16xi32>
        %and3A_148 = arith.constant 1023 : i32
        %and3A_149 = vector.broadcast %and3A_148 : i32 to vector<16xi32>
        %and3A_150 = arith.andi %shift_right_arithmetic3A_147, %and3A_149 : vector<16xi32>
        %mul3A_151 = arith.constant 16 : i32
        %mul3A_152 = vector.broadcast %mul3A_151 : i32 to vector<16xi32>
        %mul3A_153 = arith.muli %and3A_150, %mul3A_152 : vector<16xi32>
        %add3A_154 = arith.addi %mul3A_153, %iota3A : vector<16xi32>
        %shift_right_arithmetic3A_155 = arith.constant 10 : i32
        %shift_right_arithmetic3A_156 = vector.broadcast %shift_right_arithmetic3A_155 : i32 to vector<16xi32>
        %shift_right_arithmetic3A_157 = arith.shrsi %sub3A_126, %shift_right_arithmetic3A_156 : vector<16xi32>
        %and3A_158 = arith.constant 1023 : i32
        %and3A_159 = vector.broadcast %and3A_158 : i32 to vector<16xi32>
        %and3A_160 = arith.andi %shift_right_arithmetic3A_157, %and3A_159 : vector<16xi32>
        %mul3A_161 = arith.constant 16 : i32
        %mul3A_162 = vector.broadcast %mul3A_161 : i32 to vector<16xi32>
        %mul3A_163 = arith.muli %and3A_160, %mul3A_162 : vector<16xi32>
        %add3A_164 = arith.addi %mul3A_163, %iota3A : vector<16xi32>
        %shift_right_arithmetic3A_165 = arith.constant 10 : i32
        %shift_right_arithmetic3A_166 = vector.broadcast %shift_right_arithmetic3A_165 : i32 to vector<16xi32>
        %shift_right_arithmetic3A_167 = arith.shrsi %sub3A_136, %shift_right_arithmetic3A_166 : vector<16xi32>
        %and3A_168 = arith.constant 1023 : i32
        %and3A_169 = vector.broadcast %and3A_168 : i32 to vector<16xi32>
        %and3A_170 = arith.andi %shift_right_arithmetic3A_167, %and3A_169 : vector<16xi32>
        %mul3A_171 = arith.constant 16 : i32
        %mul3A_172 = vector.broadcast %mul3A_171 : i32 to vector<16xi32>
        %mul3A_173 = arith.muli %and3A_170, %mul3A_172 : vector<16xi32>
        %add3A_174 = arith.addi %mul3A_173, %iota3A : vector<16xi32>
        tpu.vector_store_idx %arg8[%add3A_144], %broadcast_in_dim3A_6 {add = true} : memref<16384xi32, #tpu.memory_space<vmem>>[vector<16xi32>], vector<16xi32>,
        tpu.vector_store_idx %arg9[%add3A_154], %broadcast_in_dim3A_6 {add = true} : memref<16384xi32, #tpu.memory_space<vmem>>[vector<16xi32>], vector<16xi32>,
        tpu.vector_store_idx %arg10[%add3A_164], %broadcast_in_dim3A_6 {add = true} : memref<16384xi32, #tpu.memory_space<vmem>>[vector<16xi32>], vector<16xi32>,
        tpu.vector_store_idx %arg11[%add3A_174], %broadcast_in_dim3A_6 {add = true} : memref<16384xi32, #tpu.memory_space<vmem>>[vector<16xi32>], vector<16xi32>,
        %scan3A_175 = arith.constant 0 : i32
        %scan3A_176 = arith.constant 1 : i32
        %scan3A_177 = arith.addi %scan3A_100, %scan3A_176 : i32
        %add3A_178 = vector.broadcast %scan3A_177 : i32 to vector<16xi32>
        %add3A_179 = arith.addi %mul3A_5, %add3A_178 : vector<16xi32>
        %gather3A_180 = tpu.vector_load_idx %arg7[%add3A_179] : memref<16384xi32, #tpu.memory_space<vmem>>[vector<16xi32>], vector<16xi32>,
        %gather3A_181 = tpu.vector_load_idx %arg5[%gather3A_180] : memref<16384xf32, #tpu.memory_space<vmem>>[vector<16xi32>], vector<16xf32>,
        %bitcast3A_182 = vector.bitcast %gather3A_181 : vector<16xf32> to vector<16xi32>
        %sub3A_183 = arith.constant 1073741823 : i32
        %sub3A_184 = vector.broadcast %sub3A_183 : i32 to vector<16xi32>
        %sub3A_185 = arith.subi %sub3A_184, %bitcast3A_182 : vector<16xi32>
        %add3A_186 = arith.constant 256 : i32
        %add3A_187 = arith.addi %add3A_186, %scan3A_177 : i32
        %add3A_188 = vector.broadcast %add3A_187 : i32 to vector<16xi32>
        %add3A_189 = arith.addi %mul3A_5, %add3A_188 : vector<16xi32>
        %gather3A_190 = tpu.vector_load_idx %arg7[%add3A_189] : memref<16384xi32, #tpu.memory_space<vmem>>[vector<16xi32>], vector<16xi32>,
        %gather3A_191 = tpu.vector_load_idx %arg5[%gather3A_190] : memref<16384xf32, #tpu.memory_space<vmem>>[vector<16xi32>], vector<16xf32>,
        %bitcast3A_192 = vector.bitcast %gather3A_191 : vector<16xf32> to vector<16xi32>
        %sub3A_193 = arith.constant 1073741823 : i32
        %sub3A_194 = vector.broadcast %sub3A_193 : i32 to vector<16xi32>
        %sub3A_195 = arith.subi %sub3A_194, %bitcast3A_192 : vector<16xi32>
        %add3A_196 = arith.constant 512 : i32
        %add3A_197 = arith.addi %add3A_196, %scan3A_177 : i32
        %add3A_198 = vector.broadcast %add3A_197 : i32 to vector<16xi32>
        %add3A_199 = arith.addi %mul3A_5, %add3A_198 : vector<16xi32>
        %gather3A_200 = tpu.vector_load_idx %arg7[%add3A_199] : memref<16384xi32, #tpu.memory_space<vmem>>[vector<16xi32>], vector<16xi32>,
        %gather3A_201 = tpu.vector_load_idx %arg5[%gather3A_200] : memref<16384xf32, #tpu.memory_space<vmem>>[vector<16xi32>], vector<16xf32>,
        %bitcast3A_202 = vector.bitcast %gather3A_201 : vector<16xf32> to vector<16xi32>
        %sub3A_203 = arith.constant 1073741823 : i32
        %sub3A_204 = vector.broadcast %sub3A_203 : i32 to vector<16xi32>
        %sub3A_205 = arith.subi %sub3A_204, %bitcast3A_202 : vector<16xi32>
        %add3A_206 = arith.constant 768 : i32
        %add3A_207 = arith.addi %add3A_206, %scan3A_177 : i32
        %add3A_208 = vector.broadcast %add3A_207 : i32 to vector<16xi32>
        %add3A_209 = arith.addi %mul3A_5, %add3A_208 : vector<16xi32>
        %gather3A_210 = tpu.vector_load_idx %arg7[%add3A_209] : memref<16384xi32, #tpu.memory_space<vmem>>[vector<16xi32>], vector<16xi32>,
        %gather3A_211 = tpu.vector_load_idx %arg5[%gather3A_210] : memref<16384xf32, #tpu.memory_space<vmem>>[vector<16xi32>], vector<16xf32>,
        %bitcast3A_212 = vector.bitcast %gather3A_211 : vector<16xf32> to vector<16xi32>
        %sub3A_213 = arith.constant 1073741823 : i32
        %sub3A_214 = vector.broadcast %sub3A_213 : i32 to vector<16xi32>
        %sub3A_215 = arith.subi %sub3A_214, %bitcast3A_212 : vector<16xi32>
        %shift_right_arithmetic3A_216 = arith.constant 10 : i32
        %shift_right_arithmetic3A_217 = vector.broadcast %shift_right_arithmetic3A_216 : i32 to vector<16xi32>
        %shift_right_arithmetic3A_218 = arith.shrsi %sub3A_185, %shift_right_arithmetic3A_217 : vector<16xi32>
        %and3A_219 = arith.constant 1023 : i32
        %and3A_220 = vector.broadcast %and3A_219 : i32 to vector<16xi32>
        %and3A_221 = arith.andi %shift_right_arithmetic3A_218, %and3A_220 : vector<16xi32>
        %mul3A_222 = arith.constant 16 : i32
        %mul3A_223 = vector.broadcast %mul3A_222 : i32 to vector<16xi32>
        %mul3A_224 = arith.muli %and3A_221, %mul3A_223 : vector<16xi32>
        %add3A_225 = arith.addi %mul3A_224, %iota3A : vector<16xi32>
        %shift_right_arithmetic3A_226 = arith.constant 10 : i32
        %shift_right_arithmetic3A_227 = vector.broadcast %shift_right_arithmetic3A_226 : i32 to vector<16xi32>
        %shift_right_arithmetic3A_228 = arith.shrsi %sub3A_195, %shift_right_arithmetic3A_227 : vector<16xi32>
        %and3A_229 = arith.constant 1023 : i32
        %and3A_230 = vector.broadcast %and3A_229 : i32 to vector<16xi32>
        %and3A_231 = arith.andi %shift_right_arithmetic3A_228, %and3A_230 : vector<16xi32>
        %mul3A_232 = arith.constant 16 : i32
        %mul3A_233 = vector.broadcast %mul3A_232 : i32 to vector<16xi32>
        %mul3A_234 = arith.muli %and3A_231, %mul3A_233 : vector<16xi32>
        %add3A_235 = arith.addi %mul3A_234, %iota3A : vector<16xi32>
        %shift_right_arithmetic3A_236 = arith.constant 10 : i32
        %shift_right_arithmetic3A_237 = vector.broadcast %shift_right_arithmetic3A_236 : i32 to vector<16xi32>
        %shift_right_arithmetic3A_238 = arith.shrsi %sub3A_205, %shift_right_arithmetic3A_237 : vector<16xi32>
        %and3A_239 = arith.constant 1023 : i32
        %and3A_240 = vector.broadcast %and3A_239 : i32 to vector<16xi32>
        %and3A_241 = arith.andi %shift_right_arithmetic3A_238, %and3A_240 : vector<16xi32>
        %mul3A_242 = arith.constant 16 : i32
        %mul3A_243 = vector.broadcast %mul3A_242 : i32 to vector<16xi32>
        %mul3A_244 = arith.muli %and3A_241, %mul3A_243 : vector<16xi32>
        %add3A_245 = arith.addi %mul3A_244, %iota3A : vector<16xi32>
        %shift_right_arithmetic3A_246 = arith.constant 10 : i32
        %shift_right_arithmetic3A_247 = vector.broadcast %shift_right_arithmetic3A_246 : i32 to vector<16xi32>
        %shift_right_arithmetic3A_248 = arith.shrsi %sub3A_215, %shift_right_arithmetic3A_247 : vector<16xi32>
        %and3A_249 = arith.constant 1023 : i32
        %and3A_250 = vector.broadcast %and3A_249 : i32 to vector<16xi32>
        %and3A_251 = arith.andi %shift_right_arithmetic3A_248, %and3A_250 : vector<16xi32>
        %mul3A_252 = arith.constant 16 : i32
        %mul3A_253 = vector.broadcast %mul3A_252 : i32 to vector<16xi32>
        %mul3A_254 = arith.muli %and3A_251, %mul3A_253 : vector<16xi32>
        %add3A_255 = arith.addi %mul3A_254, %iota3A : vector<16xi32>
        tpu.vector_store_idx %arg8[%add3A_225], %broadcast_in_dim3A_6 {add = true} : memref<16384xi32, #tpu.memory_space<vmem>>[vector<16xi32>], vector<16xi32>,
        tpu.vector_store_idx %arg9[%add3A_235], %broadcast_in_dim3A_6 {add = true} : memref<16384xi32, #tpu.memory_space<vmem>>[vector<16xi32>], vector<16xi32>,
        tpu.vector_store_idx %arg10[%add3A_245], %broadcast_in_dim3A_6 {add = true} : memref<16384xi32, #tpu.memory_space<vmem>>[vector<16xi32>], vector<16xi32>,
        tpu.vector_store_idx %arg11[%add3A_255], %broadcast_in_dim3A_6 {add = true} : memref<16384xi32, #tpu.memory_space<vmem>>[vector<16xi32>], vector<16xi32>,
        %scan3A_256 = arith.constant 0 : i32
        scf.yield %scan3A_256 : i32
      }
      %scan3A_46 = arith.constant 256 : i32
      %parallel_loop3A_47 = arith.constant 0 : i32
      %parallel_loop3A_48 = arith.constant 1024 : i32
      %parallel_loop3A_49 = arith.constant 1 : i32
      scf.for %parallel_loop3A_100 = %parallel_loop3A_47 to %parallel_loop3A_48 step %parallel_loop3A_49  : i32 {
        %parallel_loop3A_101 = arith.constant 16 : i32
        %parallel_loop3A_102 = arith.muli %parallel_loop3A_100, %parallel_loop3A_101 : i32
        %parallel_loop3A_103 = arith.index_cast %parallel_loop3A_102 : i32 to index
        %parallel_loop3A_104 = tpu.vector_load %arg8[%parallel_loop3A_103] {strides = array<i32>} : memref<16384xi32, #tpu.memory_space<vmem>>, vector<16xi32>,
        %parallel_loop3A_105 = arith.index_cast %parallel_loop3A_102 : i32 to index
        %parallel_loop3A_106 = tpu.vector_load %arg9[%parallel_loop3A_105] {strides = array<i32>} : memref<16384xi32, #tpu.memory_space<vmem>>, vector<16xi32>,
        %parallel_loop3A_107 = arith.index_cast %parallel_loop3A_102 : i32 to index
        %parallel_loop3A_108 = tpu.vector_load %arg10[%parallel_loop3A_107] {strides = array<i32>} : memref<16384xi32, #tpu.memory_space<vmem>>, vector<16xi32>,
        %parallel_loop3A_109 = arith.index_cast %parallel_loop3A_102 : i32 to index
        %parallel_loop3A_110 = tpu.vector_load %arg11[%parallel_loop3A_109] {strides = array<i32>} : memref<16384xi32, #tpu.memory_space<vmem>>, vector<16xi32>,
        %parallel_loop3A_111 = arith.addi %parallel_loop3A_104, %parallel_loop3A_106 : vector<16xi32>
        %parallel_loop3A_112 = arith.addi %parallel_loop3A_111, %parallel_loop3A_108 : vector<16xi32>
        %parallel_loop3A_113 = arith.addi %parallel_loop3A_112, %parallel_loop3A_110 : vector<16xi32>
        %parallel_loop3A_114 = arith.constant true
        %parallel_loop3A_115 = vector.broadcast %parallel_loop3A_114 : i1 to vector<16xi1>
        %parallel_loop3A_116 = tpu.scan <sum>, %parallel_loop3A_113 masked %parallel_loop3A_115 : vector<16xi32>, vector<16xi1> -> vector<16xi32>
        %parallel_loop3A_117 = arith.subi %parallel_loop3A_116, %parallel_loop3A_113 : vector<16xi32>
        %parallel_loop3A_118 = arith.index_cast %parallel_loop3A_102 : i32 to index
        %parallel_loop3A_119 = tpu.vector_load %arg8[%parallel_loop3A_118] {strides = array<i32>} : memref<16384xi32, #tpu.memory_space<vmem>>, vector<16xi32>,
        tpu.vector_store %arg8[%parallel_loop3A_118], %parallel_loop3A_117 {strides = array<i32>} : memref<16384xi32, #tpu.memory_space<vmem>>, vector<16xi32>,
        %parallel_loop3A_120 = arith.addi %parallel_loop3A_117, %parallel_loop3A_104 : vector<16xi32>
        %parallel_loop3A_121 = arith.index_cast %parallel_loop3A_102 : i32 to index
        %parallel_loop3A_122 = tpu.vector_load %arg9[%parallel_loop3A_121] {strides = array<i32>} : memref<16384xi32, #tpu.memory_space<vmem>>, vector<16xi32>,
        tpu.vector_store %arg9[%parallel_loop3A_121], %parallel_loop3A_120 {strides = array<i32>} : memref<16384xi32, #tpu.memory_space<vmem>>, vector<16xi32>,
        %parallel_loop3A_123 = arith.addi %parallel_loop3A_117, %parallel_loop3A_104 : vector<16xi32>
        %parallel_loop3A_124 = arith.addi %parallel_loop3A_123, %parallel_loop3A_106 : vector<16xi32>
        %parallel_loop3A_125 = arith.index_cast %parallel_loop3A_102 : i32 to index
        %parallel_loop3A_126 = tpu.vector_load %arg10[%parallel_loop3A_125] {strides = array<i32>} : memref<16384xi32, #tpu.memory_space<vmem>>, vector<16xi32>,
        tpu.vector_store %arg10[%parallel_loop3A_125], %parallel_loop3A_124 {strides = array<i32>} : memref<16384xi32, #tpu.memory_space<vmem>>, vector<16xi32>,
        %parallel_loop3A_127 = arith.index_cast %parallel_loop3A_102 : i32 to index
        %parallel_loop3A_128 = tpu.vector_load %arg11[%parallel_loop3A_127] {strides = array<i32>} : memref<16384xi32, #tpu.memory_space<vmem>>, vector<16xi32>,
        tpu.vector_store %arg11[%parallel_loop3A_127], %parallel_loop3A_116 {strides = array<i32>} : memref<16384xi32, #tpu.memory_space<vmem>>, vector<16xi32>,
      } {sc.loop_unroll_factor = 4 : i64, sc.parallel_access}
      %scan3A_50 = arith.constant 0 : i32
      %scan3A_51 = arith.constant 0 : i32
      %scan3A_52 = arith.constant 64 : i32
      %scan3A_53 = arith.addi %scan3A_51, %scan3A_52 : i32
      %scan3A_54 = arith.constant 1 : i32
      %scan3A_55 = scf.for %scan3A_100 = %scan3A_51 to %scan3A_53 step %scan3A_54 iter_args(%scan3A_101 = %scan3A_50) -> (i32)  : i32 {
        %mul3A_102 = arith.constant 16 : i32
        %mul3A_103 = arith.muli %scan3A_100, %mul3A_102 : i32
        %add3A_104 = vector.broadcast %mul3A_103 : i32 to vector<16xi32>
        %add3A_105 = arith.addi %add3A_104, %iota3A : vector<16xi32>
        %mul3A_106 = arith.constant 16 : i32
        %mul3A_107 = vector.broadcast %mul3A_106 : i32 to vector<16xi32>
        %mul3A_108 = arith.muli %add3A_105, %mul3A_107 : vector<16xi32>
        %add3A_109 = arith.constant 15 : i32
        %add3A_110 = vector.broadcast %add3A_109 : i32 to vector<16xi32>
        %add3A_111 = arith.addi %mul3A_108, %add3A_110 : vector<16xi32>
        %gather3A = tpu.vector_load_idx %arg11[%add3A_111] : memref<16384xi32, #tpu.memory_space<vmem>>[vector<16xi32>], vector<16xi32>,
        %broadcast_in_dim3A_112 = arith.constant true
        %broadcast_in_dim3A_113 = vector.broadcast %broadcast_in_dim3A_112 : i1 to vector<16xi1>
        %masked_cumsum3A = tpu.scan <sum>, %gather3A masked %broadcast_in_dim3A_113 : vector<16xi32>, vector<16xi1> -> vector<16xi32>
        %sub3A = arith.subi %masked_cumsum3A, %gather3A : vector<16xi32>
        %add3A_114 = vector.broadcast %scan3A_101 : i32 to vector<16xi32>
        %add3A_115 = arith.addi %sub3A, %add3A_114 : vector<16xi32>
        %mul3A_116 = arith.constant 16 : i32
        %mul3A_117 = arith.muli %scan3A_100, %mul3A_116 : i32
        %add3A_118 = vector.broadcast %mul3A_117 : i32 to vector<16xi32>
        %add3A_119 = arith.addi %add3A_118, %iota3A : vector<16xi32>
        tpu.vector_store_idx %arg12[%add3A_119], %add3A_115 : memref<1024xi32, #tpu.memory_space<vmem>>[vector<16xi32>], vector<16xi32>,
        %reduce_sum3A = arith.constant true
        %reduce_sum3A_120 = vector.broadcast %reduce_sum3A : i1 to vector<16xi1>
        %reduce_sum3A_121 = tpu.scan <sum>, %gather3A masked %reduce_sum3A_120 : vector<16xi32>, vector<16xi1> -> vector<16xi32>
        %reduce_sum3A_122 = vector.extract %reduce_sum3A_121[15] : i32 from vector<16xi32>
        %add3A_123 = arith.addi %scan3A_101, %reduce_sum3A_122 : i32
        scf.yield %add3A_123 : i32
      }
      %scan3A_56 = arith.constant 64 : i32
      %parallel_loop3A_57 = arith.constant 0 : i32
      %parallel_loop3A_58 = arith.constant 1024 : i32
      %parallel_loop3A_59 = arith.constant 1 : i32
      scf.for %parallel_loop3A_100 = %parallel_loop3A_57 to %parallel_loop3A_58 step %parallel_loop3A_59  : i32 {
        %parallel_loop3A_101 = arith.constant 16 : i32
        %parallel_loop3A_102 = arith.muli %parallel_loop3A_100, %parallel_loop3A_101 : i32
        %parallel_loop3A_103 = arith.constant 0 : i32
        %parallel_loop3A_104 = vector.broadcast %parallel_loop3A_103 : i32 to vector<16xi32>
        %parallel_loop3A_105 = arith.muli %iota3A, %parallel_loop3A_104 : vector<16xi32>
        %parallel_loop3A_106 = vector.broadcast %parallel_loop3A_100 : i32 to vector<16xi32>
        %parallel_loop3A_107 = arith.addi %parallel_loop3A_105, %parallel_loop3A_106 : vector<16xi32>
        %parallel_loop3A_108 = tpu.vector_load_idx %arg12[%parallel_loop3A_107] : memref<1024xi32, #tpu.memory_space<vmem>>[vector<16xi32>], vector<16xi32>,
        %parallel_loop3A_109 = arith.index_cast %parallel_loop3A_102 : i32 to index
        %parallel_loop3A_110 = tpu.vector_load %arg8[%parallel_loop3A_109] {strides = array<i32>} : memref<16384xi32, #tpu.memory_space<vmem>>, vector<16xi32>,
        %parallel_loop3A_111 = arith.addi %parallel_loop3A_110, %parallel_loop3A_108 : vector<16xi32>
        %parallel_loop3A_112 = arith.index_cast %parallel_loop3A_102 : i32 to index
        %parallel_loop3A_113 = tpu.vector_load %arg8[%parallel_loop3A_112] {strides = array<i32>} : memref<16384xi32, #tpu.memory_space<vmem>>, vector<16xi32>,
        tpu.vector_store %arg8[%parallel_loop3A_112], %parallel_loop3A_111 {strides = array<i32>} : memref<16384xi32, #tpu.memory_space<vmem>>, vector<16xi32>,
        %parallel_loop3A_114 = arith.index_cast %parallel_loop3A_102 : i32 to index
        %parallel_loop3A_115 = tpu.vector_load %arg9[%parallel_loop3A_114] {strides = array<i32>} : memref<16384xi32, #tpu.memory_space<vmem>>, vector<16xi32>,
        %parallel_loop3A_116 = arith.addi %parallel_loop3A_115, %parallel_loop3A_108 : vector<16xi32>
        %parallel_loop3A_117 = arith.index_cast %parallel_loop3A_102 : i32 to index
        %parallel_loop3A_118 = tpu.vector_load %arg9[%parallel_loop3A_117] {strides = array<i32>} : memref<16384xi32, #tpu.memory_space<vmem>>, vector<16xi32>,
        tpu.vector_store %arg9[%parallel_loop3A_117], %parallel_loop3A_116 {strides = array<i32>} : memref<16384xi32, #tpu.memory_space<vmem>>, vector<16xi32>,
        %parallel_loop3A_119 = arith.index_cast %parallel_loop3A_102 : i32 to index
        %parallel_loop3A_120 = tpu.vector_load %arg10[%parallel_loop3A_119] {strides = array<i32>} : memref<16384xi32, #tpu.memory_space<vmem>>, vector<16xi32>,
        %parallel_loop3A_121 = arith.addi %parallel_loop3A_120, %parallel_loop3A_108 : vector<16xi32>
        %parallel_loop3A_122 = arith.index_cast %parallel_loop3A_102 : i32 to index
        %parallel_loop3A_123 = tpu.vector_load %arg10[%parallel_loop3A_122] {strides = array<i32>} : memref<16384xi32, #tpu.memory_space<vmem>>, vector<16xi32>,
        tpu.vector_store %arg10[%parallel_loop3A_122], %parallel_loop3A_121 {strides = array<i32>} : memref<16384xi32, #tpu.memory_space<vmem>>, vector<16xi32>,
        %parallel_loop3A_124 = arith.index_cast %parallel_loop3A_102 : i32 to index
        %parallel_loop3A_125 = tpu.vector_load %arg11[%parallel_loop3A_124] {strides = array<i32>} : memref<16384xi32, #tpu.memory_space<vmem>>, vector<16xi32>,
        %parallel_loop3A_126 = arith.addi %parallel_loop3A_125, %parallel_loop3A_108 : vector<16xi32>
        %parallel_loop3A_127 = arith.index_cast %parallel_loop3A_102 : i32 to index
        %parallel_loop3A_128 = tpu.vector_load %arg11[%parallel_loop3A_127] {strides = array<i32>} : memref<16384xi32, #tpu.memory_space<vmem>>, vector<16xi32>,
        tpu.vector_store %arg11[%parallel_loop3A_127], %parallel_loop3A_126 {strides = array<i32>} : memref<16384xi32, #tpu.memory_space<vmem>>, vector<16xi32>,
      } {sc.loop_unroll_factor = 4 : i64, sc.parallel_access}
      %scan3A_60 = arith.constant 0 : i32
      %scan3A_61 = arith.constant 0 : i32
      %scan3A_62 = arith.constant 256 : i32
      %scan3A_63 = arith.addi %scan3A_61, %scan3A_62 : i32
      %scan3A_64 = arith.constant 2 : i32
      %scan3A_65 = scf.for %scan3A_100 = %scan3A_61 to %scan3A_63 step %scan3A_64 iter_args(%scan3A_101 = %scan3A_60) -> (i32)  : i32 {
        %add3A_102 = vector.broadcast %scan3A_100 : i32 to vector<16xi32>
        %add3A_103 = arith.addi %mul3A_5, %add3A_102 : vector<16xi32>
        %gather3A = tpu.vector_load_idx %arg7[%add3A_103] : memref<16384xi32, #tpu.memory_space<vmem>>[vector<16xi32>], vector<16xi32>,
        %gather3A_104 = tpu.vector_load_idx %arg5[%gather3A] : memref<16384xf32, #tpu.memory_space<vmem>>[vector<16xi32>], vector<16xf32>,
        %bitcast3A = vector.bitcast %gather3A_104 : vector<16xf32> to vector<16xi32>
        %sub3A = arith.constant 1073741823 : i32
        %sub3A_105 = vector.broadcast %sub3A : i32 to vector<16xi32>
        %sub3A_106 = arith.subi %sub3A_105, %bitcast3A : vector<16xi32>
        %add3A_107 = arith.constant 256 : i32
        %add3A_108 = arith.addi %add3A_107, %scan3A_100 : i32
        %add3A_109 = vector.broadcast %add3A_108 : i32 to vector<16xi32>
        %add3A_110 = arith.addi %mul3A_5, %add3A_109 : vector<16xi32>
        %gather3A_111 = tpu.vector_load_idx %arg7[%add3A_110] : memref<16384xi32, #tpu.memory_space<vmem>>[vector<16xi32>], vector<16xi32>,
        %gather3A_112 = tpu.vector_load_idx %arg5[%gather3A_111] : memref<16384xf32, #tpu.memory_space<vmem>>[vector<16xi32>], vector<16xf32>,
        %bitcast3A_113 = vector.bitcast %gather3A_112 : vector<16xf32> to vector<16xi32>
        %sub3A_114 = arith.constant 1073741823 : i32
        %sub3A_115 = vector.broadcast %sub3A_114 : i32 to vector<16xi32>
        %sub3A_116 = arith.subi %sub3A_115, %bitcast3A_113 : vector<16xi32>
        %add3A_117 = arith.constant 512 : i32
        %add3A_118 = arith.addi %add3A_117, %scan3A_100 : i32
        %add3A_119 = vector.broadcast %add3A_118 : i32 to vector<16xi32>
        %add3A_120 = arith.addi %mul3A_5, %add3A_119 : vector<16xi32>
        %gather3A_121 = tpu.vector_load_idx %arg7[%add3A_120] : memref<16384xi32, #tpu.memory_space<vmem>>[vector<16xi32>], vector<16xi32>,
        %gather3A_122 = tpu.vector_load_idx %arg5[%gather3A_121] : memref<16384xf32, #tpu.memory_space<vmem>>[vector<16xi32>], vector<16xf32>,
        %bitcast3A_123 = vector.bitcast %gather3A_122 : vector<16xf32> to vector<16xi32>
        %sub3A_124 = arith.constant 1073741823 : i32
        %sub3A_125 = vector.broadcast %sub3A_124 : i32 to vector<16xi32>
        %sub3A_126 = arith.subi %sub3A_125, %bitcast3A_123 : vector<16xi32>
        %sub3A_127 = arith.constant 255 : i32
        %sub3A_128 = arith.subi %sub3A_127, %scan3A_100 : i32
        %add3A_129 = arith.constant 768 : i32
        %add3A_130 = arith.addi %add3A_129, %sub3A_128 : i32
        %add3A_131 = vector.broadcast %add3A_130 : i32 to vector<16xi32>
        %add3A_132 = arith.addi %mul3A_5, %add3A_131 : vector<16xi32>
        %gather3A_133 = tpu.vector_load_idx %arg7[%add3A_132] : memref<16384xi32, #tpu.memory_space<vmem>>[vector<16xi32>], vector<16xi32>,
        %gather3A_134 = tpu.vector_load_idx %arg5[%gather3A_133] : memref<16384xf32, #tpu.memory_space<vmem>>[vector<16xi32>], vector<16xf32>,
        %bitcast3A_135 = vector.bitcast %gather3A_134 : vector<16xf32> to vector<16xi32>
        %sub3A_136 = arith.constant 1073741823 : i32
        %sub3A_137 = vector.broadcast %sub3A_136 : i32 to vector<16xi32>
        %sub3A_138 = arith.subi %sub3A_137, %bitcast3A_135 : vector<16xi32>
        %shift_right_arithmetic3A = arith.constant 10 : i32
        %shift_right_arithmetic3A_139 = vector.broadcast %shift_right_arithmetic3A : i32 to vector<16xi32>
        %shift_right_arithmetic3A_140 = arith.shrsi %sub3A_106, %shift_right_arithmetic3A_139 : vector<16xi32>
        %and3A = arith.constant 1023 : i32
        %and3A_141 = vector.broadcast %and3A : i32 to vector<16xi32>
        %and3A_142 = arith.andi %shift_right_arithmetic3A_140, %and3A_141 : vector<16xi32>
        %mul3A_143 = arith.constant 16 : i32
        %mul3A_144 = vector.broadcast %mul3A_143 : i32 to vector<16xi32>
        %mul3A_145 = arith.muli %and3A_142, %mul3A_144 : vector<16xi32>
        %add3A_146 = arith.addi %mul3A_145, %iota3A : vector<16xi32>
        %shift_right_arithmetic3A_147 = arith.constant 10 : i32
        %shift_right_arithmetic3A_148 = vector.broadcast %shift_right_arithmetic3A_147 : i32 to vector<16xi32>
        %shift_right_arithmetic3A_149 = arith.shrsi %sub3A_116, %shift_right_arithmetic3A_148 : vector<16xi32>
        %and3A_150 = arith.constant 1023 : i32
        %and3A_151 = vector.broadcast %and3A_150 : i32 to vector<16xi32>
        %and3A_152 = arith.andi %shift_right_arithmetic3A_149, %and3A_151 : vector<16xi32>
        %mul3A_153 = arith.constant 16 : i32
        %mul3A_154 = vector.broadcast %mul3A_153 : i32 to vector<16xi32>
        %mul3A_155 = arith.muli %and3A_152, %mul3A_154 : vector<16xi32>
        %add3A_156 = arith.addi %mul3A_155, %iota3A : vector<16xi32>
        %shift_right_arithmetic3A_157 = arith.constant 10 : i32
        %shift_right_arithmetic3A_158 = vector.broadcast %shift_right_arithmetic3A_157 : i32 to vector<16xi32>
        %shift_right_arithmetic3A_159 = arith.shrsi %sub3A_126, %shift_right_arithmetic3A_158 : vector<16xi32>
        %and3A_160 = arith.constant 1023 : i32
        %and3A_161 = vector.broadcast %and3A_160 : i32 to vector<16xi32>
        %and3A_162 = arith.andi %shift_right_arithmetic3A_159, %and3A_161 : vector<16xi32>
        %mul3A_163 = arith.constant 16 : i32
        %mul3A_164 = vector.broadcast %mul3A_163 : i32 to vector<16xi32>
        %mul3A_165 = arith.muli %and3A_162, %mul3A_164 : vector<16xi32>
        %add3A_166 = arith.addi %mul3A_165, %iota3A : vector<16xi32>
        %shift_right_arithmetic3A_167 = arith.constant 10 : i32
        %shift_right_arithmetic3A_168 = vector.broadcast %shift_right_arithmetic3A_167 : i32 to vector<16xi32>
        %shift_right_arithmetic3A_169 = arith.shrsi %sub3A_138, %shift_right_arithmetic3A_168 : vector<16xi32>
        %and3A_170 = arith.constant 1023 : i32
        %and3A_171 = vector.broadcast %and3A_170 : i32 to vector<16xi32>
        %and3A_172 = arith.andi %shift_right_arithmetic3A_169, %and3A_171 : vector<16xi32>
        %mul3A_173 = arith.constant 16 : i32
        %mul3A_174 = vector.broadcast %mul3A_173 : i32 to vector<16xi32>
        %mul3A_175 = arith.muli %and3A_172, %mul3A_174 : vector<16xi32>
        %add3A_176 = arith.addi %mul3A_175, %iota3A : vector<16xi32>
        %gather3A_177 = tpu.vector_load_idx %arg8[%add3A_146] : memref<16384xi32, #tpu.memory_space<vmem>>[vector<16xi32>], vector<16xi32>,
        %gather3A_178 = tpu.vector_load_idx %arg9[%add3A_156] : memref<16384xi32, #tpu.memory_space<vmem>>[vector<16xi32>], vector<16xi32>,
        %gather3A_179 = tpu.vector_load_idx %arg10[%add3A_166] : memref<16384xi32, #tpu.memory_space<vmem>>[vector<16xi32>], vector<16xi32>,
        %gather3A_180 = tpu.vector_load_idx %arg11[%add3A_176] : memref<16384xi32, #tpu.memory_space<vmem>>[vector<16xi32>], vector<16xi32>,
        %sub3A_181 = arith.constant 1 : i32
        %sub3A_182 = vector.broadcast %sub3A_181 : i32 to vector<16xi32>
        %sub3A_183 = arith.subi %gather3A_180, %sub3A_182 : vector<16xi32>
        %add3A_184 = arith.constant 1 : i32
        %add3A_185 = vector.broadcast %add3A_184 : i32 to vector<16xi32>
        %add3A_186 = arith.addi %gather3A_177, %add3A_185 : vector<16xi32>
        tpu.vector_store_idx %arg8[%add3A_146], %add3A_186 : memref<16384xi32, #tpu.memory_space<vmem>>[vector<16xi32>], vector<16xi32>,
        %add3A_187 = arith.constant 1 : i32
        %add3A_188 = vector.broadcast %add3A_187 : i32 to vector<16xi32>
        %add3A_189 = arith.addi %gather3A_178, %add3A_188 : vector<16xi32>
        tpu.vector_store_idx %arg9[%add3A_156], %add3A_189 : memref<16384xi32, #tpu.memory_space<vmem>>[vector<16xi32>], vector<16xi32>,
        %add3A_190 = arith.constant 1 : i32
        %add3A_191 = vector.broadcast %add3A_190 : i32 to vector<16xi32>
        %add3A_192 = arith.addi %gather3A_179, %add3A_191 : vector<16xi32>
        tpu.vector_store_idx %arg10[%add3A_166], %add3A_192 : memref<16384xi32, #tpu.memory_space<vmem>>[vector<16xi32>], vector<16xi32>,
        tpu.vector_store_idx %arg11[%add3A_176], %sub3A_183 : memref<16384xi32, #tpu.memory_space<vmem>>[vector<16xi32>], vector<16xi32>,
        tpu.vector_store_idx %arg6[%gather3A_177], %gather3A : memref<16384xi32, #tpu.memory_space<vmem>>[vector<16xi32>], vector<16xi32>,
        tpu.vector_store_idx %arg6[%gather3A_178], %gather3A_111 : memref<16384xi32, #tpu.memory_space<vmem>>[vector<16xi32>], vector<16xi32>,
        tpu.vector_store_idx %arg6[%gather3A_179], %gather3A_121 : memref<16384xi32, #tpu.memory_space<vmem>>[vector<16xi32>], vector<16xi32>,
        tpu.vector_store_idx %arg6[%sub3A_183], %gather3A_133 : memref<16384xi32, #tpu.memory_space<vmem>>[vector<16xi32>], vector<16xi32>,
        %scan3A_193 = arith.constant 0 : i32
        %scan3A_194 = arith.constant 1 : i32
        %scan3A_195 = arith.addi %scan3A_100, %scan3A_194 : i32
        %add3A_196 = vector.broadcast %scan3A_195 : i32 to vector<16xi32>
        %add3A_197 = arith.addi %mul3A_5, %add3A_196 : vector<16xi32>
        %gather3A_198 = tpu.vector_load_idx %arg7[%add3A_197] : memref<16384xi32, #tpu.memory_space<vmem>>[vector<16xi32>], vector<16xi32>,
        %gather3A_199 = tpu.vector_load_idx %arg5[%gather3A_198] : memref<16384xf32, #tpu.memory_space<vmem>>[vector<16xi32>], vector<16xf32>,
        %bitcast3A_200 = vector.bitcast %gather3A_199 : vector<16xf32> to vector<16xi32>
        %sub3A_201 = arith.constant 1073741823 : i32
        %sub3A_202 = vector.broadcast %sub3A_201 : i32 to vector<16xi32>
        %sub3A_203 = arith.subi %sub3A_202, %bitcast3A_200 : vector<16xi32>
        %add3A_204 = arith.constant 256 : i32
        %add3A_205 = arith.addi %add3A_204, %scan3A_195 : i32
        %add3A_206 = vector.broadcast %add3A_205 : i32 to vector<16xi32>
        %add3A_207 = arith.addi %mul3A_5, %add3A_206 : vector<16xi32>
        %gather3A_208 = tpu.vector_load_idx %arg7[%add3A_207] : memref<16384xi32, #tpu.memory_space<vmem>>[vector<16xi32>], vector<16xi32>,
        %gather3A_209 = tpu.vector_load_idx %arg5[%gather3A_208] : memref<16384xf32, #tpu.memory_space<vmem>>[vector<16xi32>], vector<16xf32>,
        %bitcast3A_210 = vector.bitcast %gather3A_209 : vector<16xf32> to vector<16xi32>
        %sub3A_211 = arith.constant 1073741823 : i32
        %sub3A_212 = vector.broadcast %sub3A_211 : i32 to vector<16xi32>
        %sub3A_213 = arith.subi %sub3A_212, %bitcast3A_210 : vector<16xi32>
        %add3A_214 = arith.constant 512 : i32
        %add3A_215 = arith.addi %add3A_214, %scan3A_195 : i32
        %add3A_216 = vector.broadcast %add3A_215 : i32 to vector<16xi32>
        %add3A_217 = arith.addi %mul3A_5, %add3A_216 : vector<16xi32>
        %gather3A_218 = tpu.vector_load_idx %arg7[%add3A_217] : memref<16384xi32, #tpu.memory_space<vmem>>[vector<16xi32>], vector<16xi32>,
        %gather3A_219 = tpu.vector_load_idx %arg5[%gather3A_218] : memref<16384xf32, #tpu.memory_space<vmem>>[vector<16xi32>], vector<16xf32>,
        %bitcast3A_220 = vector.bitcast %gather3A_219 : vector<16xf32> to vector<16xi32>
        %sub3A_221 = arith.constant 1073741823 : i32
        %sub3A_222 = vector.broadcast %sub3A_221 : i32 to vector<16xi32>
        %sub3A_223 = arith.subi %sub3A_222, %bitcast3A_220 : vector<16xi32>
        %sub3A_224 = arith.constant 255 : i32
        %sub3A_225 = arith.subi %sub3A_224, %scan3A_195 : i32
        %add3A_226 = arith.constant 768 : i32
        %add3A_227 = arith.addi %add3A_226, %sub3A_225 : i32
        %add3A_228 = vector.broadcast %add3A_227 : i32 to vector<16xi32>
        %add3A_229 = arith.addi %mul3A_5, %add3A_228 : vector<16xi32>
        %gather3A_230 = tpu.vector_load_idx %arg7[%add3A_229] : memref<16384xi32, #tpu.memory_space<vmem>>[vector<16xi32>], vector<16xi32>,
        %gather3A_231 = tpu.vector_load_idx %arg5[%gather3A_230] : memref<16384xf32, #tpu.memory_space<vmem>>[vector<16xi32>], vector<16xf32>,
        %bitcast3A_232 = vector.bitcast %gather3A_231 : vector<16xf32> to vector<16xi32>
        %sub3A_233 = arith.constant 1073741823 : i32
        %sub3A_234 = vector.broadcast %sub3A_233 : i32 to vector<16xi32>
        %sub3A_235 = arith.subi %sub3A_234, %bitcast3A_232 : vector<16xi32>
        %shift_right_arithmetic3A_236 = arith.constant 10 : i32
        %shift_right_arithmetic3A_237 = vector.broadcast %shift_right_arithmetic3A_236 : i32 to vector<16xi32>
        %shift_right_arithmetic3A_238 = arith.shrsi %sub3A_203, %shift_right_arithmetic3A_237 : vector<16xi32>
        %and3A_239 = arith.constant 1023 : i32
        %and3A_240 = vector.broadcast %and3A_239 : i32 to vector<16xi32>
        %and3A_241 = arith.andi %shift_right_arithmetic3A_238, %and3A_240 : vector<16xi32>
        %mul3A_242 = arith.constant 16 : i32
        %mul3A_243 = vector.broadcast %mul3A_242 : i32 to vector<16xi32>
        %mul3A_244 = arith.muli %and3A_241, %mul3A_243 : vector<16xi32>
        %add3A_245 = arith.addi %mul3A_244, %iota3A : vector<16xi32>
        %shift_right_arithmetic3A_246 = arith.constant 10 : i32
        %shift_right_arithmetic3A_247 = vector.broadcast %shift_right_arithmetic3A_246 : i32 to vector<16xi32>
        %shift_right_arithmetic3A_248 = arith.shrsi %sub3A_213, %shift_right_arithmetic3A_247 : vector<16xi32>
        %and3A_249 = arith.constant 1023 : i32
        %and3A_250 = vector.broadcast %and3A_249 : i32 to vector<16xi32>
        %and3A_251 = arith.andi %shift_right_arithmetic3A_248, %and3A_250 : vector<16xi32>
        %mul3A_252 = arith.constant 16 : i32
        %mul3A_253 = vector.broadcast %mul3A_252 : i32 to vector<16xi32>
        %mul3A_254 = arith.muli %and3A_251, %mul3A_253 : vector<16xi32>
        %add3A_255 = arith.addi %mul3A_254, %iota3A : vector<16xi32>
        %shift_right_arithmetic3A_256 = arith.constant 10 : i32
        %shift_right_arithmetic3A_257 = vector.broadcast %shift_right_arithmetic3A_256 : i32 to vector<16xi32>
        %shift_right_arithmetic3A_258 = arith.shrsi %sub3A_223, %shift_right_arithmetic3A_257 : vector<16xi32>
        %and3A_259 = arith.constant 1023 : i32
        %and3A_260 = vector.broadcast %and3A_259 : i32 to vector<16xi32>
        %and3A_261 = arith.andi %shift_right_arithmetic3A_258, %and3A_260 : vector<16xi32>
        %mul3A_262 = arith.constant 16 : i32
        %mul3A_263 = vector.broadcast %mul3A_262 : i32 to vector<16xi32>
        %mul3A_264 = arith.muli %and3A_261, %mul3A_263 : vector<16xi32>
        %add3A_265 = arith.addi %mul3A_264, %iota3A : vector<16xi32>
        %shift_right_arithmetic3A_266 = arith.constant 10 : i32
        %shift_right_arithmetic3A_267 = vector.broadcast %shift_right_arithmetic3A_266 : i32 to vector<16xi32>
        %shift_right_arithmetic3A_268 = arith.shrsi %sub3A_235, %shift_right_arithmetic3A_267 : vector<16xi32>
        %and3A_269 = arith.constant 1023 : i32
        %and3A_270 = vector.broadcast %and3A_269 : i32 to vector<16xi32>
        %and3A_271 = arith.andi %shift_right_arithmetic3A_268, %and3A_270 : vector<16xi32>
        %mul3A_272 = arith.constant 16 : i32
        %mul3A_273 = vector.broadcast %mul3A_272 : i32 to vector<16xi32>
        %mul3A_274 = arith.muli %and3A_271, %mul3A_273 : vector<16xi32>
        %add3A_275 = arith.addi %mul3A_274, %iota3A : vector<16xi32>
        %gather3A_276 = tpu.vector_load_idx %arg8[%add3A_245] : memref<16384xi32, #tpu.memory_space<vmem>>[vector<16xi32>], vector<16xi32>,
        %gather3A_277 = tpu.vector_load_idx %arg9[%add3A_255] : memref<16384xi32, #tpu.memory_space<vmem>>[vector<16xi32>], vector<16xi32>,
        %gather3A_278 = tpu.vector_load_idx %arg10[%add3A_265] : memref<16384xi32, #tpu.memory_space<vmem>>[vector<16xi32>], vector<16xi32>,
        %gather3A_279 = tpu.vector_load_idx %arg11[%add3A_275] : memref<16384xi32, #tpu.memory_space<vmem>>[vector<16xi32>], vector<16xi32>,
        %sub3A_280 = arith.constant 1 : i32
        %sub3A_281 = vector.broadcast %sub3A_280 : i32 to vector<16xi32>
        %sub3A_282 = arith.subi %gather3A_279, %sub3A_281 : vector<16xi32>
        %add3A_283 = arith.constant 1 : i32
        %add3A_284 = vector.broadcast %add3A_283 : i32 to vector<16xi32>
        %add3A_285 = arith.addi %gather3A_276, %add3A_284 : vector<16xi32>
        tpu.vector_store_idx %arg8[%add3A_245], %add3A_285 : memref<16384xi32, #tpu.memory_space<vmem>>[vector<16xi32>], vector<16xi32>,
        %add3A_286 = arith.constant 1 : i32
        %add3A_287 = vector.broadcast %add3A_286 : i32 to vector<16xi32>
        %add3A_288 = arith.addi %gather3A_277, %add3A_287 : vector<16xi32>
        tpu.vector_store_idx %arg9[%add3A_255], %add3A_288 : memref<16384xi32, #tpu.memory_space<vmem>>[vector<16xi32>], vector<16xi32>,
        %add3A_289 = arith.constant 1 : i32
        %add3A_290 = vector.broadcast %add3A_289 : i32 to vector<16xi32>
        %add3A_291 = arith.addi %gather3A_278, %add3A_290 : vector<16xi32>
        tpu.vector_store_idx %arg10[%add3A_265], %add3A_291 : memref<16384xi32, #tpu.memory_space<vmem>>[vector<16xi32>], vector<16xi32>,
        tpu.vector_store_idx %arg11[%add3A_275], %sub3A_282 : memref<16384xi32, #tpu.memory_space<vmem>>[vector<16xi32>], vector<16xi32>,
        tpu.vector_store_idx %arg6[%gather3A_276], %gather3A_198 : memref<16384xi32, #tpu.memory_space<vmem>>[vector<16xi32>], vector<16xi32>,
        tpu.vector_store_idx %arg6[%gather3A_277], %gather3A_208 : memref<16384xi32, #tpu.memory_space<vmem>>[vector<16xi32>], vector<16xi32>,
        tpu.vector_store_idx %arg6[%gather3A_278], %gather3A_218 : memref<16384xi32, #tpu.memory_space<vmem>>[vector<16xi32>], vector<16xi32>,
        tpu.vector_store_idx %arg6[%sub3A_282], %gather3A_230 : memref<16384xi32, #tpu.memory_space<vmem>>[vector<16xi32>], vector<16xi32>,
        %scan3A_292 = arith.constant 0 : i32
        scf.yield %scan3A_292 : i32
      }
      %scan3A_66 = arith.constant 256 : i32
      %parallel_loop3A_67 = arith.constant 0 : i32
      %parallel_loop3A_68 = arith.constant 1024 : i32
      %parallel_loop3A_69 = arith.constant 1 : i32
      scf.for %parallel_loop3A_100 = %parallel_loop3A_67 to %parallel_loop3A_68 step %parallel_loop3A_69  : i32 {
        %parallel_loop3A_101 = arith.constant 16 : i32
        %parallel_loop3A_102 = arith.muli %parallel_loop3A_100, %parallel_loop3A_101 : i32
        %parallel_loop3A_103 = arith.index_cast %parallel_loop3A_102 : i32 to index
        %parallel_loop3A_104 = tpu.vector_load %arg8[%parallel_loop3A_103] {strides = array<i32>} : memref<16384xi32, #tpu.memory_space<vmem>>, vector<16xi32>,
        tpu.vector_store %arg8[%parallel_loop3A_103], %broadcast_in_dim3A_8 {strides = array<i32>} : memref<16384xi32, #tpu.memory_space<vmem>>, vector<16xi32>,
        %parallel_loop3A_105 = arith.index_cast %parallel_loop3A_102 : i32 to index
        %parallel_loop3A_106 = tpu.vector_load %arg9[%parallel_loop3A_105] {strides = array<i32>} : memref<16384xi32, #tpu.memory_space<vmem>>, vector<16xi32>,
        tpu.vector_store %arg9[%parallel_loop3A_105], %broadcast_in_dim3A_8 {strides = array<i32>} : memref<16384xi32, #tpu.memory_space<vmem>>, vector<16xi32>,
        %parallel_loop3A_107 = arith.index_cast %parallel_loop3A_102 : i32 to index
        %parallel_loop3A_108 = tpu.vector_load %arg10[%parallel_loop3A_107] {strides = array<i32>} : memref<16384xi32, #tpu.memory_space<vmem>>, vector<16xi32>,
        tpu.vector_store %arg10[%parallel_loop3A_107], %broadcast_in_dim3A_8 {strides = array<i32>} : memref<16384xi32, #tpu.memory_space<vmem>>, vector<16xi32>,
        %parallel_loop3A_109 = arith.index_cast %parallel_loop3A_102 : i32 to index
        %parallel_loop3A_110 = tpu.vector_load %arg11[%parallel_loop3A_109] {strides = array<i32>} : memref<16384xi32, #tpu.memory_space<vmem>>, vector<16xi32>,
        tpu.vector_store %arg11[%parallel_loop3A_109], %broadcast_in_dim3A_8 {strides = array<i32>} : memref<16384xi32, #tpu.memory_space<vmem>>, vector<16xi32>,
      } {sc.loop_unroll_factor = 4 : i64, sc.parallel_access}
      %scan3A_70 = arith.constant 0 : i32
      %scan3A_71 = arith.constant 0 : i32
      %scan3A_72 = arith.constant 256 : i32
      %scan3A_73 = arith.addi %scan3A_71, %scan3A_72 : i32
      %scan3A_74 = arith.constant 2 : i32
      %scan3A_75 = scf.for %scan3A_100 = %scan3A_71 to %scan3A_73 step %scan3A_74 iter_args(%scan3A_101 = %scan3A_70) -> (i32)  : i32 {
        %add3A_102 = vector.broadcast %scan3A_100 : i32 to vector<16xi32>
        %add3A_103 = arith.addi %mul3A_5, %add3A_102 : vector<16xi32>
        %gather3A = tpu.vector_load_idx %arg6[%add3A_103] : memref<16384xi32, #tpu.memory_space<vmem>>[vector<16xi32>], vector<16xi32>,
        %gather3A_104 = tpu.vector_load_idx %arg5[%gather3A] : memref<16384xf32, #tpu.memory_space<vmem>>[vector<16xi32>], vector<16xf32>,
        %bitcast3A = vector.bitcast %gather3A_104 : vector<16xf32> to vector<16xi32>
        %sub3A = arith.constant 1073741823 : i32
        %sub3A_105 = vector.broadcast %sub3A : i32 to vector<16xi32>
        %sub3A_106 = arith.subi %sub3A_105, %bitcast3A : vector<16xi32>
        %add3A_107 = arith.constant 256 : i32
        %add3A_108 = arith.addi %add3A_107, %scan3A_100 : i32
        %add3A_109 = vector.broadcast %add3A_108 : i32 to vector<16xi32>
        %add3A_110 = arith.addi %mul3A_5, %add3A_109 : vector<16xi32>
        %gather3A_111 = tpu.vector_load_idx %arg6[%add3A_110] : memref<16384xi32, #tpu.memory_space<vmem>>[vector<16xi32>], vector<16xi32>,
        %gather3A_112 = tpu.vector_load_idx %arg5[%gather3A_111] : memref<16384xf32, #tpu.memory_space<vmem>>[vector<16xi32>], vector<16xf32>,
        %bitcast3A_113 = vector.bitcast %gather3A_112 : vector<16xf32> to vector<16xi32>
        %sub3A_114 = arith.constant 1073741823 : i32
        %sub3A_115 = vector.broadcast %sub3A_114 : i32 to vector<16xi32>
        %sub3A_116 = arith.subi %sub3A_115, %bitcast3A_113 : vector<16xi32>
        %add3A_117 = arith.constant 512 : i32
        %add3A_118 = arith.addi %add3A_117, %scan3A_100 : i32
        %add3A_119 = vector.broadcast %add3A_118 : i32 to vector<16xi32>
        %add3A_120 = arith.addi %mul3A_5, %add3A_119 : vector<16xi32>
        %gather3A_121 = tpu.vector_load_idx %arg6[%add3A_120] : memref<16384xi32, #tpu.memory_space<vmem>>[vector<16xi32>], vector<16xi32>,
        %gather3A_122 = tpu.vector_load_idx %arg5[%gather3A_121] : memref<16384xf32, #tpu.memory_space<vmem>>[vector<16xi32>], vector<16xf32>,
        %bitcast3A_123 = vector.bitcast %gather3A_122 : vector<16xf32> to vector<16xi32>
        %sub3A_124 = arith.constant 1073741823 : i32
        %sub3A_125 = vector.broadcast %sub3A_124 : i32 to vector<16xi32>
        %sub3A_126 = arith.subi %sub3A_125, %bitcast3A_123 : vector<16xi32>
        %add3A_127 = arith.constant 768 : i32
        %add3A_128 = arith.addi %add3A_127, %scan3A_100 : i32
        %add3A_129 = vector.broadcast %add3A_128 : i32 to vector<16xi32>
        %add3A_130 = arith.addi %mul3A_5, %add3A_129 : vector<16xi32>
        %gather3A_131 = tpu.vector_load_idx %arg6[%add3A_130] : memref<16384xi32, #tpu.memory_space<vmem>>[vector<16xi32>], vector<16xi32>,
        %gather3A_132 = tpu.vector_load_idx %arg5[%gather3A_131] : memref<16384xf32, #tpu.memory_space<vmem>>[vector<16xi32>], vector<16xf32>,
        %bitcast3A_133 = vector.bitcast %gather3A_132 : vector<16xf32> to vector<16xi32>
        %sub3A_134 = arith.constant 1073741823 : i32
        %sub3A_135 = vector.broadcast %sub3A_134 : i32 to vector<16xi32>
        %sub3A_136 = arith.subi %sub3A_135, %bitcast3A_133 : vector<16xi32>
        %shift_right_arithmetic3A = arith.constant 20 : i32
        %shift_right_arithmetic3A_137 = vector.broadcast %shift_right_arithmetic3A : i32 to vector<16xi32>
        %shift_right_arithmetic3A_138 = arith.shrsi %sub3A_106, %shift_right_arithmetic3A_137 : vector<16xi32>
        %and3A = arith.constant 1023 : i32
        %and3A_139 = vector.broadcast %and3A : i32 to vector<16xi32>
        %and3A_140 = arith.andi %shift_right_arithmetic3A_138, %and3A_139 : vector<16xi32>
        %mul3A_141 = arith.constant 16 : i32
        %mul3A_142 = vector.broadcast %mul3A_141 : i32 to vector<16xi32>
        %mul3A_143 = arith.muli %and3A_140, %mul3A_142 : vector<16xi32>
        %add3A_144 = arith.addi %mul3A_143, %iota3A : vector<16xi32>
        %shift_right_arithmetic3A_145 = arith.constant 20 : i32
        %shift_right_arithmetic3A_146 = vector.broadcast %shift_right_arithmetic3A_145 : i32 to vector<16xi32>
        %shift_right_arithmetic3A_147 = arith.shrsi %sub3A_116, %shift_right_arithmetic3A_146 : vector<16xi32>
        %and3A_148 = arith.constant 1023 : i32
        %and3A_149 = vector.broadcast %and3A_148 : i32 to vector<16xi32>
        %and3A_150 = arith.andi %shift_right_arithmetic3A_147, %and3A_149 : vector<16xi32>
        %mul3A_151 = arith.constant 16 : i32
        %mul3A_152 = vector.broadcast %mul3A_151 : i32 to vector<16xi32>
        %mul3A_153 = arith.muli %and3A_150, %mul3A_152 : vector<16xi32>
        %add3A_154 = arith.addi %mul3A_153, %iota3A : vector<16xi32>
        %shift_right_arithmetic3A_155 = arith.constant 20 : i32
        %shift_right_arithmetic3A_156 = vector.broadcast %shift_right_arithmetic3A_155 : i32 to vector<16xi32>
        %shift_right_arithmetic3A_157 = arith.shrsi %sub3A_126, %shift_right_arithmetic3A_156 : vector<16xi32>
        %and3A_158 = arith.constant 1023 : i32
        %and3A_159 = vector.broadcast %and3A_158 : i32 to vector<16xi32>
        %and3A_160 = arith.andi %shift_right_arithmetic3A_157, %and3A_159 : vector<16xi32>
        %mul3A_161 = arith.constant 16 : i32
        %mul3A_162 = vector.broadcast %mul3A_161 : i32 to vector<16xi32>
        %mul3A_163 = arith.muli %and3A_160, %mul3A_162 : vector<16xi32>
        %add3A_164 = arith.addi %mul3A_163, %iota3A : vector<16xi32>
        %shift_right_arithmetic3A_165 = arith.constant 20 : i32
        %shift_right_arithmetic3A_166 = vector.broadcast %shift_right_arithmetic3A_165 : i32 to vector<16xi32>
        %shift_right_arithmetic3A_167 = arith.shrsi %sub3A_136, %shift_right_arithmetic3A_166 : vector<16xi32>
        %and3A_168 = arith.constant 1023 : i32
        %and3A_169 = vector.broadcast %and3A_168 : i32 to vector<16xi32>
        %and3A_170 = arith.andi %shift_right_arithmetic3A_167, %and3A_169 : vector<16xi32>
        %mul3A_171 = arith.constant 16 : i32
        %mul3A_172 = vector.broadcast %mul3A_171 : i32 to vector<16xi32>
        %mul3A_173 = arith.muli %and3A_170, %mul3A_172 : vector<16xi32>
        %add3A_174 = arith.addi %mul3A_173, %iota3A : vector<16xi32>
        tpu.vector_store_idx %arg8[%add3A_144], %broadcast_in_dim3A_6 {add = true} : memref<16384xi32, #tpu.memory_space<vmem>>[vector<16xi32>], vector<16xi32>,
        tpu.vector_store_idx %arg9[%add3A_154], %broadcast_in_dim3A_6 {add = true} : memref<16384xi32, #tpu.memory_space<vmem>>[vector<16xi32>], vector<16xi32>,
        tpu.vector_store_idx %arg10[%add3A_164], %broadcast_in_dim3A_6 {add = true} : memref<16384xi32, #tpu.memory_space<vmem>>[vector<16xi32>], vector<16xi32>,
        tpu.vector_store_idx %arg11[%add3A_174], %broadcast_in_dim3A_6 {add = true} : memref<16384xi32, #tpu.memory_space<vmem>>[vector<16xi32>], vector<16xi32>,
        %scan3A_175 = arith.constant 0 : i32
        %scan3A_176 = arith.constant 1 : i32
        %scan3A_177 = arith.addi %scan3A_100, %scan3A_176 : i32
        %add3A_178 = vector.broadcast %scan3A_177 : i32 to vector<16xi32>
        %add3A_179 = arith.addi %mul3A_5, %add3A_178 : vector<16xi32>
        %gather3A_180 = tpu.vector_load_idx %arg6[%add3A_179] : memref<16384xi32, #tpu.memory_space<vmem>>[vector<16xi32>], vector<16xi32>,
        %gather3A_181 = tpu.vector_load_idx %arg5[%gather3A_180] : memref<16384xf32, #tpu.memory_space<vmem>>[vector<16xi32>], vector<16xf32>,
        %bitcast3A_182 = vector.bitcast %gather3A_181 : vector<16xf32> to vector<16xi32>
        %sub3A_183 = arith.constant 1073741823 : i32
        %sub3A_184 = vector.broadcast %sub3A_183 : i32 to vector<16xi32>
        %sub3A_185 = arith.subi %sub3A_184, %bitcast3A_182 : vector<16xi32>
        %add3A_186 = arith.constant 256 : i32
        %add3A_187 = arith.addi %add3A_186, %scan3A_177 : i32
        %add3A_188 = vector.broadcast %add3A_187 : i32 to vector<16xi32>
        %add3A_189 = arith.addi %mul3A_5, %add3A_188 : vector<16xi32>
        %gather3A_190 = tpu.vector_load_idx %arg6[%add3A_189] : memref<16384xi32, #tpu.memory_space<vmem>>[vector<16xi32>], vector<16xi32>,
        %gather3A_191 = tpu.vector_load_idx %arg5[%gather3A_190] : memref<16384xf32, #tpu.memory_space<vmem>>[vector<16xi32>], vector<16xf32>,
        %bitcast3A_192 = vector.bitcast %gather3A_191 : vector<16xf32> to vector<16xi32>
        %sub3A_193 = arith.constant 1073741823 : i32
        %sub3A_194 = vector.broadcast %sub3A_193 : i32 to vector<16xi32>
        %sub3A_195 = arith.subi %sub3A_194, %bitcast3A_192 : vector<16xi32>
        %add3A_196 = arith.constant 512 : i32
        %add3A_197 = arith.addi %add3A_196, %scan3A_177 : i32
        %add3A_198 = vector.broadcast %add3A_197 : i32 to vector<16xi32>
        %add3A_199 = arith.addi %mul3A_5, %add3A_198 : vector<16xi32>
        %gather3A_200 = tpu.vector_load_idx %arg6[%add3A_199] : memref<16384xi32, #tpu.memory_space<vmem>>[vector<16xi32>], vector<16xi32>,
        %gather3A_201 = tpu.vector_load_idx %arg5[%gather3A_200] : memref<16384xf32, #tpu.memory_space<vmem>>[vector<16xi32>], vector<16xf32>,
        %bitcast3A_202 = vector.bitcast %gather3A_201 : vector<16xf32> to vector<16xi32>
        %sub3A_203 = arith.constant 1073741823 : i32
        %sub3A_204 = vector.broadcast %sub3A_203 : i32 to vector<16xi32>
        %sub3A_205 = arith.subi %sub3A_204, %bitcast3A_202 : vector<16xi32>
        %add3A_206 = arith.constant 768 : i32
        %add3A_207 = arith.addi %add3A_206, %scan3A_177 : i32
        %add3A_208 = vector.broadcast %add3A_207 : i32 to vector<16xi32>
        %add3A_209 = arith.addi %mul3A_5, %add3A_208 : vector<16xi32>
        %gather3A_210 = tpu.vector_load_idx %arg6[%add3A_209] : memref<16384xi32, #tpu.memory_space<vmem>>[vector<16xi32>], vector<16xi32>,
        %gather3A_211 = tpu.vector_load_idx %arg5[%gather3A_210] : memref<16384xf32, #tpu.memory_space<vmem>>[vector<16xi32>], vector<16xf32>,
        %bitcast3A_212 = vector.bitcast %gather3A_211 : vector<16xf32> to vector<16xi32>
        %sub3A_213 = arith.constant 1073741823 : i32
        %sub3A_214 = vector.broadcast %sub3A_213 : i32 to vector<16xi32>
        %sub3A_215 = arith.subi %sub3A_214, %bitcast3A_212 : vector<16xi32>
        %shift_right_arithmetic3A_216 = arith.constant 20 : i32
        %shift_right_arithmetic3A_217 = vector.broadcast %shift_right_arithmetic3A_216 : i32 to vector<16xi32>
        %shift_right_arithmetic3A_218 = arith.shrsi %sub3A_185, %shift_right_arithmetic3A_217 : vector<16xi32>
        %and3A_219 = arith.constant 1023 : i32
        %and3A_220 = vector.broadcast %and3A_219 : i32 to vector<16xi32>
        %and3A_221 = arith.andi %shift_right_arithmetic3A_218, %and3A_220 : vector<16xi32>
        %mul3A_222 = arith.constant 16 : i32
        %mul3A_223 = vector.broadcast %mul3A_222 : i32 to vector<16xi32>
        %mul3A_224 = arith.muli %and3A_221, %mul3A_223 : vector<16xi32>
        %add3A_225 = arith.addi %mul3A_224, %iota3A : vector<16xi32>
        %shift_right_arithmetic3A_226 = arith.constant 20 : i32
        %shift_right_arithmetic3A_227 = vector.broadcast %shift_right_arithmetic3A_226 : i32 to vector<16xi32>
        %shift_right_arithmetic3A_228 = arith.shrsi %sub3A_195, %shift_right_arithmetic3A_227 : vector<16xi32>
        %and3A_229 = arith.constant 1023 : i32
        %and3A_230 = vector.broadcast %and3A_229 : i32 to vector<16xi32>
        %and3A_231 = arith.andi %shift_right_arithmetic3A_228, %and3A_230 : vector<16xi32>
        %mul3A_232 = arith.constant 16 : i32
        %mul3A_233 = vector.broadcast %mul3A_232 : i32 to vector<16xi32>
        %mul3A_234 = arith.muli %and3A_231, %mul3A_233 : vector<16xi32>
        %add3A_235 = arith.addi %mul3A_234, %iota3A : vector<16xi32>
        %shift_right_arithmetic3A_236 = arith.constant 20 : i32
        %shift_right_arithmetic3A_237 = vector.broadcast %shift_right_arithmetic3A_236 : i32 to vector<16xi32>
        %shift_right_arithmetic3A_238 = arith.shrsi %sub3A_205, %shift_right_arithmetic3A_237 : vector<16xi32>
        %and3A_239 = arith.constant 1023 : i32
        %and3A_240 = vector.broadcast %and3A_239 : i32 to vector<16xi32>
        %and3A_241 = arith.andi %shift_right_arithmetic3A_238, %and3A_240 : vector<16xi32>
        %mul3A_242 = arith.constant 16 : i32
        %mul3A_243 = vector.broadcast %mul3A_242 : i32 to vector<16xi32>
        %mul3A_244 = arith.muli %and3A_241, %mul3A_243 : vector<16xi32>
        %add3A_245 = arith.addi %mul3A_244, %iota3A : vector<16xi32>
        %shift_right_arithmetic3A_246 = arith.constant 20 : i32
        %shift_right_arithmetic3A_247 = vector.broadcast %shift_right_arithmetic3A_246 : i32 to vector<16xi32>
        %shift_right_arithmetic3A_248 = arith.shrsi %sub3A_215, %shift_right_arithmetic3A_247 : vector<16xi32>
        %and3A_249 = arith.constant 1023 : i32
        %and3A_250 = vector.broadcast %and3A_249 : i32 to vector<16xi32>
        %and3A_251 = arith.andi %shift_right_arithmetic3A_248, %and3A_250 : vector<16xi32>
        %mul3A_252 = arith.constant 16 : i32
        %mul3A_253 = vector.broadcast %mul3A_252 : i32 to vector<16xi32>
        %mul3A_254 = arith.muli %and3A_251, %mul3A_253 : vector<16xi32>
        %add3A_255 = arith.addi %mul3A_254, %iota3A : vector<16xi32>
        tpu.vector_store_idx %arg8[%add3A_225], %broadcast_in_dim3A_6 {add = true} : memref<16384xi32, #tpu.memory_space<vmem>>[vector<16xi32>], vector<16xi32>,
        tpu.vector_store_idx %arg9[%add3A_235], %broadcast_in_dim3A_6 {add = true} : memref<16384xi32, #tpu.memory_space<vmem>>[vector<16xi32>], vector<16xi32>,
        tpu.vector_store_idx %arg10[%add3A_245], %broadcast_in_dim3A_6 {add = true} : memref<16384xi32, #tpu.memory_space<vmem>>[vector<16xi32>], vector<16xi32>,
        tpu.vector_store_idx %arg11[%add3A_255], %broadcast_in_dim3A_6 {add = true} : memref<16384xi32, #tpu.memory_space<vmem>>[vector<16xi32>], vector<16xi32>,
        %scan3A_256 = arith.constant 0 : i32
        scf.yield %scan3A_256 : i32
      }
      %scan3A_76 = arith.constant 256 : i32
      %parallel_loop3A_77 = arith.constant 0 : i32
      %parallel_loop3A_78 = arith.constant 1024 : i32
      %parallel_loop3A_79 = arith.constant 1 : i32
      scf.for %parallel_loop3A_100 = %parallel_loop3A_77 to %parallel_loop3A_78 step %parallel_loop3A_79  : i32 {
        %parallel_loop3A_101 = arith.constant 16 : i32
        %parallel_loop3A_102 = arith.muli %parallel_loop3A_100, %parallel_loop3A_101 : i32
        %parallel_loop3A_103 = arith.index_cast %parallel_loop3A_102 : i32 to index
        %parallel_loop3A_104 = tpu.vector_load %arg8[%parallel_loop3A_103] {strides = array<i32>} : memref<16384xi32, #tpu.memory_space<vmem>>, vector<16xi32>,
        %parallel_loop3A_105 = arith.index_cast %parallel_loop3A_102 : i32 to index
        %parallel_loop3A_106 = tpu.vector_load %arg9[%parallel_loop3A_105] {strides = array<i32>} : memref<16384xi32, #tpu.memory_space<vmem>>, vector<16xi32>,
        %parallel_loop3A_107 = arith.index_cast %parallel_loop3A_102 : i32 to index
        %parallel_loop3A_108 = tpu.vector_load %arg10[%parallel_loop3A_107] {strides = array<i32>} : memref<16384xi32, #tpu.memory_space<vmem>>, vector<16xi32>,
        %parallel_loop3A_109 = arith.index_cast %parallel_loop3A_102 : i32 to index
        %parallel_loop3A_110 = tpu.vector_load %arg11[%parallel_loop3A_109] {strides = array<i32>} : memref<16384xi32, #tpu.memory_space<vmem>>, vector<16xi32>,
        %parallel_loop3A_111 = arith.addi %parallel_loop3A_104, %parallel_loop3A_106 : vector<16xi32>
        %parallel_loop3A_112 = arith.addi %parallel_loop3A_111, %parallel_loop3A_108 : vector<16xi32>
        %parallel_loop3A_113 = arith.addi %parallel_loop3A_112, %parallel_loop3A_110 : vector<16xi32>
        %parallel_loop3A_114 = arith.constant true
        %parallel_loop3A_115 = vector.broadcast %parallel_loop3A_114 : i1 to vector<16xi1>
        %parallel_loop3A_116 = tpu.scan <sum>, %parallel_loop3A_113 masked %parallel_loop3A_115 : vector<16xi32>, vector<16xi1> -> vector<16xi32>
        %parallel_loop3A_117 = arith.subi %parallel_loop3A_116, %parallel_loop3A_113 : vector<16xi32>
        %parallel_loop3A_118 = arith.index_cast %parallel_loop3A_102 : i32 to index
        %parallel_loop3A_119 = tpu.vector_load %arg8[%parallel_loop3A_118] {strides = array<i32>} : memref<16384xi32, #tpu.memory_space<vmem>>, vector<16xi32>,
        tpu.vector_store %arg8[%parallel_loop3A_118], %parallel_loop3A_117 {strides = array<i32>} : memref<16384xi32, #tpu.memory_space<vmem>>, vector<16xi32>,
        %parallel_loop3A_120 = arith.addi %parallel_loop3A_117, %parallel_loop3A_104 : vector<16xi32>
        %parallel_loop3A_121 = arith.index_cast %parallel_loop3A_102 : i32 to index
        %parallel_loop3A_122 = tpu.vector_load %arg9[%parallel_loop3A_121] {strides = array<i32>} : memref<16384xi32, #tpu.memory_space<vmem>>, vector<16xi32>,
        tpu.vector_store %arg9[%parallel_loop3A_121], %parallel_loop3A_120 {strides = array<i32>} : memref<16384xi32, #tpu.memory_space<vmem>>, vector<16xi32>,
        %parallel_loop3A_123 = arith.addi %parallel_loop3A_117, %parallel_loop3A_104 : vector<16xi32>
        %parallel_loop3A_124 = arith.addi %parallel_loop3A_123, %parallel_loop3A_106 : vector<16xi32>
        %parallel_loop3A_125 = arith.index_cast %parallel_loop3A_102 : i32 to index
        %parallel_loop3A_126 = tpu.vector_load %arg10[%parallel_loop3A_125] {strides = array<i32>} : memref<16384xi32, #tpu.memory_space<vmem>>, vector<16xi32>,
        tpu.vector_store %arg10[%parallel_loop3A_125], %parallel_loop3A_124 {strides = array<i32>} : memref<16384xi32, #tpu.memory_space<vmem>>, vector<16xi32>,
        %parallel_loop3A_127 = arith.index_cast %parallel_loop3A_102 : i32 to index
        %parallel_loop3A_128 = tpu.vector_load %arg11[%parallel_loop3A_127] {strides = array<i32>} : memref<16384xi32, #tpu.memory_space<vmem>>, vector<16xi32>,
        tpu.vector_store %arg11[%parallel_loop3A_127], %parallel_loop3A_116 {strides = array<i32>} : memref<16384xi32, #tpu.memory_space<vmem>>, vector<16xi32>,
      } {sc.loop_unroll_factor = 4 : i64, sc.parallel_access}
      %scan3A_80 = arith.constant 0 : i32
      %scan3A_81 = arith.constant 0 : i32
      %scan3A_82 = arith.constant 64 : i32
      %scan3A_83 = arith.addi %scan3A_81, %scan3A_82 : i32
      %scan3A_84 = arith.constant 1 : i32
      %scan3A_85 = scf.for %scan3A_100 = %scan3A_81 to %scan3A_83 step %scan3A_84 iter_args(%scan3A_101 = %scan3A_80) -> (i32)  : i32 {
        %mul3A_102 = arith.constant 16 : i32
        %mul3A_103 = arith.muli %scan3A_100, %mul3A_102 : i32
        %add3A_104 = vector.broadcast %mul3A_103 : i32 to vector<16xi32>
        %add3A_105 = arith.addi %add3A_104, %iota3A : vector<16xi32>
        %mul3A_106 = arith.constant 16 : i32
        %mul3A_107 = vector.broadcast %mul3A_106 : i32 to vector<16xi32>
        %mul3A_108 = arith.muli %add3A_105, %mul3A_107 : vector<16xi32>
        %add3A_109 = arith.constant 15 : i32
        %add3A_110 = vector.broadcast %add3A_109 : i32 to vector<16xi32>
        %add3A_111 = arith.addi %mul3A_108, %add3A_110 : vector<16xi32>
        %gather3A = tpu.vector_load_idx %arg11[%add3A_111] : memref<16384xi32, #tpu.memory_space<vmem>>[vector<16xi32>], vector<16xi32>,
        %broadcast_in_dim3A_112 = arith.constant true
        %broadcast_in_dim3A_113 = vector.broadcast %broadcast_in_dim3A_112 : i1 to vector<16xi1>
        %masked_cumsum3A = tpu.scan <sum>, %gather3A masked %broadcast_in_dim3A_113 : vector<16xi32>, vector<16xi1> -> vector<16xi32>
        %sub3A = arith.subi %masked_cumsum3A, %gather3A : vector<16xi32>
        %add3A_114 = vector.broadcast %scan3A_101 : i32 to vector<16xi32>
        %add3A_115 = arith.addi %sub3A, %add3A_114 : vector<16xi32>
        %mul3A_116 = arith.constant 16 : i32
        %mul3A_117 = arith.muli %scan3A_100, %mul3A_116 : i32
        %add3A_118 = vector.broadcast %mul3A_117 : i32 to vector<16xi32>
        %add3A_119 = arith.addi %add3A_118, %iota3A : vector<16xi32>
        tpu.vector_store_idx %arg12[%add3A_119], %add3A_115 : memref<1024xi32, #tpu.memory_space<vmem>>[vector<16xi32>], vector<16xi32>,
        %reduce_sum3A = arith.constant true
        %reduce_sum3A_120 = vector.broadcast %reduce_sum3A : i1 to vector<16xi1>
        %reduce_sum3A_121 = tpu.scan <sum>, %gather3A masked %reduce_sum3A_120 : vector<16xi32>, vector<16xi1> -> vector<16xi32>
        %reduce_sum3A_122 = vector.extract %reduce_sum3A_121[15] : i32 from vector<16xi32>
        %add3A_123 = arith.addi %scan3A_101, %reduce_sum3A_122 : i32
        scf.yield %add3A_123 : i32
      }
      %scan3A_86 = arith.constant 64 : i32
      %parallel_loop3A_87 = arith.constant 0 : i32
      %parallel_loop3A_88 = arith.constant 1024 : i32
      %parallel_loop3A_89 = arith.constant 1 : i32
      scf.for %parallel_loop3A_100 = %parallel_loop3A_87 to %parallel_loop3A_88 step %parallel_loop3A_89  : i32 {
        %parallel_loop3A_101 = arith.constant 16 : i32
        %parallel_loop3A_102 = arith.muli %parallel_loop3A_100, %parallel_loop3A_101 : i32
        %parallel_loop3A_103 = arith.constant 0 : i32
        %parallel_loop3A_104 = vector.broadcast %parallel_loop3A_103 : i32 to vector<16xi32>
        %parallel_loop3A_105 = arith.muli %iota3A, %parallel_loop3A_104 : vector<16xi32>
        %parallel_loop3A_106 = vector.broadcast %parallel_loop3A_100 : i32 to vector<16xi32>
        %parallel_loop3A_107 = arith.addi %parallel_loop3A_105, %parallel_loop3A_106 : vector<16xi32>
        %parallel_loop3A_108 = tpu.vector_load_idx %arg12[%parallel_loop3A_107] : memref<1024xi32, #tpu.memory_space<vmem>>[vector<16xi32>], vector<16xi32>,
        %parallel_loop3A_109 = arith.index_cast %parallel_loop3A_102 : i32 to index
        %parallel_loop3A_110 = tpu.vector_load %arg8[%parallel_loop3A_109] {strides = array<i32>} : memref<16384xi32, #tpu.memory_space<vmem>>, vector<16xi32>,
        %parallel_loop3A_111 = arith.addi %parallel_loop3A_110, %parallel_loop3A_108 : vector<16xi32>
        %parallel_loop3A_112 = arith.index_cast %parallel_loop3A_102 : i32 to index
        %parallel_loop3A_113 = tpu.vector_load %arg8[%parallel_loop3A_112] {strides = array<i32>} : memref<16384xi32, #tpu.memory_space<vmem>>, vector<16xi32>,
        tpu.vector_store %arg8[%parallel_loop3A_112], %parallel_loop3A_111 {strides = array<i32>} : memref<16384xi32, #tpu.memory_space<vmem>>, vector<16xi32>,
        %parallel_loop3A_114 = arith.index_cast %parallel_loop3A_102 : i32 to index
        %parallel_loop3A_115 = tpu.vector_load %arg9[%parallel_loop3A_114] {strides = array<i32>} : memref<16384xi32, #tpu.memory_space<vmem>>, vector<16xi32>,
        %parallel_loop3A_116 = arith.addi %parallel_loop3A_115, %parallel_loop3A_108 : vector<16xi32>
        %parallel_loop3A_117 = arith.index_cast %parallel_loop3A_102 : i32 to index
        %parallel_loop3A_118 = tpu.vector_load %arg9[%parallel_loop3A_117] {strides = array<i32>} : memref<16384xi32, #tpu.memory_space<vmem>>, vector<16xi32>,
        tpu.vector_store %arg9[%parallel_loop3A_117], %parallel_loop3A_116 {strides = array<i32>} : memref<16384xi32, #tpu.memory_space<vmem>>, vector<16xi32>,
        %parallel_loop3A_119 = arith.index_cast %parallel_loop3A_102 : i32 to index
        %parallel_loop3A_120 = tpu.vector_load %arg10[%parallel_loop3A_119] {strides = array<i32>} : memref<16384xi32, #tpu.memory_space<vmem>>, vector<16xi32>,
        %parallel_loop3A_121 = arith.addi %parallel_loop3A_120, %parallel_loop3A_108 : vector<16xi32>
        %parallel_loop3A_122 = arith.index_cast %parallel_loop3A_102 : i32 to index
        %parallel_loop3A_123 = tpu.vector_load %arg10[%parallel_loop3A_122] {strides = array<i32>} : memref<16384xi32, #tpu.memory_space<vmem>>, vector<16xi32>,
        tpu.vector_store %arg10[%parallel_loop3A_122], %parallel_loop3A_121 {strides = array<i32>} : memref<16384xi32, #tpu.memory_space<vmem>>, vector<16xi32>,
        %parallel_loop3A_124 = arith.index_cast %parallel_loop3A_102 : i32 to index
        %parallel_loop3A_125 = tpu.vector_load %arg11[%parallel_loop3A_124] {strides = array<i32>} : memref<16384xi32, #tpu.memory_space<vmem>>, vector<16xi32>,
        %parallel_loop3A_126 = arith.addi %parallel_loop3A_125, %parallel_loop3A_108 : vector<16xi32>
        %parallel_loop3A_127 = arith.index_cast %parallel_loop3A_102 : i32 to index
        %parallel_loop3A_128 = tpu.vector_load %arg11[%parallel_loop3A_127] {strides = array<i32>} : memref<16384xi32, #tpu.memory_space<vmem>>, vector<16xi32>,
        tpu.vector_store %arg11[%parallel_loop3A_127], %parallel_loop3A_126 {strides = array<i32>} : memref<16384xi32, #tpu.memory_space<vmem>>, vector<16xi32>,
      } {sc.loop_unroll_factor = 4 : i64, sc.parallel_access}
      %scan3A_90 = arith.constant 0 : i32
      %scan3A_91 = arith.constant 0 : i32
      %scan3A_92 = arith.constant 256 : i32
      %scan3A_93 = arith.addi %scan3A_91, %scan3A_92 : i32
      %scan3A_94 = arith.constant 2 : i32
      %scan3A_95 = scf.for %scan3A_100 = %scan3A_91 to %scan3A_93 step %scan3A_94 iter_args(%scan3A_101 = %scan3A_90) -> (i32)  : i32 {
        %add3A_102 = vector.broadcast %scan3A_100 : i32 to vector<16xi32>
        %add3A_103 = arith.addi %mul3A_5, %add3A_102 : vector<16xi32>
        %gather3A = tpu.vector_load_idx %arg6[%add3A_103] : memref<16384xi32, #tpu.memory_space<vmem>>[vector<16xi32>], vector<16xi32>,
        %gather3A_104 = tpu.vector_load_idx %arg5[%gather3A] : memref<16384xf32, #tpu.memory_space<vmem>>[vector<16xi32>], vector<16xf32>,
        %bitcast3A = vector.bitcast %gather3A_104 : vector<16xf32> to vector<16xi32>
        %sub3A = arith.constant 1073741823 : i32
        %sub3A_105 = vector.broadcast %sub3A : i32 to vector<16xi32>
        %sub3A_106 = arith.subi %sub3A_105, %bitcast3A : vector<16xi32>
        %add3A_107 = arith.constant 256 : i32
        %add3A_108 = arith.addi %add3A_107, %scan3A_100 : i32
        %add3A_109 = vector.broadcast %add3A_108 : i32 to vector<16xi32>
        %add3A_110 = arith.addi %mul3A_5, %add3A_109 : vector<16xi32>
        %gather3A_111 = tpu.vector_load_idx %arg6[%add3A_110] : memref<16384xi32, #tpu.memory_space<vmem>>[vector<16xi32>], vector<16xi32>,
        %gather3A_112 = tpu.vector_load_idx %arg5[%gather3A_111] : memref<16384xf32, #tpu.memory_space<vmem>>[vector<16xi32>], vector<16xf32>,
        %bitcast3A_113 = vector.bitcast %gather3A_112 : vector<16xf32> to vector<16xi32>
        %sub3A_114 = arith.constant 1073741823 : i32
        %sub3A_115 = vector.broadcast %sub3A_114 : i32 to vector<16xi32>
        %sub3A_116 = arith.subi %sub3A_115, %bitcast3A_113 : vector<16xi32>
        %add3A_117 = arith.constant 512 : i32
        %add3A_118 = arith.addi %add3A_117, %scan3A_100 : i32
        %add3A_119 = vector.broadcast %add3A_118 : i32 to vector<16xi32>
        %add3A_120 = arith.addi %mul3A_5, %add3A_119 : vector<16xi32>
        %gather3A_121 = tpu.vector_load_idx %arg6[%add3A_120] : memref<16384xi32, #tpu.memory_space<vmem>>[vector<16xi32>], vector<16xi32>,
        %gather3A_122 = tpu.vector_load_idx %arg5[%gather3A_121] : memref<16384xf32, #tpu.memory_space<vmem>>[vector<16xi32>], vector<16xf32>,
        %bitcast3A_123 = vector.bitcast %gather3A_122 : vector<16xf32> to vector<16xi32>
        %sub3A_124 = arith.constant 1073741823 : i32
        %sub3A_125 = vector.broadcast %sub3A_124 : i32 to vector<16xi32>
        %sub3A_126 = arith.subi %sub3A_125, %bitcast3A_123 : vector<16xi32>
        %sub3A_127 = arith.constant 255 : i32
        %sub3A_128 = arith.subi %sub3A_127, %scan3A_100 : i32
        %add3A_129 = arith.constant 768 : i32
        %add3A_130 = arith.addi %add3A_129, %sub3A_128 : i32
        %add3A_131 = vector.broadcast %add3A_130 : i32 to vector<16xi32>
        %add3A_132 = arith.addi %mul3A_5, %add3A_131 : vector<16xi32>
        %gather3A_133 = tpu.vector_load_idx %arg6[%add3A_132] : memref<16384xi32, #tpu.memory_space<vmem>>[vector<16xi32>], vector<16xi32>,
        %gather3A_134 = tpu.vector_load_idx %arg5[%gather3A_133] : memref<16384xf32, #tpu.memory_space<vmem>>[vector<16xi32>], vector<16xf32>,
        %bitcast3A_135 = vector.bitcast %gather3A_134 : vector<16xf32> to vector<16xi32>
        %sub3A_136 = arith.constant 1073741823 : i32
        %sub3A_137 = vector.broadcast %sub3A_136 : i32 to vector<16xi32>
        %sub3A_138 = arith.subi %sub3A_137, %bitcast3A_135 : vector<16xi32>
        %shift_right_arithmetic3A = arith.constant 20 : i32
        %shift_right_arithmetic3A_139 = vector.broadcast %shift_right_arithmetic3A : i32 to vector<16xi32>
        %shift_right_arithmetic3A_140 = arith.shrsi %sub3A_106, %shift_right_arithmetic3A_139 : vector<16xi32>
        %and3A = arith.constant 1023 : i32
        %and3A_141 = vector.broadcast %and3A : i32 to vector<16xi32>
        %and3A_142 = arith.andi %shift_right_arithmetic3A_140, %and3A_141 : vector<16xi32>
        %mul3A_143 = arith.constant 16 : i32
        %mul3A_144 = vector.broadcast %mul3A_143 : i32 to vector<16xi32>
        %mul3A_145 = arith.muli %and3A_142, %mul3A_144 : vector<16xi32>
        %add3A_146 = arith.addi %mul3A_145, %iota3A : vector<16xi32>
        %shift_right_arithmetic3A_147 = arith.constant 20 : i32
        %shift_right_arithmetic3A_148 = vector.broadcast %shift_right_arithmetic3A_147 : i32 to vector<16xi32>
        %shift_right_arithmetic3A_149 = arith.shrsi %sub3A_116, %shift_right_arithmetic3A_148 : vector<16xi32>
        %and3A_150 = arith.constant 1023 : i32
        %and3A_151 = vector.broadcast %and3A_150 : i32 to vector<16xi32>
        %and3A_152 = arith.andi %shift_right_arithmetic3A_149, %and3A_151 : vector<16xi32>
        %mul3A_153 = arith.constant 16 : i32
        %mul3A_154 = vector.broadcast %mul3A_153 : i32 to vector<16xi32>
        %mul3A_155 = arith.muli %and3A_152, %mul3A_154 : vector<16xi32>
        %add3A_156 = arith.addi %mul3A_155, %iota3A : vector<16xi32>
        %shift_right_arithmetic3A_157 = arith.constant 20 : i32
        %shift_right_arithmetic3A_158 = vector.broadcast %shift_right_arithmetic3A_157 : i32 to vector<16xi32>
        %shift_right_arithmetic3A_159 = arith.shrsi %sub3A_126, %shift_right_arithmetic3A_158 : vector<16xi32>
        %and3A_160 = arith.constant 1023 : i32
        %and3A_161 = vector.broadcast %and3A_160 : i32 to vector<16xi32>
        %and3A_162 = arith.andi %shift_right_arithmetic3A_159, %and3A_161 : vector<16xi32>
        %mul3A_163 = arith.constant 16 : i32
        %mul3A_164 = vector.broadcast %mul3A_163 : i32 to vector<16xi32>
        %mul3A_165 = arith.muli %and3A_162, %mul3A_164 : vector<16xi32>
        %add3A_166 = arith.addi %mul3A_165, %iota3A : vector<16xi32>
        %shift_right_arithmetic3A_167 = arith.constant 20 : i32
        %shift_right_arithmetic3A_168 = vector.broadcast %shift_right_arithmetic3A_167 : i32 to vector<16xi32>
        %shift_right_arithmetic3A_169 = arith.shrsi %sub3A_138, %shift_right_arithmetic3A_168 : vector<16xi32>
        %and3A_170 = arith.constant 1023 : i32
        %and3A_171 = vector.broadcast %and3A_170 : i32 to vector<16xi32>
        %and3A_172 = arith.andi %shift_right_arithmetic3A_169, %and3A_171 : vector<16xi32>
        %mul3A_173 = arith.constant 16 : i32
        %mul3A_174 = vector.broadcast %mul3A_173 : i32 to vector<16xi32>
        %mul3A_175 = arith.muli %and3A_172, %mul3A_174 : vector<16xi32>
        %add3A_176 = arith.addi %mul3A_175, %iota3A : vector<16xi32>
        %gather3A_177 = tpu.vector_load_idx %arg8[%add3A_146] : memref<16384xi32, #tpu.memory_space<vmem>>[vector<16xi32>], vector<16xi32>,
        %gather3A_178 = tpu.vector_load_idx %arg9[%add3A_156] : memref<16384xi32, #tpu.memory_space<vmem>>[vector<16xi32>], vector<16xi32>,
        %gather3A_179 = tpu.vector_load_idx %arg10[%add3A_166] : memref<16384xi32, #tpu.memory_space<vmem>>[vector<16xi32>], vector<16xi32>,
        %gather3A_180 = tpu.vector_load_idx %arg11[%add3A_176] : memref<16384xi32, #tpu.memory_space<vmem>>[vector<16xi32>], vector<16xi32>,
        %sub3A_181 = arith.constant 1 : i32
        %sub3A_182 = vector.broadcast %sub3A_181 : i32 to vector<16xi32>
        %sub3A_183 = arith.subi %gather3A_180, %sub3A_182 : vector<16xi32>
        %add3A_184 = arith.constant 1 : i32
        %add3A_185 = vector.broadcast %add3A_184 : i32 to vector<16xi32>
        %add3A_186 = arith.addi %gather3A_177, %add3A_185 : vector<16xi32>
        tpu.vector_store_idx %arg8[%add3A_146], %add3A_186 : memref<16384xi32, #tpu.memory_space<vmem>>[vector<16xi32>], vector<16xi32>,
        %add3A_187 = arith.constant 1 : i32
        %add3A_188 = vector.broadcast %add3A_187 : i32 to vector<16xi32>
        %add3A_189 = arith.addi %gather3A_178, %add3A_188 : vector<16xi32>
        tpu.vector_store_idx %arg9[%add3A_156], %add3A_189 : memref<16384xi32, #tpu.memory_space<vmem>>[vector<16xi32>], vector<16xi32>,
        %add3A_190 = arith.constant 1 : i32
        %add3A_191 = vector.broadcast %add3A_190 : i32 to vector<16xi32>
        %add3A_192 = arith.addi %gather3A_179, %add3A_191 : vector<16xi32>
        tpu.vector_store_idx %arg10[%add3A_166], %add3A_192 : memref<16384xi32, #tpu.memory_space<vmem>>[vector<16xi32>], vector<16xi32>,
        tpu.vector_store_idx %arg11[%add3A_176], %sub3A_183 : memref<16384xi32, #tpu.memory_space<vmem>>[vector<16xi32>], vector<16xi32>,
        tpu.vector_store_idx %arg7[%gather3A_177], %gather3A : memref<16384xi32, #tpu.memory_space<vmem>>[vector<16xi32>], vector<16xi32>,
        tpu.vector_store_idx %arg7[%gather3A_178], %gather3A_111 : memref<16384xi32, #tpu.memory_space<vmem>>[vector<16xi32>], vector<16xi32>,
        tpu.vector_store_idx %arg7[%gather3A_179], %gather3A_121 : memref<16384xi32, #tpu.memory_space<vmem>>[vector<16xi32>], vector<16xi32>,
        tpu.vector_store_idx %arg7[%sub3A_183], %gather3A_133 : memref<16384xi32, #tpu.memory_space<vmem>>[vector<16xi32>], vector<16xi32>,
        %scan3A_193 = arith.constant 0 : i32
        %scan3A_194 = arith.constant 1 : i32
        %scan3A_195 = arith.addi %scan3A_100, %scan3A_194 : i32
        %add3A_196 = vector.broadcast %scan3A_195 : i32 to vector<16xi32>
        %add3A_197 = arith.addi %mul3A_5, %add3A_196 : vector<16xi32>
        %gather3A_198 = tpu.vector_load_idx %arg6[%add3A_197] : memref<16384xi32, #tpu.memory_space<vmem>>[vector<16xi32>], vector<16xi32>,
        %gather3A_199 = tpu.vector_load_idx %arg5[%gather3A_198] : memref<16384xf32, #tpu.memory_space<vmem>>[vector<16xi32>], vector<16xf32>,
        %bitcast3A_200 = vector.bitcast %gather3A_199 : vector<16xf32> to vector<16xi32>
        %sub3A_201 = arith.constant 1073741823 : i32
        %sub3A_202 = vector.broadcast %sub3A_201 : i32 to vector<16xi32>
        %sub3A_203 = arith.subi %sub3A_202, %bitcast3A_200 : vector<16xi32>
        %add3A_204 = arith.constant 256 : i32
        %add3A_205 = arith.addi %add3A_204, %scan3A_195 : i32
        %add3A_206 = vector.broadcast %add3A_205 : i32 to vector<16xi32>
        %add3A_207 = arith.addi %mul3A_5, %add3A_206 : vector<16xi32>
        %gather3A_208 = tpu.vector_load_idx %arg6[%add3A_207] : memref<16384xi32, #tpu.memory_space<vmem>>[vector<16xi32>], vector<16xi32>,
        %gather3A_209 = tpu.vector_load_idx %arg5[%gather3A_208] : memref<16384xf32, #tpu.memory_space<vmem>>[vector<16xi32>], vector<16xf32>,
        %bitcast3A_210 = vector.bitcast %gather3A_209 : vector<16xf32> to vector<16xi32>
        %sub3A_211 = arith.constant 1073741823 : i32
        %sub3A_212 = vector.broadcast %sub3A_211 : i32 to vector<16xi32>
        %sub3A_213 = arith.subi %sub3A_212, %bitcast3A_210 : vector<16xi32>
        %add3A_214 = arith.constant 512 : i32
        %add3A_215 = arith.addi %add3A_214, %scan3A_195 : i32
        %add3A_216 = vector.broadcast %add3A_215 : i32 to vector<16xi32>
        %add3A_217 = arith.addi %mul3A_5, %add3A_216 : vector<16xi32>
        %gather3A_218 = tpu.vector_load_idx %arg6[%add3A_217] : memref<16384xi32, #tpu.memory_space<vmem>>[vector<16xi32>], vector<16xi32>,
        %gather3A_219 = tpu.vector_load_idx %arg5[%gather3A_218] : memref<16384xf32, #tpu.memory_space<vmem>>[vector<16xi32>], vector<16xf32>,
        %bitcast3A_220 = vector.bitcast %gather3A_219 : vector<16xf32> to vector<16xi32>
        %sub3A_221 = arith.constant 1073741823 : i32
        %sub3A_222 = vector.broadcast %sub3A_221 : i32 to vector<16xi32>
        %sub3A_223 = arith.subi %sub3A_222, %bitcast3A_220 : vector<16xi32>
        %sub3A_224 = arith.constant 255 : i32
        %sub3A_225 = arith.subi %sub3A_224, %scan3A_195 : i32
        %add3A_226 = arith.constant 768 : i32
        %add3A_227 = arith.addi %add3A_226, %sub3A_225 : i32
        %add3A_228 = vector.broadcast %add3A_227 : i32 to vector<16xi32>
        %add3A_229 = arith.addi %mul3A_5, %add3A_228 : vector<16xi32>
        %gather3A_230 = tpu.vector_load_idx %arg6[%add3A_229] : memref<16384xi32, #tpu.memory_space<vmem>>[vector<16xi32>], vector<16xi32>,
        %gather3A_231 = tpu.vector_load_idx %arg5[%gather3A_230] : memref<16384xf32, #tpu.memory_space<vmem>>[vector<16xi32>], vector<16xf32>,
        %bitcast3A_232 = vector.bitcast %gather3A_231 : vector<16xf32> to vector<16xi32>
        %sub3A_233 = arith.constant 1073741823 : i32
        %sub3A_234 = vector.broadcast %sub3A_233 : i32 to vector<16xi32>
        %sub3A_235 = arith.subi %sub3A_234, %bitcast3A_232 : vector<16xi32>
        %shift_right_arithmetic3A_236 = arith.constant 20 : i32
        %shift_right_arithmetic3A_237 = vector.broadcast %shift_right_arithmetic3A_236 : i32 to vector<16xi32>
        %shift_right_arithmetic3A_238 = arith.shrsi %sub3A_203, %shift_right_arithmetic3A_237 : vector<16xi32>
        %and3A_239 = arith.constant 1023 : i32
        %and3A_240 = vector.broadcast %and3A_239 : i32 to vector<16xi32>
        %and3A_241 = arith.andi %shift_right_arithmetic3A_238, %and3A_240 : vector<16xi32>
        %mul3A_242 = arith.constant 16 : i32
        %mul3A_243 = vector.broadcast %mul3A_242 : i32 to vector<16xi32>
        %mul3A_244 = arith.muli %and3A_241, %mul3A_243 : vector<16xi32>
        %add3A_245 = arith.addi %mul3A_244, %iota3A : vector<16xi32>
        %shift_right_arithmetic3A_246 = arith.constant 20 : i32
        %shift_right_arithmetic3A_247 = vector.broadcast %shift_right_arithmetic3A_246 : i32 to vector<16xi32>
        %shift_right_arithmetic3A_248 = arith.shrsi %sub3A_213, %shift_right_arithmetic3A_247 : vector<16xi32>
        %and3A_249 = arith.constant 1023 : i32
        %and3A_250 = vector.broadcast %and3A_249 : i32 to vector<16xi32>
        %and3A_251 = arith.andi %shift_right_arithmetic3A_248, %and3A_250 : vector<16xi32>
        %mul3A_252 = arith.constant 16 : i32
        %mul3A_253 = vector.broadcast %mul3A_252 : i32 to vector<16xi32>
        %mul3A_254 = arith.muli %and3A_251, %mul3A_253 : vector<16xi32>
        %add3A_255 = arith.addi %mul3A_254, %iota3A : vector<16xi32>
        %shift_right_arithmetic3A_256 = arith.constant 20 : i32
        %shift_right_arithmetic3A_257 = vector.broadcast %shift_right_arithmetic3A_256 : i32 to vector<16xi32>
        %shift_right_arithmetic3A_258 = arith.shrsi %sub3A_223, %shift_right_arithmetic3A_257 : vector<16xi32>
        %and3A_259 = arith.constant 1023 : i32
        %and3A_260 = vector.broadcast %and3A_259 : i32 to vector<16xi32>
        %and3A_261 = arith.andi %shift_right_arithmetic3A_258, %and3A_260 : vector<16xi32>
        %mul3A_262 = arith.constant 16 : i32
        %mul3A_263 = vector.broadcast %mul3A_262 : i32 to vector<16xi32>
        %mul3A_264 = arith.muli %and3A_261, %mul3A_263 : vector<16xi32>
        %add3A_265 = arith.addi %mul3A_264, %iota3A : vector<16xi32>
        %shift_right_arithmetic3A_266 = arith.constant 20 : i32
        %shift_right_arithmetic3A_267 = vector.broadcast %shift_right_arithmetic3A_266 : i32 to vector<16xi32>
        %shift_right_arithmetic3A_268 = arith.shrsi %sub3A_235, %shift_right_arithmetic3A_267 : vector<16xi32>
        %and3A_269 = arith.constant 1023 : i32
        %and3A_270 = vector.broadcast %and3A_269 : i32 to vector<16xi32>
        %and3A_271 = arith.andi %shift_right_arithmetic3A_268, %and3A_270 : vector<16xi32>
        %mul3A_272 = arith.constant 16 : i32
        %mul3A_273 = vector.broadcast %mul3A_272 : i32 to vector<16xi32>
        %mul3A_274 = arith.muli %and3A_271, %mul3A_273 : vector<16xi32>
        %add3A_275 = arith.addi %mul3A_274, %iota3A : vector<16xi32>
        %gather3A_276 = tpu.vector_load_idx %arg8[%add3A_245] : memref<16384xi32, #tpu.memory_space<vmem>>[vector<16xi32>], vector<16xi32>,
        %gather3A_277 = tpu.vector_load_idx %arg9[%add3A_255] : memref<16384xi32, #tpu.memory_space<vmem>>[vector<16xi32>], vector<16xi32>,
        %gather3A_278 = tpu.vector_load_idx %arg10[%add3A_265] : memref<16384xi32, #tpu.memory_space<vmem>>[vector<16xi32>], vector<16xi32>,
        %gather3A_279 = tpu.vector_load_idx %arg11[%add3A_275] : memref<16384xi32, #tpu.memory_space<vmem>>[vector<16xi32>], vector<16xi32>,
        %sub3A_280 = arith.constant 1 : i32
        %sub3A_281 = vector.broadcast %sub3A_280 : i32 to vector<16xi32>
        %sub3A_282 = arith.subi %gather3A_279, %sub3A_281 : vector<16xi32>
        %add3A_283 = arith.constant 1 : i32
        %add3A_284 = vector.broadcast %add3A_283 : i32 to vector<16xi32>
        %add3A_285 = arith.addi %gather3A_276, %add3A_284 : vector<16xi32>
        tpu.vector_store_idx %arg8[%add3A_245], %add3A_285 : memref<16384xi32, #tpu.memory_space<vmem>>[vector<16xi32>], vector<16xi32>,
        %add3A_286 = arith.constant 1 : i32
        %add3A_287 = vector.broadcast %add3A_286 : i32 to vector<16xi32>
        %add3A_288 = arith.addi %gather3A_277, %add3A_287 : vector<16xi32>
        tpu.vector_store_idx %arg9[%add3A_255], %add3A_288 : memref<16384xi32, #tpu.memory_space<vmem>>[vector<16xi32>], vector<16xi32>,
        %add3A_289 = arith.constant 1 : i32
        %add3A_290 = vector.broadcast %add3A_289 : i32 to vector<16xi32>
        %add3A_291 = arith.addi %gather3A_278, %add3A_290 : vector<16xi32>
        tpu.vector_store_idx %arg10[%add3A_265], %add3A_291 : memref<16384xi32, #tpu.memory_space<vmem>>[vector<16xi32>], vector<16xi32>,
        tpu.vector_store_idx %arg11[%add3A_275], %sub3A_282 : memref<16384xi32, #tpu.memory_space<vmem>>[vector<16xi32>], vector<16xi32>,
        tpu.vector_store_idx %arg7[%gather3A_276], %gather3A_198 : memref<16384xi32, #tpu.memory_space<vmem>>[vector<16xi32>], vector<16xi32>,
        tpu.vector_store_idx %arg7[%gather3A_277], %gather3A_208 : memref<16384xi32, #tpu.memory_space<vmem>>[vector<16xi32>], vector<16xi32>,
        tpu.vector_store_idx %arg7[%gather3A_278], %gather3A_218 : memref<16384xi32, #tpu.memory_space<vmem>>[vector<16xi32>], vector<16xi32>,
        tpu.vector_store_idx %arg7[%sub3A_282], %gather3A_230 : memref<16384xi32, #tpu.memory_space<vmem>>[vector<16xi32>], vector<16xi32>,
        %scan3A_292 = arith.constant 0 : i32
        scf.yield %scan3A_292 : i32
      }
      %scan3A_96 = arith.constant 256 : i32
      %parallel_loop3A_97 = arith.constant 0 : i32
      %parallel_loop3A_98 = arith.constant 512 : i32
      %parallel_loop3A_99 = arith.constant 1 : i32
      scf.for %parallel_loop3A_100 = %parallel_loop3A_97 to %parallel_loop3A_98 step %parallel_loop3A_99  : i32 {
        %parallel_loop3A_101 = arith.constant 16 : i32
        %parallel_loop3A_102 = arith.muli %parallel_loop3A_100, %parallel_loop3A_101 : i32
        %parallel_loop3A_103 = arith.index_cast %parallel_loop3A_102 : i32 to index
        %parallel_loop3A_104 = tpu.vector_load %arg7[%parallel_loop3A_103] {strides = array<i32>} : memref<16384xi32, #tpu.memory_space<vmem>>, vector<16xi32>,
        %parallel_loop3A_105 = tpu.vector_load_idx %arg5[%parallel_loop3A_104] : memref<16384xf32, #tpu.memory_space<vmem>>[vector<16xi32>], vector<16xf32>,
        %parallel_loop3A_106 = arith.index_cast %parallel_loop3A_102 : i32 to index
        %parallel_loop3A_107 = tpu.vector_load %arg13[%parallel_loop3A_106] {strides = array<i32>} : memref<8192xf32, #tpu.memory_space<vmem>>, vector<16xf32>,
        tpu.vector_store %arg13[%parallel_loop3A_106], %parallel_loop3A_105 {strides = array<i32>} : memref<8192xf32, #tpu.memory_space<vmem>>, vector<16xf32>,
      } {sc.loop_unroll_factor = 4 : i64, sc.parallel_access}
      "tpu.region"() ({
        %run_scoped3A = tpu.sem_alloc : memref<!tpu.dma_semaphore, #tpu.memory_space<semaphore_mem>>
        %dma_start3A = arith.constant 0 : i32
        %dma_start3A_100 = tpu.memref_slice %arg7[%dma_start3A] : memref<16384xi32, #tpu.memory_space<vmem>> -> memref<8192xi32, #tpu.memory_space<vmem>>
        %dma_start3A_101 = arith.constant 0 : i32
        %dma_start3A_102 = tpu.memref_slice %arg3[%add3A, %dma_start3A_101] : memref<8x8192xi32, #tpu.memory_space<hbm>> -> memref<1x8192xi32, #tpu.memory_space<hbm>>
        %dma_start3A_103 = tpu.memref_squeeze %dma_start3A_102 : memref<1x8192xi32, #tpu.memory_space<hbm>> -> memref<8192xi32, #tpu.memory_space<hbm>>
        %dma_start3A_104 = arith.constant 0 : i32
        %dma_start3A_105 = tpu.memref_slice %arg3[%add3A, %dma_start3A_104] : memref<8x8192xi32, #tpu.memory_space<hbm>> -> memref<1x8192xi32, #tpu.memory_space<hbm>>
        %dma_start3A_106 = tpu.memref_squeeze %dma_start3A_105 : memref<1x8192xi32, #tpu.memory_space<hbm>> -> memref<8192xi32, #tpu.memory_space<hbm>>
        %dma_start3A_107 = arith.constant 0 : i32
        %dma_start3A_108 = tpu.memref_slice %arg7[%dma_start3A_107] : memref<16384xi32, #tpu.memory_space<vmem>> -> memref<8192xi32, #tpu.memory_space<vmem>>
        tpu.enqueue_dma source(%dma_start3A_108 : memref<8192xi32, #tpu.memory_space<vmem>>) target(%dma_start3A_106 : memref<8192xi32, #tpu.memory_space<hbm>>) target_semaphore(%run_scoped3A : memref<!tpu.dma_semaphore, #tpu.memory_space<semaphore_mem>>)
        %dma_wait3A = arith.constant 0 : i32
        %dma_wait3A_109 = tpu.memref_slice %arg7[%dma_wait3A] : memref<16384xi32, #tpu.memory_space<vmem>> -> memref<8192xi32, #tpu.memory_space<vmem>>
        %dma_wait3A_110 = arith.constant 0 : i32
        %dma_wait3A_111 = tpu.memref_slice %arg3[%add3A, %dma_wait3A_110] : memref<8x8192xi32, #tpu.memory_space<hbm>> -> memref<1x8192xi32, #tpu.memory_space<hbm>>
        %dma_wait3A_112 = tpu.memref_squeeze %dma_wait3A_111 : memref<1x8192xi32, #tpu.memory_space<hbm>> -> memref<8192xi32, #tpu.memory_space<hbm>>
        %dma_wait3A_113 = arith.constant 0 : i32
        %dma_wait3A_114 = tpu.memref_slice %arg3[%add3A, %dma_wait3A_113] : memref<8x8192xi32, #tpu.memory_space<hbm>> -> memref<1x8192xi32, #tpu.memory_space<hbm>>
        %dma_wait3A_115 = tpu.memref_squeeze %dma_wait3A_114 : memref<1x8192xi32, #tpu.memory_space<hbm>> -> memref<8192xi32, #tpu.memory_space<hbm>>
        %dma_wait3A_116 = arith.constant 0 : i32
        %dma_wait3A_117 = tpu.memref_slice %arg7[%dma_wait3A_116] : memref<16384xi32, #tpu.memory_space<vmem>> -> memref<8192xi32, #tpu.memory_space<vmem>>
        tpu.wait_dma2 semaphore(%run_scoped3A : memref<!tpu.dma_semaphore, #tpu.memory_space<semaphore_mem>>) src(%dma_wait3A_117 : memref<8192xi32, #tpu.memory_space<vmem>>) dst(%dma_wait3A_115 : memref<8192xi32, #tpu.memory_space<hbm>>)
        tpu.yield
      }) : () -> ()
      "tpu.region"() ({
        %run_scoped3A = tpu.sem_alloc : memref<!tpu.dma_semaphore, #tpu.memory_space<semaphore_mem>>
        %dma_start3A = arith.constant 0 : i32
        %dma_start3A_100 = tpu.memref_slice %arg4[%add3A, %dma_start3A] : memref<8x8192xf32, #tpu.memory_space<hbm>> -> memref<1x8192xf32, #tpu.memory_space<hbm>>
        %dma_start3A_101 = tpu.memref_squeeze %dma_start3A_100 : memref<1x8192xf32, #tpu.memory_space<hbm>> -> memref<8192xf32, #tpu.memory_space<hbm>>
        %dma_start3A_102 = arith.constant 0 : i32
        %dma_start3A_103 = tpu.memref_slice %arg4[%add3A, %dma_start3A_102] : memref<8x8192xf32, #tpu.memory_space<hbm>> -> memref<1x8192xf32, #tpu.memory_space<hbm>>
        %dma_start3A_104 = tpu.memref_squeeze %dma_start3A_103 : memref<1x8192xf32, #tpu.memory_space<hbm>> -> memref<8192xf32, #tpu.memory_space<hbm>>
        tpu.enqueue_dma source(%arg13 : memref<8192xf32, #tpu.memory_space<vmem>>) target(%dma_start3A_104 : memref<8192xf32, #tpu.memory_space<hbm>>) target_semaphore(%run_scoped3A : memref<!tpu.dma_semaphore, #tpu.memory_space<semaphore_mem>>)
        %dma_wait3A = arith.constant 0 : i32
        %dma_wait3A_105 = tpu.memref_slice %arg4[%add3A, %dma_wait3A] : memref<8x8192xf32, #tpu.memory_space<hbm>> -> memref<1x8192xf32, #tpu.memory_space<hbm>>
        %dma_wait3A_106 = tpu.memref_squeeze %dma_wait3A_105 : memref<1x8192xf32, #tpu.memory_space<hbm>> -> memref<8192xf32, #tpu.memory_space<hbm>>
        %dma_wait3A_107 = arith.constant 0 : i32
        %dma_wait3A_108 = tpu.memref_slice %arg4[%add3A, %dma_wait3A_107] : memref<8x8192xf32, #tpu.memory_space<hbm>> -> memref<1x8192xf32, #tpu.memory_space<hbm>>
        %dma_wait3A_109 = tpu.memref_squeeze %dma_wait3A_108 : memref<1x8192xf32, #tpu.memory_space<hbm>> -> memref<8192xf32, #tpu.memory_space<hbm>>
        tpu.wait_dma2 semaphore(%run_scoped3A : memref<!tpu.dma_semaphore, #tpu.memory_space<semaphore_mem>>) src(%arg13 : memref<8192xf32, #tpu.memory_space<vmem>>) dst(%dma_wait3A_109 : memref<8192xf32, #tpu.memory_space<hbm>>)
        tpu.yield
      }) : () -> ()
    } else {
    }
    return
  }
}

#map = affine_map<(d0, d1) -> (0, 0, 0)>
#map1 = affine_map<(d0, d1) -> (0, 0)>
module attributes {stable_mosaic.version = 14 : i64} {
  func.func @_gather_body(%arg0: i32, %arg1: i32, %arg2: memref<8x3x16384xf32, #tpu.memory_space<hbm>>, %arg3: memref<8x64x16384xf32, #tpu.memory_space<hbm>>, %arg4: memref<8x128x16384xf32, #tpu.memory_space<hbm>>, %arg5: memref<8x8192xi32, #tpu.memory_space<hbm>>, %arg6: memref<8x8192xf32, #tpu.memory_space<hbm>>, %arg7: memref<8x3x8192xf32, #tpu.memory_space<hbm>>, %arg8: memref<8x64x8192xf32, #tpu.memory_space<hbm>>, %arg9: memref<8x128x8192xf32, #tpu.memory_space<hbm>>, %arg10: memref<8192xi32, #tpu.memory_space<vmem>>, %arg11: memref<8192xf32, #tpu.memory_space<vmem>>, %arg12: memref<16384xf32, #tpu.memory_space<vmem>>, %arg13: memref<16384xf32, #tpu.memory_space<vmem>>, %arg14: memref<16384xf32, #tpu.memory_space<vmem>>, %arg15: memref<16384xf32, #tpu.memory_space<vmem>>, %arg16: memref<8192xf32, #tpu.memory_space<vmem>>, %arg17: memref<8192xf32, #tpu.memory_space<vmem>>, %arg18: memref<8192xf32, #tpu.memory_space<vmem>>, %arg19: memref<8192xf32, #tpu.memory_space<vmem>>, %arg20: memref<!tpu.dma_semaphore, #tpu.memory_space<semaphore_mem>>, %arg21: memref<!tpu.dma_semaphore, #tpu.memory_space<semaphore_mem>>, %arg22: memref<!tpu.dma_semaphore, #tpu.memory_space<semaphore_mem>>, %arg23: memref<!tpu.dma_semaphore, #tpu.memory_space<semaphore_mem>>, %arg24: memref<!tpu.dma_semaphore, #tpu.memory_space<semaphore_mem>>, %arg25: memref<!tpu.dma_semaphore, #tpu.memory_space<semaphore_mem>>, %arg26: memref<!tpu.dma_semaphore, #tpu.memory_space<semaphore_mem>>, %arg27: memref<!tpu.dma_semaphore, #tpu.memory_space<semaphore_mem>>) attributes {dimension_semantics = [#tpu.dimension_semantics<core_parallel>, #tpu.dimension_semantics<subcore_parallel>], iteration_bounds = array<i64: 2, 16>, scalar_prefetch = 0 : i64, scratch_operands = 18 : i64, tpu.core_type = #tpu.core_type<sc_vector_subcore>, window_params = [{transform_indices = #map}, {transform_indices = #map}, {transform_indices = #map}, {transform_indices = #map1}, {transform_indices = #map1}, {transform_indices = #map}, {transform_indices = #map}, {transform_indices = #map}]} {
    %mul3A = arith.constant 2 : i32
    %mul3A_0 = arith.muli %arg1, %mul3A : i32
    %add3A = arith.addi %mul3A_0, %arg0 : i32
    %jit3A = arith.constant 4 : i32
    %div3A = arith.divsi %add3A, %jit3A : i32
    %sign3A = arith.constant 0 : i32
    %sign3A_1 = arith.cmpi sgt, %add3A, %sign3A : i32
    %sign3A_2 = arith.extui %sign3A_1 : i1 to i32
    %sign3A_3 = arith.constant 0 : i32
    %sign3A_4 = arith.cmpi slt, %add3A, %sign3A_3 : i32
    %sign3A_5 = arith.extui %sign3A_4 : i1 to i32
    %sign3A_6 = arith.subi %sign3A_2, %sign3A_5 : i32
    %sign3A_7 = arith.constant 0 : i32
    %sign3A_8 = arith.cmpi sgt, %jit3A, %sign3A_7 : i32
    %sign3A_9 = arith.extui %sign3A_8 : i1 to i32
    %sign3A_10 = arith.constant 0 : i32
    %sign3A_11 = arith.cmpi slt, %jit3A, %sign3A_10 : i32
    %sign3A_12 = arith.extui %sign3A_11 : i1 to i32
    %sign3A_13 = arith.subi %sign3A_9, %sign3A_12 : i32
    %ne3A = arith.cmpi ne, %sign3A_6, %sign3A_13 : i32
    %rem3A = arith.remsi %add3A, %jit3A : i32
    %ne3A_14 = arith.constant 0 : i32
    %ne3A_15 = arith.cmpi ne, %rem3A, %ne3A_14 : i32
    %and3A = arith.andi %ne3A, %ne3A_15 : i1
    %sub3A = arith.constant 1 : i32
    %sub3A_16 = arith.subi %div3A, %sub3A : i32
    %select_n3A = arith.select %and3A, %sub3A_16, %div3A : i32
    %jit3A_17 = arith.constant 4 : i32
    %eq3A = arith.constant 0 : i32
    %eq3A_18 = arith.cmpi eq, %jit3A_17, %eq3A : i32
    %jit3A_19 = arith.constant 1 : i32
    %select_n3A_20 = arith.select %eq3A_18, %jit3A_19, %jit3A_17 : i32
    %rem3A_21 = arith.remsi %add3A, %select_n3A_20 : i32
    %ne3A_22 = arith.constant 0 : i32
    %ne3A_23 = arith.cmpi ne, %rem3A_21, %ne3A_22 : i32
    %lt3A = arith.constant 0 : i32
    %lt3A_24 = arith.cmpi slt, %rem3A_21, %lt3A : i32
    %lt3A_25 = arith.constant 0 : i32
    %lt3A_26 = arith.cmpi slt, %select_n3A_20, %lt3A_25 : i32
    %ne3A_27 = arith.xori %lt3A_24, %lt3A_26 : i1
    %and3A_28 = arith.andi %ne3A_27, %ne3A_23 : i1
    %add3A_29 = arith.addi %rem3A_21, %select_n3A_20 : i32
    %select_n3A_30 = arith.select %and3A_28, %add3A_29, %rem3A_21 : i32
    "tpu.region"() ({
      %run_scoped3A = tpu.sem_alloc : memref<!tpu.dma_semaphore, #tpu.memory_space<semaphore_mem>>
      %dma_start3A_114 = arith.constant 0 : i32
      %dma_start3A_115 = tpu.memref_slice %arg5[%select_n3A, %dma_start3A_114] : memref<8x8192xi32, #tpu.memory_space<hbm>> -> memref<1x8192xi32, #tpu.memory_space<hbm>>
      %dma_start3A_116 = tpu.memref_squeeze %dma_start3A_115 : memref<1x8192xi32, #tpu.memory_space<hbm>> -> memref<8192xi32, #tpu.memory_space<hbm>>
      %dma_start3A_117 = arith.constant 0 : i32
      %dma_start3A_118 = tpu.memref_slice %arg5[%select_n3A, %dma_start3A_117] : memref<8x8192xi32, #tpu.memory_space<hbm>> -> memref<1x8192xi32, #tpu.memory_space<hbm>>
      %dma_start3A_119 = tpu.memref_squeeze %dma_start3A_118 : memref<1x8192xi32, #tpu.memory_space<hbm>> -> memref<8192xi32, #tpu.memory_space<hbm>>
      tpu.enqueue_dma source(%dma_start3A_119 : memref<8192xi32, #tpu.memory_space<hbm>>) target(%arg10 : memref<8192xi32, #tpu.memory_space<vmem>>) target_semaphore(%run_scoped3A : memref<!tpu.dma_semaphore, #tpu.memory_space<semaphore_mem>>)
      %dma_wait3A_120 = arith.constant 0 : i32
      %dma_wait3A_121 = tpu.memref_slice %arg5[%select_n3A, %dma_wait3A_120] : memref<8x8192xi32, #tpu.memory_space<hbm>> -> memref<1x8192xi32, #tpu.memory_space<hbm>>
      %dma_wait3A_122 = tpu.memref_squeeze %dma_wait3A_121 : memref<1x8192xi32, #tpu.memory_space<hbm>> -> memref<8192xi32, #tpu.memory_space<hbm>>
      %dma_wait3A_123 = arith.constant 0 : i32
      %dma_wait3A_124 = tpu.memref_slice %arg5[%select_n3A, %dma_wait3A_123] : memref<8x8192xi32, #tpu.memory_space<hbm>> -> memref<1x8192xi32, #tpu.memory_space<hbm>>
      %dma_wait3A_125 = tpu.memref_squeeze %dma_wait3A_124 : memref<1x8192xi32, #tpu.memory_space<hbm>> -> memref<8192xi32, #tpu.memory_space<hbm>>
      tpu.wait_dma2 semaphore(%run_scoped3A : memref<!tpu.dma_semaphore, #tpu.memory_space<semaphore_mem>>) src(%dma_wait3A_125 : memref<8192xi32, #tpu.memory_space<hbm>>) dst(%arg10 : memref<8192xi32, #tpu.memory_space<vmem>>)
      tpu.yield
    }) : () -> ()
    "tpu.region"() ({
      %run_scoped3A = tpu.sem_alloc : memref<!tpu.dma_semaphore, #tpu.memory_space<semaphore_mem>>
      %dma_start3A_114 = arith.constant 0 : i32
      %dma_start3A_115 = tpu.memref_slice %arg6[%select_n3A, %dma_start3A_114] : memref<8x8192xf32, #tpu.memory_space<hbm>> -> memref<1x8192xf32, #tpu.memory_space<hbm>>
      %dma_start3A_116 = tpu.memref_squeeze %dma_start3A_115 : memref<1x8192xf32, #tpu.memory_space<hbm>> -> memref<8192xf32, #tpu.memory_space<hbm>>
      %dma_start3A_117 = arith.constant 0 : i32
      %dma_start3A_118 = tpu.memref_slice %arg6[%select_n3A, %dma_start3A_117] : memref<8x8192xf32, #tpu.memory_space<hbm>> -> memref<1x8192xf32, #tpu.memory_space<hbm>>
      %dma_start3A_119 = tpu.memref_squeeze %dma_start3A_118 : memref<1x8192xf32, #tpu.memory_space<hbm>> -> memref<8192xf32, #tpu.memory_space<hbm>>
      tpu.enqueue_dma source(%dma_start3A_119 : memref<8192xf32, #tpu.memory_space<hbm>>) target(%arg11 : memref<8192xf32, #tpu.memory_space<vmem>>) target_semaphore(%run_scoped3A : memref<!tpu.dma_semaphore, #tpu.memory_space<semaphore_mem>>)
      %dma_wait3A_120 = arith.constant 0 : i32
      %dma_wait3A_121 = tpu.memref_slice %arg6[%select_n3A, %dma_wait3A_120] : memref<8x8192xf32, #tpu.memory_space<hbm>> -> memref<1x8192xf32, #tpu.memory_space<hbm>>
      %dma_wait3A_122 = tpu.memref_squeeze %dma_wait3A_121 : memref<1x8192xf32, #tpu.memory_space<hbm>> -> memref<8192xf32, #tpu.memory_space<hbm>>
      %dma_wait3A_123 = arith.constant 0 : i32
      %dma_wait3A_124 = tpu.memref_slice %arg6[%select_n3A, %dma_wait3A_123] : memref<8x8192xf32, #tpu.memory_space<hbm>> -> memref<1x8192xf32, #tpu.memory_space<hbm>>
      %dma_wait3A_125 = tpu.memref_squeeze %dma_wait3A_124 : memref<1x8192xf32, #tpu.memory_space<hbm>> -> memref<8192xf32, #tpu.memory_space<hbm>>
      tpu.wait_dma2 semaphore(%run_scoped3A : memref<!tpu.dma_semaphore, #tpu.memory_space<semaphore_mem>>) src(%dma_wait3A_125 : memref<8192xf32, #tpu.memory_space<hbm>>) dst(%arg11 : memref<8192xf32, #tpu.memory_space<vmem>>)
      tpu.yield
    }) : () -> ()
    %mul3A_31 = arith.constant 32 : i32
    %mul3A_32 = arith.muli %select_n3A_30, %mul3A_31 : i32
    %add3A_33 = arith.constant 0 : i32
    %add3A_34 = arith.addi %mul3A_32, %add3A_33 : i32
    %dma_start3A = arith.constant 0 : i32
    %dma_start3A_35 = tpu.memref_slice %arg4[%select_n3A, %add3A_34, %dma_start3A] : memref<8x128x16384xf32, #tpu.memory_space<hbm>> -> memref<1x1x16384xf32, #tpu.memory_space<hbm>>
    %dma_start3A_36 = tpu.memref_squeeze %dma_start3A_35 : memref<1x1x16384xf32, #tpu.memory_space<hbm>> -> memref<16384xf32, #tpu.memory_space<hbm>>
    %dma_start3A_37 = arith.constant 0 : i32
    %dma_start3A_38 = tpu.memref_slice %arg4[%select_n3A, %add3A_34, %dma_start3A_37] : memref<8x128x16384xf32, #tpu.memory_space<hbm>> -> memref<1x1x16384xf32, #tpu.memory_space<hbm>>
    %dma_start3A_39 = tpu.memref_squeeze %dma_start3A_38 : memref<1x1x16384xf32, #tpu.memory_space<hbm>> -> memref<16384xf32, #tpu.memory_space<hbm>>
    tpu.enqueue_dma source(%dma_start3A_39 : memref<16384xf32, #tpu.memory_space<hbm>>) target(%arg12 : memref<16384xf32, #tpu.memory_space<vmem>>) target_semaphore(%arg20 : memref<!tpu.dma_semaphore, #tpu.memory_space<semaphore_mem>>)
    %mul3A_40 = arith.constant 32 : i32
    %mul3A_41 = arith.muli %select_n3A_30, %mul3A_40 : i32
    %add3A_42 = arith.constant 0 : i32
    %add3A_43 = arith.addi %mul3A_41, %add3A_42 : i32
    %add3A_44 = arith.constant 1 : i32
    %add3A_45 = arith.addi %add3A_43, %add3A_44 : i32
    %dma_start3A_46 = arith.constant 0 : i32
    %dma_start3A_47 = tpu.memref_slice %arg4[%select_n3A, %add3A_45, %dma_start3A_46] : memref<8x128x16384xf32, #tpu.memory_space<hbm>> -> memref<1x1x16384xf32, #tpu.memory_space<hbm>>
    %dma_start3A_48 = tpu.memref_squeeze %dma_start3A_47 : memref<1x1x16384xf32, #tpu.memory_space<hbm>> -> memref<16384xf32, #tpu.memory_space<hbm>>
    %dma_start3A_49 = arith.constant 0 : i32
    %dma_start3A_50 = tpu.memref_slice %arg4[%select_n3A, %add3A_45, %dma_start3A_49] : memref<8x128x16384xf32, #tpu.memory_space<hbm>> -> memref<1x1x16384xf32, #tpu.memory_space<hbm>>
    %dma_start3A_51 = tpu.memref_squeeze %dma_start3A_50 : memref<1x1x16384xf32, #tpu.memory_space<hbm>> -> memref<16384xf32, #tpu.memory_space<hbm>>
    tpu.enqueue_dma source(%dma_start3A_51 : memref<16384xf32, #tpu.memory_space<hbm>>) target(%arg13 : memref<16384xf32, #tpu.memory_space<vmem>>) target_semaphore(%arg21 : memref<!tpu.dma_semaphore, #tpu.memory_space<semaphore_mem>>)
    %mul3A_52 = arith.constant 32 : i32
    %mul3A_53 = arith.muli %select_n3A_30, %mul3A_52 : i32
    %add3A_54 = arith.constant 2 : i32
    %add3A_55 = arith.addi %mul3A_53, %add3A_54 : i32
    %dma_start3A_56 = arith.constant 0 : i32
    %dma_start3A_57 = tpu.memref_slice %arg4[%select_n3A, %add3A_55, %dma_start3A_56] : memref<8x128x16384xf32, #tpu.memory_space<hbm>> -> memref<1x1x16384xf32, #tpu.memory_space<hbm>>
    %dma_start3A_58 = tpu.memref_squeeze %dma_start3A_57 : memref<1x1x16384xf32, #tpu.memory_space<hbm>> -> memref<16384xf32, #tpu.memory_space<hbm>>
    %dma_start3A_59 = arith.constant 0 : i32
    %dma_start3A_60 = tpu.memref_slice %arg4[%select_n3A, %add3A_55, %dma_start3A_59] : memref<8x128x16384xf32, #tpu.memory_space<hbm>> -> memref<1x1x16384xf32, #tpu.memory_space<hbm>>
    %dma_start3A_61 = tpu.memref_squeeze %dma_start3A_60 : memref<1x1x16384xf32, #tpu.memory_space<hbm>> -> memref<16384xf32, #tpu.memory_space<hbm>>
    tpu.enqueue_dma source(%dma_start3A_61 : memref<16384xf32, #tpu.memory_space<hbm>>) target(%arg14 : memref<16384xf32, #tpu.memory_space<vmem>>) target_semaphore(%arg22 : memref<!tpu.dma_semaphore, #tpu.memory_space<semaphore_mem>>)
    %mul3A_62 = arith.constant 32 : i32
    %mul3A_63 = arith.muli %select_n3A_30, %mul3A_62 : i32
    %add3A_64 = arith.constant 2 : i32
    %add3A_65 = arith.addi %mul3A_63, %add3A_64 : i32
    %add3A_66 = arith.constant 1 : i32
    %add3A_67 = arith.addi %add3A_65, %add3A_66 : i32
    %dma_start3A_68 = arith.constant 0 : i32
    %dma_start3A_69 = tpu.memref_slice %arg4[%select_n3A, %add3A_67, %dma_start3A_68] : memref<8x128x16384xf32, #tpu.memory_space<hbm>> -> memref<1x1x16384xf32, #tpu.memory_space<hbm>>
    %dma_start3A_70 = tpu.memref_squeeze %dma_start3A_69 : memref<1x1x16384xf32, #tpu.memory_space<hbm>> -> memref<16384xf32, #tpu.memory_space<hbm>>
    %dma_start3A_71 = arith.constant 0 : i32
    %dma_start3A_72 = tpu.memref_slice %arg4[%select_n3A, %add3A_67, %dma_start3A_71] : memref<8x128x16384xf32, #tpu.memory_space<hbm>> -> memref<1x1x16384xf32, #tpu.memory_space<hbm>>
    %dma_start3A_73 = tpu.memref_squeeze %dma_start3A_72 : memref<1x1x16384xf32, #tpu.memory_space<hbm>> -> memref<16384xf32, #tpu.memory_space<hbm>>
    tpu.enqueue_dma source(%dma_start3A_73 : memref<16384xf32, #tpu.memory_space<hbm>>) target(%arg15 : memref<16384xf32, #tpu.memory_space<vmem>>) target_semaphore(%arg23 : memref<!tpu.dma_semaphore, #tpu.memory_space<semaphore_mem>>)
    %scan3A = arith.constant 0 : i32
    %scan3A_74 = arith.constant 0 : i32
    %scan3A_75 = arith.constant 12 : i32
    %scan3A_76 = arith.addi %scan3A_74, %scan3A_75 : i32
    %scan3A_77 = arith.constant 1 : i32
    %scan3A_78 = scf.for %scan3A_114 = %scan3A_74 to %scan3A_76 step %scan3A_77 iter_args(%scan3A_115 = %scan3A) -> (i32)  : i32 {
      %mul3A_116 = arith.constant 2 : i32
      %mul3A_117 = arith.muli %scan3A_114, %mul3A_116 : i32
      %add3A_118 = arith.constant 0 : i32
      %add3A_119 = arith.addi %mul3A_117, %add3A_118 : i32
      %dma_wait3A_120 = arith.constant 0 : i32
      %dma_wait3A_121 = arith.constant 0 : i32
      %dma_wait3A_122 = arith.constant 0 : i32
      %dma_wait3A_123 = tpu.memref_slice %arg4[%dma_wait3A_120, %dma_wait3A_121, %dma_wait3A_122] : memref<8x128x16384xf32, #tpu.memory_space<hbm>> -> memref<1x1x16384xf32, #tpu.memory_space<hbm>>
      %dma_wait3A_124 = tpu.memref_squeeze %dma_wait3A_123 : memref<1x1x16384xf32, #tpu.memory_space<hbm>> -> memref<16384xf32, #tpu.memory_space<hbm>>
      %dma_wait3A_125 = arith.constant 0 : i32
      %dma_wait3A_126 = tpu.memref_slice %arg4[%dma_wait3A_120, %dma_wait3A_121, %dma_wait3A_125] : memref<8x128x16384xf32, #tpu.memory_space<hbm>> -> memref<1x1x16384xf32, #tpu.memory_space<hbm>>
      %dma_wait3A_127 = tpu.memref_squeeze %dma_wait3A_126 : memref<1x1x16384xf32, #tpu.memory_space<hbm>> -> memref<16384xf32, #tpu.memory_space<hbm>>
      tpu.wait_dma2 semaphore(%arg20 : memref<!tpu.dma_semaphore, #tpu.memory_space<semaphore_mem>>) src(%dma_wait3A_127 : memref<16384xf32, #tpu.memory_space<hbm>>) dst(%arg12 : memref<16384xf32, #tpu.memory_space<vmem>>)
      %dma_wait3A_128 = arith.constant 0 : i32
      %dma_wait3A_129 = arith.constant 0 : i32
      %dma_wait3A_130 = arith.constant 0 : i32
      %dma_wait3A_131 = tpu.memref_slice %arg4[%dma_wait3A_128, %dma_wait3A_129, %dma_wait3A_130] : memref<8x128x16384xf32, #tpu.memory_space<hbm>> -> memref<1x1x16384xf32, #tpu.memory_space<hbm>>
      %dma_wait3A_132 = tpu.memref_squeeze %dma_wait3A_131 : memref<1x1x16384xf32, #tpu.memory_space<hbm>> -> memref<16384xf32, #tpu.memory_space<hbm>>
      %dma_wait3A_133 = arith.constant 0 : i32
      %dma_wait3A_134 = tpu.memref_slice %arg4[%dma_wait3A_128, %dma_wait3A_129, %dma_wait3A_133] : memref<8x128x16384xf32, #tpu.memory_space<hbm>> -> memref<1x1x16384xf32, #tpu.memory_space<hbm>>
      %dma_wait3A_135 = tpu.memref_squeeze %dma_wait3A_134 : memref<1x1x16384xf32, #tpu.memory_space<hbm>> -> memref<16384xf32, #tpu.memory_space<hbm>>
      tpu.wait_dma2 semaphore(%arg21 : memref<!tpu.dma_semaphore, #tpu.memory_space<semaphore_mem>>) src(%dma_wait3A_135 : memref<16384xf32, #tpu.memory_space<hbm>>) dst(%arg13 : memref<16384xf32, #tpu.memory_space<vmem>>)
      %ge3A = arith.constant 2 : i32
      %ge3A_136 = arith.cmpi sge, %add3A_119, %ge3A : i32
      %convert_element_type3A_137 = arith.extui %ge3A_136 : i1 to i32
      %cond3A_138 = arith.constant 0 : i32
      %cond3A_139 = arith.cmpi ne, %convert_element_type3A_137, %cond3A_138 : i32
      scf.if %cond3A_139 {
        %dma_wait3A_220 = arith.constant 0 : i32
        %dma_wait3A_221 = arith.constant 0 : i32
        %dma_wait3A_222 = arith.constant 0 : i32
        %dma_wait3A_223 = tpu.memref_slice %arg9[%dma_wait3A_220, %dma_wait3A_221, %dma_wait3A_222] : memref<8x128x8192xf32, #tpu.memory_space<hbm>> -> memref<1x1x8192xf32, #tpu.memory_space<hbm>>
        %dma_wait3A_224 = tpu.memref_squeeze %dma_wait3A_223 : memref<1x1x8192xf32, #tpu.memory_space<hbm>> -> memref<8192xf32, #tpu.memory_space<hbm>>
        %dma_wait3A_225 = arith.constant 0 : i32
        %dma_wait3A_226 = tpu.memref_slice %arg9[%dma_wait3A_220, %dma_wait3A_221, %dma_wait3A_225] : memref<8x128x8192xf32, #tpu.memory_space<hbm>> -> memref<1x1x8192xf32, #tpu.memory_space<hbm>>
        %dma_wait3A_227 = tpu.memref_squeeze %dma_wait3A_226 : memref<1x1x8192xf32, #tpu.memory_space<hbm>> -> memref<8192xf32, #tpu.memory_space<hbm>>
        tpu.wait_dma2 semaphore(%arg24 : memref<!tpu.dma_semaphore, #tpu.memory_space<semaphore_mem>>) src(%arg16 : memref<8192xf32, #tpu.memory_space<vmem>>) dst(%dma_wait3A_227 : memref<8192xf32, #tpu.memory_space<hbm>>)
        %dma_wait3A_228 = arith.constant 0 : i32
        %dma_wait3A_229 = arith.constant 0 : i32
        %dma_wait3A_230 = arith.constant 0 : i32
        %dma_wait3A_231 = tpu.memref_slice %arg9[%dma_wait3A_228, %dma_wait3A_229, %dma_wait3A_230] : memref<8x128x8192xf32, #tpu.memory_space<hbm>> -> memref<1x1x8192xf32, #tpu.memory_space<hbm>>
        %dma_wait3A_232 = tpu.memref_squeeze %dma_wait3A_231 : memref<1x1x8192xf32, #tpu.memory_space<hbm>> -> memref<8192xf32, #tpu.memory_space<hbm>>
        %dma_wait3A_233 = arith.constant 0 : i32
        %dma_wait3A_234 = tpu.memref_slice %arg9[%dma_wait3A_228, %dma_wait3A_229, %dma_wait3A_233] : memref<8x128x8192xf32, #tpu.memory_space<hbm>> -> memref<1x1x8192xf32, #tpu.memory_space<hbm>>
        %dma_wait3A_235 = tpu.memref_squeeze %dma_wait3A_234 : memref<1x1x8192xf32, #tpu.memory_space<hbm>> -> memref<8192xf32, #tpu.memory_space<hbm>>
        tpu.wait_dma2 semaphore(%arg25 : memref<!tpu.dma_semaphore, #tpu.memory_space<semaphore_mem>>) src(%arg17 : memref<8192xf32, #tpu.memory_space<vmem>>) dst(%dma_wait3A_235 : memref<8192xf32, #tpu.memory_space<hbm>>)
      } else {
      }
      %lt3A_140 = arith.constant 16 : i32
      %lt3A_141 = arith.cmpi slt, %add3A_119, %lt3A_140 : i32
      %convert_element_type3A_142 = arith.extui %lt3A_141 : i1 to i32
      %cond3A_143 = arith.constant 0 : i32
      %cond3A_144 = arith.cmpi ne, %convert_element_type3A_142, %cond3A_143 : i32
      scf.if %cond3A_144 {
        %parallel_loop3A = arith.constant 0 : i32
        %parallel_loop3A_220 = arith.constant 512 : i32
        %parallel_loop3A_221 = arith.constant 1 : i32
        scf.for %parallel_loop3A_222 = %parallel_loop3A to %parallel_loop3A_220 step %parallel_loop3A_221  : i32 {
          %parallel_loop3A_223 = arith.constant 16 : i32
          %parallel_loop3A_224 = arith.muli %parallel_loop3A_222, %parallel_loop3A_223 : i32
          %parallel_loop3A_225 = arith.index_cast %parallel_loop3A_224 : i32 to index
          %parallel_loop3A_226 = tpu.vector_load %arg10[%parallel_loop3A_225] {strides = array<i32>} : memref<8192xi32, #tpu.memory_space<vmem>>, vector<16xi32>,
          %parallel_loop3A_227 = tpu.vector_load_idx %arg12[%parallel_loop3A_226] : memref<16384xf32, #tpu.memory_space<vmem>>[vector<16xi32>], vector<16xf32>,
          %parallel_loop3A_228 = tpu.vector_load_idx %arg13[%parallel_loop3A_226] : memref<16384xf32, #tpu.memory_space<vmem>>[vector<16xi32>], vector<16xf32>,
          %parallel_loop3A_229 = arith.index_cast %parallel_loop3A_224 : i32 to index
          %parallel_loop3A_230 = tpu.vector_load %arg11[%parallel_loop3A_229] {strides = array<i32>} : memref<8192xf32, #tpu.memory_space<vmem>>, vector<16xf32>,
          %parallel_loop3A_231 = arith.mulf %parallel_loop3A_227, %parallel_loop3A_230 : vector<16xf32>
          %parallel_loop3A_232 = arith.mulf %parallel_loop3A_228, %parallel_loop3A_230 : vector<16xf32>
          %parallel_loop3A_233 = arith.index_cast %parallel_loop3A_224 : i32 to index
          %parallel_loop3A_234 = tpu.vector_load %arg16[%parallel_loop3A_233] {strides = array<i32>} : memref<8192xf32, #tpu.memory_space<vmem>>, vector<16xf32>,
          tpu.vector_store %arg16[%parallel_loop3A_233], %parallel_loop3A_231 {strides = array<i32>} : memref<8192xf32, #tpu.memory_space<vmem>>, vector<16xf32>,
          %parallel_loop3A_235 = arith.index_cast %parallel_loop3A_224 : i32 to index
          %parallel_loop3A_236 = tpu.vector_load %arg17[%parallel_loop3A_235] {strides = array<i32>} : memref<8192xf32, #tpu.memory_space<vmem>>, vector<16xf32>,
          tpu.vector_store %arg17[%parallel_loop3A_235], %parallel_loop3A_232 {strides = array<i32>} : memref<8192xf32, #tpu.memory_space<vmem>>, vector<16xf32>,
        } {sc.loop_unroll_factor = 4 : i64, sc.parallel_access}
      } else {
      }
      %ge3A_145 = arith.constant 16 : i32
      %ge3A_146 = arith.cmpi sge, %add3A_119, %ge3A_145 : i32
      %convert_element_type3A_147 = arith.extui %ge3A_146 : i1 to i32
      %cond3A_148 = arith.constant 0 : i32
      %cond3A_149 = arith.cmpi ne, %convert_element_type3A_147, %cond3A_148 : i32
      scf.if %cond3A_149 {
        %parallel_loop3A = arith.constant 0 : i32
        %parallel_loop3A_220 = arith.constant 512 : i32
        %parallel_loop3A_221 = arith.constant 1 : i32
        scf.for %parallel_loop3A_222 = %parallel_loop3A to %parallel_loop3A_220 step %parallel_loop3A_221  : i32 {
          %parallel_loop3A_223 = arith.constant 16 : i32
          %parallel_loop3A_224 = arith.muli %parallel_loop3A_222, %parallel_loop3A_223 : i32
          %parallel_loop3A_225 = arith.index_cast %parallel_loop3A_224 : i32 to index
          %parallel_loop3A_226 = tpu.vector_load %arg10[%parallel_loop3A_225] {strides = array<i32>} : memref<8192xi32, #tpu.memory_space<vmem>>, vector<16xi32>,
          %parallel_loop3A_227 = tpu.vector_load_idx %arg12[%parallel_loop3A_226] : memref<16384xf32, #tpu.memory_space<vmem>>[vector<16xi32>], vector<16xf32>,
          %parallel_loop3A_228 = tpu.vector_load_idx %arg13[%parallel_loop3A_226] : memref<16384xf32, #tpu.memory_space<vmem>>[vector<16xi32>], vector<16xf32>,
          %parallel_loop3A_229 = arith.index_cast %parallel_loop3A_224 : i32 to index
          %parallel_loop3A_230 = tpu.vector_load %arg16[%parallel_loop3A_229] {strides = array<i32>} : memref<8192xf32, #tpu.memory_space<vmem>>, vector<16xf32>,
          tpu.vector_store %arg16[%parallel_loop3A_229], %parallel_loop3A_227 {strides = array<i32>} : memref<8192xf32, #tpu.memory_space<vmem>>, vector<16xf32>,
          %parallel_loop3A_231 = arith.index_cast %parallel_loop3A_224 : i32 to index
          %parallel_loop3A_232 = tpu.vector_load %arg17[%parallel_loop3A_231] {strides = array<i32>} : memref<8192xf32, #tpu.memory_space<vmem>>, vector<16xf32>,
          tpu.vector_store %arg17[%parallel_loop3A_231], %parallel_loop3A_228 {strides = array<i32>} : memref<8192xf32, #tpu.memory_space<vmem>>, vector<16xf32>,
        } {sc.loop_unroll_factor = 4 : i64, sc.parallel_access}
      } else {
      }
      %lt3A_150 = arith.constant 16 : i32
      %lt3A_151 = arith.cmpi slt, %add3A_119, %lt3A_150 : i32
      %convert_element_type3A_152 = arith.extui %lt3A_151 : i1 to i32
      %cond3A_153 = arith.constant 0 : i32
      %cond3A_154 = arith.cmpi ne, %convert_element_type3A_152, %cond3A_153 : i32
      scf.if %cond3A_154 {
        %mul3A_220 = arith.constant 32 : i32
        %mul3A_221 = arith.muli %select_n3A_30, %mul3A_220 : i32
        %mul3A_222 = arith.constant 2 : i32
        %mul3A_223 = arith.muli %mul3A_222, %add3A_119 : i32
        %add3A_224 = arith.addi %mul3A_221, %mul3A_223 : i32
        %dma_start3A_225 = arith.constant 0 : i32
        %dma_start3A_226 = tpu.memref_slice %arg9[%select_n3A, %add3A_224, %dma_start3A_225] : memref<8x128x8192xf32, #tpu.memory_space<hbm>> -> memref<1x1x8192xf32, #tpu.memory_space<hbm>>
        %dma_start3A_227 = tpu.memref_squeeze %dma_start3A_226 : memref<1x1x8192xf32, #tpu.memory_space<hbm>> -> memref<8192xf32, #tpu.memory_space<hbm>>
        %dma_start3A_228 = arith.constant 0 : i32
        %dma_start3A_229 = tpu.memref_slice %arg9[%select_n3A, %add3A_224, %dma_start3A_228] : memref<8x128x8192xf32, #tpu.memory_space<hbm>> -> memref<1x1x8192xf32, #tpu.memory_space<hbm>>
        %dma_start3A_230 = tpu.memref_squeeze %dma_start3A_229 : memref<1x1x8192xf32, #tpu.memory_space<hbm>> -> memref<8192xf32, #tpu.memory_space<hbm>>
        tpu.enqueue_dma source(%arg16 : memref<8192xf32, #tpu.memory_space<vmem>>) target(%dma_start3A_230 : memref<8192xf32, #tpu.memory_space<hbm>>) target_semaphore(%arg24 : memref<!tpu.dma_semaphore, #tpu.memory_space<semaphore_mem>>)
        %mul3A_231 = arith.constant 32 : i32
        %mul3A_232 = arith.muli %select_n3A_30, %mul3A_231 : i32
        %mul3A_233 = arith.constant 2 : i32
        %mul3A_234 = arith.muli %mul3A_233, %add3A_119 : i32
        %add3A_235 = arith.addi %mul3A_232, %mul3A_234 : i32
        %add3A_236 = arith.constant 1 : i32
        %add3A_237 = arith.addi %add3A_235, %add3A_236 : i32
        %dma_start3A_238 = arith.constant 0 : i32
        %dma_start3A_239 = tpu.memref_slice %arg9[%select_n3A, %add3A_237, %dma_start3A_238] : memref<8x128x8192xf32, #tpu.memory_space<hbm>> -> memref<1x1x8192xf32, #tpu.memory_space<hbm>>
        %dma_start3A_240 = tpu.memref_squeeze %dma_start3A_239 : memref<1x1x8192xf32, #tpu.memory_space<hbm>> -> memref<8192xf32, #tpu.memory_space<hbm>>
        %dma_start3A_241 = arith.constant 0 : i32
        %dma_start3A_242 = tpu.memref_slice %arg9[%select_n3A, %add3A_237, %dma_start3A_241] : memref<8x128x8192xf32, #tpu.memory_space<hbm>> -> memref<1x1x8192xf32, #tpu.memory_space<hbm>>
        %dma_start3A_243 = tpu.memref_squeeze %dma_start3A_242 : memref<1x1x8192xf32, #tpu.memory_space<hbm>> -> memref<8192xf32, #tpu.memory_space<hbm>>
        tpu.enqueue_dma source(%arg17 : memref<8192xf32, #tpu.memory_space<vmem>>) target(%dma_start3A_243 : memref<8192xf32, #tpu.memory_space<hbm>>) target_semaphore(%arg25 : memref<!tpu.dma_semaphore, #tpu.memory_space<semaphore_mem>>)
      } else {
      }
      %ge3A_155 = arith.constant 16 : i32
      %ge3A_156 = arith.cmpi sge, %add3A_119, %ge3A_155 : i32
      %convert_element_type3A_157 = arith.extui %ge3A_156 : i1 to i32
      %cond3A_158 = arith.constant 0 : i32
      %cond3A_159 = arith.cmpi ne, %convert_element_type3A_157, %cond3A_158 : i32
      scf.if %cond3A_159 {
        %mul3A_220 = arith.constant 16 : i32
        %mul3A_221 = arith.muli %select_n3A_30, %mul3A_220 : i32
        %sub3A_222 = arith.constant 16 : i32
        %sub3A_223 = arith.subi %add3A_119, %sub3A_222 : i32
        %mul3A_224 = arith.constant 2 : i32
        %mul3A_225 = arith.muli %mul3A_224, %sub3A_223 : i32
        %add3A_226 = arith.addi %mul3A_221, %mul3A_225 : i32
        %dma_start3A_227 = arith.constant 0 : i32
        %dma_start3A_228 = tpu.memref_slice %arg8[%select_n3A, %add3A_226, %dma_start3A_227] : memref<8x64x8192xf32, #tpu.memory_space<hbm>> -> memref<1x1x8192xf32, #tpu.memory_space<hbm>>
        %dma_start3A_229 = tpu.memref_squeeze %dma_start3A_228 : memref<1x1x8192xf32, #tpu.memory_space<hbm>> -> memref<8192xf32, #tpu.memory_space<hbm>>
        %dma_start3A_230 = arith.constant 0 : i32
        %dma_start3A_231 = tpu.memref_slice %arg8[%select_n3A, %add3A_226, %dma_start3A_230] : memref<8x64x8192xf32, #tpu.memory_space<hbm>> -> memref<1x1x8192xf32, #tpu.memory_space<hbm>>
        %dma_start3A_232 = tpu.memref_squeeze %dma_start3A_231 : memref<1x1x8192xf32, #tpu.memory_space<hbm>> -> memref<8192xf32, #tpu.memory_space<hbm>>
        tpu.enqueue_dma source(%arg16 : memref<8192xf32, #tpu.memory_space<vmem>>) target(%dma_start3A_232 : memref<8192xf32, #tpu.memory_space<hbm>>) target_semaphore(%arg24 : memref<!tpu.dma_semaphore, #tpu.memory_space<semaphore_mem>>)
        %mul3A_233 = arith.constant 16 : i32
        %mul3A_234 = arith.muli %select_n3A_30, %mul3A_233 : i32
        %sub3A_235 = arith.constant 16 : i32
        %sub3A_236 = arith.subi %add3A_119, %sub3A_235 : i32
        %mul3A_237 = arith.constant 2 : i32
        %mul3A_238 = arith.muli %mul3A_237, %sub3A_236 : i32
        %add3A_239 = arith.addi %mul3A_234, %mul3A_238 : i32
        %add3A_240 = arith.constant 1 : i32
        %add3A_241 = arith.addi %add3A_239, %add3A_240 : i32
        %dma_start3A_242 = arith.constant 0 : i32
        %dma_start3A_243 = tpu.memref_slice %arg8[%select_n3A, %add3A_241, %dma_start3A_242] : memref<8x64x8192xf32, #tpu.memory_space<hbm>> -> memref<1x1x8192xf32, #tpu.memory_space<hbm>>
        %dma_start3A_244 = tpu.memref_squeeze %dma_start3A_243 : memref<1x1x8192xf32, #tpu.memory_space<hbm>> -> memref<8192xf32, #tpu.memory_space<hbm>>
        %dma_start3A_245 = arith.constant 0 : i32
        %dma_start3A_246 = tpu.memref_slice %arg8[%select_n3A, %add3A_241, %dma_start3A_245] : memref<8x64x8192xf32, #tpu.memory_space<hbm>> -> memref<1x1x8192xf32, #tpu.memory_space<hbm>>
        %dma_start3A_247 = tpu.memref_squeeze %dma_start3A_246 : memref<1x1x8192xf32, #tpu.memory_space<hbm>> -> memref<8192xf32, #tpu.memory_space<hbm>>
        tpu.enqueue_dma source(%arg17 : memref<8192xf32, #tpu.memory_space<vmem>>) target(%dma_start3A_247 : memref<8192xf32, #tpu.memory_space<hbm>>) target_semaphore(%arg25 : memref<!tpu.dma_semaphore, #tpu.memory_space<semaphore_mem>>)
      } else {
      }
      %add3A_160 = arith.constant 2 : i32
      %add3A_161 = arith.addi %add3A_119, %add3A_160 : i32
      %lt3A_162 = arith.constant 24 : i32
      %lt3A_163 = arith.cmpi slt, %add3A_161, %lt3A_162 : i32
      %convert_element_type3A_164 = arith.extui %lt3A_163 : i1 to i32
      %cond3A_165 = arith.constant 0 : i32
      %cond3A_166 = arith.cmpi ne, %convert_element_type3A_164, %cond3A_165 : i32
      scf.if %cond3A_166 {
        %add3A_220 = arith.constant 2 : i32
        %add3A_221 = arith.addi %add3A_119, %add3A_220 : i32
        %lt3A_222 = arith.constant 16 : i32
        %lt3A_223 = arith.cmpi slt, %add3A_221, %lt3A_222 : i32
        %convert_element_type3A_224 = arith.extui %lt3A_223 : i1 to i32
        %cond3A_225 = arith.constant 0 : i32
        %cond3A_226 = arith.cmpi ne, %convert_element_type3A_224, %cond3A_225 : i32
        scf.if %cond3A_226 {
          %mul3A_232 = arith.constant 32 : i32
          %mul3A_233 = arith.muli %select_n3A_30, %mul3A_232 : i32
          %mul3A_234 = arith.constant 2 : i32
          %mul3A_235 = arith.muli %mul3A_234, %add3A_221 : i32
          %add3A_236 = arith.addi %mul3A_233, %mul3A_235 : i32
          %dma_start3A_237 = arith.constant 0 : i32
          %dma_start3A_238 = tpu.memref_slice %arg4[%select_n3A, %add3A_236, %dma_start3A_237] : memref<8x128x16384xf32, #tpu.memory_space<hbm>> -> memref<1x1x16384xf32, #tpu.memory_space<hbm>>
          %dma_start3A_239 = tpu.memref_squeeze %dma_start3A_238 : memref<1x1x16384xf32, #tpu.memory_space<hbm>> -> memref<16384xf32, #tpu.memory_space<hbm>>
          %dma_start3A_240 = arith.constant 0 : i32
          %dma_start3A_241 = tpu.memref_slice %arg4[%select_n3A, %add3A_236, %dma_start3A_240] : memref<8x128x16384xf32, #tpu.memory_space<hbm>> -> memref<1x1x16384xf32, #tpu.memory_space<hbm>>
          %dma_start3A_242 = tpu.memref_squeeze %dma_start3A_241 : memref<1x1x16384xf32, #tpu.memory_space<hbm>> -> memref<16384xf32, #tpu.memory_space<hbm>>
          tpu.enqueue_dma source(%dma_start3A_242 : memref<16384xf32, #tpu.memory_space<hbm>>) target(%arg12 : memref<16384xf32, #tpu.memory_space<vmem>>) target_semaphore(%arg20 : memref<!tpu.dma_semaphore, #tpu.memory_space<semaphore_mem>>)
          %mul3A_243 = arith.constant 32 : i32
          %mul3A_244 = arith.muli %select_n3A_30, %mul3A_243 : i32
          %mul3A_245 = arith.constant 2 : i32
          %mul3A_246 = arith.muli %mul3A_245, %add3A_221 : i32
          %add3A_247 = arith.addi %mul3A_244, %mul3A_246 : i32
          %add3A_248 = arith.constant 1 : i32
          %add3A_249 = arith.addi %add3A_247, %add3A_248 : i32
          %dma_start3A_250 = arith.constant 0 : i32
          %dma_start3A_251 = tpu.memref_slice %arg4[%select_n3A, %add3A_249, %dma_start3A_250] : memref<8x128x16384xf32, #tpu.memory_space<hbm>> -> memref<1x1x16384xf32, #tpu.memory_space<hbm>>
          %dma_start3A_252 = tpu.memref_squeeze %dma_start3A_251 : memref<1x1x16384xf32, #tpu.memory_space<hbm>> -> memref<16384xf32, #tpu.memory_space<hbm>>
          %dma_start3A_253 = arith.constant 0 : i32
          %dma_start3A_254 = tpu.memref_slice %arg4[%select_n3A, %add3A_249, %dma_start3A_253] : memref<8x128x16384xf32, #tpu.memory_space<hbm>> -> memref<1x1x16384xf32, #tpu.memory_space<hbm>>
          %dma_start3A_255 = tpu.memref_squeeze %dma_start3A_254 : memref<1x1x16384xf32, #tpu.memory_space<hbm>> -> memref<16384xf32, #tpu.memory_space<hbm>>
          tpu.enqueue_dma source(%dma_start3A_255 : memref<16384xf32, #tpu.memory_space<hbm>>) target(%arg13 : memref<16384xf32, #tpu.memory_space<vmem>>) target_semaphore(%arg21 : memref<!tpu.dma_semaphore, #tpu.memory_space<semaphore_mem>>)
        } else {
        }
        %ge3A_227 = arith.constant 16 : i32
        %ge3A_228 = arith.cmpi sge, %add3A_221, %ge3A_227 : i32
        %convert_element_type3A_229 = arith.extui %ge3A_228 : i1 to i32
        %cond3A_230 = arith.constant 0 : i32
        %cond3A_231 = arith.cmpi ne, %convert_element_type3A_229, %cond3A_230 : i32
        scf.if %cond3A_231 {
          %mul3A_232 = arith.constant 16 : i32
          %mul3A_233 = arith.muli %select_n3A_30, %mul3A_232 : i32
          %sub3A_234 = arith.constant 16 : i32
          %sub3A_235 = arith.subi %add3A_221, %sub3A_234 : i32
          %mul3A_236 = arith.constant 2 : i32
          %mul3A_237 = arith.muli %mul3A_236, %sub3A_235 : i32
          %add3A_238 = arith.addi %mul3A_233, %mul3A_237 : i32
          %dma_start3A_239 = arith.constant 0 : i32
          %dma_start3A_240 = tpu.memref_slice %arg3[%select_n3A, %add3A_238, %dma_start3A_239] : memref<8x64x16384xf32, #tpu.memory_space<hbm>> -> memref<1x1x16384xf32, #tpu.memory_space<hbm>>
          %dma_start3A_241 = tpu.memref_squeeze %dma_start3A_240 : memref<1x1x16384xf32, #tpu.memory_space<hbm>> -> memref<16384xf32, #tpu.memory_space<hbm>>
          %dma_start3A_242 = arith.constant 0 : i32
          %dma_start3A_243 = tpu.memref_slice %arg3[%select_n3A, %add3A_238, %dma_start3A_242] : memref<8x64x16384xf32, #tpu.memory_space<hbm>> -> memref<1x1x16384xf32, #tpu.memory_space<hbm>>
          %dma_start3A_244 = tpu.memref_squeeze %dma_start3A_243 : memref<1x1x16384xf32, #tpu.memory_space<hbm>> -> memref<16384xf32, #tpu.memory_space<hbm>>
          tpu.enqueue_dma source(%dma_start3A_244 : memref<16384xf32, #tpu.memory_space<hbm>>) target(%arg12 : memref<16384xf32, #tpu.memory_space<vmem>>) target_semaphore(%arg20 : memref<!tpu.dma_semaphore, #tpu.memory_space<semaphore_mem>>)
          %mul3A_245 = arith.constant 16 : i32
          %mul3A_246 = arith.muli %select_n3A_30, %mul3A_245 : i32
          %sub3A_247 = arith.constant 16 : i32
          %sub3A_248 = arith.subi %add3A_221, %sub3A_247 : i32
          %mul3A_249 = arith.constant 2 : i32
          %mul3A_250 = arith.muli %mul3A_249, %sub3A_248 : i32
          %add3A_251 = arith.addi %mul3A_246, %mul3A_250 : i32
          %add3A_252 = arith.constant 1 : i32
          %add3A_253 = arith.addi %add3A_251, %add3A_252 : i32
          %dma_start3A_254 = arith.constant 0 : i32
          %dma_start3A_255 = tpu.memref_slice %arg3[%select_n3A, %add3A_253, %dma_start3A_254] : memref<8x64x16384xf32, #tpu.memory_space<hbm>> -> memref<1x1x16384xf32, #tpu.memory_space<hbm>>
          %dma_start3A_256 = tpu.memref_squeeze %dma_start3A_255 : memref<1x1x16384xf32, #tpu.memory_space<hbm>> -> memref<16384xf32, #tpu.memory_space<hbm>>
          %dma_start3A_257 = arith.constant 0 : i32
          %dma_start3A_258 = tpu.memref_slice %arg3[%select_n3A, %add3A_253, %dma_start3A_257] : memref<8x64x16384xf32, #tpu.memory_space<hbm>> -> memref<1x1x16384xf32, #tpu.memory_space<hbm>>
          %dma_start3A_259 = tpu.memref_squeeze %dma_start3A_258 : memref<1x1x16384xf32, #tpu.memory_space<hbm>> -> memref<16384xf32, #tpu.memory_space<hbm>>
          tpu.enqueue_dma source(%dma_start3A_259 : memref<16384xf32, #tpu.memory_space<hbm>>) target(%arg13 : memref<16384xf32, #tpu.memory_space<vmem>>) target_semaphore(%arg21 : memref<!tpu.dma_semaphore, #tpu.memory_space<semaphore_mem>>)
        } else {
        }
      } else {
      }
      %mul3A_167 = arith.constant 2 : i32
      %mul3A_168 = arith.muli %scan3A_114, %mul3A_167 : i32
      %add3A_169 = arith.constant 1 : i32
      %add3A_170 = arith.addi %mul3A_168, %add3A_169 : i32
      %dma_wait3A_171 = arith.constant 0 : i32
      %dma_wait3A_172 = arith.constant 0 : i32
      %dma_wait3A_173 = arith.constant 0 : i32
      %dma_wait3A_174 = tpu.memref_slice %arg4[%dma_wait3A_171, %dma_wait3A_172, %dma_wait3A_173] : memref<8x128x16384xf32, #tpu.memory_space<hbm>> -> memref<1x1x16384xf32, #tpu.memory_space<hbm>>
      %dma_wait3A_175 = tpu.memref_squeeze %dma_wait3A_174 : memref<1x1x16384xf32, #tpu.memory_space<hbm>> -> memref<16384xf32, #tpu.memory_space<hbm>>
      %dma_wait3A_176 = arith.constant 0 : i32
      %dma_wait3A_177 = tpu.memref_slice %arg4[%dma_wait3A_171, %dma_wait3A_172, %dma_wait3A_176] : memref<8x128x16384xf32, #tpu.memory_space<hbm>> -> memref<1x1x16384xf32, #tpu.memory_space<hbm>>
      %dma_wait3A_178 = tpu.memref_squeeze %dma_wait3A_177 : memref<1x1x16384xf32, #tpu.memory_space<hbm>> -> memref<16384xf32, #tpu.memory_space<hbm>>
      tpu.wait_dma2 semaphore(%arg22 : memref<!tpu.dma_semaphore, #tpu.memory_space<semaphore_mem>>) src(%dma_wait3A_178 : memref<16384xf32, #tpu.memory_space<hbm>>) dst(%arg14 : memref<16384xf32, #tpu.memory_space<vmem>>)
      %dma_wait3A_179 = arith.constant 0 : i32
      %dma_wait3A_180 = arith.constant 0 : i32
      %dma_wait3A_181 = arith.constant 0 : i32
      %dma_wait3A_182 = tpu.memref_slice %arg4[%dma_wait3A_179, %dma_wait3A_180, %dma_wait3A_181] : memref<8x128x16384xf32, #tpu.memory_space<hbm>> -> memref<1x1x16384xf32, #tpu.memory_space<hbm>>
      %dma_wait3A_183 = tpu.memref_squeeze %dma_wait3A_182 : memref<1x1x16384xf32, #tpu.memory_space<hbm>> -> memref<16384xf32, #tpu.memory_space<hbm>>
      %dma_wait3A_184 = arith.constant 0 : i32
      %dma_wait3A_185 = tpu.memref_slice %arg4[%dma_wait3A_179, %dma_wait3A_180, %dma_wait3A_184] : memref<8x128x16384xf32, #tpu.memory_space<hbm>> -> memref<1x1x16384xf32, #tpu.memory_space<hbm>>
      %dma_wait3A_186 = tpu.memref_squeeze %dma_wait3A_185 : memref<1x1x16384xf32, #tpu.memory_space<hbm>> -> memref<16384xf32, #tpu.memory_space<hbm>>
      tpu.wait_dma2 semaphore(%arg23 : memref<!tpu.dma_semaphore, #tpu.memory_space<semaphore_mem>>) src(%dma_wait3A_186 : memref<16384xf32, #tpu.memory_space<hbm>>) dst(%arg15 : memref<16384xf32, #tpu.memory_space<vmem>>)
      %ge3A_187 = arith.constant 2 : i32
      %ge3A_188 = arith.cmpi sge, %add3A_170, %ge3A_187 : i32
      %convert_element_type3A_189 = arith.extui %ge3A_188 : i1 to i32
      %cond3A_190 = arith.constant 0 : i32
      %cond3A_191 = arith.cmpi ne, %convert_element_type3A_189, %cond3A_190 : i32
      scf.if %cond3A_191 {
        %dma_wait3A_220 = arith.constant 0 : i32
        %dma_wait3A_221 = arith.constant 0 : i32
        %dma_wait3A_222 = arith.constant 0 : i32
        %dma_wait3A_223 = tpu.memref_slice %arg9[%dma_wait3A_220, %dma_wait3A_221, %dma_wait3A_222] : memref<8x128x8192xf32, #tpu.memory_space<hbm>> -> memref<1x1x8192xf32, #tpu.memory_space<hbm>>
        %dma_wait3A_224 = tpu.memref_squeeze %dma_wait3A_223 : memref<1x1x8192xf32, #tpu.memory_space<hbm>> -> memref<8192xf32, #tpu.memory_space<hbm>>
        %dma_wait3A_225 = arith.constant 0 : i32
        %dma_wait3A_226 = tpu.memref_slice %arg9[%dma_wait3A_220, %dma_wait3A_221, %dma_wait3A_225] : memref<8x128x8192xf32, #tpu.memory_space<hbm>> -> memref<1x1x8192xf32, #tpu.memory_space<hbm>>
        %dma_wait3A_227 = tpu.memref_squeeze %dma_wait3A_226 : memref<1x1x8192xf32, #tpu.memory_space<hbm>> -> memref<8192xf32, #tpu.memory_space<hbm>>
        tpu.wait_dma2 semaphore(%arg26 : memref<!tpu.dma_semaphore, #tpu.memory_space<semaphore_mem>>) src(%arg18 : memref<8192xf32, #tpu.memory_space<vmem>>) dst(%dma_wait3A_227 : memref<8192xf32, #tpu.memory_space<hbm>>)
        %dma_wait3A_228 = arith.constant 0 : i32
        %dma_wait3A_229 = arith.constant 0 : i32
        %dma_wait3A_230 = arith.constant 0 : i32
        %dma_wait3A_231 = tpu.memref_slice %arg9[%dma_wait3A_228, %dma_wait3A_229, %dma_wait3A_230] : memref<8x128x8192xf32, #tpu.memory_space<hbm>> -> memref<1x1x8192xf32, #tpu.memory_space<hbm>>
        %dma_wait3A_232 = tpu.memref_squeeze %dma_wait3A_231 : memref<1x1x8192xf32, #tpu.memory_space<hbm>> -> memref<8192xf32, #tpu.memory_space<hbm>>
        %dma_wait3A_233 = arith.constant 0 : i32
        %dma_wait3A_234 = tpu.memref_slice %arg9[%dma_wait3A_228, %dma_wait3A_229, %dma_wait3A_233] : memref<8x128x8192xf32, #tpu.memory_space<hbm>> -> memref<1x1x8192xf32, #tpu.memory_space<hbm>>
        %dma_wait3A_235 = tpu.memref_squeeze %dma_wait3A_234 : memref<1x1x8192xf32, #tpu.memory_space<hbm>> -> memref<8192xf32, #tpu.memory_space<hbm>>
        tpu.wait_dma2 semaphore(%arg27 : memref<!tpu.dma_semaphore, #tpu.memory_space<semaphore_mem>>) src(%arg19 : memref<8192xf32, #tpu.memory_space<vmem>>) dst(%dma_wait3A_235 : memref<8192xf32, #tpu.memory_space<hbm>>)
      } else {
      }
      %lt3A_192 = arith.constant 16 : i32
      %lt3A_193 = arith.cmpi slt, %add3A_170, %lt3A_192 : i32
      %convert_element_type3A_194 = arith.extui %lt3A_193 : i1 to i32
      %cond3A_195 = arith.constant 0 : i32
      %cond3A_196 = arith.cmpi ne, %convert_element_type3A_194, %cond3A_195 : i32
      scf.if %cond3A_196 {
        %parallel_loop3A = arith.constant 0 : i32
        %parallel_loop3A_220 = arith.constant 512 : i32
        %parallel_loop3A_221 = arith.constant 1 : i32
        scf.for %parallel_loop3A_222 = %parallel_loop3A to %parallel_loop3A_220 step %parallel_loop3A_221  : i32 {
          %parallel_loop3A_223 = arith.constant 16 : i32
          %parallel_loop3A_224 = arith.muli %parallel_loop3A_222, %parallel_loop3A_223 : i32
          %parallel_loop3A_225 = arith.index_cast %parallel_loop3A_224 : i32 to index
          %parallel_loop3A_226 = tpu.vector_load %arg10[%parallel_loop3A_225] {strides = array<i32>} : memref<8192xi32, #tpu.memory_space<vmem>>, vector<16xi32>,
          %parallel_loop3A_227 = tpu.vector_load_idx %arg14[%parallel_loop3A_226] : memref<16384xf32, #tpu.memory_space<vmem>>[vector<16xi32>], vector<16xf32>,
          %parallel_loop3A_228 = tpu.vector_load_idx %arg15[%parallel_loop3A_226] : memref<16384xf32, #tpu.memory_space<vmem>>[vector<16xi32>], vector<16xf32>,
          %parallel_loop3A_229 = arith.index_cast %parallel_loop3A_224 : i32 to index
          %parallel_loop3A_230 = tpu.vector_load %arg11[%parallel_loop3A_229] {strides = array<i32>} : memref<8192xf32, #tpu.memory_space<vmem>>, vector<16xf32>,
          %parallel_loop3A_231 = arith.mulf %parallel_loop3A_227, %parallel_loop3A_230 : vector<16xf32>
          %parallel_loop3A_232 = arith.mulf %parallel_loop3A_228, %parallel_loop3A_230 : vector<16xf32>
          %parallel_loop3A_233 = arith.index_cast %parallel_loop3A_224 : i32 to index
          %parallel_loop3A_234 = tpu.vector_load %arg18[%parallel_loop3A_233] {strides = array<i32>} : memref<8192xf32, #tpu.memory_space<vmem>>, vector<16xf32>,
          tpu.vector_store %arg18[%parallel_loop3A_233], %parallel_loop3A_231 {strides = array<i32>} : memref<8192xf32, #tpu.memory_space<vmem>>, vector<16xf32>,
          %parallel_loop3A_235 = arith.index_cast %parallel_loop3A_224 : i32 to index
          %parallel_loop3A_236 = tpu.vector_load %arg19[%parallel_loop3A_235] {strides = array<i32>} : memref<8192xf32, #tpu.memory_space<vmem>>, vector<16xf32>,
          tpu.vector_store %arg19[%parallel_loop3A_235], %parallel_loop3A_232 {strides = array<i32>} : memref<8192xf32, #tpu.memory_space<vmem>>, vector<16xf32>,
        } {sc.loop_unroll_factor = 4 : i64, sc.parallel_access}
      } else {
      }
      %ge3A_197 = arith.constant 16 : i32
      %ge3A_198 = arith.cmpi sge, %add3A_170, %ge3A_197 : i32
      %convert_element_type3A_199 = arith.extui %ge3A_198 : i1 to i32
      %cond3A_200 = arith.constant 0 : i32
      %cond3A_201 = arith.cmpi ne, %convert_element_type3A_199, %cond3A_200 : i32
      scf.if %cond3A_201 {
        %parallel_loop3A = arith.constant 0 : i32
        %parallel_loop3A_220 = arith.constant 512 : i32
        %parallel_loop3A_221 = arith.constant 1 : i32
        scf.for %parallel_loop3A_222 = %parallel_loop3A to %parallel_loop3A_220 step %parallel_loop3A_221  : i32 {
          %parallel_loop3A_223 = arith.constant 16 : i32
          %parallel_loop3A_224 = arith.muli %parallel_loop3A_222, %parallel_loop3A_223 : i32
          %parallel_loop3A_225 = arith.index_cast %parallel_loop3A_224 : i32 to index
          %parallel_loop3A_226 = tpu.vector_load %arg10[%parallel_loop3A_225] {strides = array<i32>} : memref<8192xi32, #tpu.memory_space<vmem>>, vector<16xi32>,
          %parallel_loop3A_227 = tpu.vector_load_idx %arg14[%parallel_loop3A_226] : memref<16384xf32, #tpu.memory_space<vmem>>[vector<16xi32>], vector<16xf32>,
          %parallel_loop3A_228 = tpu.vector_load_idx %arg15[%parallel_loop3A_226] : memref<16384xf32, #tpu.memory_space<vmem>>[vector<16xi32>], vector<16xf32>,
          %parallel_loop3A_229 = arith.index_cast %parallel_loop3A_224 : i32 to index
          %parallel_loop3A_230 = tpu.vector_load %arg18[%parallel_loop3A_229] {strides = array<i32>} : memref<8192xf32, #tpu.memory_space<vmem>>, vector<16xf32>,
          tpu.vector_store %arg18[%parallel_loop3A_229], %parallel_loop3A_227 {strides = array<i32>} : memref<8192xf32, #tpu.memory_space<vmem>>, vector<16xf32>,
          %parallel_loop3A_231 = arith.index_cast %parallel_loop3A_224 : i32 to index
          %parallel_loop3A_232 = tpu.vector_load %arg19[%parallel_loop3A_231] {strides = array<i32>} : memref<8192xf32, #tpu.memory_space<vmem>>, vector<16xf32>,
          tpu.vector_store %arg19[%parallel_loop3A_231], %parallel_loop3A_228 {strides = array<i32>} : memref<8192xf32, #tpu.memory_space<vmem>>, vector<16xf32>,
        } {sc.loop_unroll_factor = 4 : i64, sc.parallel_access}
      } else {
      }
      %lt3A_202 = arith.constant 16 : i32
      %lt3A_203 = arith.cmpi slt, %add3A_170, %lt3A_202 : i32
      %convert_element_type3A_204 = arith.extui %lt3A_203 : i1 to i32
      %cond3A_205 = arith.constant 0 : i32
      %cond3A_206 = arith.cmpi ne, %convert_element_type3A_204, %cond3A_205 : i32
      scf.if %cond3A_206 {
        %mul3A_220 = arith.constant 32 : i32
        %mul3A_221 = arith.muli %select_n3A_30, %mul3A_220 : i32
        %mul3A_222 = arith.constant 2 : i32
        %mul3A_223 = arith.muli %mul3A_222, %add3A_170 : i32
        %add3A_224 = arith.addi %mul3A_221, %mul3A_223 : i32
        %dma_start3A_225 = arith.constant 0 : i32
        %dma_start3A_226 = tpu.memref_slice %arg9[%select_n3A, %add3A_224, %dma_start3A_225] : memref<8x128x8192xf32, #tpu.memory_space<hbm>> -> memref<1x1x8192xf32, #tpu.memory_space<hbm>>
        %dma_start3A_227 = tpu.memref_squeeze %dma_start3A_226 : memref<1x1x8192xf32, #tpu.memory_space<hbm>> -> memref<8192xf32, #tpu.memory_space<hbm>>
        %dma_start3A_228 = arith.constant 0 : i32
        %dma_start3A_229 = tpu.memref_slice %arg9[%select_n3A, %add3A_224, %dma_start3A_228] : memref<8x128x8192xf32, #tpu.memory_space<hbm>> -> memref<1x1x8192xf32, #tpu.memory_space<hbm>>
        %dma_start3A_230 = tpu.memref_squeeze %dma_start3A_229 : memref<1x1x8192xf32, #tpu.memory_space<hbm>> -> memref<8192xf32, #tpu.memory_space<hbm>>
        tpu.enqueue_dma source(%arg18 : memref<8192xf32, #tpu.memory_space<vmem>>) target(%dma_start3A_230 : memref<8192xf32, #tpu.memory_space<hbm>>) target_semaphore(%arg26 : memref<!tpu.dma_semaphore, #tpu.memory_space<semaphore_mem>>)
        %mul3A_231 = arith.constant 32 : i32
        %mul3A_232 = arith.muli %select_n3A_30, %mul3A_231 : i32
        %mul3A_233 = arith.constant 2 : i32
        %mul3A_234 = arith.muli %mul3A_233, %add3A_170 : i32
        %add3A_235 = arith.addi %mul3A_232, %mul3A_234 : i32
        %add3A_236 = arith.constant 1 : i32
        %add3A_237 = arith.addi %add3A_235, %add3A_236 : i32
        %dma_start3A_238 = arith.constant 0 : i32
        %dma_start3A_239 = tpu.memref_slice %arg9[%select_n3A, %add3A_237, %dma_start3A_238] : memref<8x128x8192xf32, #tpu.memory_space<hbm>> -> memref<1x1x8192xf32, #tpu.memory_space<hbm>>
        %dma_start3A_240 = tpu.memref_squeeze %dma_start3A_239 : memref<1x1x8192xf32, #tpu.memory_space<hbm>> -> memref<8192xf32, #tpu.memory_space<hbm>>
        %dma_start3A_241 = arith.constant 0 : i32
        %dma_start3A_242 = tpu.memref_slice %arg9[%select_n3A, %add3A_237, %dma_start3A_241] : memref<8x128x8192xf32, #tpu.memory_space<hbm>> -> memref<1x1x8192xf32, #tpu.memory_space<hbm>>
        %dma_start3A_243 = tpu.memref_squeeze %dma_start3A_242 : memref<1x1x8192xf32, #tpu.memory_space<hbm>> -> memref<8192xf32, #tpu.memory_space<hbm>>
        tpu.enqueue_dma source(%arg19 : memref<8192xf32, #tpu.memory_space<vmem>>) target(%dma_start3A_243 : memref<8192xf32, #tpu.memory_space<hbm>>) target_semaphore(%arg27 : memref<!tpu.dma_semaphore, #tpu.memory_space<semaphore_mem>>)
      } else {
      }
      %ge3A_207 = arith.constant 16 : i32
      %ge3A_208 = arith.cmpi sge, %add3A_170, %ge3A_207 : i32
      %convert_element_type3A_209 = arith.extui %ge3A_208 : i1 to i32
      %cond3A_210 = arith.constant 0 : i32
      %cond3A_211 = arith.cmpi ne, %convert_element_type3A_209, %cond3A_210 : i32
      scf.if %cond3A_211 {
        %mul3A_220 = arith.constant 16 : i32
        %mul3A_221 = arith.muli %select_n3A_30, %mul3A_220 : i32
        %sub3A_222 = arith.constant 16 : i32
        %sub3A_223 = arith.subi %add3A_170, %sub3A_222 : i32
        %mul3A_224 = arith.constant 2 : i32
        %mul3A_225 = arith.muli %mul3A_224, %sub3A_223 : i32
        %add3A_226 = arith.addi %mul3A_221, %mul3A_225 : i32
        %dma_start3A_227 = arith.constant 0 : i32
        %dma_start3A_228 = tpu.memref_slice %arg8[%select_n3A, %add3A_226, %dma_start3A_227] : memref<8x64x8192xf32, #tpu.memory_space<hbm>> -> memref<1x1x8192xf32, #tpu.memory_space<hbm>>
        %dma_start3A_229 = tpu.memref_squeeze %dma_start3A_228 : memref<1x1x8192xf32, #tpu.memory_space<hbm>> -> memref<8192xf32, #tpu.memory_space<hbm>>
        %dma_start3A_230 = arith.constant 0 : i32
        %dma_start3A_231 = tpu.memref_slice %arg8[%select_n3A, %add3A_226, %dma_start3A_230] : memref<8x64x8192xf32, #tpu.memory_space<hbm>> -> memref<1x1x8192xf32, #tpu.memory_space<hbm>>
        %dma_start3A_232 = tpu.memref_squeeze %dma_start3A_231 : memref<1x1x8192xf32, #tpu.memory_space<hbm>> -> memref<8192xf32, #tpu.memory_space<hbm>>
        tpu.enqueue_dma source(%arg18 : memref<8192xf32, #tpu.memory_space<vmem>>) target(%dma_start3A_232 : memref<8192xf32, #tpu.memory_space<hbm>>) target_semaphore(%arg26 : memref<!tpu.dma_semaphore, #tpu.memory_space<semaphore_mem>>)
        %mul3A_233 = arith.constant 16 : i32
        %mul3A_234 = arith.muli %select_n3A_30, %mul3A_233 : i32
        %sub3A_235 = arith.constant 16 : i32
        %sub3A_236 = arith.subi %add3A_170, %sub3A_235 : i32
        %mul3A_237 = arith.constant 2 : i32
        %mul3A_238 = arith.muli %mul3A_237, %sub3A_236 : i32
        %add3A_239 = arith.addi %mul3A_234, %mul3A_238 : i32
        %add3A_240 = arith.constant 1 : i32
        %add3A_241 = arith.addi %add3A_239, %add3A_240 : i32
        %dma_start3A_242 = arith.constant 0 : i32
        %dma_start3A_243 = tpu.memref_slice %arg8[%select_n3A, %add3A_241, %dma_start3A_242] : memref<8x64x8192xf32, #tpu.memory_space<hbm>> -> memref<1x1x8192xf32, #tpu.memory_space<hbm>>
        %dma_start3A_244 = tpu.memref_squeeze %dma_start3A_243 : memref<1x1x8192xf32, #tpu.memory_space<hbm>> -> memref<8192xf32, #tpu.memory_space<hbm>>
        %dma_start3A_245 = arith.constant 0 : i32
        %dma_start3A_246 = tpu.memref_slice %arg8[%select_n3A, %add3A_241, %dma_start3A_245] : memref<8x64x8192xf32, #tpu.memory_space<hbm>> -> memref<1x1x8192xf32, #tpu.memory_space<hbm>>
        %dma_start3A_247 = tpu.memref_squeeze %dma_start3A_246 : memref<1x1x8192xf32, #tpu.memory_space<hbm>> -> memref<8192xf32, #tpu.memory_space<hbm>>
        tpu.enqueue_dma source(%arg19 : memref<8192xf32, #tpu.memory_space<vmem>>) target(%dma_start3A_247 : memref<8192xf32, #tpu.memory_space<hbm>>) target_semaphore(%arg27 : memref<!tpu.dma_semaphore, #tpu.memory_space<semaphore_mem>>)
      } else {
      }
      %add3A_212 = arith.constant 2 : i32
      %add3A_213 = arith.addi %add3A_170, %add3A_212 : i32
      %lt3A_214 = arith.constant 24 : i32
      %lt3A_215 = arith.cmpi slt, %add3A_213, %lt3A_214 : i32
      %convert_element_type3A_216 = arith.extui %lt3A_215 : i1 to i32
      %cond3A_217 = arith.constant 0 : i32
      %cond3A_218 = arith.cmpi ne, %convert_element_type3A_216, %cond3A_217 : i32
      scf.if %cond3A_218 {
        %add3A_220 = arith.constant 2 : i32
        %add3A_221 = arith.addi %add3A_170, %add3A_220 : i32
        %lt3A_222 = arith.constant 16 : i32
        %lt3A_223 = arith.cmpi slt, %add3A_221, %lt3A_222 : i32
        %convert_element_type3A_224 = arith.extui %lt3A_223 : i1 to i32
        %cond3A_225 = arith.constant 0 : i32
        %cond3A_226 = arith.cmpi ne, %convert_element_type3A_224, %cond3A_225 : i32
        scf.if %cond3A_226 {
          %mul3A_232 = arith.constant 32 : i32
          %mul3A_233 = arith.muli %select_n3A_30, %mul3A_232 : i32
          %mul3A_234 = arith.constant 2 : i32
          %mul3A_235 = arith.muli %mul3A_234, %add3A_221 : i32
          %add3A_236 = arith.addi %mul3A_233, %mul3A_235 : i32
          %dma_start3A_237 = arith.constant 0 : i32
          %dma_start3A_238 = tpu.memref_slice %arg4[%select_n3A, %add3A_236, %dma_start3A_237] : memref<8x128x16384xf32, #tpu.memory_space<hbm>> -> memref<1x1x16384xf32, #tpu.memory_space<hbm>>
          %dma_start3A_239 = tpu.memref_squeeze %dma_start3A_238 : memref<1x1x16384xf32, #tpu.memory_space<hbm>> -> memref<16384xf32, #tpu.memory_space<hbm>>
          %dma_start3A_240 = arith.constant 0 : i32
          %dma_start3A_241 = tpu.memref_slice %arg4[%select_n3A, %add3A_236, %dma_start3A_240] : memref<8x128x16384xf32, #tpu.memory_space<hbm>> -> memref<1x1x16384xf32, #tpu.memory_space<hbm>>
          %dma_start3A_242 = tpu.memref_squeeze %dma_start3A_241 : memref<1x1x16384xf32, #tpu.memory_space<hbm>> -> memref<16384xf32, #tpu.memory_space<hbm>>
          tpu.enqueue_dma source(%dma_start3A_242 : memref<16384xf32, #tpu.memory_space<hbm>>) target(%arg14 : memref<16384xf32, #tpu.memory_space<vmem>>) target_semaphore(%arg22 : memref<!tpu.dma_semaphore, #tpu.memory_space<semaphore_mem>>)
          %mul3A_243 = arith.constant 32 : i32
          %mul3A_244 = arith.muli %select_n3A_30, %mul3A_243 : i32
          %mul3A_245 = arith.constant 2 : i32
          %mul3A_246 = arith.muli %mul3A_245, %add3A_221 : i32
          %add3A_247 = arith.addi %mul3A_244, %mul3A_246 : i32
          %add3A_248 = arith.constant 1 : i32
          %add3A_249 = arith.addi %add3A_247, %add3A_248 : i32
          %dma_start3A_250 = arith.constant 0 : i32
          %dma_start3A_251 = tpu.memref_slice %arg4[%select_n3A, %add3A_249, %dma_start3A_250] : memref<8x128x16384xf32, #tpu.memory_space<hbm>> -> memref<1x1x16384xf32, #tpu.memory_space<hbm>>
          %dma_start3A_252 = tpu.memref_squeeze %dma_start3A_251 : memref<1x1x16384xf32, #tpu.memory_space<hbm>> -> memref<16384xf32, #tpu.memory_space<hbm>>
          %dma_start3A_253 = arith.constant 0 : i32
          %dma_start3A_254 = tpu.memref_slice %arg4[%select_n3A, %add3A_249, %dma_start3A_253] : memref<8x128x16384xf32, #tpu.memory_space<hbm>> -> memref<1x1x16384xf32, #tpu.memory_space<hbm>>
          %dma_start3A_255 = tpu.memref_squeeze %dma_start3A_254 : memref<1x1x16384xf32, #tpu.memory_space<hbm>> -> memref<16384xf32, #tpu.memory_space<hbm>>
          tpu.enqueue_dma source(%dma_start3A_255 : memref<16384xf32, #tpu.memory_space<hbm>>) target(%arg15 : memref<16384xf32, #tpu.memory_space<vmem>>) target_semaphore(%arg23 : memref<!tpu.dma_semaphore, #tpu.memory_space<semaphore_mem>>)
        } else {
        }
        %ge3A_227 = arith.constant 16 : i32
        %ge3A_228 = arith.cmpi sge, %add3A_221, %ge3A_227 : i32
        %convert_element_type3A_229 = arith.extui %ge3A_228 : i1 to i32
        %cond3A_230 = arith.constant 0 : i32
        %cond3A_231 = arith.cmpi ne, %convert_element_type3A_229, %cond3A_230 : i32
        scf.if %cond3A_231 {
          %mul3A_232 = arith.constant 16 : i32
          %mul3A_233 = arith.muli %select_n3A_30, %mul3A_232 : i32
          %sub3A_234 = arith.constant 16 : i32
          %sub3A_235 = arith.subi %add3A_221, %sub3A_234 : i32
          %mul3A_236 = arith.constant 2 : i32
          %mul3A_237 = arith.muli %mul3A_236, %sub3A_235 : i32
          %add3A_238 = arith.addi %mul3A_233, %mul3A_237 : i32
          %dma_start3A_239 = arith.constant 0 : i32
          %dma_start3A_240 = tpu.memref_slice %arg3[%select_n3A, %add3A_238, %dma_start3A_239] : memref<8x64x16384xf32, #tpu.memory_space<hbm>> -> memref<1x1x16384xf32, #tpu.memory_space<hbm>>
          %dma_start3A_241 = tpu.memref_squeeze %dma_start3A_240 : memref<1x1x16384xf32, #tpu.memory_space<hbm>> -> memref<16384xf32, #tpu.memory_space<hbm>>
          %dma_start3A_242 = arith.constant 0 : i32
          %dma_start3A_243 = tpu.memref_slice %arg3[%select_n3A, %add3A_238, %dma_start3A_242] : memref<8x64x16384xf32, #tpu.memory_space<hbm>> -> memref<1x1x16384xf32, #tpu.memory_space<hbm>>
          %dma_start3A_244 = tpu.memref_squeeze %dma_start3A_243 : memref<1x1x16384xf32, #tpu.memory_space<hbm>> -> memref<16384xf32, #tpu.memory_space<hbm>>
          tpu.enqueue_dma source(%dma_start3A_244 : memref<16384xf32, #tpu.memory_space<hbm>>) target(%arg14 : memref<16384xf32, #tpu.memory_space<vmem>>) target_semaphore(%arg22 : memref<!tpu.dma_semaphore, #tpu.memory_space<semaphore_mem>>)
          %mul3A_245 = arith.constant 16 : i32
          %mul3A_246 = arith.muli %select_n3A_30, %mul3A_245 : i32
          %sub3A_247 = arith.constant 16 : i32
          %sub3A_248 = arith.subi %add3A_221, %sub3A_247 : i32
          %mul3A_249 = arith.constant 2 : i32
          %mul3A_250 = arith.muli %mul3A_249, %sub3A_248 : i32
          %add3A_251 = arith.addi %mul3A_246, %mul3A_250 : i32
          %add3A_252 = arith.constant 1 : i32
          %add3A_253 = arith.addi %add3A_251, %add3A_252 : i32
          %dma_start3A_254 = arith.constant 0 : i32
          %dma_start3A_255 = tpu.memref_slice %arg3[%select_n3A, %add3A_253, %dma_start3A_254] : memref<8x64x16384xf32, #tpu.memory_space<hbm>> -> memref<1x1x16384xf32, #tpu.memory_space<hbm>>
          %dma_start3A_256 = tpu.memref_squeeze %dma_start3A_255 : memref<1x1x16384xf32, #tpu.memory_space<hbm>> -> memref<16384xf32, #tpu.memory_space<hbm>>
          %dma_start3A_257 = arith.constant 0 : i32
          %dma_start3A_258 = tpu.memref_slice %arg3[%select_n3A, %add3A_253, %dma_start3A_257] : memref<8x64x16384xf32, #tpu.memory_space<hbm>> -> memref<1x1x16384xf32, #tpu.memory_space<hbm>>
          %dma_start3A_259 = tpu.memref_squeeze %dma_start3A_258 : memref<1x1x16384xf32, #tpu.memory_space<hbm>> -> memref<16384xf32, #tpu.memory_space<hbm>>
          tpu.enqueue_dma source(%dma_start3A_259 : memref<16384xf32, #tpu.memory_space<hbm>>) target(%arg15 : memref<16384xf32, #tpu.memory_space<vmem>>) target_semaphore(%arg23 : memref<!tpu.dma_semaphore, #tpu.memory_space<semaphore_mem>>)
        } else {
        }
      } else {
      }
      %scan3A_219 = arith.constant 0 : i32
      scf.yield %scan3A_219 : i32
    }
    %scan3A_79 = arith.constant 12 : i32
    %dma_wait3A = arith.constant 0 : i32
    %dma_wait3A_80 = arith.constant 0 : i32
    %dma_wait3A_81 = arith.constant 0 : i32
    %dma_wait3A_82 = tpu.memref_slice %arg9[%dma_wait3A, %dma_wait3A_80, %dma_wait3A_81] : memref<8x128x8192xf32, #tpu.memory_space<hbm>> -> memref<1x1x8192xf32, #tpu.memory_space<hbm>>
    %dma_wait3A_83 = tpu.memref_squeeze %dma_wait3A_82 : memref<1x1x8192xf32, #tpu.memory_space<hbm>> -> memref<8192xf32, #tpu.memory_space<hbm>>
    %dma_wait3A_84 = arith.constant 0 : i32
    %dma_wait3A_85 = tpu.memref_slice %arg9[%dma_wait3A, %dma_wait3A_80, %dma_wait3A_84] : memref<8x128x8192xf32, #tpu.memory_space<hbm>> -> memref<1x1x8192xf32, #tpu.memory_space<hbm>>
    %dma_wait3A_86 = tpu.memref_squeeze %dma_wait3A_85 : memref<1x1x8192xf32, #tpu.memory_space<hbm>> -> memref<8192xf32, #tpu.memory_space<hbm>>
    tpu.wait_dma2 semaphore(%arg24 : memref<!tpu.dma_semaphore, #tpu.memory_space<semaphore_mem>>) src(%arg16 : memref<8192xf32, #tpu.memory_space<vmem>>) dst(%dma_wait3A_86 : memref<8192xf32, #tpu.memory_space<hbm>>)
    %dma_wait3A_87 = arith.constant 0 : i32
    %dma_wait3A_88 = arith.constant 0 : i32
    %dma_wait3A_89 = arith.constant 0 : i32
    %dma_wait3A_90 = tpu.memref_slice %arg9[%dma_wait3A_87, %dma_wait3A_88, %dma_wait3A_89] : memref<8x128x8192xf32, #tpu.memory_space<hbm>> -> memref<1x1x8192xf32, #tpu.memory_space<hbm>>
    %dma_wait3A_91 = tpu.memref_squeeze %dma_wait3A_90 : memref<1x1x8192xf32, #tpu.memory_space<hbm>> -> memref<8192xf32, #tpu.memory_space<hbm>>
    %dma_wait3A_92 = arith.constant 0 : i32
    %dma_wait3A_93 = tpu.memref_slice %arg9[%dma_wait3A_87, %dma_wait3A_88, %dma_wait3A_92] : memref<8x128x8192xf32, #tpu.memory_space<hbm>> -> memref<1x1x8192xf32, #tpu.memory_space<hbm>>
    %dma_wait3A_94 = tpu.memref_squeeze %dma_wait3A_93 : memref<1x1x8192xf32, #tpu.memory_space<hbm>> -> memref<8192xf32, #tpu.memory_space<hbm>>
    tpu.wait_dma2 semaphore(%arg25 : memref<!tpu.dma_semaphore, #tpu.memory_space<semaphore_mem>>) src(%arg17 : memref<8192xf32, #tpu.memory_space<vmem>>) dst(%dma_wait3A_94 : memref<8192xf32, #tpu.memory_space<hbm>>)
    %dma_wait3A_95 = arith.constant 0 : i32
    %dma_wait3A_96 = arith.constant 0 : i32
    %dma_wait3A_97 = arith.constant 0 : i32
    %dma_wait3A_98 = tpu.memref_slice %arg9[%dma_wait3A_95, %dma_wait3A_96, %dma_wait3A_97] : memref<8x128x8192xf32, #tpu.memory_space<hbm>> -> memref<1x1x8192xf32, #tpu.memory_space<hbm>>
    %dma_wait3A_99 = tpu.memref_squeeze %dma_wait3A_98 : memref<1x1x8192xf32, #tpu.memory_space<hbm>> -> memref<8192xf32, #tpu.memory_space<hbm>>
    %dma_wait3A_100 = arith.constant 0 : i32
    %dma_wait3A_101 = tpu.memref_slice %arg9[%dma_wait3A_95, %dma_wait3A_96, %dma_wait3A_100] : memref<8x128x8192xf32, #tpu.memory_space<hbm>> -> memref<1x1x8192xf32, #tpu.memory_space<hbm>>
    %dma_wait3A_102 = tpu.memref_squeeze %dma_wait3A_101 : memref<1x1x8192xf32, #tpu.memory_space<hbm>> -> memref<8192xf32, #tpu.memory_space<hbm>>
    tpu.wait_dma2 semaphore(%arg26 : memref<!tpu.dma_semaphore, #tpu.memory_space<semaphore_mem>>) src(%arg18 : memref<8192xf32, #tpu.memory_space<vmem>>) dst(%dma_wait3A_102 : memref<8192xf32, #tpu.memory_space<hbm>>)
    %dma_wait3A_103 = arith.constant 0 : i32
    %dma_wait3A_104 = arith.constant 0 : i32
    %dma_wait3A_105 = arith.constant 0 : i32
    %dma_wait3A_106 = tpu.memref_slice %arg9[%dma_wait3A_103, %dma_wait3A_104, %dma_wait3A_105] : memref<8x128x8192xf32, #tpu.memory_space<hbm>> -> memref<1x1x8192xf32, #tpu.memory_space<hbm>>
    %dma_wait3A_107 = tpu.memref_squeeze %dma_wait3A_106 : memref<1x1x8192xf32, #tpu.memory_space<hbm>> -> memref<8192xf32, #tpu.memory_space<hbm>>
    %dma_wait3A_108 = arith.constant 0 : i32
    %dma_wait3A_109 = tpu.memref_slice %arg9[%dma_wait3A_103, %dma_wait3A_104, %dma_wait3A_108] : memref<8x128x8192xf32, #tpu.memory_space<hbm>> -> memref<1x1x8192xf32, #tpu.memory_space<hbm>>
    %dma_wait3A_110 = tpu.memref_squeeze %dma_wait3A_109 : memref<1x1x8192xf32, #tpu.memory_space<hbm>> -> memref<8192xf32, #tpu.memory_space<hbm>>
    tpu.wait_dma2 semaphore(%arg27 : memref<!tpu.dma_semaphore, #tpu.memory_space<semaphore_mem>>) src(%arg19 : memref<8192xf32, #tpu.memory_space<vmem>>) dst(%dma_wait3A_110 : memref<8192xf32, #tpu.memory_space<hbm>>)
    %lt3A_111 = arith.constant 3 : i32
    %lt3A_112 = arith.cmpi slt, %select_n3A_30, %lt3A_111 : i32
    %convert_element_type3A = arith.extui %lt3A_112 : i1 to i32
    %cond3A = arith.constant 0 : i32
    %cond3A_113 = arith.cmpi ne, %convert_element_type3A, %cond3A : i32
    scf.if %cond3A_113 {
      "tpu.region"() ({
        %run_scoped3A = tpu.sem_alloc : memref<!tpu.dma_semaphore, #tpu.memory_space<semaphore_mem>>
        %dma_start3A_116 = arith.constant 0 : i32
        %dma_start3A_117 = tpu.memref_slice %arg2[%select_n3A, %select_n3A_30, %dma_start3A_116] : memref<8x3x16384xf32, #tpu.memory_space<hbm>> -> memref<1x1x16384xf32, #tpu.memory_space<hbm>>
        %dma_start3A_118 = tpu.memref_squeeze %dma_start3A_117 : memref<1x1x16384xf32, #tpu.memory_space<hbm>> -> memref<16384xf32, #tpu.memory_space<hbm>>
        %dma_start3A_119 = arith.constant 0 : i32
        %dma_start3A_120 = tpu.memref_slice %arg2[%select_n3A, %select_n3A_30, %dma_start3A_119] : memref<8x3x16384xf32, #tpu.memory_space<hbm>> -> memref<1x1x16384xf32, #tpu.memory_space<hbm>>
        %dma_start3A_121 = tpu.memref_squeeze %dma_start3A_120 : memref<1x1x16384xf32, #tpu.memory_space<hbm>> -> memref<16384xf32, #tpu.memory_space<hbm>>
        tpu.enqueue_dma source(%dma_start3A_121 : memref<16384xf32, #tpu.memory_space<hbm>>) target(%arg12 : memref<16384xf32, #tpu.memory_space<vmem>>) target_semaphore(%run_scoped3A : memref<!tpu.dma_semaphore, #tpu.memory_space<semaphore_mem>>)
        %dma_wait3A_122 = arith.constant 0 : i32
        %dma_wait3A_123 = tpu.memref_slice %arg2[%select_n3A, %select_n3A_30, %dma_wait3A_122] : memref<8x3x16384xf32, #tpu.memory_space<hbm>> -> memref<1x1x16384xf32, #tpu.memory_space<hbm>>
        %dma_wait3A_124 = tpu.memref_squeeze %dma_wait3A_123 : memref<1x1x16384xf32, #tpu.memory_space<hbm>> -> memref<16384xf32, #tpu.memory_space<hbm>>
        %dma_wait3A_125 = arith.constant 0 : i32
        %dma_wait3A_126 = tpu.memref_slice %arg2[%select_n3A, %select_n3A_30, %dma_wait3A_125] : memref<8x3x16384xf32, #tpu.memory_space<hbm>> -> memref<1x1x16384xf32, #tpu.memory_space<hbm>>
        %dma_wait3A_127 = tpu.memref_squeeze %dma_wait3A_126 : memref<1x1x16384xf32, #tpu.memory_space<hbm>> -> memref<16384xf32, #tpu.memory_space<hbm>>
        tpu.wait_dma2 semaphore(%run_scoped3A : memref<!tpu.dma_semaphore, #tpu.memory_space<semaphore_mem>>) src(%dma_wait3A_127 : memref<16384xf32, #tpu.memory_space<hbm>>) dst(%arg12 : memref<16384xf32, #tpu.memory_space<vmem>>)
        tpu.yield
      }) : () -> ()
      %parallel_loop3A = arith.constant 0 : i32
      %parallel_loop3A_114 = arith.constant 512 : i32
      %parallel_loop3A_115 = arith.constant 1 : i32
      scf.for %parallel_loop3A_116 = %parallel_loop3A to %parallel_loop3A_114 step %parallel_loop3A_115  : i32 {
        %parallel_loop3A_117 = arith.constant 16 : i32
        %parallel_loop3A_118 = arith.muli %parallel_loop3A_116, %parallel_loop3A_117 : i32
        %parallel_loop3A_119 = arith.index_cast %parallel_loop3A_118 : i32 to index
        %parallel_loop3A_120 = tpu.vector_load %arg10[%parallel_loop3A_119] {strides = array<i32>} : memref<8192xi32, #tpu.memory_space<vmem>>, vector<16xi32>,
        %parallel_loop3A_121 = tpu.vector_load_idx %arg12[%parallel_loop3A_120] : memref<16384xf32, #tpu.memory_space<vmem>>[vector<16xi32>], vector<16xf32>,
        %parallel_loop3A_122 = arith.index_cast %parallel_loop3A_118 : i32 to index
        %parallel_loop3A_123 = tpu.vector_load %arg16[%parallel_loop3A_122] {strides = array<i32>} : memref<8192xf32, #tpu.memory_space<vmem>>, vector<16xf32>,
        tpu.vector_store %arg16[%parallel_loop3A_122], %parallel_loop3A_121 {strides = array<i32>} : memref<8192xf32, #tpu.memory_space<vmem>>, vector<16xf32>,
      } {sc.loop_unroll_factor = 4 : i64, sc.parallel_access}
      "tpu.region"() ({
        %run_scoped3A = tpu.sem_alloc : memref<!tpu.dma_semaphore, #tpu.memory_space<semaphore_mem>>
        %dma_start3A_116 = arith.constant 0 : i32
        %dma_start3A_117 = tpu.memref_slice %arg7[%select_n3A, %select_n3A_30, %dma_start3A_116] : memref<8x3x8192xf32, #tpu.memory_space<hbm>> -> memref<1x1x8192xf32, #tpu.memory_space<hbm>>
        %dma_start3A_118 = tpu.memref_squeeze %dma_start3A_117 : memref<1x1x8192xf32, #tpu.memory_space<hbm>> -> memref<8192xf32, #tpu.memory_space<hbm>>
        %dma_start3A_119 = arith.constant 0 : i32
        %dma_start3A_120 = tpu.memref_slice %arg7[%select_n3A, %select_n3A_30, %dma_start3A_119] : memref<8x3x8192xf32, #tpu.memory_space<hbm>> -> memref<1x1x8192xf32, #tpu.memory_space<hbm>>
        %dma_start3A_121 = tpu.memref_squeeze %dma_start3A_120 : memref<1x1x8192xf32, #tpu.memory_space<hbm>> -> memref<8192xf32, #tpu.memory_space<hbm>>
        tpu.enqueue_dma source(%arg16 : memref<8192xf32, #tpu.memory_space<vmem>>) target(%dma_start3A_121 : memref<8192xf32, #tpu.memory_space<hbm>>) target_semaphore(%run_scoped3A : memref<!tpu.dma_semaphore, #tpu.memory_space<semaphore_mem>>)
        %dma_wait3A_122 = arith.constant 0 : i32
        %dma_wait3A_123 = tpu.memref_slice %arg7[%select_n3A, %select_n3A_30, %dma_wait3A_122] : memref<8x3x8192xf32, #tpu.memory_space<hbm>> -> memref<1x1x8192xf32, #tpu.memory_space<hbm>>
        %dma_wait3A_124 = tpu.memref_squeeze %dma_wait3A_123 : memref<1x1x8192xf32, #tpu.memory_space<hbm>> -> memref<8192xf32, #tpu.memory_space<hbm>>
        %dma_wait3A_125 = arith.constant 0 : i32
        %dma_wait3A_126 = tpu.memref_slice %arg7[%select_n3A, %select_n3A_30, %dma_wait3A_125] : memref<8x3x8192xf32, #tpu.memory_space<hbm>> -> memref<1x1x8192xf32, #tpu.memory_space<hbm>>
        %dma_wait3A_127 = tpu.memref_squeeze %dma_wait3A_126 : memref<1x1x8192xf32, #tpu.memory_space<hbm>> -> memref<8192xf32, #tpu.memory_space<hbm>>
        tpu.wait_dma2 semaphore(%run_scoped3A : memref<!tpu.dma_semaphore, #tpu.memory_space<semaphore_mem>>) src(%arg16 : memref<8192xf32, #tpu.memory_space<vmem>>) dst(%dma_wait3A_127 : memref<8192xf32, #tpu.memory_space<hbm>>)
        tpu.yield
      }) : () -> ()
    } else {
    }
    return
  }
}

module attributes {stable_mosaic.version = 14 : i64} {
  func.func @_score_body(%arg0: i32, %arg1: memref<1x128x16384xf32, #tpu.memory_space<vmem>>, %arg2: memref<32x128xf32, #tpu.memory_space<vmem>>, %arg3: memref<32xf32, #tpu.memory_space<vmem>>, %arg4: memref<1x32xf32, #tpu.memory_space<vmem>>, %arg5: memref<1x1x16384xf32, #tpu.memory_space<vmem>>) attributes {dimension_semantics = [#tpu.dimension_semantics<arbitrary>], iteration_bounds = array<i64: 8>, scalar_prefetch = 0 : i64, scratch_operands = 0 : i64, tpu.core_type = #tpu.core_type<tc>, window_params = [{transform_indices = @transform_0, window_bounds = array<i64: 1, 128, 16384>}, {pipeline_mode = #tpu.pipeline_mode<synchronous>, transform_indices = @transform_1, window_bounds = array<i64: 32, 128>}, {pipeline_mode = #tpu.pipeline_mode<synchronous>, transform_indices = @transform_2, window_bounds = array<i64: 32>}, {pipeline_mode = #tpu.pipeline_mode<synchronous>, transform_indices = @transform_3, window_bounds = array<i64: 1, 32>}, {transform_indices = @transform_4, window_bounds = array<i64: 1, 1, 16384>}]} {
    %get3A = arith.constant 0 : index
    %get3A_0 = arith.constant 0 : index
    %get3A_1 = arith.constant 0 : index
    %get3A_2 = vector.load %arg1[%get3A, %get3A_0, %get3A_1] : memref<1x128x16384xf32, #tpu.memory_space<vmem>>, vector<1x128x16384xf32>
    %get3A_3 = vector.shape_cast %get3A_2 : vector<1x128x16384xf32> to vector<128x16384xf32>
    %get3A_4 = arith.constant 0 : index
    %get3A_5 = arith.constant 0 : index
    %get3A_6 = vector.load %arg2[%get3A_4, %get3A_5] : memref<32x128xf32, #tpu.memory_space<vmem>>, vector<32x128xf32>
    %dot_general3A = arith.constant dense<0.000000e+00> : vector<32x16384xf32>
    %dot_general3A_7 = tpu.matmul %get3A_6, %get3A_3, %dot_general3A {dimension_numbers = #tpu.dot_dimension_numbers<[1], [0], [0], [1], [0, 0, 1, 1], [], []>, transpose_lhs_hint = false} : vector<32x128xf32>, vector<128x16384xf32>, vector<32x16384xf32> -> vector<32x16384xf32>
    %get3A_8 = arith.constant 0 : index
    %get3A_9 = vector.load %arg3[%get3A_8] : memref<32xf32, #tpu.memory_space<vmem>>, vector<32xf32>
    %broadcast_in_dim3A = vector.shape_cast %get3A_9 : vector<32xf32> to vector<32x1xf32>
    %add3A = vector.broadcast %broadcast_in_dim3A : vector<32x1xf32> to vector<32x16384xf32>
    %add3A_10 = arith.addf %dot_general3A_7, %add3A : vector<32x16384xf32>
    %max3A = arith.constant 0.000000e+00 : f32
    %max3A_11 = vector.broadcast %max3A : f32 to vector<32x16384xf32>
    %max3A_12 = arith.maximumf %add3A_10, %max3A_11 : vector<32x16384xf32>
    %get3A_13 = arith.constant 0 : index
    %get3A_14 = arith.constant 0 : index
    %get3A_15 = vector.load %arg4[%get3A_13, %get3A_14] : memref<1x32xf32, #tpu.memory_space<vmem>>, vector<1x32xf32>
    %dot_general3A_16 = arith.constant dense<0.000000e+00> : vector<1x16384xf32>
    %dot_general3A_17 = tpu.matmul %get3A_15, %max3A_12, %dot_general3A_16 {dimension_numbers = #tpu.dot_dimension_numbers<[1], [0], [0], [1], [0, 0, 1, 1], [], []>, transpose_lhs_hint = false} : vector<1x32xf32>, vector<32x16384xf32>, vector<1x16384xf32> -> vector<1x16384xf32>
    %logistic3A = arith.negf %dot_general3A_17 : vector<1x16384xf32>
    %logistic3A_18 = math.exp %logistic3A : vector<1x16384xf32>
    %logistic3A_19 = arith.constant 1.000000e+00 : f32
    %logistic3A_20 = vector.broadcast %logistic3A_19 : f32 to vector<1x16384xf32>
    %logistic3A_21 = arith.addf %logistic3A_20, %logistic3A_18 : vector<1x16384xf32>
    %logistic3A_22 = arith.divf %logistic3A_20, %logistic3A_21 : vector<1x16384xf32>
    %swap3A = arith.constant 0 : index
    %swap3A_23 = arith.constant 0 : index
    %swap3A_24 = arith.constant 0 : index
    %swap3A_25 = vector.load %arg5[%swap3A, %swap3A_23, %swap3A_24] : memref<1x1x16384xf32, #tpu.memory_space<vmem>>, vector<1x1x16384xf32>
    %swap3A_26 = vector.shape_cast %swap3A_25 : vector<1x1x16384xf32> to vector<1x16384xf32>
    %swap3A_27 = vector.shape_cast %logistic3A_22 : vector<1x16384xf32> to vector<1x1x16384xf32>
    tpu.vector_store %arg5[%swap3A, %swap3A_23, %swap3A_24], %swap3A_27 {strides = array<i32>} : memref<1x1x16384xf32, #tpu.memory_space<vmem>>, vector<1x1x16384xf32>,
    return
  }
  func.func @transform_0(%arg0: i32) -> (i32, i32, i32) {
    %c0_i32 = arith.constant 0 : i32
    %c0_i32_0 = arith.constant 0 : i32
    %c0_i32_1 = arith.constant 0 : i32
    return %arg0, %c0_i32, %c0_i32_0 : i32, i32, i32
  }
  func.func @transform_1(%arg0: i32) -> (i32, i32) {
    %c0_i32 = arith.constant 0 : i32
    %c0_i32_0 = arith.constant 0 : i32
    %c0_i32_1 = arith.constant 0 : i32
    return %c0_i32, %c0_i32_0 : i32, i32
  }
  func.func @transform_2(%arg0: i32) -> i32 {
    %c0_i32 = arith.constant 0 : i32
    %c0_i32_0 = arith.constant 0 : i32
    return %c0_i32 : i32
  }
  func.func @transform_3(%arg0: i32) -> (i32, i32) {
    %c0_i32 = arith.constant 0 : i32
    %c0_i32_0 = arith.constant 0 : i32
    %c0_i32_1 = arith.constant 0 : i32
    return %c0_i32, %c0_i32_0 : i32, i32
  }
  func.func @transform_4(%arg0: i32) -> (i32, i32, i32) {
    %c0_i32 = arith.constant 0 : i32
    %c0_i32_0 = arith.constant 0 : i32
    %c0_i32_1 = arith.constant 0 : i32
    return %arg0, %c0_i32, %c0_i32_0 : i32, i32, i32
  }
}

</mosaic_0001>

<sc_bundles>
// kernel: kernel.5.cloned.1.call-start
scs
__scs_entry_jumppad:
0x0: {  	(pc) =	sbr.rel $0x88, $3  }
0x1: {  	(tag) =	ssettag $0x0;
	lr =	simm.s32 $0x1  }
0x2: {  	[smem:$0x3F9B] =	sst lr;
	_ =	strace $0xD0000000  }
0x3: {  	_ = 	snop  }
0x4: {  	_ = 	snop  }
0x5: {  	_ = 	snop  }
0x6: {  	_ = 	snop  }
0x7: {  	_ = 	snop  }
__scs_overlays_trampoline_lowered:
0x8: {  	[smem:$0x3FAA] =	sst s0  }
0x9: {  	[smem:$0x3FAB] =	sst s1  }
0xa: {  	[smem:$0x3FAC] =	sst s2  }
0xb: {  	[smem:$0x3FAD] =	sst s3  }
0xc: {  	[smem:$0x3FAE] =	sst s4  }
0xd: {  	[smem:$0x3FAF] =	sst s5  }
0xe: {  	[smem:$0x3FB0] =	sst s6  }
0xf: {  	[smem:$0x3FB1] =	sst s7  }
0x10: {  	[smem:$0x3FB2] =	sst s8  }
0x11: {  	[smem:$0x3FB3] =	sst s9;
	s0 =	simm.s32 @!p0 $0x0  }
0x12: {  	s1 =	sld [smem:$0x3F99];
	s0 =	simm.s32 @p0 $0x1  }
0x13: {  	[smem:$0x3FB4] =	sst s0;
	s0 =	simm.s32 @!p1 $0x0  }
0x14: {  	s2 =	sld [smem:$0x3F98];
	s0 =	simm.s32 @p1 $0x1  }
0x15: {  	[smem:$0x3FB5] =	sst s0;
	s0 =	simm.s32 @!p2 $0x0  }
0x16: {  	s3 =	sld [smem:$0x3FDB];
	s0 =	simm.s32 @p2 $0x1  }
0x17: {  	s4 =	simm.s32 $0x1BF5;
	[smem:$0x3FB7] =	sst s0  }
0x18: {  	s0 =	sld [smem:$0x3F9A];
	_ =	swait.ge [sflag:s4], $0x0  }
0x19: {  	s7 =	sld [smem:$0x3F9B]  }
0x1a: {  	s8 =	sadd.s32 $0xFFFFE003, lr  }
0x1b: {  	s9 =	sadd.s32 $0xFFFFFEF7, lr;
	s5 =	simm.s32 $0xFFFFFFFF;
	p2 =	slt.u32 s8, $0xFFFFF086  }
0x1c: {  	p1 =	slt.u32 s9, $0xF7A;
	s5 =	simm.s32 @!p2 $0x0  }
0x1d: {  	s5 =	simm.s32 @p1 $0x1;
	p0 =	seq.s32 s7, s2  }
0x1e: {  	s7 =	smul.u32 @!p0 $0xF7A, s2;
	p2 =	seq.s32 @!p0 s5, $0x0  }
0x1f: {  	s9 =	smul.u32 $0xF7A, s1;
	s8 =	simm.s32 @!p0 $0x1BF5;
	p2 =	por !p2, p0  }
0x20: {  	[sflag:s8] =	ssyncset.s32 @!p0 $0xFFFFF086;
	s6 =	sadd.s32 @!p0 s3, s7;
	s7 =	simm.s32 @!p0 $0x108  }
0x21: {  	s3 =	sadd.s32 s3, s9;
	s6 =	sadd.s32 @!p0 $0x88, s6;
	s7 =	simm.s32 @p2 $0x1082  }
0x22: {  	[simem:s7], [sflag:s8] =	dma.local @!p0 [hbm:s6], $0xF7A  }
0x23: {  	s9 =	sor.u32 $0xD0000000, s2;
	s6 =	simm.s32 $0x108;
	_ =	swait.ge @!p0 [sflag:s8], $0x0  }
0x24: {  	s3 =	sadd.s32 $0x88, s3;
	s6 =	simm.s32 @!p1 $0x1082;
	[sflag:s4] =	ssyncset.s32 $0xFFFFF086  }
0x25: {  	[simem:s6], [sflag:s4] =	dma.local [hbm:s3], $0xF7A  }
0x26: {  	[smem:$0x3F9B] =	sst s1;
	(tag) =	ssettag s2;
	_ =	strace s9  }
0x27: {  	s1 =	sld [smem:$0x3FAB]  }
0x28: {  	s2 =	sld [smem:$0x3FAC]  }
0x29: {  	s4 =	sld [smem:$0x3FAE]  }
0x2a: {  	p0 =	seq.s32 s5, $0x0;
	s5 =	sld [smem:$0x3FAF]  }
0x2b: {  	s6 =	sld [smem:$0x3FB0]  }
0x2c: {  	s7 =	sld [smem:$0x3FB1]  }
0x2d: {  	s3 =	simm.s32 $0x108;
	s8 =	sld [smem:$0x3FB2]  }
0x2e: {  	s3 =	simm.s32 @!p0 $0x1082;
	s9 =	sld [smem:$0x3FB3]  }
0x2f: {  	lr =	sadd.s32 s0, s3;
	s0 =	sld [smem:$0x3FAA]  }
0x30: {  	s3 =	sld [smem:$0x3FAD]  }
0x31: {  	[smem:$0x3FB6] =	sst s10  }
0x32: {  	s10 =	sld [smem:$0x3FB4];
	_ =	sdelay $0x3  }
0x33: {  	p0 =	seq.s32 s10, $0x1;
	s10 =	sld [smem:$0x3FB6];
	_ =	sdelay $0x3  }
0x34: {  	[smem:$0x3FB6] =	sst s10  }
0x35: {  	s10 =	sld [smem:$0x3FB5];
	_ =	sdelay $0x3  }
0x36: {  	p1 =	seq.s32 s10, $0x1;
	s10 =	sld [smem:$0x3FB6];
	_ =	sdelay $0x3  }
0x37: {  	[smem:$0x3FB6] =	sst s10  }
0x38: {  	s10 =	sld [smem:$0x3FB7]  }
0x39: {  	_ = 	snop;
	(pc) =	sbr.ind lr, $3  }
0x3a: {  	_ = 	snop  }
0x3b: {  	_ = 	snop  }
0x3c: {  	p2 =	seq.s32 s10, $0x1;
	s10 =	sld [smem:$0x3FB6]  }
0x3d: {  	_ =	shalt  }
0x3e: {  	_ =	shalt  }
0x3f: {  	_ =	shalt  }
0x40: {  	_ =	shalt  }
0x41: {  	_ =	shalt  }
0x42: {  	_ =	shalt  }
0x43: {  	_ =	shalt  }
0x44: {  	_ =	shalt  }
0x45: {  	_ =	shalt  }
0x46: {  	_ =	shalt  }
0x47: {  	_ =	shalt  }
0x48: {  	_ =	shalt  }
0x49: {  	_ =	shalt  }
0x4a: {  	_ =	shalt  }
0x4b: {  	_ =	shalt  }
0x4c: {  	_ =	shalt  }
0x4d: {  	_ =	shalt  }
0x4e: {  	_ =	shalt  }
0x4f: {  	_ =	shalt  }
0x50: {  	_ =	shalt  }
0x51: {  	_ =	shalt  }
0x52: {  	_ =	shalt  }
0x53: {  	_ =	shalt  }
0x54: {  	_ =	shalt  }
0x55: {  	_ =	shalt  }
0x56: {  	_ =	shalt  }
0x57: {  	_ =	shalt  }
0x58: {  	_ =	shalt  }
0x59: {  	_ =	shalt  }
0x5a: {  	_ =	shalt  }
0x5b: {  	_ =	shalt  }
0x5c: {  	_ =	shalt  }
0x5d: {  	_ =	shalt  }
0x5e: {  	_ =	shalt  }
0x5f: {  	_ =	shalt  }
0x60: {  	_ =	shalt  }
0x61: {  	_ =	shalt  }
0x62: {  	_ =	shalt  }
0x63: {  	_ =	shalt  }
0x64: {  	_ =	shalt  }
0x65: {  	_ =	shalt  }
0x66: {  	_ =	shalt  }
0x67: {  	_ =	shalt  }
0x68: {  	_ =	shalt  }
0x69: {  	_ =	shalt  }
0x6a: {  	_ =	shalt  }
0x6b: {  	_ =	shalt  }
0x6c: {  	_ =	shalt  }
0x6d: {  	_ =	shalt  }
0x6e: {  	_ =	shalt  }
0x6f: {  	_ =	shalt  }
0x70: {  	_ =	shalt  }
0x71: {  	_ =	shalt  }
0x72: {  	_ =	shalt  }
0x73: {  	_ =	shalt  }
0x74: {  	_ =	shalt  }
0x75: {  	_ =	shalt  }
0x76: {  	_ =	shalt  }
0x77: {  	_ =	shalt  }
0x78: {  	_ =	shalt  }
0x79: {  	_ =	shalt  }
0x7a: {  	_ =	shalt  }
0x7b: {  	_ =	shalt  }
0x7c: {  	_ =	shalt  }
0x7d: {  	_ =	shalt  }
0x7e: {  	_ =	shalt  }
0x7f: {  	_ =	shalt  }
0x80: {  	_ =	shalt  }
0x81: {  	_ =	shalt  }
0x82: {  	_ =	shalt  }
0x83: {  	_ =	shalt  }
0x84: {  	_ =	shalt  }
0x85: {  	_ =	shalt  }
0x86: {  	_ =	shalt  }
0x87: {  	_ =	shalt  }
.Lfunc_end0:
.L_simem_size_0:
called_computation_lowered:
.L_overlay_start_0:
0x88: {  	s2 =	sld [smem:$0x3FD9]  }
0x89: {  	s3 =	sld [smem:$0x3FFE];
	_ =	sdelay $0x1  }
0x8a: {  	s1 =	srdreg.scid  }
0x8b: {  	s0 =	sand.u32 $0x1, s1  }
0x8c: {  	s14 =	sshll.u32 s0, $0xA;
	s2 =	sadd.s32 s3, s2  }
0x8d: {  	s2 =	sadd.s32 s2, s14  }
0x8e: {  	[smem:$0x3FC2] =	sst s2  }
0x8f: {  	_ = 	snop  }
0x90: {  	s2 =	sld [smem:$0x3FD0];
	_ =	sdelay $0x2  }
0x91: {  	s15 =	simm.s32 $0xA;
	s4 =	simm.s32 $0x10  }
0x92: {  	[smem:s4], [sflag:s15] =	dma.local [hbm:s2], $0x1  }
0x93: {  	_ =	swait.eq [sflag:s15], $0x1  }
0x94: {  	[sflag:s15] =	ssyncset.done $0x0  }
0x95: {  	[sflag:s15] =	ssyncadd.s32 $0xFFFFFFFF  }
0x96: {  	s16 =	sld [smem:$0x10];
	(tm) =	ssettm $0x1  }
0x97: {  	s17 =	sld [smem:$0x3FFB];
	_ =	sdelay $0x3  }
0x98: {  	_ =	strace s17  }
0x99: {  	s3 =	sld [smem:$0x3FFC];
	_ =	sdelay $0x3  }
0x9a: {  	_ =	strace s3  }
0x9b: {  	s3 =	sld [smem:$0x3FFD];
	_ =	sdelay $0x3  }
0x9c: {  	_ =	strace s3  }
0x9d: {  	_ =	strace $0x8FFFFFFF  }
0x9e: {  	s18 =	sld [smem:$0x3FDB];
	_ =	sdelay $0x1  }
0x9f: {  	s19 =	simm.s32 $_scs_section_size  }
0xa0: {  	s5 =	simm.s32 $_size__tile_overlayer_lowered;
	s6 =	simm.s32 $_tile_overlayer_lowered  }
0xa1: {  	s22 =	simm.s32 $0x1BFF;
	s21 =	sshll.u32 s6, $0x1;
	s3 =	sadd.s32 s19, s18  }
0xa2: {  	s7 =	simm.s32 $0x0;
	s20 =	sshll.u32 s5, $0x1;
	s5 =	sadd.s32 s21, s3  }
0xa3: {  	[timem:s7], [sflag:s22] =	dma.local [hbm:s5], s20  }
0xa4: {  	_ =	swait.ge [sflag:s22], s20  }
0xa5: {  	s4 =	ssub.s32 $0x0, s20;
	[sflag:s22] =	ssyncset.done $0x0  }
0xa6: {  	[sflag:s22] =	ssyncadd.s32 s4;
	_ =	sdelay $0x1  }
0xa7: {  	s23 =	simm.s32 $0x1B8B  }
0xa8: {  	_ =	swait.ge [sflag:s23], $0x1  }
0xa9: {  	[sflag:s23] =	ssyncset.done $0x0  }
0xaa: {  	s25 =	simm.s32 $0x1B8E;
	s24 =	sld [smem:$0x3FFE];
	[sflag:s23] =	ssyncadd.s32 $0xFFFFFFFF  }
0xab: {  	s26 =	simm.s32 $execute0_lowered;
	[smem:$0x3FD2] =	sst s25  }
0xac: {  	s5 =	sshll.u32 s26, $0x1;
	_ =	strace $0x80000046;
	[dreg:$0x1] =	wrdreg $0xFFFFFFFF  }
0xad: {  	s28 =	simm.s32 $_size_execute0_lowered;
	s3 =	sadd.s32 s3, s5;
	[dreg:$0x0] =	wrdreg $0x0  }
0xae: {  	s5 =	sshll.u32 s28, $0x1;
	[dreg:$0x2] =	wrdreg s3  }
0xaf: {  	[dreg:$0x3] =	wrdreg s5  }
0xb0: {  	[dreg:$0x4] =	wrdreg $0xC0  }
0xb1: {  	_ =	task [dreg:s7], $0x5FFFF  }
0xb2: {  	[dreg:$0x1] =	wrdreg $0xFFFFFFFF  }
0xb3: {  	[dreg:$0x0] =	wrdreg $0x60  }
0xb4: {  	[dreg:$0x2] =	wrdreg s16  }
0xb5: {  	[dreg:$0x3] =	wrdreg s24  }
0xb6: {  	[dreg:$0x4] =	wrdreg $0x9  }
0xb7: {  	_ =	task.clear_ibuf [dreg:s7], $0x5FFFF;
	_ =	strace $0x90000046  }
0xb8: {  	s29 =	simm.s32 $0x9;
	_ =	strace $0x80000048  }
0xb9: {  	_ =	swait.ge [sflag:s29], $0x1  }
0xba: {  	[sflag:s29] =	ssyncadd.s32 $0xFFFFFFFF  }
0xbb: {  	_ =	strace $0x90000048  }
0xbc: {  	_ =	sfence  }
0xbd: {  	s30 =	sld [smem:$0x0];
	_ =	sdelay $0x2  }
0xbe: {  	s31 =	sshll.u32 s1, $0xD;
	s1 =	sshrl.u32 s1, $0x2  }
0xbf: {  	s3 =	sand.u32 $0x4000, s31;
	s1 =	sadd.s32 s1, s30  }
0xc0: {  	s0 =	sor.u32 s3, s0;
	s1 =	sshll.u32 s1, $0x11  }
0xc1: {  	s0 =	sor.u32 s1, s0  }
0xc2: {  	s0 =	sadd.s32 $0x8F2B, s0  }
0xc3: {  	[sflag:s0] =	ssyncadd.remote.s32 $0x1  }
0xc4: {  	_ =	sfence.sel $0xFFFF  }
0xc5: {  	[dreg:$0x0] =	wrdreg $0xFFFFFFFF;
	(pc) =	sbr.abs _section_cstart, $3  }
0xc6: {  	[dreg:$0x1] =	wrdreg $0xFFFFFFFF  }
0xc7: {  	_ =	task.clear_ibuf [dreg:s7], $0x2FFFF;
	_ =	strace $0x9FFFFFFF  }
0xc8: {  	(tm) =	ssettm $0x7FFFFFFF  }
0xc9: {  	_ =	shalt  }
tec
execute0_lowered:
.L_overlay_start_1:
0x0: {  	(tag) =	ssettag $0x1  }
0x1: {  	s1 =	stileid.u32  }
0x2: {  	p0 =	sgt.u32 s1, $0x3  }
.Ltmp0:
0x3: {  	_ = 	snop;
	(pc) =	sbr.rel @p0 .LBB2_38-.Ltmp0, $4  }
0x4: {  	s5 =	rddreg [dreg:$0x0]  }
0x5: {  	s3 =	rddreg [dreg:$0x1];
	s2 =	simm.s32 $0x0  }
0x6: {  	[smem:$0x7FF] =	sst s2  }
0x7: {  	s0 =	rddreg [dreg:$0x2];
	_ =	strace $0x80000047  }
0x8: {  	s4 =	srdreg.scid  }
0x9: {  	s6 =	sshll.u32 s1, $0x5;
	s9 =	simm.s32 $0x1;
	s10 =	simm.s32 $0xC000  }
0xa: {  	s11 =	simm.s32 $0x10000;
	s12 =	simm.s32 $0x14000;
	s13 =	simm.s32 $0x18000  }
0xb: {  	s14 =	simm.s32 $0x1C000;
	s15 =	simm.s32 $0x8000;
	s4 =	sand.u32 $0x1, s4  }
0xc: {  	s16 =	simm.s32 $0x4000;
	s7 =	sshll.u32 s4, $0x4;
	s4 =	ssub.s32 $0x2, s4  }
0xd: {  	s17 =	simm.s32 $0x1C400;
	s6 =	sor.u32 s7, s6;
	s8 =	sshrl.u32 s4, $0x1  }
0xe: {  	v1 =	vlaneseq.u32;
	s18 =	simm.s32 $0x0;
	s7 =	sadd.s32 s6, s3;
	s8 =	ssub.s32 s4, s8  }
0xf: {  	v2 =	vmul.u32 $0x400, v1;
	s5 =	sadd.s32 s5, s6;
	s3 =	sadd.s32 $0x1800, s7;
	s4 =	sadd.s32 $0x3800, s7  }
0x10: {  	v0 =	vimm.s32 $0x0;
	v4 =	vimm.s32 $0x1;
	v3 =	vor.u32 $0x3FF0, v1;
	s6 =	smax.u32 s8, $0x1;
	s7 =	simm.s32 $0x80;
	s8 =	simm.s32 $0x400  }
.LBB2_2:
0x11: {  	[tilespmem:s2], [sflag:$0x1] =	stream.strided.gather [hbm4b:s5+s7], $0x4000, s8, s7, $0x38;
	[tilespmem:$0x1E400] =	vst v63  }
0x12: {  	_ =	swait.ge [sflag:s9], $0x4000  }
0x13: {  	[sflag:s9] =	ssyncset.done $0x0  }
0x14: {  	s19 =	simm.s32 $0xC020;
	[sflag:s9] =	ssyncadd.s32 $0xFFFFC000  }
0x15: {  	[tilespmem:s19+$0xFFFFFFF0] =	vst v0  }
0x16: {  	[tilespmem:s19+$0x0] =	vst v0  }
0x17: {  	[tilespmem:s19+$0x10] =	vst v0  }
0x18: {  	s20 =	simm.s32 $0x10020;
	[tilespmem:s19+$0xFFFFFFE0] =	vst v0  }
0x19: {  	[tilespmem:s20+$0xFFFFFFF0] =	vst v0  }
0x1a: {  	[tilespmem:s20+$0x0] =	vst v0  }
0x1b: {  	[tilespmem:s20+$0x10] =	vst v0  }
0x1c: {  	s21 =	simm.s32 $0x14020;
	[tilespmem:s20+$0xFFFFFFE0] =	vst v0  }
0x1d: {  	[tilespmem:s21+$0xFFFFFFF0] =	vst v0  }
0x1e: {  	[tilespmem:s21+$0x0] =	vst v0  }
0x1f: {  	[tilespmem:s21+$0x10] =	vst v0  }
0x20: {  	s22 =	simm.s32 $0x18020;
	[tilespmem:s21+$0xFFFFFFE0] =	vst v0  }
0x21: {  	[tilespmem:s22+$0xFFFFFFF0] =	vst v0  }
0x22: {  	[tilespmem:s22+$0x0] =	vst v0  }
0x23: {  	[tilespmem:s22+$0x10] =	vst v0  }
0x24: {  	s23 =	simm.s32 $0x0;
	s24 =	simm.s32 $0xC060;
	[tilespmem:s22+$0xFFFFFFE0] =	vst v0  }
.LBB2_3:
0x25: {  	[tilespmem:s24+$0xFFFFFFF0] =	vst v0;
	s20 =	sadd.s32 $0x40, s20  }
0x26: {  	s21 =	sadd.s32 $0x40, s21;
	[tilespmem:s20+$0xFFFFFFF0] =	vst v0  }
0x27: {  	s22 =	sadd.s32 $0x40, s22;
	[tilespmem:s21+$0xFFFFFFF0] =	vst v0  }
0x28: {  	[tilespmem:s22+$0xFFFFFFF0] =	vst v0  }
0x29: {  	[tilespmem:s24+$0x0] =	vst v0  }
0x2a: {  	[tilespmem:s20+$0x0] =	vst v0  }
0x2b: {  	[tilespmem:s21+$0x0] =	vst v0  }
0x2c: {  	[tilespmem:s22+$0x0] =	vst v0  }
0x2d: {  	[tilespmem:s24+$0x10] =	vst v0  }
0x2e: {  	s23 =	sadd.s32 $0x4, s23;
	[tilespmem:s20+$0x10] =	vst v0  }
0x2f: {  	p0 =	slt.u32 s23, $0x3FC;
	[tilespmem:s21+$0x10] =	vst v0  }
.Ltmp1:
0x30: {  	[tilespmem:s22+$0x10] =	vst v0;
	(pc) =	sbr.rel @p0 .LBB2_3-.Ltmp1, $4  }
0x31: {  	[tilespmem:s24+$0xFFFFFFE0] =	vst v0  }
0x32: {  	[tilespmem:s20+$0xFFFFFFE0] =	vst v0  }
0x33: {  	[tilespmem:s21+$0xFFFFFFE0] =	vst v0  }
0x34: {  	s19 =	simm.s32 $0x0;
	s24 =	sadd.s32 $0x40, s24;
	[tilespmem:s22+$0xFFFFFFE0] =	vst v0  }
.LBB2_4:
0x35: {  	v5 =	vor.u32 s19, v2;
	s20 =	sadd.s32 $0x100, s19  }
0x36: {  	s25 =	sadd.s32 $0x200, s19;
	v6 =	vor.u32 s20, v2  }
0x37: {  	s26 =	sadd.s32 $0x300, s19;
	v7 =	vor.u32 s25, v2  }
0x38: {  	v8 =	vor.u32 s26, v2;
	_ =	sdelay $0x1  }
0x39: {  	v5 =	vld.idx.msk [tilespmem:v5+s2+$0x0], $0xffff  }
0x3a: {  	v6 =	vld.idx.msk [tilespmem:v6+s2+$0x0], $0xffff  }
0x3b: {  	v7 =	vld.idx.msk [tilespmem:v7+s2+$0x0], $0xffff  }
0x3c: {  	v8 =	vld.idx.msk [tilespmem:v8+s2+$0x0], $0xffff;
	_ =	sdelay $0x1  }
0x3d: {  	v5 =	vshll.u32 v5, $0x4  }
0x3e: {  	v5 =	vand.u32 $0x3FF0, v5;
	v6 =	vshll.u32 v6, $0x4  }
0x3f: {  	v7 =	vshll.u32 v7, $0x4;
	v5 =	vxor.u32 v3, v5;
	v6 =	vand.u32 $0x3FF0, v6  }
0x40: {  	v8 =	vshll.u32 v8, $0x4;
	v7 =	vand.u32 $0x3FF0, v7;
	v6 =	vxor.u32 v3, v6  }
0x41: {  	v8 =	vand.u32 $0x3FF0, v8;
	v7 =	vxor.u32 v3, v7  }
0x42: {  	s28 =	sadd.s32 $0x1, s19;
	v8 =	vxor.u32 v3, v8  }
0x43: {  	s29 =	sadd.s32 $0x101, s19;
	v9 =	vor.u32 s28, v2  }
0x44: {  	s30 =	sadd.s32 $0x201, s19;
	[tilespmem:v5+s10+$0x0] =	vst.idx.add.s32.msk $0xffff, v4;
	v5 =	vor.u32 s29, v2  }
0x45: {  	s31 =	sadd.s32 $0x301, s19;
	[tilespmem:v6+s11+$0x0] =	vst.idx.add.s32.msk $0xffff, v4;
	v6 =	vor.u32 s30, v2  }
0x46: {  	[tilespmem:v7+s12+$0x0] =	vst.idx.add.s32.msk $0xffff, v4;
	v7 =	vor.u32 s31, v2  }
0x47: {  	[tilespmem:v8+s13+$0x0] =	vst.idx.add.s32.msk $0xffff, v4  }
0x48: {  	v8 =	vld.idx.msk [tilespmem:v9+s2+$0x0], $0xffff  }
0x49: {  	v5 =	vld.idx.msk [tilespmem:v5+s2+$0x0], $0xffff  }
0x4a: {  	v6 =	vld.idx.msk [tilespmem:v6+s2+$0x0], $0xffff  }
0x4b: {  	v7 =	vld.idx.msk [tilespmem:v7+s2+$0x0], $0xffff;
	_ =	sdelay $0x1  }
0x4c: {  	v8 =	vshll.u32 v8, $0x4  }
0x4d: {  	v8 =	vand.u32 $0x3FF0, v8;
	v5 =	vshll.u32 v5, $0x4  }
0x4e: {  	v8 =	vxor.u32 v3, v8;
	v5 =	vand.u32 $0x3FF0, v5;
	v6 =	vshll.u32 v6, $0x4  }
0x4f: {  	v5 =	vxor.u32 v3, v5;
	v6 =	vand.u32 $0x3FF0, v6;
	v7 =	vshll.u32 v7, $0x4  }
0x50: {  	v6 =	vxor.u32 v3, v6;
	v7 =	vand.u32 $0x3FF0, v7  }
0x51: {  	p0 =	slt.u32 s19, $0xFE;
	v7 =	vxor.u32 v3, v7  }
.Ltmp2:
0x52: {  	_ = 	snop;
	(pc) =	sbr.rel @p0 .LBB2_4-.Ltmp2, $4  }
0x53: {  	[tilespmem:v8+s10+$0x0] =	vst.idx.add.s32.msk $0xffff, v4  }
0x54: {  	[tilespmem:v5+s11+$0x0] =	vst.idx.add.s32.msk $0xffff, v4  }
0x55: {  	s19 =	sadd.s32 $0x2, s19;
	s21 =	simm.s32 $0x14020;
	[tilespmem:v6+s12+$0x0] =	vst.idx.add.s32.msk $0xffff, v4  }
0x56: {  	s23 =	simm.s32 $0x10020;
	s20 =	simm.s32 $0x18020;
	s26 =	simm.s32 $0xC020;
	[tilespmem:v7+s13+$0x0] =	vst.idx.add.s32.msk $0xffff, v4  }
0x57: {  	v6 =	vld [tilespmem:s20+$0xFFFFFFF0]  }
0x58: {  	v21 =	vld [tilespmem:s26+$0xFFFFFFE0]  }
0x59: {  	v5 =	vld [tilespmem:s20+$0x10]  }
0x5a: {  	v7 =	vld [tilespmem:s21+$0x10]  }
0x5b: {  	v8 =	vld [tilespmem:s23+$0x10]  }
0x5c: {  	v11 =	vld [tilespmem:s26+$0x10]  }
0x5d: {  	v10 =	vld [tilespmem:s21+$0xFFFFFFF0]  }
0x5e: {  	v12 =	vld [tilespmem:s20+$0x0]  }
0x5f: {  	v13 =	vld [tilespmem:s21+$0x0]  }
0x60: {  	v17 =	vld [tilespmem:s23+$0x0]  }
0x61: {  	v15 =	vld [tilespmem:s26+$0x0]  }
0x62: {  	v23 =	vld [tilespmem:s23+$0xFFFFFFF0]  }
0x63: {  	v22 =	vld [tilespmem:s26+$0xFFFFFFF0];
	v9 =	vadd.s32 v11, v8  }
0x64: {  	v24 =	vld [tilespmem:s23+$0xFFFFFFE0];
	v7 =	vadd.s32 v7, v9  }
0x65: {  	v14 =	vld [tilespmem:s21+$0xFFFFFFE0];
	v7 =	vadd.s32 v5, v7  }
0x66: {  	v16 =	vld [tilespmem:s20+$0xFFFFFFE0];
	s19 =	simm.s32 $0x18060;
	v5 =	vadd.s32 v15, v17;
	(xrf0) =	vadd.scan.msk.s32 $0xffff, v7  }
0x67: {  	s25 =	simm.s32 $0x14060;
	v20 =	vld [tilespmem:s19+$0x10];
	v13 =	vadd.s32 v13, v5  }
0x68: {  	v19 =	vld [tilespmem:s25+$0x0];
	v18 =	vadd.s32 v22, v23;
	v12 =	vadd.s32 v12, v13  }
0x69: {  	v9 =	vld [tilespmem:s19+$0xFFFFFFF0];
	v10 =	vadd.s32 v10, v18;
	v13 =	vadd.s32 v21, v24;
	(xrf0) =	vadd.scan.msk.s32 $0xffff, v12  }
0x6a: {  	s22 =	simm.s32 $0x10060;
	v18 =	vld [tilespmem:s25+$0x10];
	v25 =	vadd.s32 v6, v10  }
0x6b: {  	s24 =	simm.s32 $0xC060;
	v10 =	vld [tilespmem:s22+$0x10];
	v6 =	vadd.s32 v14, v13;
	(xrf0) =	vadd.scan.msk.s32 $0xffff, v25  }
0x6c: {  	v26 =	vadd.s32 v16, v6;
	v6 =	vld [tilespmem:s24+$0x10];
	v13, _, _ =	vpop (xrf0)  }
0x6d: {  	v5 =	vld [tilespmem:s24+$0xFFFFFFE0];
	(xrf0) =	vadd.scan.msk.s32 $0xffff, v26;
	v7 =	vsub.s32 v13, v7  }
0x6e: {  	v14 =	vld [tilespmem:s25+$0xFFFFFFF0];
	[tilespmem:s26+$0x10] =	vst v7;
	v7 =	vadd.s32 v11, v7  }
0x6f: {  	v16 =	vld [tilespmem:s19+$0x0];
	v27, _, _ =	vpop (xrf0);
	v8 =	vadd.s32 v8, v7;
	[tilespmem:s23+$0x10] =	vst v7  }
0x70: {  	v11 =	vld [tilespmem:s22+$0x0];
	v7 =	vsub.s32 v27, v12;
	[tilespmem:s21+$0x10] =	vst v8  }
0x71: {  	v28 =	vadd.s32 v6, v10;
	v12, _, _ =	vpop (xrf0);
	v8 =	vld [tilespmem:s24+$0x0];
	[tilespmem:s26+$0x0] =	vst v7;
	v7 =	vadd.s32 v15, v7  }
0x72: {  	v28 =	vadd.s32 v18, v28;
	v15 =	vld [tilespmem:s22+$0xFFFFFFF0];
	v25 =	vsub.s32 v12, v25;
	[tilespmem:s23+$0x0] =	vst v7  }
0x73: {  	v20 =	vadd.s32 v20, v28;
	v29 =	vadd.s32 v17, v7;
	v7 =	vld [tilespmem:s24+$0xFFFFFFF0];
	[tilespmem:s26+$0xFFFFFFF0] =	vst v25;
	v18, _, _ =	vpop (xrf0)  }
0x74: {  	v17 =	vld [tilespmem:s22+$0xFFFFFFE0];
	[tilespmem:s21+$0x0] =	vst v29;
	(xrf0) =	vadd.scan.msk.s32 $0xffff, v20;
	v28 =	vsub.s32 v18, v26  }
0x75: {  	s29 =	simm.s32 $0x4;
	v26 =	vadd.s32 v22, v25;
	v22 =	vld [tilespmem:s25+$0xFFFFFFE0];
	[tilespmem:s20+$0x0] =	vst v27;
	v25 =	vadd.s32 v21, v28  }
0x76: {  	s30 =	simm.s32 $0x180A0;
	s28 =	simm.s32 $0xC060;
	v21 =	vadd.s32 v23, v26;
	v23 =	vld [tilespmem:s19+$0xFFFFFFE0];
	[tilespmem:s26+$0xFFFFFFE0] =	vst v28;
	s26 =	simm.s32 $0x14060;
	v24 =	vadd.s32 v24, v25;
	v27 =	vadd.s32 v8, v11  }
.LBB2_6:
0x77: {  	v28 =	vld [tilespmem:s30+$0xFFFFFFF0];
	s29 =	sadd.s32 $0x4, s29;
	v19 =	vadd.s32 v19, v27;
	s24 =	sadd.s32 $0x40, s24;
	[tilespmem:s20+$0x10] =	vst v13;
	v27 =	vmov v15  }
0x78: {  	v29 =	vld [tilespmem:s24+$0xFFFFFFE0];
	p0 =	slt.u32 s29, $0x3FC;
	v31 =	vadd.s32 v7, v27;
	v15 =	vadd.s32 v16, v19;
	[tilespmem:s23+$0xFFFFFFF0] =	vst v26  }
0x79: {  	s25 =	sadd.s32 $0x40, s25;
	v26 =	vld [tilespmem:s30+$0x10];
	v16 =	vadd.s32 v5, v17;
	v19 =	vadd.s32 v14, v31;
	(xrf0) =	vadd.scan.msk.s32 $0xffff, v15;
	[tilespmem:s23+$0xFFFFFFE0] =	vst v25;
	v30 =	vmovc v17;
	s23 =	smov.u32 s22  }
0x7a: {  	s22 =	sadd.s32 $0x40, s22;
	v17 =	vld [tilespmem:s25+$0x10];
	v14 =	vadd.s32 v22, v16;
	v22 =	vadd.s32 v9, v19;
	v13, _, _ =	vpop (xrf0);
	[tilespmem:s21+$0xFFFFFFE0] =	vst v24  }
0x7b: {  	v24 =	vld [tilespmem:s22+$0x10];
	v23 =	vadd.s32 v23, v14;
	v14 =	vsub.s32 v13, v20;
	(xrf0) =	vadd.scan.msk.s32 $0xffff, v22;
	[tilespmem:s20+$0xFFFFFFE0] =	vst v18  }
0x7c: {  	[tilespmem:s28+$0x10] =	vst v14;
	v18 =	vadd.s32 v6, v14;
	v6 =	vld [tilespmem:s24+$0x10];
	(xrf0) =	vadd.scan.msk.s32 $0xffff, v23;
	v9 =	vmov v28  }
0x7d: {  	v14 =	vld [tilespmem:s25+$0xFFFFFFF0];
	v10 =	vadd.s32 v10, v18;
	[tilespmem:s21+$0xFFFFFFF0] =	vst v21;
	s21 =	smov.u32 s26;
	s26 =	smov.u32 s25  }
0x7e: {  	v16 =	vld [tilespmem:s30+$0x0];
	[tilespmem:s20+$0xFFFFFFF0] =	vst v12;
	s20 =	smov.u32 s19;
	s19 =	smov.u32 s30  }
0x7f: {  	v19 =	vld [tilespmem:s25+$0x0];
	[tilespmem:s23+$0x10] =	vst v18;
	v28, _, _ =	vpop (xrf0)  }
0x80: {  	v31 =	vld [tilespmem:s22+$0x0];
	v15 =	vsub.s32 v28, v15;
	[tilespmem:s21+$0x10] =	vst v10;
	v10 =	vmov v24  }
0x81: {  	v24 =	vadd.s32 v6, v10;
	[tilespmem:s28+$0x0] =	vst v15;
	v20 =	vadd.s32 v8, v15;
	v8 =	vld [tilespmem:s24+$0x0];
	v12, _, _ =	vpop (xrf0)  }
.Ltmp3:
0x82: {  	v15 =	vld [tilespmem:s22+$0xFFFFFFF0];
	v17 =	vadd.s32 v17, v24;
	v21 =	vsub.s32 v12, v22;
	[tilespmem:s23+$0x0] =	vst v20;
	v11 =	vadd.s32 v11, v20;
	v18, _, _ =	vpop (xrf0);
	(pc) =	sbr.rel @p0 .LBB2_6-.Ltmp3, $4  }
0x83: {  	v20 =	vadd.s32 v26, v17;
	v32 =	vsub.s32 v18, v23;
	[tilespmem:s28+$0xFFFFFFF0] =	vst v21;
	v26 =	vadd.s32 v7, v21;
	v7 =	vld [tilespmem:s24+$0xFFFFFFF0]  }
0x84: {  	v17 =	vld [tilespmem:s22+$0xFFFFFFE0];
	(xrf0) =	vadd.scan.msk.s32 $0xffff, v20;
	v25 =	vadd.s32 v5, v32;
	v21 =	vadd.s32 v27, v26;
	[tilespmem:s21+$0x0] =	vst v11;
	v5 =	vmovc v29  }
0x85: {  	v22 =	vld [tilespmem:s25+$0xFFFFFFE0];
	v24 =	vadd.s32 v30, v25;
	[tilespmem:s20+$0x0] =	vst v28;
	v11 =	vmov v31  }
0x86: {  	s30 =	sadd.s32 $0x40, s30;
	v23 =	vld [tilespmem:s19+$0xFFFFFFE0];
	v27 =	vadd.s32 v8, v11;
	[tilespmem:s28+$0xFFFFFFE0] =	vst v32;
	s28 =	smov.u32 s24  }
0x87: {  	[tilespmem:s20+$0x10] =	vst v13  }
0x88: {  	v19 =	vadd.s32 v19, v27;
	[tilespmem:s23+$0xFFFFFFF0] =	vst v26  }
0x89: {  	[tilespmem:s23+$0xFFFFFFE0] =	vst v25;
	v55 =	vadd.s32 v7, v15;
	v16 =	vadd.s32 v16, v19  }
0x8a: {  	[tilespmem:s21+$0xFFFFFFE0] =	vst v24;
	v13 =	vadd.s32 v14, v55;
	(xrf0) =	vadd.scan.msk.s32 $0xffff, v16  }
0x8b: {  	[tilespmem:s21+$0xFFFFFFF0] =	vst v21;
	v9 =	vadd.s32 v9, v13;
	v56, _, _ =	vpop (xrf0)  }
0x8c: {  	v57 =	vadd.s32 v5, v17;
	[tilespmem:s20+$0xFFFFFFE0] =	vst v18;
	v58 =	vsub.s32 v56, v20;
	(xrf0) =	vadd.scan.msk.s32 $0xffff, v9  }
0x8d: {  	[tilespmem:s20+$0xFFFFFFF0] =	vst v12;
	v14 =	vadd.s32 v22, v57;
	v6 =	vadd.s32 v6, v58  }
0x8e: {  	v14 =	vadd.s32 v23, v14;
	[tilespmem:s28+$0x10] =	vst v58  }
0x8f: {  	(xrf0) =	vadd.scan.msk.s32 $0xffff, v14;
	v10 =	vadd.s32 v10, v6;
	[tilespmem:s22+$0x10] =	vst v6  }
0x90: {  	[tilespmem:s26+$0x10] =	vst v10;
	v6, _, _ =	vpop (xrf0)  }
0x91: {  	[tilespmem:s19+$0x10] =	vst v56;
	v59 =	vsub.s32 v6, v16  }
0x92: {  	[tilespmem:s28+$0x0] =	vst v59;
	v8 =	vadd.s32 v8, v59;
	v60, _, _ =	vpop (xrf0)  }
0x93: {  	v9 =	vsub.s32 v60, v9;
	[tilespmem:s22+$0x0] =	vst v8  }
0x94: {  	v8 =	vadd.s32 v11, v8;
	[tilespmem:s28+$0xFFFFFFF0] =	vst v9  }
0x95: {  	v61, _, _ =	vpop (xrf0);
	[tilespmem:s26+$0x0] =	vst v8  }
0x96: {  	s20 =	simm.s32 $0x0;
	v8 =	vsub.s32 v61, v14;
	[tilespmem:s19+$0x0] =	vst v6  }
0x97: {  	[tilespmem:s28+$0xFFFFFFE0] =	vst v8;
	v6 =	vadd.s32 v7, v9;
	v7 =	vor.u32 s20, v1  }
0x98: {  	v5 =	vadd.s32 v5, v8;
	[tilespmem:s22+$0xFFFFFFF0] =	vst v6;
	v8 =	vshll.u32 v7, $0x4  }
0x99: {  	v62 =	vadd.s32 v17, v5;
	[tilespmem:s22+$0xFFFFFFE0] =	vst v5;
	v5 =	vor.u32 $0xF, v8  }
0x9a: {  	v6 =	vadd.s32 v15, v6;
	[tilespmem:s26+$0xFFFFFFE0] =	vst v62  }
0x9b: {  	[tilespmem:s26+$0xFFFFFFF0] =	vst v6  }
0x9c: {  	[tilespmem:s19+$0xFFFFFFE0] =	vst v61  }
0x9d: {  	[tilespmem:s19+$0xFFFFFFF0] =	vst v60  }
0x9e: {  	v6 =	vld.idx.msk [tilespmem:v5+s13+$0x0], $0xffff;
	_ =	sdelay $0x4  }
0x9f: {  	(xrf0) =	vadd.scan.msk.s32 $0xffff, v6;
	_ =	sdelay $0x3  }
0xa0: {  	s30 =	simm.s32 $0x10  }
0xa1: {  	v5 =	vor.u32 s30, v1  }
0xa2: {  	v8 =	vshll.u32 v5, $0x4;
	v63, _, _ =	vpop (xrf0)  }
0xa3: {  	v8 =	vor.u32 $0xF, v8;
	(v2sf) =	vpush v63, $0xF;
	_ =	sdelay $0x1  }
0xa4: {  	v6 =	vsub.s32 s20, v6  }
0xa5: {  	v6 =	vadd.s32 v63, v6  }
0xa6: {  	[tilespmem:v7+s14+$0x0] =	vst.idx.msk $0xffff, v6  }
0xa7: {  	v7 =	vld.idx.msk [tilespmem:v8+s13+$0x0], $0xffff;
	_ =	sdelay $0x4  }
0xa8: {  	(xrf0) =	vadd.scan.msk.s32 $0xffff, v7;
	_ =	sdelay $0x2  }
0xa9: {  	s31 =	simm.s32 $0x20  }
0xaa: {  	s21 =	simm.s32 $0x30;
	s19 =	simm.s32 $0x0;
	v6 =	vor.u32 s31, v1  }
.LBB2_8:
0xab: {  	p0 =	sne.s32 s21, $0x3F0;
	v8 =	vshll.u32 v6, $0x4;
	s22 =	spop (v2sf)  }
0xac: {  	v8 =	vor.u32 $0xF, v8;
	v9, _, _ =	vpop (xrf0);
	s19 =	sadd.s32 s19, s22  }
0xad: {  	v7 =	vsub.s32 s19, v7;
	(v2sf) =	vpush v9, $0xF  }
0xae: {  	v7 =	vadd.s32 v9, v7  }
0xaf: {  	[tilespmem:v5+s14+$0x0] =	vst.idx.msk $0xffff, v7;
	v5 =	vmov v6;
	_ =	sdelay $0x1  }
0xb0: {  	v7 =	vld.idx.msk [tilespmem:v8+s13+$0x0], $0xffff;
	_ =	sdelay $0x5  }
.Ltmp4:
0xb1: {  	(xrf0) =	vadd.scan.msk.s32 $0xffff, v7;
	(pc) =	sbr.rel @p0 .LBB2_8-.Ltmp4, $2  }
0xb2: {  	_ =	sdelay $0x2  }
0xb3: {  	v6 =	vor.u32 s21, v1;
	s21 =	sadd.s32 $0x10, s21  }
0xb4: {  	_ = 	snop  }
0xb5: {  	v8, _, _ =	vpop (xrf0)  }
0xb6: {  	v9 =	vshll.u32 v6, $0x4;
	(v2sf) =	vpush v8, $0xF  }
0xb7: {  	s21 =	spop (v2sf);
	v9 =	vor.u32 $0xF, v9  }
0xb8: {  	s19 =	sadd.s32 s19, s21  }
0xb9: {  	v7 =	vsub.s32 s19, v7  }
0xba: {  	v7 =	vadd.s32 v8, v7  }
0xbb: {  	[tilespmem:v5+s14+$0x0] =	vst.idx.msk $0xffff, v7  }
0xbc: {  	v5 =	vld.idx.msk [tilespmem:v9+s13+$0x0], $0xffff;
	_ =	sdelay $0x4  }
0xbd: {  	(xrf0) =	vadd.scan.msk.s32 $0xffff, v5;
	_ =	sdelay $0x1  }
0xbe: {  	s29 =	simm.s32 $0x2;
	v7 =	vmov s20  }
0xbf: {  	s30 =	simm.s32 $0x3;
	v8 =	vmov s29;
	v7 =	vand.u32 $0xFFFFFFFC, v7  }
0xc0: {  	s22 =	simm.s32 $0x1;
	v8 =	vand.u32 $0xFFFFFFFE, v8;
	v9 =	vmov s30;
	v7 =	vbroadcast v7, $0x0;
	s31 =	spop (v2sf)  }
0xc1: {  	v10 =	vmov s22;
	v8 =	vbroadcast v8, $0x0;
	s19 =	sadd.s32 s19, s31  }
0xc2: {  	v10 =	vand.u32 $0xFFFFFFFD, v10;
	v11, _, _ =	vpop (xrf0);
	v5 =	vsub.s32 s19, v5  }
0xc3: {  	v12 =	vbroadcast v10, $0x0;
	v5 =	vadd.s32 v11, v5  }
0xc4: {  	[tilespmem:v6+s14+$0x0] =	vst.idx.msk $0xffff, v5  }
0xc5: {  	v9 =	vld.idx.msk [tilespmem:v9+s14+$0x0], $0xffff  }
0xc6: {  	v10 =	vld.idx.msk [tilespmem:v7+s14+$0x0], $0xffff  }
0xc7: {  	s23 =	simm.s32 $0xC020;
	v13 =	vld.idx.msk [tilespmem:v8+s14+$0x0], $0xffff  }
0xc8: {  	v5 =	vld [tilespmem:s23+$0x0]  }
0xc9: {  	v19 =	vld.idx.msk [tilespmem:v12+s14+$0x0], $0xffff  }
0xca: {  	v6 =	vld [tilespmem:s23+$0xFFFFFFE0]  }
0xcb: {  	v7 =	vld [tilespmem:s23+$0xFFFFFFF0]  }
0xcc: {  	s24 =	simm.s32 $0x4;
	v8 =	vld [tilespmem:s23+$0x10]  }
0xcd: {  	s25 =	simm.s32 $0x7;
	v12 =	vmov s24;
	v5 =	vadd.s32 v13, v5  }
0xce: {  	s26 =	simm.s32 $0x10020;
	s28 =	simm.s32 $0x5;
	v14 =	vmov s25;
	v12 =	vand.u32 $0xFFFFFFFC, v12;
	[tilespmem:s23+$0x0] =	vst v5  }
0xcf: {  	v6 =	vadd.s32 v10, v6;
	v5 =	vbroadcast v12, $0x0;
	v12 =	vmov s28;
	v15 =	vld [tilespmem:s26+$0x0]  }
0xd0: {  	[tilespmem:s23+$0xFFFFFFE0] =	vst v6;
	v6 =	vadd.s32 v19, v7;
	v12 =	vand.u32 $0xFFFFFFFD, v12  }
0xd1: {  	v16 =	vld [tilespmem:s26+$0xFFFFFFE0];
	[tilespmem:s23+$0xFFFFFFF0] =	vst v6;
	v6 =	vadd.s32 v9, v8;
	v12 =	vbroadcast v12, $0x0  }
0xd2: {  	v8 =	vld [tilespmem:s26+$0xFFFFFFF0];
	[tilespmem:s23+$0x10] =	vst v6  }
0xd3: {  	s29 =	simm.s32 $0x6;
	v17 =	vld [tilespmem:s26+$0x10]  }
0xd4: {  	v7 =	vld.idx.msk [tilespmem:v14+s14+$0x0], $0xffff;
	v6 =	vmov s29;
	v14 =	vadd.s32 v13, v15  }
0xd5: {  	s20 =	simm.s32 $0x14020;
	v6 =	vand.u32 $0xFFFFFFFE, v6;
	v5 =	vld.idx.msk [tilespmem:v5+s14+$0x0], $0xffff;
	[tilespmem:s26+$0x0] =	vst v14  }
0xd6: {  	v15 =	vbroadcast v6, $0x0;
	v14 =	vadd.s32 v10, v16;
	v16 =	vld [tilespmem:s20+$0x0]  }
0xd7: {  	s22 =	simm.s32 $0xC060;
	v8 =	vadd.s32 v19, v8;
	v6 =	vld.idx.msk [tilespmem:v12+s14+$0x0], $0xffff;
	[tilespmem:s26+$0xFFFFFFE0] =	vst v14  }
0xd8: {  	(v2sf) =	vpush v11, $0xF;
	[tilespmem:s26+$0xFFFFFFF0] =	vst v8;
	v8 =	vadd.s32 v9, v17;
	v17 =	vld [tilespmem:s22+$0xFFFFFFE0]  }
0xd9: {  	v11 =	vld [tilespmem:s20+$0xFFFFFFE0]  }
0xda: {  	v12 =	vld [tilespmem:s20+$0xFFFFFFF0];
	[tilespmem:s26+$0x10] =	vst v8  }
0xdb: {  	v14 =	vld [tilespmem:s20+$0x10]  }
0xdc: {  	v8 =	vld.idx.msk [tilespmem:v15+s14+$0x0], $0xffff;
	v15 =	vadd.s32 v13, v16  }
0xdd: {  	s19 =	simm.s32 $0x18020;
	v16 =	vld [tilespmem:s22+$0x0];
	[tilespmem:s20+$0x0] =	vst v15  }
0xde: {  	v15 =	vld [tilespmem:s19+$0x0]  }
0xdf: {  	v11 =	vadd.s32 v10, v11  }
0xe0: {  	v18 =	vld [tilespmem:s22+$0xFFFFFFF0];
	[tilespmem:s20+$0xFFFFFFE0] =	vst v11;
	v11 =	vadd.s32 v19, v12  }
0xe1: {  	v20 =	vld [tilespmem:s22+$0x10];
	s23 =	simm.s32 $0x8;
	[tilespmem:s20+$0xFFFFFFF0] =	vst v11;
	v11 =	vadd.s32 v9, v14  }
0xe2: {  	v14 =	vmov s23;
	[tilespmem:s20+$0x10] =	vst v11;
	v21 =	vld [tilespmem:s19+$0xFFFFFFF0];
	v11 =	vadd.s32 v8, v16  }
0xe3: {  	s21 =	simm.s32 $0x10060;
	s30 =	simm.s32 $0x9;
	s24 =	simm.s32 $0xB;
	[tilespmem:s22+$0x0] =	vst v11;
	v11 =	vld [tilespmem:s19+$0xFFFFFFE0];
	v13 =	vadd.s32 v13, v15;
	v15 =	vadd.s32 v5, v17;
	v17 =	vand.u32 $0xFFFFFFFC, v14  }
0xe4: {  	v16 =	vmov s24;
	v12 =	vld [tilespmem:s21+$0x0];
	v14 =	vmov s30;
	[tilespmem:s19+$0x0] =	vst v13;
	v17 =	vbroadcast v17, $0x0  }
0xe5: {  	[tilespmem:s22+$0xFFFFFFE0] =	vst v15;
	v15 =	vadd.s32 v6, v18;
	v13 =	vld [tilespmem:s19+$0x10];
	v18 =	vand.u32 $0xFFFFFFFD, v14  }
0xe6: {  	v20 =	vadd.s32 v7, v20;
	v14 =	vld [tilespmem:s21+$0xFFFFFFE0];
	[tilespmem:s22+$0xFFFFFFF0] =	vst v15;
	v18 =	vbroadcast v18, $0x0  }
0xe7: {  	s31 =	spop (v2sf);
	[tilespmem:s22+$0x10] =	vst v20;
	s23 =	simm.s32 $0xC;
	s24 =	simm.s32 $0xA;
	v19 =	vadd.s32 v19, v21;
	v15 =	vld [tilespmem:s21+$0xFFFFFFF0]  }
.LBB2_10:
0xe8: {  	p0 =	slt.u32 s23, $0x3FC;
	v20 =	vmov s24;
	v21 =	vld [tilespmem:s21+$0x10];
	v11 =	vadd.s32 v10, v11;
	[tilespmem:s19+$0xFFFFFFF0] =	vst v19;
	v10 =	vmov v5  }
0xe9: {  	v19 =	vand.u32 $0xFFFFFFFE, v20;
	v16 =	vld.idx.msk [tilespmem:v16+s14+$0x0], $0xffff;
	v12 =	vadd.s32 v8, v12;
	[tilespmem:s19+$0xFFFFFFE0] =	vst v11  }
0xea: {  	s20 =	sadd.s32 $0x40, s20;
	v5 =	vld.idx.msk [tilespmem:v17+s14+$0x0], $0xffff;
	v11 =	vbroadcast v19, $0x0;
	[tilespmem:s21+$0x0] =	vst v12;
	v12 =	vadd.s32 v9, v13;
	v9 =	vmov v7  }
0xeb: {  	v7 =	vadd.s32 v10, v14;
	v13 =	vld [tilespmem:s20+$0x0];
	[tilespmem:s19+$0x10] =	vst v12  }
0xec: {  	v20 =	vld.idx.msk [tilespmem:v18+s14+$0x0], $0xffff;
	[tilespmem:s21+$0xFFFFFFE0] =	vst v7;
	v7 =	vadd.s32 v6, v15  }
0xed: {  	v12 =	vld [tilespmem:s20+$0xFFFFFFE0];
	[tilespmem:s21+$0xFFFFFFF0] =	vst v7;
	v17 =	vadd.s32 v9, v21  }
0xee: {  	v14 =	vld [tilespmem:s20+$0xFFFFFFF0];
	[tilespmem:s21+$0x10] =	vst v17  }
0xef: {  	v15 =	vld [tilespmem:s20+$0x10];
	v7 =	vmov v16  }
0xf0: {  	s22 =	sadd.s32 $0x40, s22;
	v17 =	vld.idx.msk [tilespmem:v11+s14+$0x0], $0xffff;
	v11 =	vadd.s32 v8, v13  }
0xf1: {  	s19 =	sadd.s32 $0x40, s19;
	v13 =	vld [tilespmem:s22+$0x0];
	[tilespmem:s20+$0x0] =	vst v11  }
0xf2: {  	v11 =	vadd.s32 v10, v12;
	v12 =	vld [tilespmem:s19+$0x0]  }
0xf3: {  	v18 =	vld [tilespmem:s22+$0xFFFFFFE0];
	[tilespmem:s20+$0xFFFFFFE0] =	vst v11;
	v11 =	vadd.s32 v6, v14  }
0xf4: {  	v14 =	vld [tilespmem:s22+$0xFFFFFFF0];
	[tilespmem:s20+$0xFFFFFFF0] =	vst v11;
	v11 =	vadd.s32 v9, v15  }
0xf5: {  	v15 =	vld [tilespmem:s22+$0x10];
	[tilespmem:s20+$0x10] =	vst v11  }
0xf6: {  	s24 =	sadd.s32 $0x3, s23;
	v11 =	vmov s23;
	v13 =	vadd.s32 v17, v13;
	v19 =	vld [tilespmem:s19+$0xFFFFFFF0]  }
.Ltmp5:
0xf7: {  	s25 =	sadd.s32 $0x1, s23;
	s21 =	sadd.s32 $0x40, s21;
	v16 =	vmov s24;
	v21 =	vand.u32 $0xFFFFFFFC, v11;
	[tilespmem:s22+$0x0] =	vst v13;
	v11 =	vld [tilespmem:s19+$0xFFFFFFE0];
	v13 =	vadd.s32 v8, v12;
	v8 =	vmovc v17;
	(pc) =	sbr.rel @p0 .LBB2_10-.Ltmp5, $4  }
0xf8: {  	v17 =	vbroadcast v21, $0x0;
	v21 =	vmov s25;
	v18 =	vadd.s32 v5, v18;
	v12 =	vld [tilespmem:s21+$0x0];
	[tilespmem:s19+$0x0] =	vst v13  }
0xf9: {  	v21 =	vand.u32 $0xFFFFFFFD, v21;
	[tilespmem:s22+$0xFFFFFFE0] =	vst v18;
	v22 =	vadd.s32 v20, v14;
	v13 =	vld [tilespmem:s19+$0x10]  }
0xfa: {  	v18 =	vbroadcast v21, $0x0;
	v14 =	vld [tilespmem:s21+$0xFFFFFFE0];
	[tilespmem:s22+$0xFFFFFFF0] =	vst v22;
	v21 =	vadd.s32 v7, v15  }
0xfb: {  	s24 =	sadd.s32 $0x2, s23;
	s23 =	sadd.s32 $0x4, s23;
	v15 =	vld [tilespmem:s21+$0xFFFFFFF0];
	[tilespmem:s22+$0x10] =	vst v21;
	v19 =	vadd.s32 v6, v19;
	v6 =	vmov v20  }
0xfc: {  	_ = 	snop  }
0xfd: {  	v20 =	vmov s24  }
0xfe: {  	v20 =	vand.u32 $0xFFFFFFFE, v20  }
0xff: {  	v20 =	vbroadcast v20, $0x0  }
0x100: {  	v16 =	vld.idx.msk [tilespmem:v16+s14+$0x0], $0xffff  }
0x101: {  	v17 =	vld.idx.msk [tilespmem:v17+s14+$0x0], $0xffff  }
0x102: {  	v18 =	vld.idx.msk [tilespmem:v18+s14+$0x0], $0xffff;
	s22 =	sadd.s32 $0x40, s22  }
0x103: {  	v24 =	vld [tilespmem:s22+$0x0]  }
0x104: {  	v10 =	vadd.s32 v10, v11;
	[tilespmem:s19+$0xFFFFFFF0] =	vst v19;
	v26 =	vld [tilespmem:s22+$0xFFFFFFE0]  }
0x105: {  	v12 =	vadd.s32 v8, v12;
	[tilespmem:s19+$0xFFFFFFE0] =	vst v10;
	v20 =	vld.idx.msk [tilespmem:v20+s14+$0x0], $0xffff  }
0x106: {  	v25 =	vld [tilespmem:s22+$0xFFFFFFF0];
	[tilespmem:s21+$0x0] =	vst v12;
	v9 =	vadd.s32 v9, v13  }
0x107: {  	v28 =	vld [tilespmem:s22+$0x10];
	v27 =	vadd.s32 v5, v14;
	[tilespmem:s19+$0x10] =	vst v9  }
0x108: {  	v29 =	vld [tilespmem:s21+$0x10];
	s20 =	sadd.s32 $0x40, s20;
	[tilespmem:s21+$0xFFFFFFE0] =	vst v27;
	v30 =	vadd.s32 v6, v15  }
0x109: {  	v31 =	vld [tilespmem:s20+$0x0];
	[tilespmem:s21+$0xFFFFFFF0] =	vst v30;
	v33 =	vadd.s32 v17, v26  }
0x10a: {  	s23 =	sadd.s32 $0x40, s21;
	v32 =	vld [tilespmem:s20+$0xFFFFFFE0];
	[tilespmem:s22+$0xFFFFFFE0] =	vst v33;
	v11 =	vadd.s32 v20, v24  }
0x10b: {  	v10 =	vadd.s32 v18, v25;
	v36 =	vld [tilespmem:s23+$0xFFFFFFE0];
	[tilespmem:s22+$0x0] =	vst v11  }
0x10c: {  	v9 =	vadd.s32 v16, v28;
	[tilespmem:s22+$0xFFFFFFF0] =	vst v10;
	v34 =	vld [tilespmem:s23+$0x0]  }
0x10d: {  	v35 =	vadd.s32 v7, v29;
	[tilespmem:s22+$0x10] =	vst v9;
	v10 =	vld [tilespmem:s23+$0xFFFFFFF0]  }
0x10e: {  	[tilespmem:s21+$0x10] =	vst v35;
	v37 =	vadd.s32 v8, v31;
	v38 =	vld [tilespmem:s23+$0x10]  }
0x10f: {  	v39 =	vld [tilespmem:s20+$0xFFFFFFF0];
	[tilespmem:s20+$0x0] =	vst v37;
	v40 =	vadd.s32 v5, v32  }
0x110: {  	s29 =	sadd.s32 $0x40, s19;
	v41 =	vld [tilespmem:s20+$0x10];
	[tilespmem:s20+$0xFFFFFFE0] =	vst v40;
	v45 =	vadd.s32 v17, v36  }
0x111: {  	s30 =	sadd.s32 $0x40, s20;
	v43 =	vld [tilespmem:s29+$0x0];
	[tilespmem:s23+$0xFFFFFFE0] =	vst v45;
	v42 =	vadd.s32 v20, v34  }
0x112: {  	v44 =	vadd.s32 v18, v10;
	v50 =	vld [tilespmem:s30+$0xFFFFFFE0];
	[tilespmem:s23+$0x0] =	vst v42  }
0x113: {  	v47 =	vadd.s32 v16, v38;
	[tilespmem:s23+$0xFFFFFFF0] =	vst v44;
	v46 =	vld [tilespmem:s30+$0x0]  }
0x114: {  	v49 =	vadd.s32 v6, v39;
	[tilespmem:s23+$0x10] =	vst v47;
	v48 =	vld [tilespmem:s30+$0xFFFFFFF0]  }
0x115: {  	[tilespmem:s20+$0xFFFFFFF0] =	vst v49;
	v51 =	vadd.s32 v7, v41;
	v52 =	vld [tilespmem:s30+$0x10]  }
0x116: {  	[tilespmem:s20+$0x10] =	vst v51;
	v53 =	vld [tilespmem:s29+$0xFFFFFFF0];
	v54 =	vadd.s32 v8, v43  }
0x117: {  	v55 =	vld [tilespmem:s29+$0xFFFFFFE0];
	[tilespmem:s29+$0x0] =	vst v54;
	v59 =	vadd.s32 v17, v50  }
0x118: {  	s31 =	sadd.s32 $0x40, s29;
	v57 =	vld [tilespmem:s29+$0x10];
	[tilespmem:s30+$0xFFFFFFE0] =	vst v59;
	v56 =	vadd.s32 v20, v46  }
0x119: {  	v58 =	vadd.s32 v18, v48;
	v63 =	vld [tilespmem:s31+$0xFFFFFFE0];
	[tilespmem:s30+$0x0] =	vst v56  }
0x11a: {  	v61 =	vadd.s32 v16, v52;
	[tilespmem:s30+$0xFFFFFFF0] =	vst v58;
	v60 =	vld [tilespmem:s31+$0x0]  }
0x11b: {  	v6 =	vadd.s32 v6, v53;
	[tilespmem:s30+$0x10] =	vst v61;
	v62 =	vld [tilespmem:s31+$0xFFFFFFF0]  }
0x11c: {  	v5 =	vadd.s32 v5, v55;
	[tilespmem:s29+$0xFFFFFFF0] =	vst v6;
	v6 =	vld [tilespmem:s31+$0x10]  }
0x11d: {  	[tilespmem:s29+$0xFFFFFFE0] =	vst v5;
	v5 =	vadd.s32 v7, v57  }
0x11e: {  	[tilespmem:s29+$0x10] =	vst v5;
	v7 =	vadd.s32 v17, v63  }
0x11f: {  	[tilespmem:s31+$0xFFFFFFE0] =	vst v7;
	v5 =	vadd.s32 v20, v60  }
0x120: {  	[tilespmem:s31+$0x0] =	vst v5;
	v5 =	vadd.s32 v18, v62  }
0x121: {  	[tilespmem:s31+$0xFFFFFFF0] =	vst v5;
	v5 =	vadd.s32 v16, v6  }
0x122: {  	s19 =	simm.s32 $0x0;
	s20 =	simm.s32 $0x3FE;
	[tilespmem:s31+$0x10] =	vst v5  }
.LBB2_12:
0x123: {  	v5 =	vor.u32 s19, v2;
	s21 =	sadd.s32 $0x100, s19  }
0x124: {  	s26 =	sadd.s32 $0x200, s19;
	v6 =	vor.u32 s21, v2  }
0x125: {  	s28 =	sadd.s32 $0x1, s20;
	v7 =	vor.u32 s26, v2  }
0x126: {  	v8 =	vor.u32 s28, v2;
	_ =	sdelay $0x1  }
0x127: {  	v9 =	vld.idx.msk [tilespmem:v5+s2+$0x0], $0xffff  }
0x128: {  	v10 =	vld.idx.msk [tilespmem:v6+s2+$0x0], $0xffff  }
0x129: {  	v11 =	vld.idx.msk [tilespmem:v7+s2+$0x0], $0xffff  }
0x12a: {  	v12 =	vld.idx.msk [tilespmem:v8+s2+$0x0], $0xffff;
	_ =	sdelay $0x1  }
0x12b: {  	v9 =	vshll.u32 v9, $0x4  }
0x12c: {  	v9 =	vand.u32 $0x3FF0, v9;
	v10 =	vshll.u32 v10, $0x4  }
0x12d: {  	v11 =	vshll.u32 v11, $0x4;
	v9 =	vxor.u32 v3, v9;
	v10 =	vand.u32 $0x3FF0, v10  }
0x12e: {  	v12 =	vshll.u32 v12, $0x4;
	v11 =	vand.u32 $0x3FF0, v11;
	v10 =	vxor.u32 v3, v10  }
0x12f: {  	v12 =	vand.u32 $0x3FF0, v12;
	v11 =	vxor.u32 v3, v11  }
0x130: {  	v12 =	vxor.u32 v3, v12;
	_ =	sdelay $0x1  }
0x131: {  	v13 =	vld.idx.msk [tilespmem:v9+s10+$0x0], $0xffff  }
0x132: {  	v14 =	vld.idx.msk [tilespmem:v10+s11+$0x0], $0xffff  }
0x133: {  	v15 =	vld.idx.msk [tilespmem:v11+s12+$0x0], $0xffff  }
0x134: {  	v16 =	vld.idx.msk [tilespmem:v12+s13+$0x0], $0xffff;
	_ =	sdelay $0x1  }
0x135: {  	v17 =	vadd.s32 $0x1, v13  }
0x136: {  	[tilespmem:v9+s10+$0x0] =	vst.idx.msk $0xffff, v17;
	v55 =	vadd.s32 $0x1, v14  }
0x137: {  	v56 =	vadd.s32 $0x1, v15;
	[tilespmem:v10+s11+$0x0] =	vst.idx.msk $0xffff, v55  }
0x138: {  	s29 =	sadd.s32 $0x1, s19;
	v57 =	vadd.s32 $0xFFFFFFFF, v16;
	[tilespmem:v11+s12+$0x0] =	vst.idx.msk $0xffff, v56  }
0x139: {  	s30 =	sadd.s32 $0x101, s19;
	v58 =	vor.u32 s29, v2;
	[tilespmem:v12+s13+$0x0] =	vst.idx.msk $0xffff, v57  }
0x13a: {  	s31 =	sadd.s32 $0x201, s19;
	[tilespmem:v13+s15+$0x0] =	vst.idx.msk $0xffff, v5;
	v5 =	vor.u32 s30, v2  }
0x13b: {  	[tilespmem:v14+s15+$0x0] =	vst.idx.msk $0xffff, v6;
	v6 =	vor.u32 s31, v2  }
0x13c: {  	[tilespmem:v15+s15+$0x0] =	vst.idx.msk $0xffff, v7;
	v7 =	vor.u32 s20, v2  }
0x13d: {  	[tilespmem:v57+s15+$0x0] =	vst.idx.msk $0xffff, v8  }
0x13e: {  	v8 =	vld.idx.msk [tilespmem:v58+s2+$0x0], $0xffff  }
0x13f: {  	v10 =	vld.idx.msk [tilespmem:v5+s2+$0x0], $0xffff  }
0x140: {  	v11 =	vld.idx.msk [tilespmem:v6+s2+$0x0], $0xffff  }
0x141: {  	v12 =	vld.idx.msk [tilespmem:v7+s2+$0x0], $0xffff;
	_ =	sdelay $0x1  }
0x142: {  	v8 =	vshll.u32 v8, $0x4  }
0x143: {  	v8 =	vand.u32 $0x3FF0, v8;
	v10 =	vshll.u32 v10, $0x4  }
0x144: {  	v8 =	vxor.u32 v3, v8;
	v10 =	vand.u32 $0x3FF0, v10;
	v11 =	vshll.u32 v11, $0x4  }
0x145: {  	v10 =	vxor.u32 v3, v10;
	v11 =	vand.u32 $0x3FF0, v11;
	v12 =	vshll.u32 v12, $0x4  }
0x146: {  	v11 =	vxor.u32 v3, v11;
	v12 =	vand.u32 $0x3FF0, v12  }
0x147: {  	v12 =	vxor.u32 v3, v12;
	_ =	sdelay $0x1  }
0x148: {  	v13 =	vld.idx.msk [tilespmem:v8+s10+$0x0], $0xffff  }
0x149: {  	v14 =	vld.idx.msk [tilespmem:v10+s11+$0x0], $0xffff  }
0x14a: {  	v15 =	vld.idx.msk [tilespmem:v11+s12+$0x0], $0xffff  }
0x14b: {  	v59 =	vld.idx.msk [tilespmem:v12+s13+$0x0], $0xffff;
	_ =	sdelay $0x1  }
0x14c: {  	v60 =	vadd.s32 $0x1, v13  }
0x14d: {  	[tilespmem:v8+s10+$0x0] =	vst.idx.msk $0xffff, v60;
	v61 =	vadd.s32 $0x1, v14  }
0x14e: {  	[tilespmem:v10+s11+$0x0] =	vst.idx.msk $0xffff, v61;
	v62 =	vadd.s32 $0x1, v15  }
0x14f: {  	p0 =	slt.u32 s19, $0xFE;
	v63 =	vadd.s32 $0xFFFFFFFF, v59;
	[tilespmem:v11+s12+$0x0] =	vst.idx.msk $0xffff, v62  }
.Ltmp6:
0x150: {  	[tilespmem:v12+s13+$0x0] =	vst.idx.msk $0xffff, v63;
	(pc) =	sbr.rel @p0 .LBB2_12-.Ltmp6, $4  }
0x151: {  	[tilespmem:v13+s15+$0x0] =	vst.idx.msk $0xffff, v58  }
0x152: {  	s19 =	sadd.s32 $0x2, s19;
	[tilespmem:v14+s15+$0x0] =	vst.idx.msk $0xffff, v5  }
0x153: {  	s24 =	simm.s32 $0xFFFFFFFC;
	s22 =	simm.s32 $0x14020;
	s23 =	simm.s32 $0x10020;
	[tilespmem:v15+s15+$0x0] =	vst.idx.msk $0xffff, v6  }
0x154: {  	s25 =	simm.s32 $0xC020;
	s21 =	simm.s32 $0x18020;
	s20 =	sadd.s32 $0xFFFFFFFE, s20;
	[tilespmem:v63+s15+$0x0] =	vst.idx.msk $0xffff, v7  }
0x155: {  	[tilespmem:s25+$0xFFFFFFF0] =	vst v0  }
0x156: {  	[tilespmem:s25+$0x0] =	vst v0  }
0x157: {  	[tilespmem:s25+$0x10] =	vst v0  }
0x158: {  	[tilespmem:s25+$0xFFFFFFE0] =	vst v0  }
0x159: {  	[tilespmem:s23+$0xFFFFFFF0] =	vst v0  }
0x15a: {  	[tilespmem:s23+$0x0] =	vst v0  }
0x15b: {  	[tilespmem:s23+$0x10] =	vst v0  }
0x15c: {  	[tilespmem:s23+$0xFFFFFFE0] =	vst v0  }
0x15d: {  	[tilespmem:s22+$0xFFFFFFF0] =	vst v0  }
0x15e: {  	[tilespmem:s22+$0x0] =	vst v0  }
0x15f: {  	[tilespmem:s22+$0x10] =	vst v0  }
0x160: {  	[tilespmem:s22+$0xFFFFFFE0] =	vst v0  }
0x161: {  	[tilespmem:s21+$0xFFFFFFF0] =	vst v0  }
0x162: {  	[tilespmem:s21+$0x0] =	vst v0  }
0x163: {  	[tilespmem:s21+$0x10] =	vst v0  }
0x164: {  	s20 =	sadd.s32 $0x4, s24;
	s24 =	sadd.s32 $0x40, s25;
	[tilespmem:s21+$0xFFFFFFE0] =	vst v0  }
.LBB2_14:
0x165: {  	[tilespmem:s24+$0xFFFFFFF0] =	vst v0;
	s23 =	sadd.s32 $0x40, s23  }
0x166: {  	s22 =	sadd.s32 $0x40, s22;
	[tilespmem:s23+$0xFFFFFFF0] =	vst v0  }
0x167: {  	s21 =	sadd.s32 $0x40, s21;
	[tilespmem:s22+$0xFFFFFFF0] =	vst v0  }
0x168: {  	[tilespmem:s21+$0xFFFFFFF0] =	vst v0  }
0x169: {  	[tilespmem:s24+$0x0] =	vst v0  }
0x16a: {  	[tilespmem:s23+$0x0] =	vst v0  }
0x16b: {  	[tilespmem:s22+$0x0] =	vst v0  }
0x16c: {  	[tilespmem:s21+$0x0] =	vst v0  }
0x16d: {  	[tilespmem:s24+$0x10] =	vst v0  }
0x16e: {  	s20 =	sadd.s32 $0x4, s20;
	[tilespmem:s23+$0x10] =	vst v0  }
0x16f: {  	p0 =	slt.u32 s20, $0x3FC;
	[tilespmem:s22+$0x10] =	vst v0  }
.Ltmp7:
0x170: {  	[tilespmem:s21+$0x10] =	vst v0;
	(pc) =	sbr.rel @p0 .LBB2_14-.Ltmp7, $4  }
0x171: {  	[tilespmem:s24+$0xFFFFFFE0] =	vst v0  }
0x172: {  	[tilespmem:s23+$0xFFFFFFE0] =	vst v0  }
0x173: {  	[tilespmem:s22+$0xFFFFFFE0] =	vst v0  }
0x174: {  	s19 =	simm.s32 $0x0;
	s24 =	sadd.s32 $0x40, s24;
	[tilespmem:s21+$0xFFFFFFE0] =	vst v0  }
.LBB2_15:
0x175: {  	v5 =	vor.u32 s19, v2;
	s20 =	sadd.s32 $0x100, s19  }
0x176: {  	s25 =	sadd.s32 $0x200, s19;
	v6 =	vor.u32 s20, v2  }
0x177: {  	s26 =	sadd.s32 $0x300, s19;
	v7 =	vor.u32 s25, v2  }
0x178: {  	v8 =	vor.u32 s26, v2;
	_ =	sdelay $0x1  }
0x179: {  	v5 =	vld.idx.msk [tilespmem:v5+s15+$0x0], $0xffff  }
0x17a: {  	v6 =	vld.idx.msk [tilespmem:v6+s15+$0x0], $0xffff  }
0x17b: {  	v7 =	vld.idx.msk [tilespmem:v7+s15+$0x0], $0xffff  }
0x17c: {  	v8 =	vld.idx.msk [tilespmem:v8+s15+$0x0], $0xffff;
	_ =	sdelay $0x4  }
0x17d: {  	v5 =	vld.idx.msk [tilespmem:v5+s2+$0x0], $0xffff  }
0x17e: {  	v6 =	vld.idx.msk [tilespmem:v6+s2+$0x0], $0xffff  }
0x17f: {  	v7 =	vld.idx.msk [tilespmem:v7+s2+$0x0], $0xffff  }
0x180: {  	v8 =	vld.idx.msk [tilespmem:v8+s2+$0x0], $0xffff;
	_ =	sdelay $0x1  }
0x181: {  	v5 =	vshrl.u32 v5, $0x6  }
0x182: {  	v5 =	vand.u32 $0x3FF0, v5;
	v6 =	vshrl.u32 v6, $0x6  }
0x183: {  	v7 =	vshrl.u32 v7, $0x6;
	v5 =	vxor.u32 v3, v5;
	v6 =	vand.u32 $0x3FF0, v6  }
0x184: {  	v8 =	vshrl.u32 v8, $0x6;
	v7 =	vand.u32 $0x3FF0, v7;
	v6 =	vxor.u32 v3, v6  }
0x185: {  	v8 =	vand.u32 $0x3FF0, v8;
	v7 =	vxor.u32 v3, v7  }
0x186: {  	s28 =	sadd.s32 $0x1, s19;
	v8 =	vxor.u32 v3, v8  }
0x187: {  	s29 =	sadd.s32 $0x101, s19;
	v9 =	vor.u32 s28, v2  }
0x188: {  	s30 =	sadd.s32 $0x201, s19;
	[tilespmem:v5+s10+$0x0] =	vst.idx.add.s32.msk $0xffff, v4;
	v5 =	vor.u32 s29, v2  }
0x189: {  	s31 =	sadd.s32 $0x301, s19;
	[tilespmem:v6+s11+$0x0] =	vst.idx.add.s32.msk $0xffff, v4;
	v6 =	vor.u32 s30, v2  }
0x18a: {  	[tilespmem:v7+s12+$0x0] =	vst.idx.add.s32.msk $0xffff, v4;
	v7 =	vor.u32 s31, v2  }
0x18b: {  	[tilespmem:v8+s13+$0x0] =	vst.idx.add.s32.msk $0xffff, v4  }
0x18c: {  	v8 =	vld.idx.msk [tilespmem:v9+s15+$0x0], $0xffff  }
0x18d: {  	v5 =	vld.idx.msk [tilespmem:v5+s15+$0x0], $0xffff  }
0x18e: {  	v6 =	vld.idx.msk [tilespmem:v6+s15+$0x0], $0xffff  }
0x18f: {  	v7 =	vld.idx.msk [tilespmem:v7+s15+$0x0], $0xffff;
	_ =	sdelay $0x4  }
0x190: {  	v8 =	vld.idx.msk [tilespmem:v8+s2+$0x0], $0xffff  }
0x191: {  	v5 =	vld.idx.msk [tilespmem:v5+s2+$0x0], $0xffff  }
0x192: {  	v6 =	vld.idx.msk [tilespmem:v6+s2+$0x0], $0xffff  }
0x193: {  	v7 =	vld.idx.msk [tilespmem:v7+s2+$0x0], $0xffff;
	_ =	sdelay $0x1  }
0x194: {  	v8 =	vshrl.u32 v8, $0x6  }
0x195: {  	v8 =	vand.u32 $0x3FF0, v8;
	v5 =	vshrl.u32 v5, $0x6  }
0x196: {  	v8 =	vxor.u32 v3, v8;
	v5 =	vand.u32 $0x3FF0, v5;
	v6 =	vshrl.u32 v6, $0x6  }
0x197: {  	v5 =	vxor.u32 v3, v5;
	v6 =	vand.u32 $0x3FF0, v6;
	v7 =	vshrl.u32 v7, $0x6  }
0x198: {  	v6 =	vxor.u32 v3, v6;
	v7 =	vand.u32 $0x3FF0, v7  }
0x199: {  	p0 =	slt.u32 s19, $0xFE;
	v7 =	vxor.u32 v3, v7  }
.Ltmp8:
0x19a: {  	_ = 	snop;
	(pc) =	sbr.rel @p0 .LBB2_15-.Ltmp8, $4  }
0x19b: {  	[tilespmem:v8+s10+$0x0] =	vst.idx.add.s32.msk $0xffff, v4  }
0x19c: {  	[tilespmem:v5+s11+$0x0] =	vst.idx.add.s32.msk $0xffff, v4  }
0x19d: {  	s19 =	sadd.s32 $0x2, s19;
	s21 =	simm.s32 $0x14020;
	[tilespmem:v6+s12+$0x0] =	vst.idx.add.s32.msk $0xffff, v4  }
0x19e: {  	s23 =	simm.s32 $0x10020;
	s20 =	simm.s32 $0x18020;
	s26 =	simm.s32 $0xC020;
	[tilespmem:v7+s13+$0x0] =	vst.idx.add.s32.msk $0xffff, v4  }
0x19f: {  	v6 =	vld [tilespmem:s20+$0xFFFFFFF0]  }
0x1a0: {  	v21 =	vld [tilespmem:s26+$0xFFFFFFE0]  }
0x1a1: {  	v5 =	vld [tilespmem:s20+$0x10]  }
0x1a2: {  	v7 =	vld [tilespmem:s21+$0x10]  }
0x1a3: {  	v8 =	vld [tilespmem:s23+$0x10]  }
0x1a4: {  	v11 =	vld [tilespmem:s26+$0x10]  }
0x1a5: {  	v10 =	vld [tilespmem:s21+$0xFFFFFFF0]  }
0x1a6: {  	v12 =	vld [tilespmem:s20+$0x0]  }
0x1a7: {  	v13 =	vld [tilespmem:s21+$0x0]  }
0x1a8: {  	v17 =	vld [tilespmem:s23+$0x0]  }
0x1a9: {  	v15 =	vld [tilespmem:s26+$0x0]  }
0x1aa: {  	v23 =	vld [tilespmem:s23+$0xFFFFFFF0]  }
0x1ab: {  	v22 =	vld [tilespmem:s26+$0xFFFFFFF0];
	v9 =	vadd.s32 v11, v8  }
0x1ac: {  	v24 =	vld [tilespmem:s23+$0xFFFFFFE0];
	v7 =	vadd.s32 v7, v9  }
0x1ad: {  	v14 =	vld [tilespmem:s21+$0xFFFFFFE0];
	v7 =	vadd.s32 v5, v7  }
0x1ae: {  	v16 =	vld [tilespmem:s20+$0xFFFFFFE0];
	s19 =	simm.s32 $0x18060;
	v5 =	vadd.s32 v15, v17;
	(xrf0) =	vadd.scan.msk.s32 $0xffff, v7  }
0x1af: {  	s25 =	simm.s32 $0x14060;
	v20 =	vld [tilespmem:s19+$0x10];
	v13 =	vadd.s32 v13, v5  }
0x1b0: {  	v19 =	vld [tilespmem:s25+$0x0];
	v18 =	vadd.s32 v22, v23;
	v12 =	vadd.s32 v12, v13  }
0x1b1: {  	v9 =	vld [tilespmem:s19+$0xFFFFFFF0];
	v10 =	vadd.s32 v10, v18;
	v13 =	vadd.s32 v21, v24;
	(xrf0) =	vadd.scan.msk.s32 $0xffff, v12  }
0x1b2: {  	s22 =	simm.s32 $0x10060;
	v18 =	vld [tilespmem:s25+$0x10];
	v25 =	vadd.s32 v6, v10  }
0x1b3: {  	s24 =	simm.s32 $0xC060;
	v10 =	vld [tilespmem:s22+$0x10];
	v6 =	vadd.s32 v14, v13;
	(xrf0) =	vadd.scan.msk.s32 $0xffff, v25  }
0x1b4: {  	v26 =	vadd.s32 v16, v6;
	v6 =	vld [tilespmem:s24+$0x10];
	v13, _, _ =	vpop (xrf0)  }
0x1b5: {  	v5 =	vld [tilespmem:s24+$0xFFFFFFE0];
	(xrf0) =	vadd.scan.msk.s32 $0xffff, v26;
	v7 =	vsub.s32 v13, v7  }
0x1b6: {  	v14 =	vld [tilespmem:s25+$0xFFFFFFF0];
	[tilespmem:s26+$0x10] =	vst v7;
	v7 =	vadd.s32 v11, v7  }
0x1b7: {  	v16 =	vld [tilespmem:s19+$0x0];
	v27, _, _ =	vpop (xrf0);
	v8 =	vadd.s32 v8, v7;
	[tilespmem:s23+$0x10] =	vst v7  }
0x1b8: {  	v11 =	vld [tilespmem:s22+$0x0];
	v7 =	vsub.s32 v27, v12;
	[tilespmem:s21+$0x10] =	vst v8  }
0x1b9: {  	v28 =	vadd.s32 v6, v10;
	v12, _, _ =	vpop (xrf0);
	v8 =	vld [tilespmem:s24+$0x0];
	[tilespmem:s26+$0x0] =	vst v7;
	v7 =	vadd.s32 v15, v7  }
0x1ba: {  	v28 =	vadd.s32 v18, v28;
	v15 =	vld [tilespmem:s22+$0xFFFFFFF0];
	v25 =	vsub.s32 v12, v25;
	[tilespmem:s23+$0x0] =	vst v7  }
0x1bb: {  	v20 =	vadd.s32 v20, v28;
	v29 =	vadd.s32 v17, v7;
	v7 =	vld [tilespmem:s24+$0xFFFFFFF0];
	[tilespmem:s26+$0xFFFFFFF0] =	vst v25;
	v18, _, _ =	vpop (xrf0)  }
0x1bc: {  	v17 =	vld [tilespmem:s22+$0xFFFFFFE0];
	[tilespmem:s21+$0x0] =	vst v29;
	(xrf0) =	vadd.scan.msk.s32 $0xffff, v20;
	v28 =	vsub.s32 v18, v26  }
0x1bd: {  	s29 =	simm.s32 $0x4;
	v26 =	vadd.s32 v22, v25;
	v22 =	vld [tilespmem:s25+$0xFFFFFFE0];
	[tilespmem:s20+$0x0] =	vst v27;
	v25 =	vadd.s32 v21, v28  }
0x1be: {  	s30 =	simm.s32 $0x180A0;
	s28 =	simm.s32 $0xC060;
	v21 =	vadd.s32 v23, v26;
	v23 =	vld [tilespmem:s19+$0xFFFFFFE0];
	[tilespmem:s26+$0xFFFFFFE0] =	vst v28;
	s26 =	simm.s32 $0x14060;
	v24 =	vadd.s32 v24, v25;
	v27 =	vadd.s32 v8, v11  }
.LBB2_17:
0x1bf: {  	v28 =	vld [tilespmem:s30+$0xFFFFFFF0];
	s29 =	sadd.s32 $0x4, s29;
	v19 =	vadd.s32 v19, v27;
	s24 =	sadd.s32 $0x40, s24;
	[tilespmem:s20+$0x10] =	vst v13;
	v27 =	vmov v15  }
0x1c0: {  	v29 =	vld [tilespmem:s24+$0xFFFFFFE0];
	p0 =	slt.u32 s29, $0x3FC;
	v31 =	vadd.s32 v7, v27;
	v15 =	vadd.s32 v16, v19;
	[tilespmem:s23+$0xFFFFFFF0] =	vst v26  }
0x1c1: {  	s25 =	sadd.s32 $0x40, s25;
	v26 =	vld [tilespmem:s30+$0x10];
	v16 =	vadd.s32 v5, v17;
	v19 =	vadd.s32 v14, v31;
	(xrf0) =	vadd.scan.msk.s32 $0xffff, v15;
	[tilespmem:s23+$0xFFFFFFE0] =	vst v25;
	v30 =	vmovc v17;
	s23 =	smov.u32 s22  }
0x1c2: {  	s22 =	sadd.s32 $0x40, s22;
	v17 =	vld [tilespmem:s25+$0x10];
	v14 =	vadd.s32 v22, v16;
	v22 =	vadd.s32 v9, v19;
	v13, _, _ =	vpop (xrf0);
	[tilespmem:s21+$0xFFFFFFE0] =	vst v24  }
0x1c3: {  	v24 =	vld [tilespmem:s22+$0x10];
	v23 =	vadd.s32 v23, v14;
	v14 =	vsub.s32 v13, v20;
	(xrf0) =	vadd.scan.msk.s32 $0xffff, v22;
	[tilespmem:s20+$0xFFFFFFE0] =	vst v18  }
0x1c4: {  	[tilespmem:s28+$0x10] =	vst v14;
	v18 =	vadd.s32 v6, v14;
	v6 =	vld [tilespmem:s24+$0x10];
	(xrf0) =	vadd.scan.msk.s32 $0xffff, v23;
	v9 =	vmov v28  }
0x1c5: {  	v14 =	vld [tilespmem:s25+$0xFFFFFFF0];
	v10 =	vadd.s32 v10, v18;
	[tilespmem:s21+$0xFFFFFFF0] =	vst v21;
	s21 =	smov.u32 s26;
	s26 =	smov.u32 s25  }
0x1c6: {  	v16 =	vld [tilespmem:s30+$0x0];
	[tilespmem:s20+$0xFFFFFFF0] =	vst v12;
	s20 =	smov.u32 s19;
	s19 =	smov.u32 s30  }
0x1c7: {  	v19 =	vld [tilespmem:s25+$0x0];
	[tilespmem:s23+$0x10] =	vst v18;
	v28, _, _ =	vpop (xrf0)  }
0x1c8: {  	v31 =	vld [tilespmem:s22+$0x0];
	v15 =	vsub.s32 v28, v15;
	[tilespmem:s21+$0x10] =	vst v10;
	v10 =	vmov v24  }
0x1c9: {  	v24 =	vadd.s32 v6, v10;
	[tilespmem:s28+$0x0] =	vst v15;
	v20 =	vadd.s32 v8, v15;
	v8 =	vld [tilespmem:s24+$0x0];
	v12, _, _ =	vpop (xrf0)  }
.Ltmp9:
0x1ca: {  	v15 =	vld [tilespmem:s22+$0xFFFFFFF0];
	v17 =	vadd.s32 v17, v24;
	v21 =	vsub.s32 v12, v22;
	[tilespmem:s23+$0x0] =	vst v20;
	v11 =	vadd.s32 v11, v20;
	v18, _, _ =	vpop (xrf0);
	(pc) =	sbr.rel @p0 .LBB2_17-.Ltmp9, $4  }
0x1cb: {  	v20 =	vadd.s32 v26, v17;
	v32 =	vsub.s32 v18, v23;
	[tilespmem:s28+$0xFFFFFFF0] =	vst v21;
	v26 =	vadd.s32 v7, v21;
	v7 =	vld [tilespmem:s24+$0xFFFFFFF0]  }
0x1cc: {  	v17 =	vld [tilespmem:s22+$0xFFFFFFE0];
	(xrf0) =	vadd.scan.msk.s32 $0xffff, v20;
	v25 =	vadd.s32 v5, v32;
	v21 =	vadd.s32 v27, v26;
	[tilespmem:s21+$0x0] =	vst v11;
	v5 =	vmovc v29  }
0x1cd: {  	v22 =	vld [tilespmem:s25+$0xFFFFFFE0];
	v24 =	vadd.s32 v30, v25;
	[tilespmem:s20+$0x0] =	vst v28;
	v11 =	vmov v31  }
0x1ce: {  	s30 =	sadd.s32 $0x40, s30;
	v23 =	vld [tilespmem:s19+$0xFFFFFFE0];
	v27 =	vadd.s32 v8, v11;
	[tilespmem:s28+$0xFFFFFFE0] =	vst v32;
	s28 =	smov.u32 s24  }
0x1cf: {  	[tilespmem:s20+$0x10] =	vst v13  }
0x1d0: {  	v19 =	vadd.s32 v19, v27;
	[tilespmem:s23+$0xFFFFFFF0] =	vst v26  }
0x1d1: {  	[tilespmem:s23+$0xFFFFFFE0] =	vst v25;
	v55 =	vadd.s32 v7, v15;
	v16 =	vadd.s32 v16, v19  }
0x1d2: {  	[tilespmem:s21+$0xFFFFFFE0] =	vst v24;
	v13 =	vadd.s32 v14, v55;
	(xrf0) =	vadd.scan.msk.s32 $0xffff, v16  }
0x1d3: {  	[tilespmem:s21+$0xFFFFFFF0] =	vst v21;
	v9 =	vadd.s32 v9, v13;
	v56, _, _ =	vpop (xrf0)  }
0x1d4: {  	v57 =	vadd.s32 v5, v17;
	[tilespmem:s20+$0xFFFFFFE0] =	vst v18;
	v58 =	vsub.s32 v56, v20;
	(xrf0) =	vadd.scan.msk.s32 $0xffff, v9  }
0x1d5: {  	[tilespmem:s20+$0xFFFFFFF0] =	vst v12;
	v14 =	vadd.s32 v22, v57;
	v6 =	vadd.s32 v6, v58  }
0x1d6: {  	v14 =	vadd.s32 v23, v14;
	[tilespmem:s28+$0x10] =	vst v58  }
0x1d7: {  	(xrf0) =	vadd.scan.msk.s32 $0xffff, v14;
	v10 =	vadd.s32 v10, v6;
	[tilespmem:s22+$0x10] =	vst v6  }
0x1d8: {  	[tilespmem:s26+$0x10] =	vst v10;
	v6, _, _ =	vpop (xrf0)  }
0x1d9: {  	[tilespmem:s19+$0x10] =	vst v56;
	v59 =	vsub.s32 v6, v16  }
0x1da: {  	[tilespmem:s28+$0x0] =	vst v59;
	v8 =	vadd.s32 v8, v59;
	v60, _, _ =	vpop (xrf0)  }
0x1db: {  	v9 =	vsub.s32 v60, v9;
	[tilespmem:s22+$0x0] =	vst v8  }
0x1dc: {  	v8 =	vadd.s32 v11, v8;
	[tilespmem:s28+$0xFFFFFFF0] =	vst v9  }
0x1dd: {  	v61, _, _ =	vpop (xrf0);
	[tilespmem:s26+$0x0] =	vst v8  }
0x1de: {  	s20 =	simm.s32 $0x0;
	v8 =	vsub.s32 v61, v14;
	[tilespmem:s19+$0x0] =	vst v6  }
0x1df: {  	[tilespmem:s28+$0xFFFFFFE0] =	vst v8;
	v6 =	vadd.s32 v7, v9;
	v7 =	vor.u32 s20, v1  }
0x1e0: {  	v5 =	vadd.s32 v5, v8;
	[tilespmem:s22+$0xFFFFFFF0] =	vst v6;
	v8 =	vshll.u32 v7, $0x4  }
0x1e1: {  	v62 =	vadd.s32 v17, v5;
	[tilespmem:s22+$0xFFFFFFE0] =	vst v5;
	v5 =	vor.u32 $0xF, v8  }
0x1e2: {  	v6 =	vadd.s32 v15, v6;
	[tilespmem:s26+$0xFFFFFFE0] =	vst v62  }
0x1e3: {  	[tilespmem:s26+$0xFFFFFFF0] =	vst v6  }
0x1e4: {  	[tilespmem:s19+$0xFFFFFFE0] =	vst v61  }
0x1e5: {  	[tilespmem:s19+$0xFFFFFFF0] =	vst v60  }
0x1e6: {  	v6 =	vld.idx.msk [tilespmem:v5+s13+$0x0], $0xffff;
	_ =	sdelay $0x4  }
0x1e7: {  	(xrf0) =	vadd.scan.msk.s32 $0xffff, v6;
	_ =	sdelay $0x3  }
0x1e8: {  	s30 =	simm.s32 $0x10  }
0x1e9: {  	v5 =	vor.u32 s30, v1  }
0x1ea: {  	v8 =	vshll.u32 v5, $0x4;
	v63, _, _ =	vpop (xrf0)  }
0x1eb: {  	v8 =	vor.u32 $0xF, v8;
	(v2sf) =	vpush v63, $0xF;
	_ =	sdelay $0x1  }
0x1ec: {  	v6 =	vsub.s32 s20, v6  }
0x1ed: {  	v6 =	vadd.s32 v63, v6  }
0x1ee: {  	[tilespmem:v7+s14+$0x0] =	vst.idx.msk $0xffff, v6  }
0x1ef: {  	v7 =	vld.idx.msk [tilespmem:v8+s13+$0x0], $0xffff;
	_ =	sdelay $0x4  }
0x1f0: {  	(xrf0) =	vadd.scan.msk.s32 $0xffff, v7;
	_ =	sdelay $0x2  }
0x1f1: {  	s31 =	simm.s32 $0x20  }
0x1f2: {  	s21 =	simm.s32 $0x30;
	s19 =	simm.s32 $0x0;
	v6 =	vor.u32 s31, v1  }
.LBB2_19:
0x1f3: {  	p0 =	sne.s32 s21, $0x3F0;
	v8 =	vshll.u32 v6, $0x4;
	s22 =	spop (v2sf)  }
0x1f4: {  	v8 =	vor.u32 $0xF, v8;
	v9, _, _ =	vpop (xrf0);
	s19 =	sadd.s32 s19, s22  }
0x1f5: {  	v7 =	vsub.s32 s19, v7;
	(v2sf) =	vpush v9, $0xF  }
0x1f6: {  	v7 =	vadd.s32 v9, v7  }
0x1f7: {  	[tilespmem:v5+s14+$0x0] =	vst.idx.msk $0xffff, v7;
	v5 =	vmov v6;
	_ =	sdelay $0x1  }
0x1f8: {  	v7 =	vld.idx.msk [tilespmem:v8+s13+$0x0], $0xffff;
	_ =	sdelay $0x5  }
.Ltmp10:
0x1f9: {  	(xrf0) =	vadd.scan.msk.s32 $0xffff, v7;
	(pc) =	sbr.rel @p0 .LBB2_19-.Ltmp10, $2  }
0x1fa: {  	_ =	sdelay $0x2  }
0x1fb: {  	v6 =	vor.u32 s21, v1;
	s21 =	sadd.s32 $0x10, s21  }
0x1fc: {  	_ = 	snop  }
0x1fd: {  	v8, _, _ =	vpop (xrf0)  }
0x1fe: {  	v9 =	vshll.u32 v6, $0x4;
	(v2sf) =	vpush v8, $0xF  }
0x1ff: {  	s21 =	spop (v2sf);
	v9 =	vor.u32 $0xF, v9  }
0x200: {  	s19 =	sadd.s32 s19, s21  }
0x201: {  	v7 =	vsub.s32 s19, v7  }
0x202: {  	v7 =	vadd.s32 v8, v7  }
0x203: {  	[tilespmem:v5+s14+$0x0] =	vst.idx.msk $0xffff, v7  }
0x204: {  	v5 =	vld.idx.msk [tilespmem:v9+s13+$0x0], $0xffff;
	_ =	sdelay $0x4  }
0x205: {  	(xrf0) =	vadd.scan.msk.s32 $0xffff, v5;
	_ =	sdelay $0x1  }
0x206: {  	s29 =	simm.s32 $0x2;
	v7 =	vmov s20  }
0x207: {  	s30 =	simm.s32 $0x3;
	v8 =	vmov s29;
	v7 =	vand.u32 $0xFFFFFFFC, v7  }
0x208: {  	s22 =	simm.s32 $0x1;
	v8 =	vand.u32 $0xFFFFFFFE, v8;
	v9 =	vmov s30;
	v7 =	vbroadcast v7, $0x0;
	s31 =	spop (v2sf)  }
0x209: {  	v10 =	vmov s22;
	v8 =	vbroadcast v8, $0x0;
	s19 =	sadd.s32 s19, s31  }
0x20a: {  	v10 =	vand.u32 $0xFFFFFFFD, v10;
	v11, _, _ =	vpop (xrf0);
	v5 =	vsub.s32 s19, v5  }
0x20b: {  	v12 =	vbroadcast v10, $0x0;
	v5 =	vadd.s32 v11, v5  }
0x20c: {  	[tilespmem:v6+s14+$0x0] =	vst.idx.msk $0xffff, v5  }
0x20d: {  	v9 =	vld.idx.msk [tilespmem:v9+s14+$0x0], $0xffff  }
0x20e: {  	v10 =	vld.idx.msk [tilespmem:v7+s14+$0x0], $0xffff  }
0x20f: {  	s23 =	simm.s32 $0xC020;
	v13 =	vld.idx.msk [tilespmem:v8+s14+$0x0], $0xffff  }
0x210: {  	v5 =	vld [tilespmem:s23+$0x0]  }
0x211: {  	v19 =	vld.idx.msk [tilespmem:v12+s14+$0x0], $0xffff  }
0x212: {  	v6 =	vld [tilespmem:s23+$0xFFFFFFE0]  }
0x213: {  	v7 =	vld [tilespmem:s23+$0xFFFFFFF0]  }
0x214: {  	s24 =	simm.s32 $0x4;
	v8 =	vld [tilespmem:s23+$0x10]  }
0x215: {  	s25 =	simm.s32 $0x7;
	v12 =	vmov s24;
	v5 =	vadd.s32 v13, v5  }
0x216: {  	s26 =	simm.s32 $0x10020;
	s28 =	simm.s32 $0x5;
	v14 =	vmov s25;
	v12 =	vand.u32 $0xFFFFFFFC, v12;
	[tilespmem:s23+$0x0] =	vst v5  }
0x217: {  	v6 =	vadd.s32 v10, v6;
	v5 =	vbroadcast v12, $0x0;
	v12 =	vmov s28;
	v15 =	vld [tilespmem:s26+$0x0]  }
0x218: {  	[tilespmem:s23+$0xFFFFFFE0] =	vst v6;
	v6 =	vadd.s32 v19, v7;
	v12 =	vand.u32 $0xFFFFFFFD, v12  }
0x219: {  	v16 =	vld [tilespmem:s26+$0xFFFFFFE0];
	[tilespmem:s23+$0xFFFFFFF0] =	vst v6;
	v6 =	vadd.s32 v9, v8;
	v12 =	vbroadcast v12, $0x0  }
0x21a: {  	v8 =	vld [tilespmem:s26+$0xFFFFFFF0];
	[tilespmem:s23+$0x10] =	vst v6  }
0x21b: {  	s29 =	simm.s32 $0x6;
	v17 =	vld [tilespmem:s26+$0x10]  }
0x21c: {  	v7 =	vld.idx.msk [tilespmem:v14+s14+$0x0], $0xffff;
	v6 =	vmov s29;
	v14 =	vadd.s32 v13, v15  }
0x21d: {  	s20 =	simm.s32 $0x14020;
	v6 =	vand.u32 $0xFFFFFFFE, v6;
	v5 =	vld.idx.msk [tilespmem:v5+s14+$0x0], $0xffff;
	[tilespmem:s26+$0x0] =	vst v14  }
0x21e: {  	v15 =	vbroadcast v6, $0x0;
	v14 =	vadd.s32 v10, v16;
	v16 =	vld [tilespmem:s20+$0x0]  }
0x21f: {  	s22 =	simm.s32 $0xC060;
	v8 =	vadd.s32 v19, v8;
	v6 =	vld.idx.msk [tilespmem:v12+s14+$0x0], $0xffff;
	[tilespmem:s26+$0xFFFFFFE0] =	vst v14  }
0x220: {  	(v2sf) =	vpush v11, $0xF;
	[tilespmem:s26+$0xFFFFFFF0] =	vst v8;
	v8 =	vadd.s32 v9, v17;
	v17 =	vld [tilespmem:s22+$0xFFFFFFE0]  }
0x221: {  	v11 =	vld [tilespmem:s20+$0xFFFFFFE0]  }
0x222: {  	v12 =	vld [tilespmem:s20+$0xFFFFFFF0];
	[tilespmem:s26+$0x10] =	vst v8  }
0x223: {  	v14 =	vld [tilespmem:s20+$0x10]  }
0x224: {  	v8 =	vld.idx.msk [tilespmem:v15+s14+$0x0], $0xffff;
	v15 =	vadd.s32 v13, v16  }
0x225: {  	s19 =	simm.s32 $0x18020;
	v16 =	vld [tilespmem:s22+$0x0];
	[tilespmem:s20+$0x0] =	vst v15  }
0x226: {  	v15 =	vld [tilespmem:s19+$0x0]  }
0x227: {  	v11 =	vadd.s32 v10, v11  }
0x228: {  	v18 =	vld [tilespmem:s22+$0xFFFFFFF0];
	[tilespmem:s20+$0xFFFFFFE0] =	vst v11;
	v11 =	vadd.s32 v19, v12  }
0x229: {  	v20 =	vld [tilespmem:s22+$0x10];
	s23 =	simm.s32 $0x8;
	[tilespmem:s20+$0xFFFFFFF0] =	vst v11;
	v11 =	vadd.s32 v9, v14  }
0x22a: {  	v14 =	vmov s23;
	[tilespmem:s20+$0x10] =	vst v11;
	v21 =	vld [tilespmem:s19+$0xFFFFFFF0];
	v11 =	vadd.s32 v8, v16  }
0x22b: {  	s21 =	simm.s32 $0x10060;
	s30 =	simm.s32 $0x9;
	s24 =	simm.s32 $0xB;
	[tilespmem:s22+$0x0] =	vst v11;
	v11 =	vld [tilespmem:s19+$0xFFFFFFE0];
	v13 =	vadd.s32 v13, v15;
	v15 =	vadd.s32 v5, v17;
	v17 =	vand.u32 $0xFFFFFFFC, v14  }
0x22c: {  	v16 =	vmov s24;
	v12 =	vld [tilespmem:s21+$0x0];
	v14 =	vmov s30;
	[tilespmem:s19+$0x0] =	vst v13;
	v17 =	vbroadcast v17, $0x0  }
0x22d: {  	[tilespmem:s22+$0xFFFFFFE0] =	vst v15;
	v15 =	vadd.s32 v6, v18;
	v13 =	vld [tilespmem:s19+$0x10];
	v18 =	vand.u32 $0xFFFFFFFD, v14  }
0x22e: {  	v20 =	vadd.s32 v7, v20;
	v14 =	vld [tilespmem:s21+$0xFFFFFFE0];
	[tilespmem:s22+$0xFFFFFFF0] =	vst v15;
	v18 =	vbroadcast v18, $0x0  }
0x22f: {  	s31 =	spop (v2sf);
	[tilespmem:s22+$0x10] =	vst v20;
	s23 =	simm.s32 $0xC;
	s24 =	simm.s32 $0xA;
	v19 =	vadd.s32 v19, v21;
	v15 =	vld [tilespmem:s21+$0xFFFFFFF0]  }
.LBB2_21:
0x230: {  	p0 =	slt.u32 s23, $0x3FC;
	v20 =	vmov s24;
	v21 =	vld [tilespmem:s21+$0x10];
	v11 =	vadd.s32 v10, v11;
	[tilespmem:s19+$0xFFFFFFF0] =	vst v19;
	v10 =	vmov v5  }
0x231: {  	v19 =	vand.u32 $0xFFFFFFFE, v20;
	v16 =	vld.idx.msk [tilespmem:v16+s14+$0x0], $0xffff;
	v12 =	vadd.s32 v8, v12;
	[tilespmem:s19+$0xFFFFFFE0] =	vst v11  }
0x232: {  	s20 =	sadd.s32 $0x40, s20;
	v5 =	vld.idx.msk [tilespmem:v17+s14+$0x0], $0xffff;
	v11 =	vbroadcast v19, $0x0;
	[tilespmem:s21+$0x0] =	vst v12;
	v12 =	vadd.s32 v9, v13;
	v9 =	vmov v7  }
0x233: {  	v7 =	vadd.s32 v10, v14;
	v13 =	vld [tilespmem:s20+$0x0];
	[tilespmem:s19+$0x10] =	vst v12  }
0x234: {  	v20 =	vld.idx.msk [tilespmem:v18+s14+$0x0], $0xffff;
	[tilespmem:s21+$0xFFFFFFE0] =	vst v7;
	v7 =	vadd.s32 v6, v15  }
0x235: {  	v12 =	vld [tilespmem:s20+$0xFFFFFFE0];
	[tilespmem:s21+$0xFFFFFFF0] =	vst v7;
	v17 =	vadd.s32 v9, v21  }
0x236: {  	v14 =	vld [tilespmem:s20+$0xFFFFFFF0];
	[tilespmem:s21+$0x10] =	vst v17  }
0x237: {  	v15 =	vld [tilespmem:s20+$0x10];
	v7 =	vmov v16  }
0x238: {  	s22 =	sadd.s32 $0x40, s22;
	v17 =	vld.idx.msk [tilespmem:v11+s14+$0x0], $0xffff;
	v11 =	vadd.s32 v8, v13  }
0x239: {  	s19 =	sadd.s32 $0x40, s19;
	v13 =	vld [tilespmem:s22+$0x0];
	[tilespmem:s20+$0x0] =	vst v11  }
0x23a: {  	v11 =	vadd.s32 v10, v12;
	v12 =	vld [tilespmem:s19+$0x0]  }
0x23b: {  	v18 =	vld [tilespmem:s22+$0xFFFFFFE0];
	[tilespmem:s20+$0xFFFFFFE0] =	vst v11;
	v11 =	vadd.s32 v6, v14  }
0x23c: {  	v14 =	vld [tilespmem:s22+$0xFFFFFFF0];
	[tilespmem:s20+$0xFFFFFFF0] =	vst v11;
	v11 =	vadd.s32 v9, v15  }
0x23d: {  	v15 =	vld [tilespmem:s22+$0x10];
	[tilespmem:s20+$0x10] =	vst v11  }
0x23e: {  	s24 =	sadd.s32 $0x3, s23;
	v11 =	vmov s23;
	v13 =	vadd.s32 v17, v13;
	v19 =	vld [tilespmem:s19+$0xFFFFFFF0]  }
.Ltmp11:
0x23f: {  	s25 =	sadd.s32 $0x1, s23;
	s21 =	sadd.s32 $0x40, s21;
	v16 =	vmov s24;
	v21 =	vand.u32 $0xFFFFFFFC, v11;
	[tilespmem:s22+$0x0] =	vst v13;
	v11 =	vld [tilespmem:s19+$0xFFFFFFE0];
	v13 =	vadd.s32 v8, v12;
	v8 =	vmovc v17;
	(pc) =	sbr.rel @p0 .LBB2_21-.Ltmp11, $4  }
0x240: {  	v17 =	vbroadcast v21, $0x0;
	v21 =	vmov s25;
	v18 =	vadd.s32 v5, v18;
	v12 =	vld [tilespmem:s21+$0x0];
	[tilespmem:s19+$0x0] =	vst v13  }
0x241: {  	v21 =	vand.u32 $0xFFFFFFFD, v21;
	[tilespmem:s22+$0xFFFFFFE0] =	vst v18;
	v22 =	vadd.s32 v20, v14;
	v13 =	vld [tilespmem:s19+$0x10]  }
0x242: {  	v18 =	vbroadcast v21, $0x0;
	v14 =	vld [tilespmem:s21+$0xFFFFFFE0];
	[tilespmem:s22+$0xFFFFFFF0] =	vst v22;
	v21 =	vadd.s32 v7, v15  }
0x243: {  	s24 =	sadd.s32 $0x2, s23;
	s23 =	sadd.s32 $0x4, s23;
	v15 =	vld [tilespmem:s21+$0xFFFFFFF0];
	[tilespmem:s22+$0x10] =	vst v21;
	v19 =	vadd.s32 v6, v19;
	v6 =	vmov v20  }
0x244: {  	_ = 	snop  }
0x245: {  	v20 =	vmov s24  }
0x246: {  	v20 =	vand.u32 $0xFFFFFFFE, v20  }
0x247: {  	v20 =	vbroadcast v20, $0x0  }
0x248: {  	v16 =	vld.idx.msk [tilespmem:v16+s14+$0x0], $0xffff  }
0x249: {  	v17 =	vld.idx.msk [tilespmem:v17+s14+$0x0], $0xffff  }
0x24a: {  	v18 =	vld.idx.msk [tilespmem:v18+s14+$0x0], $0xffff;
	s22 =	sadd.s32 $0x40, s22  }
0x24b: {  	v24 =	vld [tilespmem:s22+$0x0]  }
0x24c: {  	v10 =	vadd.s32 v10, v11;
	[tilespmem:s19+$0xFFFFFFF0] =	vst v19;
	v26 =	vld [tilespmem:s22+$0xFFFFFFE0]  }
0x24d: {  	v12 =	vadd.s32 v8, v12;
	[tilespmem:s19+$0xFFFFFFE0] =	vst v10;
	v20 =	vld.idx.msk [tilespmem:v20+s14+$0x0], $0xffff  }
0x24e: {  	v25 =	vld [tilespmem:s22+$0xFFFFFFF0];
	[tilespmem:s21+$0x0] =	vst v12;
	v9 =	vadd.s32 v9, v13  }
0x24f: {  	v28 =	vld [tilespmem:s22+$0x10];
	v27 =	vadd.s32 v5, v14;
	[tilespmem:s19+$0x10] =	vst v9  }
0x250: {  	v29 =	vld [tilespmem:s21+$0x10];
	s20 =	sadd.s32 $0x40, s20;
	[tilespmem:s21+$0xFFFFFFE0] =	vst v27;
	v30 =	vadd.s32 v6, v15  }
0x251: {  	v31 =	vld [tilespmem:s20+$0x0];
	[tilespmem:s21+$0xFFFFFFF0] =	vst v30;
	v33 =	vadd.s32 v17, v26  }
0x252: {  	s23 =	sadd.s32 $0x40, s21;
	v32 =	vld [tilespmem:s20+$0xFFFFFFE0];
	[tilespmem:s22+$0xFFFFFFE0] =	vst v33;
	v11 =	vadd.s32 v20, v24  }
0x253: {  	v10 =	vadd.s32 v18, v25;
	v36 =	vld [tilespmem:s23+$0xFFFFFFE0];
	[tilespmem:s22+$0x0] =	vst v11  }
0x254: {  	v9 =	vadd.s32 v16, v28;
	[tilespmem:s22+$0xFFFFFFF0] =	vst v10;
	v34 =	vld [tilespmem:s23+$0x0]  }
0x255: {  	v35 =	vadd.s32 v7, v29;
	[tilespmem:s22+$0x10] =	vst v9;
	v10 =	vld [tilespmem:s23+$0xFFFFFFF0]  }
0x256: {  	[tilespmem:s21+$0x10] =	vst v35;
	v37 =	vadd.s32 v8, v31;
	v38 =	vld [tilespmem:s23+$0x10]  }
0x257: {  	v39 =	vld [tilespmem:s20+$0xFFFFFFF0];
	[tilespmem:s20+$0x0] =	vst v37;
	v40 =	vadd.s32 v5, v32  }
0x258: {  	s29 =	sadd.s32 $0x40, s19;
	v41 =	vld [tilespmem:s20+$0x10];
	[tilespmem:s20+$0xFFFFFFE0] =	vst v40;
	v45 =	vadd.s32 v17, v36  }
0x259: {  	s30 =	sadd.s32 $0x40, s20;
	v43 =	vld [tilespmem:s29+$0x0];
	[tilespmem:s23+$0xFFFFFFE0] =	vst v45;
	v42 =	vadd.s32 v20, v34  }
0x25a: {  	v44 =	vadd.s32 v18, v10;
	v50 =	vld [tilespmem:s30+$0xFFFFFFE0];
	[tilespmem:s23+$0x0] =	vst v42  }
0x25b: {  	v47 =	vadd.s32 v16, v38;
	[tilespmem:s23+$0xFFFFFFF0] =	vst v44;
	v46 =	vld [tilespmem:s30+$0x0]  }
0x25c: {  	v49 =	vadd.s32 v6, v39;
	[tilespmem:s23+$0x10] =	vst v47;
	v48 =	vld [tilespmem:s30+$0xFFFFFFF0]  }
0x25d: {  	[tilespmem:s20+$0xFFFFFFF0] =	vst v49;
	v51 =	vadd.s32 v7, v41;
	v52 =	vld [tilespmem:s30+$0x10]  }
0x25e: {  	[tilespmem:s20+$0x10] =	vst v51;
	v53 =	vld [tilespmem:s29+$0xFFFFFFF0];
	v54 =	vadd.s32 v8, v43  }
0x25f: {  	v55 =	vld [tilespmem:s29+$0xFFFFFFE0];
	[tilespmem:s29+$0x0] =	vst v54;
	v59 =	vadd.s32 v17, v50  }
0x260: {  	s31 =	sadd.s32 $0x40, s29;
	v57 =	vld [tilespmem:s29+$0x10];
	[tilespmem:s30+$0xFFFFFFE0] =	vst v59;
	v56 =	vadd.s32 v20, v46  }
0x261: {  	v58 =	vadd.s32 v18, v48;
	v63 =	vld [tilespmem:s31+$0xFFFFFFE0];
	[tilespmem:s30+$0x0] =	vst v56  }
0x262: {  	v61 =	vadd.s32 v16, v52;
	[tilespmem:s30+$0xFFFFFFF0] =	vst v58;
	v60 =	vld [tilespmem:s31+$0x0]  }
0x263: {  	v6 =	vadd.s32 v6, v53;
	[tilespmem:s30+$0x10] =	vst v61;
	v62 =	vld [tilespmem:s31+$0xFFFFFFF0]  }
0x264: {  	v5 =	vadd.s32 v5, v55;
	[tilespmem:s29+$0xFFFFFFF0] =	vst v6;
	v6 =	vld [tilespmem:s31+$0x10]  }
0x265: {  	[tilespmem:s29+$0xFFFFFFE0] =	vst v5;
	v5 =	vadd.s32 v7, v57  }
0x266: {  	[tilespmem:s29+$0x10] =	vst v5;
	v7 =	vadd.s32 v17, v63  }
0x267: {  	[tilespmem:s31+$0xFFFFFFE0] =	vst v7;
	v5 =	vadd.s32 v20, v60  }
0x268: {  	[tilespmem:s31+$0x0] =	vst v5;
	v5 =	vadd.s32 v18, v62  }
0x269: {  	[tilespmem:s31+$0xFFFFFFF0] =	vst v5;
	v5 =	vadd.s32 v16, v6  }
0x26a: {  	s19 =	simm.s32 $0x0;
	s20 =	simm.s32 $0x3FE;
	[tilespmem:s31+$0x10] =	vst v5  }
.LBB2_23:
0x26b: {  	v5 =	vor.u32 s19, v2;
	s21 =	sadd.s32 $0x100, s19  }
0x26c: {  	s26 =	sadd.s32 $0x200, s19;
	v6 =	vor.u32 s21, v2  }
0x26d: {  	s28 =	sadd.s32 $0x1, s20;
	v7 =	vor.u32 s26, v2  }
0x26e: {  	v8 =	vor.u32 s28, v2;
	_ =	sdelay $0x1  }
0x26f: {  	v5 =	vld.idx.msk [tilespmem:v5+s15+$0x0], $0xffff  }
0x270: {  	v6 =	vld.idx.msk [tilespmem:v6+s15+$0x0], $0xffff  }
0x271: {  	v7 =	vld.idx.msk [tilespmem:v7+s15+$0x0], $0xffff  }
0x272: {  	v8 =	vld.idx.msk [tilespmem:v8+s15+$0x0], $0xffff;
	_ =	sdelay $0x4  }
0x273: {  	v9 =	vld.idx.msk [tilespmem:v5+s2+$0x0], $0xffff  }
0x274: {  	v10 =	vld.idx.msk [tilespmem:v6+s2+$0x0], $0xffff  }
0x275: {  	v11 =	vld.idx.msk [tilespmem:v7+s2+$0x0], $0xffff  }
0x276: {  	v12 =	vld.idx.msk [tilespmem:v8+s2+$0x0], $0xffff;
	_ =	sdelay $0x1  }
0x277: {  	v9 =	vshrl.u32 v9, $0x6  }
0x278: {  	v9 =	vand.u32 $0x3FF0, v9;
	v10 =	vshrl.u32 v10, $0x6  }
0x279: {  	v11 =	vshrl.u32 v11, $0x6;
	v9 =	vxor.u32 v3, v9;
	v10 =	vand.u32 $0x3FF0, v10  }
0x27a: {  	v12 =	vshrl.u32 v12, $0x6;
	v11 =	vand.u32 $0x3FF0, v11;
	v10 =	vxor.u32 v3, v10  }
0x27b: {  	v12 =	vand.u32 $0x3FF0, v12;
	v11 =	vxor.u32 v3, v11  }
0x27c: {  	v12 =	vxor.u32 v3, v12;
	_ =	sdelay $0x1  }
0x27d: {  	v13 =	vld.idx.msk [tilespmem:v9+s10+$0x0], $0xffff  }
0x27e: {  	v14 =	vld.idx.msk [tilespmem:v10+s11+$0x0], $0xffff  }
0x27f: {  	v15 =	vld.idx.msk [tilespmem:v11+s12+$0x0], $0xffff  }
0x280: {  	v16 =	vld.idx.msk [tilespmem:v12+s13+$0x0], $0xffff;
	_ =	sdelay $0x1  }
0x281: {  	v17 =	vadd.s32 $0x1, v13  }
0x282: {  	[tilespmem:v9+s10+$0x0] =	vst.idx.msk $0xffff, v17;
	v55 =	vadd.s32 $0x1, v14  }
0x283: {  	v56 =	vadd.s32 $0x1, v15;
	[tilespmem:v10+s11+$0x0] =	vst.idx.msk $0xffff, v55  }
0x284: {  	s29 =	sadd.s32 $0x1, s19;
	v57 =	vadd.s32 $0xFFFFFFFF, v16;
	[tilespmem:v11+s12+$0x0] =	vst.idx.msk $0xffff, v56  }
0x285: {  	s30 =	sadd.s32 $0x101, s19;
	v58 =	vor.u32 s29, v2;
	[tilespmem:v12+s13+$0x0] =	vst.idx.msk $0xffff, v57  }
0x286: {  	s31 =	sadd.s32 $0x201, s19;
	[tilespmem:v13+s16+$0x0] =	vst.idx.msk $0xffff, v5;
	v5 =	vor.u32 s30, v2  }
0x287: {  	[tilespmem:v14+s16+$0x0] =	vst.idx.msk $0xffff, v6;
	v6 =	vor.u32 s31, v2  }
0x288: {  	[tilespmem:v15+s16+$0x0] =	vst.idx.msk $0xffff, v7;
	v7 =	vor.u32 s20, v2  }
0x289: {  	[tilespmem:v57+s16+$0x0] =	vst.idx.msk $0xffff, v8  }
0x28a: {  	v8 =	vld.idx.msk [tilespmem:v58+s15+$0x0], $0xffff  }
0x28b: {  	v5 =	vld.idx.msk [tilespmem:v5+s15+$0x0], $0xffff  }
0x28c: {  	v6 =	vld.idx.msk [tilespmem:v6+s15+$0x0], $0xffff  }
0x28d: {  	v7 =	vld.idx.msk [tilespmem:v7+s15+$0x0], $0xffff;
	_ =	sdelay $0x4  }
0x28e: {  	v9 =	vld.idx.msk [tilespmem:v8+s2+$0x0], $0xffff  }
0x28f: {  	v10 =	vld.idx.msk [tilespmem:v5+s2+$0x0], $0xffff  }
0x290: {  	v11 =	vld.idx.msk [tilespmem:v6+s2+$0x0], $0xffff  }
0x291: {  	v12 =	vld.idx.msk [tilespmem:v7+s2+$0x0], $0xffff;
	_ =	sdelay $0x1  }
0x292: {  	v9 =	vshrl.u32 v9, $0x6  }
0x293: {  	v9 =	vand.u32 $0x3FF0, v9;
	v10 =	vshrl.u32 v10, $0x6  }
0x294: {  	v9 =	vxor.u32 v3, v9;
	v10 =	vand.u32 $0x3FF0, v10;
	v11 =	vshrl.u32 v11, $0x6  }
0x295: {  	v10 =	vxor.u32 v3, v10;
	v11 =	vand.u32 $0x3FF0, v11;
	v12 =	vshrl.u32 v12, $0x6  }
0x296: {  	v11 =	vxor.u32 v3, v11;
	v12 =	vand.u32 $0x3FF0, v12  }
0x297: {  	v12 =	vxor.u32 v3, v12;
	_ =	sdelay $0x1  }
0x298: {  	v13 =	vld.idx.msk [tilespmem:v9+s10+$0x0], $0xffff  }
0x299: {  	v14 =	vld.idx.msk [tilespmem:v10+s11+$0x0], $0xffff  }
0x29a: {  	v15 =	vld.idx.msk [tilespmem:v11+s12+$0x0], $0xffff  }
0x29b: {  	v59 =	vld.idx.msk [tilespmem:v12+s13+$0x0], $0xffff;
	_ =	sdelay $0x1  }
0x29c: {  	v60 =	vadd.s32 $0x1, v13  }
0x29d: {  	[tilespmem:v9+s10+$0x0] =	vst.idx.msk $0xffff, v60;
	v61 =	vadd.s32 $0x1, v14  }
0x29e: {  	[tilespmem:v10+s11+$0x0] =	vst.idx.msk $0xffff, v61;
	v62 =	vadd.s32 $0x1, v15  }
0x29f: {  	p0 =	slt.u32 s19, $0xFE;
	v63 =	vadd.s32 $0xFFFFFFFF, v59;
	[tilespmem:v11+s12+$0x0] =	vst.idx.msk $0xffff, v62  }
.Ltmp12:
0x2a0: {  	[tilespmem:v12+s13+$0x0] =	vst.idx.msk $0xffff, v63;
	(pc) =	sbr.rel @p0 .LBB2_23-.Ltmp12, $4  }
0x2a1: {  	[tilespmem:v13+s16+$0x0] =	vst.idx.msk $0xffff, v8  }
0x2a2: {  	s19 =	sadd.s32 $0x2, s19;
	[tilespmem:v14+s16+$0x0] =	vst.idx.msk $0xffff, v5  }
0x2a3: {  	s24 =	simm.s32 $0xFFFFFFFC;
	s22 =	simm.s32 $0x14020;
	s23 =	simm.s32 $0x10020;
	[tilespmem:v15+s16+$0x0] =	vst.idx.msk $0xffff, v6  }
0x2a4: {  	s25 =	simm.s32 $0xC020;
	s21 =	simm.s32 $0x18020;
	s20 =	sadd.s32 $0xFFFFFFFE, s20;
	[tilespmem:v63+s16+$0x0] =	vst.idx.msk $0xffff, v7  }
0x2a5: {  	[tilespmem:s25+$0xFFFFFFF0] =	vst v0  }
0x2a6: {  	[tilespmem:s25+$0x0] =	vst v0  }
0x2a7: {  	[tilespmem:s25+$0x10] =	vst v0  }
0x2a8: {  	[tilespmem:s25+$0xFFFFFFE0] =	vst v0  }
0x2a9: {  	[tilespmem:s23+$0xFFFFFFF0] =	vst v0  }
0x2aa: {  	[tilespmem:s23+$0x0] =	vst v0  }
0x2ab: {  	[tilespmem:s23+$0x10] =	vst v0  }
0x2ac: {  	[tilespmem:s23+$0xFFFFFFE0] =	vst v0  }
0x2ad: {  	[tilespmem:s22+$0xFFFFFFF0] =	vst v0  }
0x2ae: {  	[tilespmem:s22+$0x0] =	vst v0  }
0x2af: {  	[tilespmem:s22+$0x10] =	vst v0  }
0x2b0: {  	[tilespmem:s22+$0xFFFFFFE0] =	vst v0  }
0x2b1: {  	[tilespmem:s21+$0xFFFFFFF0] =	vst v0  }
0x2b2: {  	[tilespmem:s21+$0x0] =	vst v0  }
0x2b3: {  	[tilespmem:s21+$0x10] =	vst v0  }
0x2b4: {  	s20 =	sadd.s32 $0x4, s24;
	s24 =	sadd.s32 $0x40, s25;
	[tilespmem:s21+$0xFFFFFFE0] =	vst v0  }
.LBB2_25:
0x2b5: {  	[tilespmem:s24+$0xFFFFFFF0] =	vst v0;
	s23 =	sadd.s32 $0x40, s23  }
0x2b6: {  	s22 =	sadd.s32 $0x40, s22;
	[tilespmem:s23+$0xFFFFFFF0] =	vst v0  }
0x2b7: {  	s21 =	sadd.s32 $0x40, s21;
	[tilespmem:s22+$0xFFFFFFF0] =	vst v0  }
0x2b8: {  	[tilespmem:s21+$0xFFFFFFF0] =	vst v0  }
0x2b9: {  	[tilespmem:s24+$0x0] =	vst v0  }
0x2ba: {  	[tilespmem:s23+$0x0] =	vst v0  }
0x2bb: {  	[tilespmem:s22+$0x0] =	vst v0  }
0x2bc: {  	[tilespmem:s21+$0x0] =	vst v0  }
0x2bd: {  	[tilespmem:s24+$0x10] =	vst v0  }
0x2be: {  	s20 =	sadd.s32 $0x4, s20;
	[tilespmem:s23+$0x10] =	vst v0  }
0x2bf: {  	p0 =	slt.u32 s20, $0x3FC;
	[tilespmem:s22+$0x10] =	vst v0  }
.Ltmp13:
0x2c0: {  	[tilespmem:s21+$0x10] =	vst v0;
	(pc) =	sbr.rel @p0 .LBB2_25-.Ltmp13, $4  }
0x2c1: {  	[tilespmem:s24+$0xFFFFFFE0] =	vst v0  }
0x2c2: {  	[tilespmem:s23+$0xFFFFFFE0] =	vst v0  }
0x2c3: {  	[tilespmem:s22+$0xFFFFFFE0] =	vst v0  }
0x2c4: {  	s19 =	simm.s32 $0x0;
	s24 =	sadd.s32 $0x40, s24;
	[tilespmem:s21+$0xFFFFFFE0] =	vst v0  }
.LBB2_26:
0x2c5: {  	v5 =	vor.u32 s19, v2;
	s20 =	sadd.s32 $0x100, s19  }
0x2c6: {  	s25 =	sadd.s32 $0x200, s19;
	v6 =	vor.u32 s20, v2  }
0x2c7: {  	s26 =	sadd.s32 $0x300, s19;
	v7 =	vor.u32 s25, v2  }
0x2c8: {  	v8 =	vor.u32 s26, v2;
	_ =	sdelay $0x1  }
0x2c9: {  	v5 =	vld.idx.msk [tilespmem:v5+s16+$0x0], $0xffff  }
0x2ca: {  	v6 =	vld.idx.msk [tilespmem:v6+s16+$0x0], $0xffff  }
0x2cb: {  	v7 =	vld.idx.msk [tilespmem:v7+s16+$0x0], $0xffff  }
0x2cc: {  	v8 =	vld.idx.msk [tilespmem:v8+s16+$0x0], $0xffff;
	_ =	sdelay $0x4  }
0x2cd: {  	v5 =	vld.idx.msk [tilespmem:v5+s2+$0x0], $0xffff  }
0x2ce: {  	v6 =	vld.idx.msk [tilespmem:v6+s2+$0x0], $0xffff  }
0x2cf: {  	v7 =	vld.idx.msk [tilespmem:v7+s2+$0x0], $0xffff  }
0x2d0: {  	v8 =	vld.idx.msk [tilespmem:v8+s2+$0x0], $0xffff;
	_ =	sdelay $0x1  }
0x2d1: {  	v5 =	vshrl.u32 v5, $0x10  }
0x2d2: {  	v5 =	vand.u32 $0x3FF0, v5;
	v6 =	vshrl.u32 v6, $0x10  }
0x2d3: {  	v7 =	vshrl.u32 v7, $0x10;
	v5 =	vxor.u32 v3, v5;
	v6 =	vand.u32 $0x3FF0, v6  }
0x2d4: {  	v8 =	vshrl.u32 v8, $0x10;
	v7 =	vand.u32 $0x3FF0, v7;
	v6 =	vxor.u32 v3, v6  }
0x2d5: {  	v8 =	vand.u32 $0x3FF0, v8;
	v7 =	vxor.u32 v3, v7  }
0x2d6: {  	s28 =	sadd.s32 $0x1, s19;
	v8 =	vxor.u32 v3, v8  }
0x2d7: {  	s29 =	sadd.s32 $0x101, s19;
	v9 =	vor.u32 s28, v2  }
0x2d8: {  	s30 =	sadd.s32 $0x201, s19;
	[tilespmem:v5+s10+$0x0] =	vst.idx.add.s32.msk $0xffff, v4;
	v5 =	vor.u32 s29, v2  }
0x2d9: {  	s31 =	sadd.s32 $0x301, s19;
	[tilespmem:v6+s11+$0x0] =	vst.idx.add.s32.msk $0xffff, v4;
	v6 =	vor.u32 s30, v2  }
0x2da: {  	[tilespmem:v7+s12+$0x0] =	vst.idx.add.s32.msk $0xffff, v4;
	v7 =	vor.u32 s31, v2  }
0x2db: {  	[tilespmem:v8+s13+$0x0] =	vst.idx.add.s32.msk $0xffff, v4  }
0x2dc: {  	v8 =	vld.idx.msk [tilespmem:v9+s16+$0x0], $0xffff  }
0x2dd: {  	v5 =	vld.idx.msk [tilespmem:v5+s16+$0x0], $0xffff  }
0x2de: {  	v6 =	vld.idx.msk [tilespmem:v6+s16+$0x0], $0xffff  }
0x2df: {  	v7 =	vld.idx.msk [tilespmem:v7+s16+$0x0], $0xffff;
	_ =	sdelay $0x4  }
0x2e0: {  	v8 =	vld.idx.msk [tilespmem:v8+s2+$0x0], $0xffff  }
0x2e1: {  	v5 =	vld.idx.msk [tilespmem:v5+s2+$0x0], $0xffff  }
0x2e2: {  	v6 =	vld.idx.msk [tilespmem:v6+s2+$0x0], $0xffff  }
0x2e3: {  	v7 =	vld.idx.msk [tilespmem:v7+s2+$0x0], $0xffff;
	_ =	sdelay $0x1  }
0x2e4: {  	v8 =	vshrl.u32 v8, $0x10  }
0x2e5: {  	v8 =	vand.u32 $0x3FF0, v8;
	v5 =	vshrl.u32 v5, $0x10  }
0x2e6: {  	v8 =	vxor.u32 v3, v8;
	v5 =	vand.u32 $0x3FF0, v5;
	v6 =	vshrl.u32 v6, $0x10  }
0x2e7: {  	v5 =	vxor.u32 v3, v5;
	v6 =	vand.u32 $0x3FF0, v6;
	v7 =	vshrl.u32 v7, $0x10  }
0x2e8: {  	v6 =	vxor.u32 v3, v6;
	v7 =	vand.u32 $0x3FF0, v7  }
0x2e9: {  	p0 =	slt.u32 s19, $0xFE;
	v7 =	vxor.u32 v3, v7  }
.Ltmp14:
0x2ea: {  	_ = 	snop;
	(pc) =	sbr.rel @p0 .LBB2_26-.Ltmp14, $4  }
0x2eb: {  	[tilespmem:v8+s10+$0x0] =	vst.idx.add.s32.msk $0xffff, v4  }
0x2ec: {  	[tilespmem:v5+s11+$0x0] =	vst.idx.add.s32.msk $0xffff, v4  }
0x2ed: {  	s19 =	sadd.s32 $0x2, s19;
	s21 =	simm.s32 $0x14020;
	[tilespmem:v6+s12+$0x0] =	vst.idx.add.s32.msk $0xffff, v4  }
0x2ee: {  	s23 =	simm.s32 $0x10020;
	s20 =	simm.s32 $0x18020;
	s26 =	simm.s32 $0xC020;
	[tilespmem:v7+s13+$0x0] =	vst.idx.add.s32.msk $0xffff, v4  }
0x2ef: {  	v6 =	vld [tilespmem:s20+$0xFFFFFFF0]  }
0x2f0: {  	v21 =	vld [tilespmem:s26+$0xFFFFFFE0]  }
0x2f1: {  	v5 =	vld [tilespmem:s20+$0x10]  }
0x2f2: {  	v7 =	vld [tilespmem:s21+$0x10]  }
0x2f3: {  	v8 =	vld [tilespmem:s23+$0x10]  }
0x2f4: {  	v11 =	vld [tilespmem:s26+$0x10]  }
0x2f5: {  	v10 =	vld [tilespmem:s21+$0xFFFFFFF0]  }
0x2f6: {  	v12 =	vld [tilespmem:s20+$0x0]  }
0x2f7: {  	v13 =	vld [tilespmem:s21+$0x0]  }
0x2f8: {  	v17 =	vld [tilespmem:s23+$0x0]  }
0x2f9: {  	v15 =	vld [tilespmem:s26+$0x0]  }
0x2fa: {  	v23 =	vld [tilespmem:s23+$0xFFFFFFF0]  }
0x2fb: {  	v22 =	vld [tilespmem:s26+$0xFFFFFFF0];
	v9 =	vadd.s32 v11, v8  }
0x2fc: {  	v24 =	vld [tilespmem:s23+$0xFFFFFFE0];
	v7 =	vadd.s32 v7, v9  }
0x2fd: {  	v14 =	vld [tilespmem:s21+$0xFFFFFFE0];
	v7 =	vadd.s32 v5, v7  }
0x2fe: {  	v16 =	vld [tilespmem:s20+$0xFFFFFFE0];
	s19 =	simm.s32 $0x18060;
	v5 =	vadd.s32 v15, v17;
	(xrf0) =	vadd.scan.msk.s32 $0xffff, v7  }
0x2ff: {  	s25 =	simm.s32 $0x14060;
	v20 =	vld [tilespmem:s19+$0x10];
	v13 =	vadd.s32 v13, v5  }
0x300: {  	v19 =	vld [tilespmem:s25+$0x0];
	v18 =	vadd.s32 v22, v23;
	v12 =	vadd.s32 v12, v13  }
0x301: {  	v9 =	vld [tilespmem:s19+$0xFFFFFFF0];
	v10 =	vadd.s32 v10, v18;
	v13 =	vadd.s32 v21, v24;
	(xrf0) =	vadd.scan.msk.s32 $0xffff, v12  }
0x302: {  	s22 =	simm.s32 $0x10060;
	v18 =	vld [tilespmem:s25+$0x10];
	v25 =	vadd.s32 v6, v10  }
0x303: {  	s24 =	simm.s32 $0xC060;
	v10 =	vld [tilespmem:s22+$0x10];
	v6 =	vadd.s32 v14, v13;
	(xrf0) =	vadd.scan.msk.s32 $0xffff, v25  }
0x304: {  	v26 =	vadd.s32 v16, v6;
	v6 =	vld [tilespmem:s24+$0x10];
	v13, _, _ =	vpop (xrf0)  }
0x305: {  	v5 =	vld [tilespmem:s24+$0xFFFFFFE0];
	(xrf0) =	vadd.scan.msk.s32 $0xffff, v26;
	v7 =	vsub.s32 v13, v7  }
0x306: {  	v14 =	vld [tilespmem:s25+$0xFFFFFFF0];
	[tilespmem:s26+$0x10] =	vst v7;
	v7 =	vadd.s32 v11, v7  }
0x307: {  	v16 =	vld [tilespmem:s19+$0x0];
	v27, _, _ =	vpop (xrf0);
	v8 =	vadd.s32 v8, v7;
	[tilespmem:s23+$0x10] =	vst v7  }
0x308: {  	v11 =	vld [tilespmem:s22+$0x0];
	v7 =	vsub.s32 v27, v12;
	[tilespmem:s21+$0x10] =	vst v8  }
0x309: {  	v28 =	vadd.s32 v6, v10;
	v12, _, _ =	vpop (xrf0);
	v8 =	vld [tilespmem:s24+$0x0];
	[tilespmem:s26+$0x0] =	vst v7;
	v7 =	vadd.s32 v15, v7  }
0x30a: {  	v28 =	vadd.s32 v18, v28;
	v15 =	vld [tilespmem:s22+$0xFFFFFFF0];
	v25 =	vsub.s32 v12, v25;
	[tilespmem:s23+$0x0] =	vst v7  }
0x30b: {  	v20 =	vadd.s32 v20, v28;
	v29 =	vadd.s32 v17, v7;
	v7 =	vld [tilespmem:s24+$0xFFFFFFF0];
	[tilespmem:s26+$0xFFFFFFF0] =	vst v25;
	v18, _, _ =	vpop (xrf0)  }
0x30c: {  	v17 =	vld [tilespmem:s22+$0xFFFFFFE0];
	[tilespmem:s21+$0x0] =	vst v29;
	(xrf0) =	vadd.scan.msk.s32 $0xffff, v20;
	v28 =	vsub.s32 v18, v26  }
0x30d: {  	s29 =	simm.s32 $0x4;
	v26 =	vadd.s32 v22, v25;
	v22 =	vld [tilespmem:s25+$0xFFFFFFE0];
	[tilespmem:s20+$0x0] =	vst v27;
	v25 =	vadd.s32 v21, v28  }
0x30e: {  	s30 =	simm.s32 $0x180A0;
	s28 =	simm.s32 $0xC060;
	v21 =	vadd.s32 v23, v26;
	v23 =	vld [tilespmem:s19+$0xFFFFFFE0];
	[tilespmem:s26+$0xFFFFFFE0] =	vst v28;
	s26 =	simm.s32 $0x14060;
	v24 =	vadd.s32 v24, v25;
	v27 =	vadd.s32 v8, v11  }
.LBB2_28:
0x30f: {  	v28 =	vld [tilespmem:s30+$0xFFFFFFF0];
	s29 =	sadd.s32 $0x4, s29;
	v19 =	vadd.s32 v19, v27;
	s24 =	sadd.s32 $0x40, s24;
	[tilespmem:s20+$0x10] =	vst v13;
	v27 =	vmov v15  }
0x310: {  	v29 =	vld [tilespmem:s24+$0xFFFFFFE0];
	p0 =	slt.u32 s29, $0x3FC;
	v31 =	vadd.s32 v7, v27;
	v15 =	vadd.s32 v16, v19;
	[tilespmem:s23+$0xFFFFFFF0] =	vst v26  }
0x311: {  	s25 =	sadd.s32 $0x40, s25;
	v26 =	vld [tilespmem:s30+$0x10];
	v16 =	vadd.s32 v5, v17;
	v19 =	vadd.s32 v14, v31;
	(xrf0) =	vadd.scan.msk.s32 $0xffff, v15;
	[tilespmem:s23+$0xFFFFFFE0] =	vst v25;
	v30 =	vmovc v17;
	s23 =	smov.u32 s22  }
0x312: {  	s22 =	sadd.s32 $0x40, s22;
	v17 =	vld [tilespmem:s25+$0x10];
	v14 =	vadd.s32 v22, v16;
	v22 =	vadd.s32 v9, v19;
	v13, _, _ =	vpop (xrf0);
	[tilespmem:s21+$0xFFFFFFE0] =	vst v24  }
0x313: {  	v24 =	vld [tilespmem:s22+$0x10];
	v23 =	vadd.s32 v23, v14;
	v14 =	vsub.s32 v13, v20;
	(xrf0) =	vadd.scan.msk.s32 $0xffff, v22;
	[tilespmem:s20+$0xFFFFFFE0] =	vst v18  }
0x314: {  	[tilespmem:s28+$0x10] =	vst v14;
	v18 =	vadd.s32 v6, v14;
	v6 =	vld [tilespmem:s24+$0x10];
	(xrf0) =	vadd.scan.msk.s32 $0xffff, v23;
	v9 =	vmov v28  }
0x315: {  	v14 =	vld [tilespmem:s25+$0xFFFFFFF0];
	v10 =	vadd.s32 v10, v18;
	[tilespmem:s21+$0xFFFFFFF0] =	vst v21;
	s21 =	smov.u32 s26;
	s26 =	smov.u32 s25  }
0x316: {  	v16 =	vld [tilespmem:s30+$0x0];
	[tilespmem:s20+$0xFFFFFFF0] =	vst v12;
	s20 =	smov.u32 s19;
	s19 =	smov.u32 s30  }
0x317: {  	v19 =	vld [tilespmem:s25+$0x0];
	[tilespmem:s23+$0x10] =	vst v18;
	v28, _, _ =	vpop (xrf0)  }
0x318: {  	v31 =	vld [tilespmem:s22+$0x0];
	v15 =	vsub.s32 v28, v15;
	[tilespmem:s21+$0x10] =	vst v10;
	v10 =	vmov v24  }
0x319: {  	v24 =	vadd.s32 v6, v10;
	[tilespmem:s28+$0x0] =	vst v15;
	v20 =	vadd.s32 v8, v15;
	v8 =	vld [tilespmem:s24+$0x0];
	v12, _, _ =	vpop (xrf0)  }
.Ltmp15:
0x31a: {  	v15 =	vld [tilespmem:s22+$0xFFFFFFF0];
	v17 =	vadd.s32 v17, v24;
	v21 =	vsub.s32 v12, v22;
	[tilespmem:s23+$0x0] =	vst v20;
	v11 =	vadd.s32 v11, v20;
	v18, _, _ =	vpop (xrf0);
	(pc) =	sbr.rel @p0 .LBB2_28-.Ltmp15, $4  }
0x31b: {  	v20 =	vadd.s32 v26, v17;
	v32 =	vsub.s32 v18, v23;
	[tilespmem:s28+$0xFFFFFFF0] =	vst v21;
	v26 =	vadd.s32 v7, v21;
	v7 =	vld [tilespmem:s24+$0xFFFFFFF0]  }
0x31c: {  	v17 =	vld [tilespmem:s22+$0xFFFFFFE0];
	(xrf0) =	vadd.scan.msk.s32 $0xffff, v20;
	v25 =	vadd.s32 v5, v32;
	v21 =	vadd.s32 v27, v26;
	[tilespmem:s21+$0x0] =	vst v11;
	v5 =	vmovc v29  }
0x31d: {  	v22 =	vld [tilespmem:s25+$0xFFFFFFE0];
	v24 =	vadd.s32 v30, v25;
	[tilespmem:s20+$0x0] =	vst v28;
	v11 =	vmov v31  }
0x31e: {  	s30 =	sadd.s32 $0x40, s30;
	v23 =	vld [tilespmem:s19+$0xFFFFFFE0];
	v27 =	vadd.s32 v8, v11;
	[tilespmem:s28+$0xFFFFFFE0] =	vst v32;
	s28 =	smov.u32 s24  }
0x31f: {  	[tilespmem:s20+$0x10] =	vst v13  }
0x320: {  	v19 =	vadd.s32 v19, v27;
	[tilespmem:s23+$0xFFFFFFF0] =	vst v26  }
0x321: {  	[tilespmem:s23+$0xFFFFFFE0] =	vst v25;
	v55 =	vadd.s32 v7, v15;
	v16 =	vadd.s32 v16, v19  }
0x322: {  	[tilespmem:s21+$0xFFFFFFE0] =	vst v24;
	v13 =	vadd.s32 v14, v55;
	(xrf0) =	vadd.scan.msk.s32 $0xffff, v16  }
0x323: {  	[tilespmem:s21+$0xFFFFFFF0] =	vst v21;
	v9 =	vadd.s32 v9, v13;
	v56, _, _ =	vpop (xrf0)  }
0x324: {  	v57 =	vadd.s32 v5, v17;
	[tilespmem:s20+$0xFFFFFFE0] =	vst v18;
	v58 =	vsub.s32 v56, v20;
	(xrf0) =	vadd.scan.msk.s32 $0xffff, v9  }
0x325: {  	[tilespmem:s20+$0xFFFFFFF0] =	vst v12;
	v14 =	vadd.s32 v22, v57;
	v6 =	vadd.s32 v6, v58  }
0x326: {  	v14 =	vadd.s32 v23, v14;
	[tilespmem:s28+$0x10] =	vst v58  }
0x327: {  	(xrf0) =	vadd.scan.msk.s32 $0xffff, v14;
	v10 =	vadd.s32 v10, v6;
	[tilespmem:s22+$0x10] =	vst v6  }
0x328: {  	[tilespmem:s26+$0x10] =	vst v10;
	v6, _, _ =	vpop (xrf0)  }
0x329: {  	[tilespmem:s19+$0x10] =	vst v56;
	v59 =	vsub.s32 v6, v16  }
0x32a: {  	[tilespmem:s28+$0x0] =	vst v59;
	v8 =	vadd.s32 v8, v59;
	v60, _, _ =	vpop (xrf0)  }
0x32b: {  	v9 =	vsub.s32 v60, v9;
	[tilespmem:s22+$0x0] =	vst v8  }
0x32c: {  	v8 =	vadd.s32 v11, v8;
	[tilespmem:s28+$0xFFFFFFF0] =	vst v9  }
0x32d: {  	v61, _, _ =	vpop (xrf0);
	[tilespmem:s26+$0x0] =	vst v8  }
0x32e: {  	s20 =	simm.s32 $0x0;
	v8 =	vsub.s32 v61, v14;
	[tilespmem:s19+$0x0] =	vst v6  }
0x32f: {  	[tilespmem:s28+$0xFFFFFFE0] =	vst v8;
	v6 =	vadd.s32 v7, v9;
	v7 =	vor.u32 s20, v1  }
0x330: {  	v5 =	vadd.s32 v5, v8;
	[tilespmem:s22+$0xFFFFFFF0] =	vst v6;
	v8 =	vshll.u32 v7, $0x4  }
0x331: {  	v62 =	vadd.s32 v17, v5;
	[tilespmem:s22+$0xFFFFFFE0] =	vst v5;
	v5 =	vor.u32 $0xF, v8  }
0x332: {  	v6 =	vadd.s32 v15, v6;
	[tilespmem:s26+$0xFFFFFFE0] =	vst v62  }
0x333: {  	[tilespmem:s26+$0xFFFFFFF0] =	vst v6  }
0x334: {  	[tilespmem:s19+$0xFFFFFFE0] =	vst v61  }
0x335: {  	[tilespmem:s19+$0xFFFFFFF0] =	vst v60  }
0x336: {  	v6 =	vld.idx.msk [tilespmem:v5+s13+$0x0], $0xffff;
	_ =	sdelay $0x4  }
0x337: {  	(xrf0) =	vadd.scan.msk.s32 $0xffff, v6;
	_ =	sdelay $0x3  }
0x338: {  	s30 =	simm.s32 $0x10  }
0x339: {  	v5 =	vor.u32 s30, v1  }
0x33a: {  	v8 =	vshll.u32 v5, $0x4;
	v63, _, _ =	vpop (xrf0)  }
0x33b: {  	v8 =	vor.u32 $0xF, v8;
	(v2sf) =	vpush v63, $0xF;
	_ =	sdelay $0x1  }
0x33c: {  	v6 =	vsub.s32 s20, v6  }
0x33d: {  	v6 =	vadd.s32 v63, v6  }
0x33e: {  	[tilespmem:v7+s14+$0x0] =	vst.idx.msk $0xffff, v6  }
0x33f: {  	v7 =	vld.idx.msk [tilespmem:v8+s13+$0x0], $0xffff;
	_ =	sdelay $0x4  }
0x340: {  	(xrf0) =	vadd.scan.msk.s32 $0xffff, v7;
	_ =	sdelay $0x2  }
0x341: {  	s31 =	simm.s32 $0x20  }
0x342: {  	s21 =	simm.s32 $0x30;
	s19 =	simm.s32 $0x0;
	v6 =	vor.u32 s31, v1  }
.LBB2_30:
0x343: {  	p0 =	sne.s32 s21, $0x3F0;
	v8 =	vshll.u32 v6, $0x4;
	s22 =	spop (v2sf)  }
0x344: {  	v8 =	vor.u32 $0xF, v8;
	v9, _, _ =	vpop (xrf0);
	s19 =	sadd.s32 s19, s22  }
0x345: {  	v7 =	vsub.s32 s19, v7;
	(v2sf) =	vpush v9, $0xF  }
0x346: {  	v7 =	vadd.s32 v9, v7  }
0x347: {  	[tilespmem:v5+s14+$0x0] =	vst.idx.msk $0xffff, v7;
	v5 =	vmov v6;
	_ =	sdelay $0x1  }
0x348: {  	v7 =	vld.idx.msk [tilespmem:v8+s13+$0x0], $0xffff;
	_ =	sdelay $0x5  }
.Ltmp16:
0x349: {  	(xrf0) =	vadd.scan.msk.s32 $0xffff, v7;
	(pc) =	sbr.rel @p0 .LBB2_30-.Ltmp16, $2  }
0x34a: {  	_ =	sdelay $0x2  }
0x34b: {  	v6 =	vor.u32 s21, v1;
	s21 =	sadd.s32 $0x10, s21  }
0x34c: {  	_ = 	snop  }
0x34d: {  	v8, _, _ =	vpop (xrf0)  }
0x34e: {  	v9 =	vshll.u32 v6, $0x4;
	(v2sf) =	vpush v8, $0xF  }
0x34f: {  	s21 =	spop (v2sf);
	v9 =	vor.u32 $0xF, v9  }
0x350: {  	s19 =	sadd.s32 s19, s21  }
0x351: {  	v7 =	vsub.s32 s19, v7  }
0x352: {  	v7 =	vadd.s32 v8, v7  }
0x353: {  	[tilespmem:v5+s14+$0x0] =	vst.idx.msk $0xffff, v7  }
0x354: {  	v5 =	vld.idx.msk [tilespmem:v9+s13+$0x0], $0xffff;
	_ =	sdelay $0x4  }
0x355: {  	(xrf0) =	vadd.scan.msk.s32 $0xffff, v5;
	_ =	sdelay $0x1  }
0x356: {  	s29 =	simm.s32 $0x2;
	v7 =	vmov s20  }
0x357: {  	s30 =	simm.s32 $0x3;
	v8 =	vmov s29;
	v7 =	vand.u32 $0xFFFFFFFC, v7  }
0x358: {  	s22 =	simm.s32 $0x1;
	v8 =	vand.u32 $0xFFFFFFFE, v8;
	v9 =	vmov s30;
	v7 =	vbroadcast v7, $0x0;
	s31 =	spop (v2sf)  }
0x359: {  	v10 =	vmov s22;
	v8 =	vbroadcast v8, $0x0;
	s19 =	sadd.s32 s19, s31  }
0x35a: {  	v10 =	vand.u32 $0xFFFFFFFD, v10;
	v11, _, _ =	vpop (xrf0);
	v5 =	vsub.s32 s19, v5  }
0x35b: {  	v12 =	vbroadcast v10, $0x0;
	v5 =	vadd.s32 v11, v5  }
0x35c: {  	[tilespmem:v6+s14+$0x0] =	vst.idx.msk $0xffff, v5  }
0x35d: {  	v9 =	vld.idx.msk [tilespmem:v9+s14+$0x0], $0xffff  }
0x35e: {  	v10 =	vld.idx.msk [tilespmem:v7+s14+$0x0], $0xffff  }
0x35f: {  	s23 =	simm.s32 $0xC020;
	v13 =	vld.idx.msk [tilespmem:v8+s14+$0x0], $0xffff  }
0x360: {  	v5 =	vld [tilespmem:s23+$0x0]  }
0x361: {  	v19 =	vld.idx.msk [tilespmem:v12+s14+$0x0], $0xffff  }
0x362: {  	v6 =	vld [tilespmem:s23+$0xFFFFFFE0]  }
0x363: {  	v7 =	vld [tilespmem:s23+$0xFFFFFFF0]  }
0x364: {  	s24 =	simm.s32 $0x4;
	v8 =	vld [tilespmem:s23+$0x10]  }
0x365: {  	s25 =	simm.s32 $0x7;
	v12 =	vmov s24;
	v5 =	vadd.s32 v13, v5  }
0x366: {  	s26 =	simm.s32 $0x10020;
	s28 =	simm.s32 $0x5;
	v14 =	vmov s25;
	v12 =	vand.u32 $0xFFFFFFFC, v12;
	[tilespmem:s23+$0x0] =	vst v5  }
0x367: {  	v6 =	vadd.s32 v10, v6;
	v5 =	vbroadcast v12, $0x0;
	v12 =	vmov s28;
	v15 =	vld [tilespmem:s26+$0x0]  }
0x368: {  	[tilespmem:s23+$0xFFFFFFE0] =	vst v6;
	v6 =	vadd.s32 v19, v7;
	v12 =	vand.u32 $0xFFFFFFFD, v12  }
0x369: {  	v16 =	vld [tilespmem:s26+$0xFFFFFFE0];
	[tilespmem:s23+$0xFFFFFFF0] =	vst v6;
	v6 =	vadd.s32 v9, v8;
	v12 =	vbroadcast v12, $0x0  }
0x36a: {  	v8 =	vld [tilespmem:s26+$0xFFFFFFF0];
	[tilespmem:s23+$0x10] =	vst v6  }
0x36b: {  	s29 =	simm.s32 $0x6;
	v17 =	vld [tilespmem:s26+$0x10]  }
0x36c: {  	v7 =	vld.idx.msk [tilespmem:v14+s14+$0x0], $0xffff;
	v6 =	vmov s29;
	v14 =	vadd.s32 v13, v15  }
0x36d: {  	s20 =	simm.s32 $0x14020;
	v6 =	vand.u32 $0xFFFFFFFE, v6;
	v5 =	vld.idx.msk [tilespmem:v5+s14+$0x0], $0xffff;
	[tilespmem:s26+$0x0] =	vst v14  }
0x36e: {  	v15 =	vbroadcast v6, $0x0;
	v14 =	vadd.s32 v10, v16;
	v16 =	vld [tilespmem:s20+$0x0]  }
0x36f: {  	s22 =	simm.s32 $0xC060;
	v8 =	vadd.s32 v19, v8;
	v6 =	vld.idx.msk [tilespmem:v12+s14+$0x0], $0xffff;
	[tilespmem:s26+$0xFFFFFFE0] =	vst v14  }
0x370: {  	(v2sf) =	vpush v11, $0xF;
	[tilespmem:s26+$0xFFFFFFF0] =	vst v8;
	v8 =	vadd.s32 v9, v17;
	v17 =	vld [tilespmem:s22+$0xFFFFFFE0]  }
0x371: {  	v11 =	vld [tilespmem:s20+$0xFFFFFFE0]  }
0x372: {  	v12 =	vld [tilespmem:s20+$0xFFFFFFF0];
	[tilespmem:s26+$0x10] =	vst v8  }
0x373: {  	v14 =	vld [tilespmem:s20+$0x10]  }
0x374: {  	v8 =	vld.idx.msk [tilespmem:v15+s14+$0x0], $0xffff;
	v15 =	vadd.s32 v13, v16  }
0x375: {  	s19 =	simm.s32 $0x18020;
	v16 =	vld [tilespmem:s22+$0x0];
	[tilespmem:s20+$0x0] =	vst v15  }
0x376: {  	v15 =	vld [tilespmem:s19+$0x0]  }
0x377: {  	v11 =	vadd.s32 v10, v11  }
0x378: {  	v18 =	vld [tilespmem:s22+$0xFFFFFFF0];
	[tilespmem:s20+$0xFFFFFFE0] =	vst v11;
	v11 =	vadd.s32 v19, v12  }
0x379: {  	v20 =	vld [tilespmem:s22+$0x10];
	s23 =	simm.s32 $0x8;
	[tilespmem:s20+$0xFFFFFFF0] =	vst v11;
	v11 =	vadd.s32 v9, v14  }
0x37a: {  	v14 =	vmov s23;
	[tilespmem:s20+$0x10] =	vst v11;
	v21 =	vld [tilespmem:s19+$0xFFFFFFF0];
	v11 =	vadd.s32 v8, v16  }
0x37b: {  	s21 =	simm.s32 $0x10060;
	s30 =	simm.s32 $0x9;
	s24 =	simm.s32 $0xB;
	[tilespmem:s22+$0x0] =	vst v11;
	v11 =	vld [tilespmem:s19+$0xFFFFFFE0];
	v13 =	vadd.s32 v13, v15;
	v15 =	vadd.s32 v5, v17;
	v17 =	vand.u32 $0xFFFFFFFC, v14  }
0x37c: {  	v16 =	vmov s24;
	v12 =	vld [tilespmem:s21+$0x0];
	v14 =	vmov s30;
	[tilespmem:s19+$0x0] =	vst v13;
	v17 =	vbroadcast v17, $0x0  }
0x37d: {  	[tilespmem:s22+$0xFFFFFFE0] =	vst v15;
	v15 =	vadd.s32 v6, v18;
	v13 =	vld [tilespmem:s19+$0x10];
	v18 =	vand.u32 $0xFFFFFFFD, v14  }
0x37e: {  	v20 =	vadd.s32 v7, v20;
	v14 =	vld [tilespmem:s21+$0xFFFFFFE0];
	[tilespmem:s22+$0xFFFFFFF0] =	vst v15;
	v18 =	vbroadcast v18, $0x0  }
0x37f: {  	s31 =	spop (v2sf);
	[tilespmem:s22+$0x10] =	vst v20;
	s23 =	simm.s32 $0xC;
	s24 =	simm.s32 $0xA;
	v19 =	vadd.s32 v19, v21;
	v15 =	vld [tilespmem:s21+$0xFFFFFFF0]  }
.LBB2_32:
0x380: {  	p0 =	slt.u32 s23, $0x3FC;
	v20 =	vmov s24;
	v21 =	vld [tilespmem:s21+$0x10];
	v11 =	vadd.s32 v10, v11;
	[tilespmem:s19+$0xFFFFFFF0] =	vst v19;
	v10 =	vmov v5  }
0x381: {  	v19 =	vand.u32 $0xFFFFFFFE, v20;
	v16 =	vld.idx.msk [tilespmem:v16+s14+$0x0], $0xffff;
	v12 =	vadd.s32 v8, v12;
	[tilespmem:s19+$0xFFFFFFE0] =	vst v11  }
0x382: {  	s20 =	sadd.s32 $0x40, s20;
	v5 =	vld.idx.msk [tilespmem:v17+s14+$0x0], $0xffff;
	v11 =	vbroadcast v19, $0x0;
	[tilespmem:s21+$0x0] =	vst v12;
	v12 =	vadd.s32 v9, v13;
	v9 =	vmov v7  }
0x383: {  	v7 =	vadd.s32 v10, v14;
	v13 =	vld [tilespmem:s20+$0x0];
	[tilespmem:s19+$0x10] =	vst v12  }
0x384: {  	v20 =	vld.idx.msk [tilespmem:v18+s14+$0x0], $0xffff;
	[tilespmem:s21+$0xFFFFFFE0] =	vst v7;
	v7 =	vadd.s32 v6, v15  }
0x385: {  	v12 =	vld [tilespmem:s20+$0xFFFFFFE0];
	[tilespmem:s21+$0xFFFFFFF0] =	vst v7;
	v17 =	vadd.s32 v9, v21  }
0x386: {  	v14 =	vld [tilespmem:s20+$0xFFFFFFF0];
	[tilespmem:s21+$0x10] =	vst v17  }
0x387: {  	v15 =	vld [tilespmem:s20+$0x10];
	v7 =	vmov v16  }
0x388: {  	s22 =	sadd.s32 $0x40, s22;
	v17 =	vld.idx.msk [tilespmem:v11+s14+$0x0], $0xffff;
	v11 =	vadd.s32 v8, v13  }
0x389: {  	s19 =	sadd.s32 $0x40, s19;
	v13 =	vld [tilespmem:s22+$0x0];
	[tilespmem:s20+$0x0] =	vst v11  }
0x38a: {  	v11 =	vadd.s32 v10, v12;
	v12 =	vld [tilespmem:s19+$0x0]  }
0x38b: {  	v18 =	vld [tilespmem:s22+$0xFFFFFFE0];
	[tilespmem:s20+$0xFFFFFFE0] =	vst v11;
	v11 =	vadd.s32 v6, v14  }
0x38c: {  	v14 =	vld [tilespmem:s22+$0xFFFFFFF0];
	[tilespmem:s20+$0xFFFFFFF0] =	vst v11;
	v11 =	vadd.s32 v9, v15  }
0x38d: {  	v15 =	vld [tilespmem:s22+$0x10];
	[tilespmem:s20+$0x10] =	vst v11  }
0x38e: {  	s24 =	sadd.s32 $0x3, s23;
	v11 =	vmov s23;
	v13 =	vadd.s32 v17, v13;
	v19 =	vld [tilespmem:s19+$0xFFFFFFF0]  }
.Ltmp17:
0x38f: {  	s25 =	sadd.s32 $0x1, s23;
	s21 =	sadd.s32 $0x40, s21;
	v16 =	vmov s24;
	v21 =	vand.u32 $0xFFFFFFFC, v11;
	[tilespmem:s22+$0x0] =	vst v13;
	v11 =	vld [tilespmem:s19+$0xFFFFFFE0];
	v13 =	vadd.s32 v8, v12;
	v8 =	vmovc v17;
	(pc) =	sbr.rel @p0 .LBB2_32-.Ltmp17, $4  }
0x390: {  	v17 =	vbroadcast v21, $0x0;
	v21 =	vmov s25;
	v18 =	vadd.s32 v5, v18;
	v12 =	vld [tilespmem:s21+$0x0];
	[tilespmem:s19+$0x0] =	vst v13  }
0x391: {  	v21 =	vand.u32 $0xFFFFFFFD, v21;
	[tilespmem:s22+$0xFFFFFFE0] =	vst v18;
	v22 =	vadd.s32 v20, v14;
	v13 =	vld [tilespmem:s19+$0x10]  }
0x392: {  	v18 =	vbroadcast v21, $0x0;
	v14 =	vld [tilespmem:s21+$0xFFFFFFE0];
	[tilespmem:s22+$0xFFFFFFF0] =	vst v22;
	v21 =	vadd.s32 v7, v15  }
0x393: {  	s24 =	sadd.s32 $0x2, s23;
	s23 =	sadd.s32 $0x4, s23;
	v15 =	vld [tilespmem:s21+$0xFFFFFFF0];
	[tilespmem:s22+$0x10] =	vst v21;
	v19 =	vadd.s32 v6, v19;
	v6 =	vmov v20  }
0x394: {  	_ = 	snop  }
0x395: {  	v20 =	vmov s24  }
0x396: {  	v20 =	vand.u32 $0xFFFFFFFE, v20  }
0x397: {  	v20 =	vbroadcast v20, $0x0  }
0x398: {  	v16 =	vld.idx.msk [tilespmem:v16+s14+$0x0], $0xffff  }
0x399: {  	v17 =	vld.idx.msk [tilespmem:v17+s14+$0x0], $0xffff  }
0x39a: {  	v18 =	vld.idx.msk [tilespmem:v18+s14+$0x0], $0xffff;
	s22 =	sadd.s32 $0x40, s22  }
0x39b: {  	v24 =	vld [tilespmem:s22+$0x0]  }
0x39c: {  	v10 =	vadd.s32 v10, v11;
	[tilespmem:s19+$0xFFFFFFF0] =	vst v19;
	v26 =	vld [tilespmem:s22+$0xFFFFFFE0]  }
0x39d: {  	v12 =	vadd.s32 v8, v12;
	[tilespmem:s19+$0xFFFFFFE0] =	vst v10;
	v20 =	vld.idx.msk [tilespmem:v20+s14+$0x0], $0xffff  }
0x39e: {  	v25 =	vld [tilespmem:s22+$0xFFFFFFF0];
	[tilespmem:s21+$0x0] =	vst v12;
	v9 =	vadd.s32 v9, v13  }
0x39f: {  	v28 =	vld [tilespmem:s22+$0x10];
	v27 =	vadd.s32 v5, v14;
	[tilespmem:s19+$0x10] =	vst v9  }
0x3a0: {  	v29 =	vld [tilespmem:s21+$0x10];
	s20 =	sadd.s32 $0x40, s20;
	[tilespmem:s21+$0xFFFFFFE0] =	vst v27;
	v30 =	vadd.s32 v6, v15  }
0x3a1: {  	v31 =	vld [tilespmem:s20+$0x0];
	[tilespmem:s21+$0xFFFFFFF0] =	vst v30;
	v33 =	vadd.s32 v17, v26  }
0x3a2: {  	s23 =	sadd.s32 $0x40, s21;
	v32 =	vld [tilespmem:s20+$0xFFFFFFE0];
	[tilespmem:s22+$0xFFFFFFE0] =	vst v33;
	v11 =	vadd.s32 v20, v24  }
0x3a3: {  	v10 =	vadd.s32 v18, v25;
	v36 =	vld [tilespmem:s23+$0xFFFFFFE0];
	[tilespmem:s22+$0x0] =	vst v11  }
0x3a4: {  	v9 =	vadd.s32 v16, v28;
	[tilespmem:s22+$0xFFFFFFF0] =	vst v10;
	v34 =	vld [tilespmem:s23+$0x0]  }
0x3a5: {  	v35 =	vadd.s32 v7, v29;
	[tilespmem:s22+$0x10] =	vst v9;
	v10 =	vld [tilespmem:s23+$0xFFFFFFF0]  }
0x3a6: {  	[tilespmem:s21+$0x10] =	vst v35;
	v37 =	vadd.s32 v8, v31;
	v38 =	vld [tilespmem:s23+$0x10]  }
0x3a7: {  	v39 =	vld [tilespmem:s20+$0xFFFFFFF0];
	[tilespmem:s20+$0x0] =	vst v37;
	v40 =	vadd.s32 v5, v32  }
0x3a8: {  	s29 =	sadd.s32 $0x40, s19;
	v41 =	vld [tilespmem:s20+$0x10];
	[tilespmem:s20+$0xFFFFFFE0] =	vst v40;
	v45 =	vadd.s32 v17, v36  }
0x3a9: {  	s30 =	sadd.s32 $0x40, s20;
	v43 =	vld [tilespmem:s29+$0x0];
	[tilespmem:s23+$0xFFFFFFE0] =	vst v45;
	v42 =	vadd.s32 v20, v34  }
0x3aa: {  	v44 =	vadd.s32 v18, v10;
	v50 =	vld [tilespmem:s30+$0xFFFFFFE0];
	[tilespmem:s23+$0x0] =	vst v42  }
0x3ab: {  	v47 =	vadd.s32 v16, v38;
	[tilespmem:s23+$0xFFFFFFF0] =	vst v44;
	v46 =	vld [tilespmem:s30+$0x0]  }
0x3ac: {  	v49 =	vadd.s32 v6, v39;
	[tilespmem:s23+$0x10] =	vst v47;
	v48 =	vld [tilespmem:s30+$0xFFFFFFF0]  }
0x3ad: {  	[tilespmem:s20+$0xFFFFFFF0] =	vst v49;
	v51 =	vadd.s32 v7, v41;
	v52 =	vld [tilespmem:s30+$0x10]  }
0x3ae: {  	[tilespmem:s20+$0x10] =	vst v51;
	v53 =	vld [tilespmem:s29+$0xFFFFFFF0];
	v54 =	vadd.s32 v8, v43  }
0x3af: {  	v55 =	vld [tilespmem:s29+$0xFFFFFFE0];
	[tilespmem:s29+$0x0] =	vst v54;
	v59 =	vadd.s32 v17, v50  }
0x3b0: {  	s31 =	sadd.s32 $0x40, s29;
	v57 =	vld [tilespmem:s29+$0x10];
	[tilespmem:s30+$0xFFFFFFE0] =	vst v59;
	v56 =	vadd.s32 v20, v46  }
0x3b1: {  	v58 =	vadd.s32 v18, v48;
	v63 =	vld [tilespmem:s31+$0xFFFFFFE0];
	[tilespmem:s30+$0x0] =	vst v56  }
0x3b2: {  	v61 =	vadd.s32 v16, v52;
	[tilespmem:s30+$0xFFFFFFF0] =	vst v58;
	v60 =	vld [tilespmem:s31+$0x0]  }
0x3b3: {  	v6 =	vadd.s32 v6, v53;
	[tilespmem:s30+$0x10] =	vst v61;
	v62 =	vld [tilespmem:s31+$0xFFFFFFF0]  }
0x3b4: {  	v5 =	vadd.s32 v5, v55;
	[tilespmem:s29+$0xFFFFFFF0] =	vst v6;
	v6 =	vld [tilespmem:s31+$0x10]  }
0x3b5: {  	[tilespmem:s29+$0xFFFFFFE0] =	vst v5;
	v5 =	vadd.s32 v7, v57  }
0x3b6: {  	[tilespmem:s29+$0x10] =	vst v5;
	v7 =	vadd.s32 v17, v63  }
0x3b7: {  	[tilespmem:s31+$0xFFFFFFE0] =	vst v7;
	v5 =	vadd.s32 v20, v60  }
0x3b8: {  	[tilespmem:s31+$0x0] =	vst v5;
	v5 =	vadd.s32 v18, v62  }
0x3b9: {  	[tilespmem:s31+$0xFFFFFFF0] =	vst v5;
	v5 =	vadd.s32 v16, v6  }
0x3ba: {  	s19 =	simm.s32 $0x0;
	s20 =	simm.s32 $0x3FE;
	[tilespmem:s31+$0x10] =	vst v5  }
.LBB2_34:
0x3bb: {  	v5 =	vor.u32 s19, v2;
	s21 =	sadd.s32 $0x100, s19  }
0x3bc: {  	s26 =	sadd.s32 $0x200, s19;
	v6 =	vor.u32 s21, v2  }
0x3bd: {  	s28 =	sadd.s32 $0x1, s20;
	v7 =	vor.u32 s26, v2  }
0x3be: {  	v8 =	vor.u32 s28, v2;
	_ =	sdelay $0x1  }
0x3bf: {  	v5 =	vld.idx.msk [tilespmem:v5+s16+$0x0], $0xffff  }
0x3c0: {  	v6 =	vld.idx.msk [tilespmem:v6+s16+$0x0], $0xffff  }
0x3c1: {  	v7 =	vld.idx.msk [tilespmem:v7+s16+$0x0], $0xffff  }
0x3c2: {  	v8 =	vld.idx.msk [tilespmem:v8+s16+$0x0], $0xffff;
	_ =	sdelay $0x4  }
0x3c3: {  	v9 =	vld.idx.msk [tilespmem:v5+s2+$0x0], $0xffff  }
0x3c4: {  	v10 =	vld.idx.msk [tilespmem:v6+s2+$0x0], $0xffff  }
0x3c5: {  	v11 =	vld.idx.msk [tilespmem:v7+s2+$0x0], $0xffff  }
0x3c6: {  	v12 =	vld.idx.msk [tilespmem:v8+s2+$0x0], $0xffff;
	_ =	sdelay $0x1  }
0x3c7: {  	v9 =	vshrl.u32 v9, $0x10  }
0x3c8: {  	v9 =	vand.u32 $0x3FF0, v9;
	v10 =	vshrl.u32 v10, $0x10  }
0x3c9: {  	v11 =	vshrl.u32 v11, $0x10;
	v9 =	vxor.u32 v3, v9;
	v10 =	vand.u32 $0x3FF0, v10  }
0x3ca: {  	v12 =	vshrl.u32 v12, $0x10;
	v11 =	vand.u32 $0x3FF0, v11;
	v10 =	vxor.u32 v3, v10  }
0x3cb: {  	v12 =	vand.u32 $0x3FF0, v12;
	v11 =	vxor.u32 v3, v11  }
0x3cc: {  	v12 =	vxor.u32 v3, v12;
	_ =	sdelay $0x1  }
0x3cd: {  	v13 =	vld.idx.msk [tilespmem:v9+s10+$0x0], $0xffff  }
0x3ce: {  	v14 =	vld.idx.msk [tilespmem:v10+s11+$0x0], $0xffff  }
0x3cf: {  	v15 =	vld.idx.msk [tilespmem:v11+s12+$0x0], $0xffff  }
0x3d0: {  	v16 =	vld.idx.msk [tilespmem:v12+s13+$0x0], $0xffff;
	_ =	sdelay $0x1  }
0x3d1: {  	v17 =	vadd.s32 $0x1, v13  }
0x3d2: {  	[tilespmem:v9+s10+$0x0] =	vst.idx.msk $0xffff, v17;
	v55 =	vadd.s32 $0x1, v14  }
0x3d3: {  	v56 =	vadd.s32 $0x1, v15;
	[tilespmem:v10+s11+$0x0] =	vst.idx.msk $0xffff, v55  }
0x3d4: {  	s29 =	sadd.s32 $0x1, s19;
	v57 =	vadd.s32 $0xFFFFFFFF, v16;
	[tilespmem:v11+s12+$0x0] =	vst.idx.msk $0xffff, v56  }
0x3d5: {  	s30 =	sadd.s32 $0x101, s19;
	v58 =	vor.u32 s29, v2;
	[tilespmem:v12+s13+$0x0] =	vst.idx.msk $0xffff, v57  }
0x3d6: {  	s31 =	sadd.s32 $0x201, s19;
	[tilespmem:v13+s15+$0x0] =	vst.idx.msk $0xffff, v5;
	v5 =	vor.u32 s30, v2  }
0x3d7: {  	[tilespmem:v14+s15+$0x0] =	vst.idx.msk $0xffff, v6;
	v6 =	vor.u32 s31, v2  }
0x3d8: {  	[tilespmem:v15+s15+$0x0] =	vst.idx.msk $0xffff, v7;
	v7 =	vor.u32 s20, v2  }
0x3d9: {  	[tilespmem:v57+s15+$0x0] =	vst.idx.msk $0xffff, v8  }
0x3da: {  	v8 =	vld.idx.msk [tilespmem:v58+s16+$0x0], $0xffff  }
0x3db: {  	v5 =	vld.idx.msk [tilespmem:v5+s16+$0x0], $0xffff  }
0x3dc: {  	v6 =	vld.idx.msk [tilespmem:v6+s16+$0x0], $0xffff  }
0x3dd: {  	v7 =	vld.idx.msk [tilespmem:v7+s16+$0x0], $0xffff;
	_ =	sdelay $0x4  }
0x3de: {  	v9 =	vld.idx.msk [tilespmem:v8+s2+$0x0], $0xffff  }
0x3df: {  	v10 =	vld.idx.msk [tilespmem:v5+s2+$0x0], $0xffff  }
0x3e0: {  	v11 =	vld.idx.msk [tilespmem:v6+s2+$0x0], $0xffff  }
0x3e1: {  	v12 =	vld.idx.msk [tilespmem:v7+s2+$0x0], $0xffff;
	_ =	sdelay $0x1  }
0x3e2: {  	v9 =	vshrl.u32 v9, $0x10  }
0x3e3: {  	v9 =	vand.u32 $0x3FF0, v9;
	v10 =	vshrl.u32 v10, $0x10  }
0x3e4: {  	v9 =	vxor.u32 v3, v9;
	v10 =	vand.u32 $0x3FF0, v10;
	v11 =	vshrl.u32 v11, $0x10  }
0x3e5: {  	v10 =	vxor.u32 v3, v10;
	v11 =	vand.u32 $0x3FF0, v11;
	v12 =	vshrl.u32 v12, $0x10  }
0x3e6: {  	v11 =	vxor.u32 v3, v11;
	v12 =	vand.u32 $0x3FF0, v12  }
0x3e7: {  	v12 =	vxor.u32 v3, v12;
	_ =	sdelay $0x1  }
0x3e8: {  	v13 =	vld.idx.msk [tilespmem:v9+s10+$0x0], $0xffff  }
0x3e9: {  	v14 =	vld.idx.msk [tilespmem:v10+s11+$0x0], $0xffff  }
0x3ea: {  	v15 =	vld.idx.msk [tilespmem:v11+s12+$0x0], $0xffff  }
0x3eb: {  	v59 =	vld.idx.msk [tilespmem:v12+s13+$0x0], $0xffff;
	_ =	sdelay $0x1  }
0x3ec: {  	v60 =	vadd.s32 $0x1, v13  }
0x3ed: {  	[tilespmem:v9+s10+$0x0] =	vst.idx.msk $0xffff, v60;
	v61 =	vadd.s32 $0x1, v14  }
0x3ee: {  	[tilespmem:v10+s11+$0x0] =	vst.idx.msk $0xffff, v61;
	v62 =	vadd.s32 $0x1, v15  }
0x3ef: {  	p0 =	slt.u32 s19, $0xFE;
	v63 =	vadd.s32 $0xFFFFFFFF, v59;
	[tilespmem:v11+s12+$0x0] =	vst.idx.msk $0xffff, v62  }
.Ltmp18:
0x3f0: {  	[tilespmem:v12+s13+$0x0] =	vst.idx.msk $0xffff, v63;
	(pc) =	sbr.rel @p0 .LBB2_34-.Ltmp18, $4  }
0x3f1: {  	[tilespmem:v13+s15+$0x0] =	vst.idx.msk $0xffff, v8  }
0x3f2: {  	[tilespmem:v14+s15+$0x0] =	vst.idx.msk $0xffff, v5  }
0x3f3: {  	s19 =	sadd.s32 $0x2, s19;
	[tilespmem:v15+s15+$0x0] =	vst.idx.msk $0xffff, v6  }
0x3f4: {  	s22 =	simm.s32 $0x8020;
	s21 =	simm.s32 $0x1C420;
	s20 =	sadd.s32 $0xFFFFFFFE, s20;
	[tilespmem:v63+s15+$0x0] =	vst.idx.msk $0xffff, v7  }
0x3f5: {  	v5 =	vld [tilespmem:s22+$0x10];
	_ =	sdelay $0x1  }
0x3f6: {  	v7 =	vld [tilespmem:s22+$0xFFFFFFE0]  }
0x3f7: {  	v8 =	vld [tilespmem:s22+$0xFFFFFFF0]  }
0x3f8: {  	v12 =	vld [tilespmem:s22+$0x0];
	s19 =	simm.s32 $0x8060  }
0x3f9: {  	v13 =	vld [tilespmem:s19+$0x10]  }
0x3fa: {  	v6 =	vld [tilespmem:s19+$0xFFFFFFF0]  }
0x3fb: {  	v11 =	vld [tilespmem:s19+$0xFFFFFFE0]  }
0x3fc: {  	v14 =	vld.idx.msk [tilespmem:v5+s2+$0x0], $0xffff  }
0x3fd: {  	v5 =	vld [tilespmem:s19+$0x0]  }
0x3fe: {  	v10 =	vld.idx.msk [tilespmem:v7+s2+$0x0], $0xffff  }
0x3ff: {  	v9 =	vld.idx.msk [tilespmem:v8+s2+$0x0], $0xffff  }
0x400: {  	v7 =	vld.idx.msk [tilespmem:v12+s2+$0x0], $0xffff  }
0x401: {  	s20 =	simm.s32 $0x80A0;
	s19 =	simm.s32 $0x4;
	v8 =	vld.idx.msk [tilespmem:v13+s2+$0x0], $0xffff;
	[tilespmem:s21+$0x10] =	vst v14  }
.LBB2_36:
0x402: {  	v12 =	vld [tilespmem:s20+$0x10];
	s19 =	sadd.s32 $0x4, s19  }
0x403: {  	v13 =	vld [tilespmem:s20+$0xFFFFFFF0];
	p0 =	slt.u32 s19, $0x1FC;
	[tilespmem:s21+$0xFFFFFFE0] =	vst v10  }
0x404: {  	v14 =	vld [tilespmem:s20+$0x0];
	[tilespmem:s21+$0xFFFFFFF0] =	vst v9  }
0x405: {  	v15 =	vld [tilespmem:s20+$0xFFFFFFE0];
	[tilespmem:s21+$0x0] =	vst v7  }
.Ltmp19:
0x406: {  	s21 =	sadd.s32 $0x40, s21;
	v10 =	vld.idx.msk [tilespmem:v11+s2+$0x0], $0xffff;
	(pc) =	sbr.rel @p0 .LBB2_36-.Ltmp19, $4  }
0x407: {  	v9 =	vld.idx.msk [tilespmem:v6+s2+$0x0], $0xffff;
	[tilespmem:s21+$0x10] =	vst v8  }
0x408: {  	v7 =	vld.idx.msk [tilespmem:v5+s2+$0x0], $0xffff;
	v6 =	vmov v13  }
0x409: {  	v5 =	vmov v14  }
0x40a: {  	s20 =	sadd.s32 $0x40, s20;
	v8 =	vld.idx.msk [tilespmem:v12+s2+$0x0], $0xffff;
	v11 =	vmov v15  }
0x40b: {  	_ =	sdelay $0x3  }
0x40c: {  	v11 =	vld.idx.msk [tilespmem:v11+s2+$0x0], $0xffff  }
0x40d: {  	[tilespmem:s21+$0xFFFFFFE0] =	vst v10;
	v6 =	vld.idx.msk [tilespmem:v6+s2+$0x0], $0xffff  }
0x40e: {  	v5 =	vld.idx.msk [tilespmem:v5+s2+$0x0], $0xffff;
	[tilespmem:s21+$0xFFFFFFF0] =	vst v9  }
0x40f: {  	s19 =	sadd.s32 $0x40, s21;
	[tilespmem:s21+$0x0] =	vst v7  }
0x410: {  	[tilespmem:s19+$0x10] =	vst v8  }
0x411: {  	[tilespmem:s19+$0xFFFFFFE0] =	vst v11  }
0x412: {  	[tilespmem:s19+$0xFFFFFFF0] =	vst v6  }
0x413: {  	[tilespmem:s19+$0x0] =	vst v5  }
0x414: {  	[hbm4b:s3+s7] =	stream.strided.scatter [tilespmem:s15], [sflag:$0x1], $0x2000, s8, s7, $0x38;
	[tilespmem:$0x1E400] =	vst v63  }
0x415: {  	s18 =	sadd.s32 $0x1, s18;
	_ =	swait.ge [sflag:s9], $0x2000  }
0x416: {  	p0 =	sne.s32 s18, s6;
	[sflag:s9] =	ssyncset.done $0x0  }
.Ltmp20:
0x417: {  	[sflag:s9] =	ssyncadd.s32 $0xFFFFE000;
	(pc) =	sbr.rel @p0 .LBB2_2-.Ltmp20, $4  }
0x418: {  	[hbm4b:s4+s7] =	stream.strided.scatter [tilespmem:s17], [sflag:$0x1], $0x2000, s8, s7, $0x38;
	[tilespmem:$0x1E400] =	vst v63  }
0x419: {  	_ =	swait.ge [sflag:s9], $0x2000  }
0x41a: {  	[sflag:s9] =	ssyncset.done $0x0  }
0x41b: {  	[sflag:s9] =	ssyncadd.s32 $0xFFFFE000  }
.LBB2_38:
0x41c: {  	_ =	sfence.sel $0x180000  }
0x41d: {  	[bflag:$0x0] =	sbarrier.arrive $0xFFFF  }
0x41e: {  	p0 =	sne.s32 s1, $0x0;
	_ =	strace $0x90000047  }
0x41f: {  	s0 =	sadd.s32 @!p0 $0x100000, s0;
	[bflag:$0x2] =	sbarrier.arrive $0xFFFF  }
0x420: {  	[sflag:s0] =	ssyncadd.tile.s32 @!p0 $0x1;
	_ =	shalt  }
.Lfunc_end2:
_tile_overlayer_lowered:
.L_overlay_start_2:
0x421: {  	(tag) =	ssettag $0x2  }
0x422: {  	s0 =	rddreg [dreg:$0x0];
	s2 =	stileid.u32  }
0x423: {  	s1 =	rddreg [dreg:$0x1];
	p0 =	sne.s32 s2, $0x0  }
0x424: {  	s3 =	rddreg [dreg:$0x2];
	[bflag:$0x3] =	sbarrier.arrive $0xFFFF;
	s2 =	simm.s32 @!p0 $0x1C01  }
0x425: {  	[timem:s3], [sflag:s2] =	dma.local @!p0 [hbm:s0], s1  }
0x426: {  	s0 =	simm.s32 @!p0 $0x1  }
0x427: {  	_ =	swait.ge @!p0 [sflag:s0], s1  }
0x428: {  	s1 =	ssub.s32 @!p0 $0x0, s1;
	[sflag:s0] =	ssyncset.done @!p0 $0x0  }
0x429: {  	[sflag:s0] =	ssyncadd.s32 @!p0 s1  }
0x42a: {  	[bflag:$0x3] =	sbarrier.arrive $0xFFFF  }
0x42b: {  	_ =	shalt  }

// kernel: kernel.8.cloned.1.call-start
scs
__scs_entry_jumppad:
0x0: {  	(pc) =	sbr.rel $0x88, $3  }
0x1: {  	(tag) =	ssettag $0x0;
	lr =	simm.s32 $0x1  }
0x2: {  	[smem:$0x3F9B] =	sst lr;
	_ =	strace $0xD0000000  }
0x3: {  	_ = 	snop  }
0x4: {  	_ = 	snop  }
0x5: {  	_ = 	snop  }
0x6: {  	_ = 	snop  }
0x7: {  	_ = 	snop  }
__scs_overlays_trampoline_lowered:
0x8: {  	[smem:$0x3FAA] =	sst s0  }
0x9: {  	[smem:$0x3FAB] =	sst s1  }
0xa: {  	[smem:$0x3FAC] =	sst s2  }
0xb: {  	[smem:$0x3FAD] =	sst s3  }
0xc: {  	[smem:$0x3FAE] =	sst s4  }
0xd: {  	[smem:$0x3FAF] =	sst s5  }
0xe: {  	[smem:$0x3FB0] =	sst s6  }
0xf: {  	[smem:$0x3FB1] =	sst s7  }
0x10: {  	[smem:$0x3FB2] =	sst s8  }
0x11: {  	[smem:$0x3FB3] =	sst s9;
	s0 =	simm.s32 @!p0 $0x0  }
0x12: {  	s1 =	sld [smem:$0x3F99];
	s0 =	simm.s32 @p0 $0x1  }
0x13: {  	[smem:$0x3FB4] =	sst s0;
	s0 =	simm.s32 @!p1 $0x0  }
0x14: {  	s2 =	sld [smem:$0x3F98];
	s0 =	simm.s32 @p1 $0x1  }
0x15: {  	[smem:$0x3FB5] =	sst s0;
	s0 =	simm.s32 @!p2 $0x0  }
0x16: {  	s3 =	sld [smem:$0x3FDB];
	s0 =	simm.s32 @p2 $0x1  }
0x17: {  	s4 =	simm.s32 $0x1BF5;
	[smem:$0x3FB7] =	sst s0  }
0x18: {  	s0 =	sld [smem:$0x3F9A];
	_ =	swait.ge [sflag:s4], $0x0  }
0x19: {  	s7 =	sld [smem:$0x3F9B]  }
0x1a: {  	s8 =	sadd.s32 $0xFFFFE003, lr  }
0x1b: {  	s9 =	sadd.s32 $0xFFFFFEF7, lr;
	s5 =	simm.s32 $0xFFFFFFFF;
	p2 =	slt.u32 s8, $0xFFFFF086  }
0x1c: {  	p1 =	slt.u32 s9, $0xF7A;
	s5 =	simm.s32 @!p2 $0x0  }
0x1d: {  	s5 =	simm.s32 @p1 $0x1;
	p0 =	seq.s32 s7, s2  }
0x1e: {  	s7 =	smul.u32 @!p0 $0xF7A, s2;
	p2 =	seq.s32 @!p0 s5, $0x0  }
0x1f: {  	s9 =	smul.u32 $0xF7A, s1;
	s8 =	simm.s32 @!p0 $0x1BF5;
	p2 =	por !p2, p0  }
0x20: {  	[sflag:s8] =	ssyncset.s32 @!p0 $0xFFFFF086;
	s6 =	sadd.s32 @!p0 s3, s7;
	s7 =	simm.s32 @!p0 $0x108  }
0x21: {  	s3 =	sadd.s32 s3, s9;
	s6 =	sadd.s32 @!p0 $0x88, s6;
	s7 =	simm.s32 @p2 $0x1082  }
0x22: {  	[simem:s7], [sflag:s8] =	dma.local @!p0 [hbm:s6], $0xF7A  }
0x23: {  	s9 =	sor.u32 $0xD0000000, s2;
	s6 =	simm.s32 $0x108;
	_ =	swait.ge @!p0 [sflag:s8], $0x0  }
0x24: {  	s3 =	sadd.s32 $0x88, s3;
	s6 =	simm.s32 @!p1 $0x1082;
	[sflag:s4] =	ssyncset.s32 $0xFFFFF086  }
0x25: {  	[simem:s6], [sflag:s4] =	dma.local [hbm:s3], $0xF7A  }
0x26: {  	[smem:$0x3F9B] =	sst s1;
	(tag) =	ssettag s2;
	_ =	strace s9  }
0x27: {  	s1 =	sld [smem:$0x3FAB]  }
0x28: {  	s2 =	sld [smem:$0x3FAC]  }
0x29: {  	s4 =	sld [smem:$0x3FAE]  }
0x2a: {  	p0 =	seq.s32 s5, $0x0;
	s5 =	sld [smem:$0x3FAF]  }
0x2b: {  	s6 =	sld [smem:$0x3FB0]  }
0x2c: {  	s7 =	sld [smem:$0x3FB1]  }
0x2d: {  	s3 =	simm.s32 $0x108;
	s8 =	sld [smem:$0x3FB2]  }
0x2e: {  	s3 =	simm.s32 @!p0 $0x1082;
	s9 =	sld [smem:$0x3FB3]  }
0x2f: {  	lr =	sadd.s32 s0, s3;
	s0 =	sld [smem:$0x3FAA]  }
0x30: {  	s3 =	sld [smem:$0x3FAD]  }
0x31: {  	[smem:$0x3FB6] =	sst s10  }
0x32: {  	s10 =	sld [smem:$0x3FB4];
	_ =	sdelay $0x3  }
0x33: {  	p0 =	seq.s32 s10, $0x1;
	s10 =	sld [smem:$0x3FB6];
	_ =	sdelay $0x3  }
0x34: {  	[smem:$0x3FB6] =	sst s10  }
0x35: {  	s10 =	sld [smem:$0x3FB5];
	_ =	sdelay $0x3  }
0x36: {  	p1 =	seq.s32 s10, $0x1;
	s10 =	sld [smem:$0x3FB6];
	_ =	sdelay $0x3  }
0x37: {  	[smem:$0x3FB6] =	sst s10  }
0x38: {  	s10 =	sld [smem:$0x3FB7]  }
0x39: {  	_ = 	snop;
	(pc) =	sbr.ind lr, $3  }
0x3a: {  	_ = 	snop  }
0x3b: {  	_ = 	snop  }
0x3c: {  	p2 =	seq.s32 s10, $0x1;
	s10 =	sld [smem:$0x3FB6]  }
0x3d: {  	_ =	shalt  }
0x3e: {  	_ =	shalt  }
0x3f: {  	_ =	shalt  }
0x40: {  	_ =	shalt  }
0x41: {  	_ =	shalt  }
0x42: {  	_ =	shalt  }
0x43: {  	_ =	shalt  }
0x44: {  	_ =	shalt  }
0x45: {  	_ =	shalt  }
0x46: {  	_ =	shalt  }
0x47: {  	_ =	shalt  }
0x48: {  	_ =	shalt  }
0x49: {  	_ =	shalt  }
0x4a: {  	_ =	shalt  }
0x4b: {  	_ =	shalt  }
0x4c: {  	_ =	shalt  }
0x4d: {  	_ =	shalt  }
0x4e: {  	_ =	shalt  }
0x4f: {  	_ =	shalt  }
0x50: {  	_ =	shalt  }
0x51: {  	_ =	shalt  }
0x52: {  	_ =	shalt  }
0x53: {  	_ =	shalt  }
0x54: {  	_ =	shalt  }
0x55: {  	_ =	shalt  }
0x56: {  	_ =	shalt  }
0x57: {  	_ =	shalt  }
0x58: {  	_ =	shalt  }
0x59: {  	_ =	shalt  }
0x5a: {  	_ =	shalt  }
0x5b: {  	_ =	shalt  }
0x5c: {  	_ =	shalt  }
0x5d: {  	_ =	shalt  }
0x5e: {  	_ =	shalt  }
0x5f: {  	_ =	shalt  }
0x60: {  	_ =	shalt  }
0x61: {  	_ =	shalt  }
0x62: {  	_ =	shalt  }
0x63: {  	_ =	shalt  }
0x64: {  	_ =	shalt  }
0x65: {  	_ =	shalt  }
0x66: {  	_ =	shalt  }
0x67: {  	_ =	shalt  }
0x68: {  	_ =	shalt  }
0x69: {  	_ =	shalt  }
0x6a: {  	_ =	shalt  }
0x6b: {  	_ =	shalt  }
0x6c: {  	_ =	shalt  }
0x6d: {  	_ =	shalt  }
0x6e: {  	_ =	shalt  }
0x6f: {  	_ =	shalt  }
0x70: {  	_ =	shalt  }
0x71: {  	_ =	shalt  }
0x72: {  	_ =	shalt  }
0x73: {  	_ =	shalt  }
0x74: {  	_ =	shalt  }
0x75: {  	_ =	shalt  }
0x76: {  	_ =	shalt  }
0x77: {  	_ =	shalt  }
0x78: {  	_ =	shalt  }
0x79: {  	_ =	shalt  }
0x7a: {  	_ =	shalt  }
0x7b: {  	_ =	shalt  }
0x7c: {  	_ =	shalt  }
0x7d: {  	_ =	shalt  }
0x7e: {  	_ =	shalt  }
0x7f: {  	_ =	shalt  }
0x80: {  	_ =	shalt  }
0x81: {  	_ =	shalt  }
0x82: {  	_ =	shalt  }
0x83: {  	_ =	shalt  }
0x84: {  	_ =	shalt  }
0x85: {  	_ =	shalt  }
0x86: {  	_ =	shalt  }
0x87: {  	_ =	shalt  }
.Lfunc_end0:
.L_simem_size_0:
called_computation.1_lowered:
.L_overlay_start_0:
0x88: {  	s2 =	sld [smem:$0x3FD9]  }
0x89: {  	s3 =	sld [smem:$0x3FFE];
	_ =	sdelay $0x1  }
0x8a: {  	s1 =	srdreg.scid  }
0x8b: {  	s0 =	sand.u32 $0x1, s1  }
0x8c: {  	s14 =	sshll.u32 s0, $0xA;
	s2 =	sadd.s32 s3, s2  }
0x8d: {  	s2 =	sadd.s32 s2, s14  }
0x8e: {  	[smem:$0x3FC2] =	sst s2  }
0x8f: {  	_ = 	snop  }
0x90: {  	s2 =	sld [smem:$0x3FD0];
	_ =	sdelay $0x1  }
0x91: {  	s15 =	sld [smem:$0x3FC8]  }
0x92: {  	s5 =	simm.s32 $0xA;
	s6 =	simm.s32 $0x10;
	s4 =	sld [smem:$0x3FC7]  }
0x93: {  	[smem:s6], [sflag:s5] =	dma.local [hbm:s2], $0x1  }
0x94: {  	_ =	swait.eq [sflag:s5], $0x1  }
0x95: {  	[sflag:s5] =	ssyncset.done $0x0  }
0x96: {  	s16 =	sld [smem:$0x11];
	[sflag:s5] =	ssyncadd.s32 $0xFFFFFFFF  }
0x97: {  	s17 =	sld [smem:$0x12];
	(tm) =	ssettm $0x1  }
0x98: {  	s18 =	sld [smem:$0x3FFB];
	_ =	sdelay $0x3  }
0x99: {  	_ =	strace s18  }
0x9a: {  	s6 =	sld [smem:$0x3FFC];
	_ =	sdelay $0x3  }
0x9b: {  	_ =	strace s6  }
0x9c: {  	s6 =	sld [smem:$0x3FFD];
	_ =	sdelay $0x3  }
0x9d: {  	_ =	strace s6  }
0x9e: {  	_ =	strace $0x8FFFFFFF  }
0x9f: {  	s19 =	sld [smem:$0x3FDB];
	_ =	sdelay $0x1  }
0xa0: {  	s7 =	simm.s32 $_scs_section_size  }
0xa1: {  	s8 =	simm.s32 $_size__tile_overlayer_lowered;
	s9 =	simm.s32 $_tile_overlayer_lowered  }
0xa2: {  	s22 =	simm.s32 $0x1BFF;
	s21 =	sshll.u32 s9, $0x1;
	s6 =	sadd.s32 s7, s19  }
0xa3: {  	s10 =	simm.s32 $0x0;
	s20 =	sshll.u32 s8, $0x1;
	s8 =	sadd.s32 s21, s6  }
0xa4: {  	[timem:s10], [sflag:s22] =	dma.local [hbm:s8], s20  }
0xa5: {  	_ =	swait.ge [sflag:s22], s20  }
0xa6: {  	s7 =	ssub.s32 $0x0, s20;
	[sflag:s22] =	ssyncset.done $0x0  }
0xa7: {  	[sflag:s22] =	ssyncadd.s32 s7;
	_ =	sdelay $0x1  }
0xa8: {  	s23 =	simm.s32 $0x1B8B  }
0xa9: {  	_ =	swait.ge [sflag:s23], $0x1  }
0xaa: {  	[sflag:s23] =	ssyncset.done $0x0  }
0xab: {  	s25 =	simm.s32 $0x1B8E;
	s24 =	sld [smem:$0x3FFE];
	[sflag:s23] =	ssyncadd.s32 $0xFFFFFFFF  }
0xac: {  	s26 =	simm.s32 $execute0_lowered;
	[smem:$0x3FD2] =	sst s25  }
0xad: {  	s8 =	sshll.u32 s26, $0x1;
	_ =	strace $0x80000049;
	[dreg:$0x1] =	wrdreg $0xFFFFFFFF  }
0xae: {  	s28 =	simm.s32 $_size_execute0_lowered;
	s6 =	sadd.s32 s6, s8;
	[dreg:$0x0] =	wrdreg $0x0  }
0xaf: {  	s8 =	sshll.u32 s28, $0x1;
	[dreg:$0x2] =	wrdreg s6  }
0xb0: {  	[dreg:$0x3] =	wrdreg s8  }
0xb1: {  	[dreg:$0x4] =	wrdreg $0xC0  }
0xb2: {  	_ =	task [dreg:s10], $0x5FFFF  }
0xb3: {  	[dreg:$0x1] =	wrdreg $0xFFFFFFFF  }
0xb4: {  	[dreg:$0x0] =	wrdreg $0x60  }
0xb5: {  	[dreg:$0x2] =	wrdreg s24  }
0xb6: {  	[dreg:$0x3] =	wrdreg s15  }
0xb7: {  	[dreg:$0x4] =	wrdreg s4  }
0xb8: {  	[dreg:$0x5] =	wrdreg s16  }
0xb9: {  	[dreg:$0x6] =	wrdreg s17  }
0xba: {  	[dreg:$0x7] =	wrdreg $0x9  }
0xbb: {  	_ =	task.clear_ibuf [dreg:s10], $0x8FFFF;
	_ =	strace $0x90000049  }
0xbc: {  	s29 =	simm.s32 $0x9;
	_ =	strace $0x8000004B  }
0xbd: {  	_ =	swait.ge [sflag:s29], $0x1  }
0xbe: {  	[sflag:s29] =	ssyncadd.s32 $0xFFFFFFFF  }
0xbf: {  	_ =	strace $0x9000004B  }
0xc0: {  	_ =	sfence  }
0xc1: {  	s30 =	sld [smem:$0x0];
	_ =	sdelay $0x2  }
0xc2: {  	s31 =	sshll.u32 s1, $0xD;
	s1 =	sshrl.u32 s1, $0x2  }
0xc3: {  	s3 =	sand.u32 $0x4000, s31;
	s1 =	sadd.s32 s1, s30  }
0xc4: {  	s0 =	sor.u32 s3, s0;
	s1 =	sshll.u32 s1, $0x11  }
0xc5: {  	s0 =	sor.u32 s1, s0  }
0xc6: {  	s0 =	sadd.s32 $0x8F2B, s0  }
0xc7: {  	[sflag:s0] =	ssyncadd.remote.s32 $0x1  }
0xc8: {  	_ =	sfence.sel $0xFFFF  }
0xc9: {  	[dreg:$0x0] =	wrdreg $0xFFFFFFFF;
	(pc) =	sbr.abs _section_cstart, $3  }
0xca: {  	[dreg:$0x1] =	wrdreg $0xFFFFFFFF  }
0xcb: {  	_ =	task.clear_ibuf [dreg:s10], $0x2FFFF;
	_ =	strace $0x9FFFFFFF  }
0xcc: {  	(tm) =	ssettm $0x7FFFFFFF  }
0xcd: {  	_ =	shalt  }
tec
execute0_lowered:
.L_overlay_start_1:
0x0: {  	(tag) =	ssettag $0x1  }
0x1: {  	s0 =	rddreg [dreg:$0x0]  }
0x2: {  	s1 =	rddreg [dreg:$0x1]  }
0x3: {  	s3 =	rddreg [dreg:$0x2];
	s6 =	stileid.u32  }
0x4: {  	s5 =	rddreg [dreg:$0x4];
	s2 =	srdreg.scid  }
0x5: {  	s7 =	simm.s32 $0x0;
	s30 =	simm.s32 $0x4000;
	s31 =	simm.s32 $0x8000  }
0x6: {  	s29 =	simm.s32 $0x2;
	s4 =	sshll.u32 s6, $0x1;
	s2 =	sand.u32 $0x1, s2  }
0x7: {  	s6 =	sshrl.u32 s6, $0x1;
	[smem:$0x7FF] =	sst s7;
	s4 =	sand.u32 $0x2, s4  }
0x8: {  	s8 =	sshll.u32 s6, $0x10;
	_ =	strace $0x8000004A;
	s9 =	sshll.u32 s6, $0x4  }
0x9: {  	s10 =	sshll.u32 s6, $0xF;
	s4 =	sor.u32 s2, s4;
	s9 =	sadd.s32 s9, s0  }
0xa: {  	s2 =	ssub.s32 $0x2, s2;
	s16 =	sshll.u32 s4, $0x7;
	s7 =	sshll.u32 s4, $0x13  }
0xb: {  	s12 =	sshrl.u32 s2, $0x1;
	s18 =	sadd.s32 $0x1800, s9;
	s9 =	sadd.s32 $0x3800, s9  }
0xc: {  	s15 =	sshll.u32 s4, $0x12;
	s21 =	sshll.u32 s4, $0x11;
	p0 =	seq.s32 s4, $0x3  }
0xd: {  	s8 =	sor.u32 s8, s16;
	s10 =	sor.u32 s10, s16;
	[dreg:$0x6] =	wrdreg s18  }
0xe: {  	s2 =	ssub.s32 s2, s12;
	[dreg:$0x7] =	wrdreg s9;
	s16 =	sshll.u32 s6, $0x14  }
0xf: {  	s24 =	smov.u32 s21;
	s23 =	sadd.s32 $0xFFFC0000, s21;
	s21 =	simm.s32 $0x14000  }
0x10: {  	s12 =	simm.s32 $0x18000;
	s8 =	sshrl.u32 s8, $0x3;
	s10 =	sshrl.u32 s10, $0x3  }
0x11: {  	s22 =	sor.u32 $0x80, s16;
	[dreg:$0xd] =	wrdreg s23;
	s26 =	smax.u32 s2, $0x1  }
0x12: {  	s28 =	sor.u32 s16, s15;
	s2 =	simm.s32 $0xC000;
	[dreg:$0xc] =	wrdreg s22  }
0x13: {  	s11 =	sadd.s32 s8, s0;
	s8 =	sshll.u32 s6, $0x15;
	[dreg:$0x10] =	wrdreg s26  }
0x14: {  	s0 =	sadd.s32 s10, s0;
	[dreg:$0x11] =	wrdreg s28;
	s26 =	simm.s32 $0x400  }
0x15: {  	s22 =	simm.s32 $0x16000;
	s13 =	sor.u32 s8, s7;
	s25 =	sadd.s32 $0x5800, s11  }
0x16: {  	s0 =	sadd.s32 $0x15800, s0;
	s11 =	simm.s32 $0x0;
	[dreg:$0xe] =	wrdreg s25  }
0x17: {  	s17 =	sshrl.u32 s13, $0x3;
	[dreg:$0xf] =	wrdreg s0;
	s25 =	simm.s32 $0x80  }
.Ltmp0:
0x18: {  	s0 =	simm.s32 $0x10000;
	s19 =	sadd.s32 s3, s17;
	(pc) =	sbr.rel .LBB2_1-.Ltmp0, $4  }
0x19: {  	s13 =	simm.s32 $0x1A000;
	s10 =	sadd.s32 $0x10, s19;
	[dreg:$0x8] =	wrdreg s19  }
0x1a: {  	s20 =	sadd.s32 $0x20, s19;
	s9 =	sadd.s32 $0x30, s19;
	[dreg:$0x9] =	wrdreg s10  }
0x1b: {  	s19 =	sshll.u32 s6, $0x13;
	s6 =	simm.s32 $0x1;
	[dreg:$0xa] =	wrdreg s20  }
0x1c: {  	[dreg:$0xb] =	wrdreg s9;
	s9 =	simm.s32 $0x3;
	s10 =	simm.s32 $0x4  }
.LBB2_26:
0x1d: {  	s11 =	sadd.s32 $0x1, s11;
	s4 =	rddreg [dreg:$0x10]  }
0x1e: {  	p1 =	sne.s32 s11, s4  }
.Ltmp1:
0x1f: {  	_ = 	snop;
	(pc) =	sbr.rel @!p1 .LBB2_27-.Ltmp1, $1  }
0x20: {  	_ =	sdelay $0x3  }
.LBB2_1:
0x21: {  	[dreg:$0x12] =	wrdreg s11  }
0x22: {  	s4 =	simm.s32 $0x0;
	s23 =	rddreg [dreg:$0x6];
	s28 =	simm.s32 $0x9  }
0x23: {  	[tilespmem:s4], [sflag:$0x9] =	stream.strided.gather [hbm4b:s23+s25], $0x2000, s26, s25, $0x38;
	[tilespmem:$0x1C000] =	vst v63  }
0x24: {  	_ =	swait.ge [sflag:s28], $0x2000  }
0x25: {  	[sflag:s28] =	ssyncset.done $0x0  }
0x26: {  	s14 =	simm.s32 $0x2000;
	s17 =	rddreg [dreg:$0x7];
	[sflag:s28] =	ssyncadd.s32 $0xFFFFE000  }
0x27: {  	[tilespmem:s14], [sflag:$0x9] =	stream.strided.gather [hbm4b:s17+s25], $0x2000, s26, s25, $0x38;
	[tilespmem:$0x1C000] =	vst v63  }
0x28: {  	_ =	swait.ge [sflag:s28], $0x2000  }
0x29: {  	[sflag:s28] =	ssyncset.done $0x0  }
0x2a: {  	s18 =	rddreg [dreg:$0x8];
	[sflag:s28] =	ssyncadd.s32 $0xFFFFE000  }
0x2b: {  	[tilespmem:s30], [sflag:$0x1] =	stream.strided.gather [hbm4b:s18+s25], $0x4000, s26, s25, $0x38;
	[tilespmem:$0x1C000] =	vst v63  }
0x2c: {  	s20 =	rddreg [dreg:$0x9]  }
0x2d: {  	[tilespmem:s31], [sflag:$0x2] =	stream.strided.gather [hbm4b:s20+s25], $0x4000, s26, s25, $0x38;
	[tilespmem:$0x1C000] =	vst v63  }
.Ltmp2:
0x2e: {  	_ = 	snop;
	(pc) =	sbr.rel .LBB2_2-.Ltmp2, $4  }
0x2f: {  	s23 =	rddreg [dreg:$0xa]  }
0x30: {  	[tilespmem:s2], [sflag:$0x3] =	stream.strided.gather [hbm4b:s23+s25], $0x4000, s26, s25, $0x38;
	[tilespmem:$0x1C000] =	vst v63  }
0x31: {  	s11 =	simm.s32 $0x0;
	s28 =	rddreg [dreg:$0xb]  }
0x32: {  	[tilespmem:s0], [sflag:$0x4] =	stream.strided.gather [hbm4b:s28+s25], $0x4000, s26, s25, $0x38;
	[tilespmem:$0x1C000] =	vst v63  }
.LBB2_20:
0x33: {  	s4 =	sshll.u32 s11, $0xF;
	s17 =	sshll.u32 s11, $0x9  }
0x34: {  	s4 =	sand.u32 $0x30000, s4;
	s17 =	sand.u32 $0x200, s17  }
0x35: {  	s23 =	rddreg [dreg:$0x11];
	s4 =	sor.u32 s17, s4  }
0x36: {  	s4 =	sor.u32 s23, s4  }
0x37: {  	s4 =	sshrl.u32 s4, $0x3  }
0x38: {  	s4 =	sadd.s32 s4, s5  }
0x39: {  	s28 =	sadd.s32 $0x20, s4;
	s4 =	sadd.s32 $0x30, s4  }
0x3a: {  	[hbm4b:s28+s25] =	stream.strided.scatter [tilespmem:s12], [sflag:$0x7], $0x2000, s26, s25, $0x38;
	[tilespmem:$0x1C000] =	vst v63  }
.LBB2_21:
0x3b: {  	[hbm4b:s4+s25] =	stream.strided.scatter [tilespmem:s13], [sflag:$0x8], $0x2000, s26, s25, $0x38;
	[tilespmem:$0x1C000] =	vst v63  }
0x3c: {  	p3 =	sgt.u32 @!p2 s11, $0x6  }
0x3d: {  	p1 =	por !p3, p2  }
0x3e: {  	s4 =	sshll.u32 @!p1 s11, $0x2  }
0x3f: {  	s14 =	sadd.s32 $0x3, s14;
	p3 =	por p3, p2;
	s4 =	sadd.s32 @!p1 $0xFFFFFFE6, s4  }
0x40: {  	s18 =	sshll.u32 @!p3 s14, $0xF;
	s14 =	sshll.u32 @!p3 s14, $0x8;
	s17 =	sshll.u32 @!p1 s4, $0xE  }
0x41: {  	s11 =	sadd.s32 $0x1, s11;
	s18 =	sadd.s32 @!p3 s7, s18;
	s17 =	sadd.s32 @!p1 s15, s17  }
0x42: {  	s4 =	sshll.u32 @!p1 s4, $0x7;
	s18 =	sand.u32 @!p3 $0x3E0000, s18;
	s17 =	sand.u32 @!p1 $0xFFFE0000, s17  }
0x43: {  	s18 =	sadd.s32 @!p3 s8, s18;
	s4 =	smov.u32 @p1 s14;
	s17 =	sadd.s32 @!p1 s16, s17  }
0x44: {  	s14 =	smov.u32 s1;
	s4 =	sand.u32 @!p2 $0x300, s4;
	s17 =	smov.u32 @p1 s18  }
0x45: {  	s14 =	smov.u32 @p1 s3;
	p1 =	sne.s32 s11, $0xC;
	s4 =	sor.u32 @!p2 s4, s17  }
.Ltmp3:
0x46: {  	s18 =	simm.s32 @!p2 $0xC000;
	s4 =	sshrl.u32 @!p2 s4, $0x3;
	(pc) =	sbr.rel @!p1 .LBB2_22-.Ltmp3, $4  }
0x47: {  	s17 =	simm.s32 @!p2 $0x400;
	s4 =	sadd.s32 @!p2 s14, s4;
	s14 =	simm.s32 @!p2 $0x80  }
0x48: {  	[tilespmem:s18], [sflag:$0x3] =	stream.strided.gather @!p2 [hbm4b:s4+s14], $0x4000, s17, s14, $0x38;
	[tilespmem:$0x1C000] =	vst v63  }
0x49: {  	s4 =	sadd.s32 @!p2 $0x10, s4;
	s18 =	simm.s32 @!p2 $0x10000  }
0x4a: {  	[tilespmem:s18], [sflag:$0x4] =	stream.strided.gather @!p2 [hbm4b:s4+s14], $0x4000, s17, s14, $0x38;
	[tilespmem:$0x1C000] =	vst v63  }
.LBB2_2:
0x4b: {  	_ =	swait.ge [sflag:s6], $0x4000  }
0x4c: {  	[sflag:s6] =	ssyncset.done $0x0  }
0x4d: {  	[sflag:s6] =	ssyncadd.s32 $0xFFFFC000  }
0x4e: {  	_ =	swait.ge [sflag:s29], $0x4000  }
0x4f: {  	p1 =	seq.s32 s11, $0x0;
	[sflag:s29] =	ssyncset.done $0x0  }
0x50: {  	s4 =	simm.s32 @!p1 $0x5;
	p2 =	sgt.u32 @!p1 s11, $0x7;
	[sflag:s29] =	ssyncadd.s32 $0xFFFFC000  }
0x51: {  	p2 =	por p1, !p2;
	_ =	swait.ge @!p1 [sflag:s4], $0x2000  }
.Ltmp4:
0x52: {  	[sflag:s4] =	ssyncset.done @!p1 $0x0;
	(pc) =	sbr.rel @!p2 .LBB2_3-.Ltmp4, $4  }
0x53: {  	[sflag:s4] =	ssyncadd.s32 @!p1 $0xFFFFE000;
	s4 =	simm.s32 @!p1 $0x6  }
0x54: {  	_ =	swait.ge @!p1 [sflag:s4], $0x2000  }
0x55: {  	[sflag:s4] =	ssyncset.done @!p1 $0x0  }
0x56: {  	s14 =	sshll.u32 s11, $0x1;
	[sflag:s4] =	ssyncadd.s32 @!p1 $0xFFFFE000  }
0x57: {  	s4 =	simm.s32 $0x20  }
0x58: {  	v0 =	vld [tilespmem:s4+$0x10]  }
0x59: {  	v1 =	vld [tilespmem:s4+$0xFFFFFFF0]  }
0x5a: {  	v2 =	vld [tilespmem:s4+$0xFFFFFFE0]  }
0x5b: {  	s17 =	simm.s32 $0x2020;
	v3 =	vld [tilespmem:s4+$0x0]  }
0x5c: {  	s23 =	simm.s32 $0x60;
	v4 =	vld [tilespmem:s17+$0x10]  }
0x5d: {  	v11 =	vld [tilespmem:s23+$0xFFFFFFF0]  }
0x5e: {  	v12 =	vld [tilespmem:s23+$0x0]  }
0x5f: {  	v13 =	vld [tilespmem:s17+$0xFFFFFFE0]  }
0x60: {  	v14 =	vld [tilespmem:s17+$0xFFFFFFF0]  }
0x61: {  	v15 =	vld [tilespmem:s17+$0x0]  }
0x62: {  	v5 =	vld.idx.msk [tilespmem:v0+s30+$0x0], $0xffff  }
0x63: {  	v0 =	vld.idx.msk [tilespmem:v0+s31+$0x0], $0xffff  }
0x64: {  	v6 =	vld.idx.msk [tilespmem:v1+s30+$0x0], $0xffff  }
0x65: {  	v8 =	vld.idx.msk [tilespmem:v1+s31+$0x0], $0xffff  }
0x66: {  	s28 =	simm.s32 $0x2060;
	v1 =	vld [tilespmem:s23+$0x10]  }
0x67: {  	v16 =	vld [tilespmem:s28+$0x10]  }
0x68: {  	v9 =	vld.idx.msk [tilespmem:v3+s30+$0x0], $0xffff  }
0x69: {  	v10 =	vld.idx.msk [tilespmem:v3+s31+$0x0], $0xffff  }
0x6a: {  	v3 =	vld [tilespmem:s23+$0xFFFFFFE0];
	v5 =	vmul.f32 v4, v5  }
0x6b: {  	v7 =	vld.idx.msk [tilespmem:v2+s30+$0x0], $0xffff;
	v0 =	vmul.f32 v4, v0;
	v4 =	vmul.f32 v14, v6  }
0x6c: {  	s17 =	simm.s32 $0x14020;
	v2 =	vld.idx.msk [tilespmem:v2+s31+$0x0], $0xffff  }
0x6d: {  	[tilespmem:s17+$0xFFFFFFF0] =	vst v4;
	v4 =	vld.idx.msk [tilespmem:v12+s30+$0x0], $0xffff  }
0x6e: {  	v17 =	vld.idx.msk [tilespmem:v1+s30+$0x0], $0xffff  }
0x6f: {  	s23 =	simm.s32 $0x16020;
	[tilespmem:s17+$0x10] =	vst v5;
	v5 =	vmul.f32 v14, v8;
	v18 =	vld.idx.msk [tilespmem:v1+s31+$0x0], $0xffff  }
0x70: {  	v1 =	vmul.f32 v13, v7;
	[tilespmem:s23+$0x10] =	vst v0;
	v0 =	vld.idx.msk [tilespmem:v11+s30+$0x0], $0xffff  }
0x71: {  	v9 =	vmul.f32 v15, v9;
	[tilespmem:s23+$0xFFFFFFF0] =	vst v5;
	v5 =	vld.idx.msk [tilespmem:v12+s31+$0x0], $0xffff  }
0x72: {  	v2 =	vmul.f32 v13, v2;
	[tilespmem:s17+$0xFFFFFFE0] =	vst v1;
	v1 =	vld.idx.msk [tilespmem:v3+s30+$0x0], $0xffff  }
0x73: {  	s18 =	simm.s32 $0x4;
	[tilespmem:s17+$0x0] =	vst v9;
	v3 =	vld.idx.msk [tilespmem:v3+s31+$0x0], $0xffff;
	v8 =	vmul.f32 v16, v17  }
0x74: {  	s20 =	simm.s32 $0xA0;
	s4 =	simm.s32 $0x14060;
	v6 =	vmul.f32 v15, v10;
	s17 =	simm.s32 $0x16020;
	[tilespmem:s23+$0xFFFFFFE0] =	vst v2;
	v2 =	vld.idx.msk [tilespmem:v11+s31+$0x0], $0xffff;
	v7 =	vmul.f32 v16, v18  }
.LBB2_7:
0x75: {  	v9 =	vld [tilespmem:s20+$0x10];
	[tilespmem:s4+$0x10] =	vst v8;
	s23 =	sadd.s32 $0x40, s23  }
0x76: {  	s18 =	sadd.s32 $0x4, s18;
	v8 =	vld [tilespmem:s20+$0xFFFFFFF0];
	[tilespmem:s23+$0x10] =	vst v7  }
0x77: {  	p2 =	slt.u32 s18, $0x1FC;
	v7 =	vld [tilespmem:s20+$0x0];
	[tilespmem:s17+$0x0] =	vst v6;
	s17 =	smov.u32 s23  }
0x78: {  	v10 =	vld [tilespmem:s20+$0xFFFFFFE0]  }
0x79: {  	v6 =	vld [tilespmem:s28+$0xFFFFFFE0]  }
0x7a: {  	v11 =	vld [tilespmem:s28+$0xFFFFFFF0]  }
0x7b: {  	v12 =	vld [tilespmem:s28+$0x0];
	s28 =	sadd.s32 $0x40, s28  }
0x7c: {  	v13 =	vld [tilespmem:s28+$0x10]  }
0x7d: {  	v14 =	vld.idx.msk [tilespmem:v9+s30+$0x0], $0xffff  }
0x7e: {  	v9 =	vld.idx.msk [tilespmem:v9+s31+$0x0], $0xffff;
	v15 =	vmul.f32 v6, v1;
	v16 =	vmul.f32 v6, v3  }
0x7f: {  	v17 =	vmul.f32 v11, v0;
	v0 =	vld.idx.msk [tilespmem:v8+s30+$0x0], $0xffff;
	v11 =	vmul.f32 v11, v2  }
.Ltmp5:
0x80: {  	v1 =	vld.idx.msk [tilespmem:v10+s30+$0x0], $0xffff;
	[tilespmem:s4+$0xFFFFFFE0] =	vst v15;
	v15 =	vmul.f32 v12, v4;
	v6 =	vmul.f32 v12, v5;
	(pc) =	sbr.rel @p2 .LBB2_7-.Ltmp5, $4  }
0x81: {  	v3 =	vld.idx.msk [tilespmem:v10+s31+$0x0], $0xffff;
	[tilespmem:s23+$0xFFFFFFE0] =	vst v16  }
0x82: {  	v2 =	vld.idx.msk [tilespmem:v8+s31+$0x0], $0xffff;
	[tilespmem:s4+$0xFFFFFFF0] =	vst v17  }
0x83: {  	v8 =	vmul.f32 v13, v14;
	v4 =	vld.idx.msk [tilespmem:v7+s30+$0x0], $0xffff;
	[tilespmem:s23+$0xFFFFFFF0] =	vst v11  }
0x84: {  	s20 =	sadd.s32 $0x40, s20;
	v5 =	vld.idx.msk [tilespmem:v7+s31+$0x0], $0xffff;
	v7 =	vmul.f32 v13, v9;
	[tilespmem:s4+$0x0] =	vst v15;
	s4 =	sadd.s32 $0x40, s4  }
0x85: {  	v9 =	vld [tilespmem:s28+$0xFFFFFFE0]  }
0x86: {  	v10 =	vld [tilespmem:s28+$0xFFFFFFF0]  }
0x87: {  	v60 =	vld [tilespmem:s28+$0x0];
	_ =	sdelay $0x2  }
0x88: {  	[tilespmem:s4+$0x10] =	vst v8;
	s18 =	sadd.s32 $0x40, s23;
	v1 =	vmul.f32 v9, v1  }
0x89: {  	[tilespmem:s18+$0x10] =	vst v7;
	v0 =	vmul.f32 v10, v0  }
0x8a: {  	v62 =	vmul.f32 v60, v4;
	[tilespmem:s4+$0xFFFFFFE0] =	vst v1  }
0x8b: {  	v3 =	vmul.f32 v9, v3;
	[tilespmem:s4+$0xFFFFFFF0] =	vst v0  }
0x8c: {  	v61 =	vmul.f32 v10, v2;
	[tilespmem:s4+$0x0] =	vst v62  }
0x8d: {  	v63 =	vmul.f32 v60, v5;
	[tilespmem:s18+$0xFFFFFFE0] =	vst v3  }
0x8e: {  	[tilespmem:s18+$0xFFFFFFF0] =	vst v61  }
0x8f: {  	s20 =	sshll.u32 s11, $0xF;
	[tilespmem:s18+$0x0] =	vst v63;
	s18 =	sshll.u32 s11, $0x9  }
0x90: {  	[tilespmem:s17+$0x0] =	vst v6;
	s17 =	sand.u32 $0x30000, s20;
	s4 =	sand.u32 $0x200, s18  }
0x91: {  	s17 =	sor.u32 s15, s17;
	s28 =	rddreg [dreg:$0xc];
	s23 =	sor.u32 s16, s4  }
0x92: {  	p2 =	seq.s32 s11, $0x7;
	s4 =	sor.u32 s28, s4;
	s18 =	sor.u32 s17, s23  }
.Ltmp6:
0x93: {  	s4 =	sor.u32 s17, s4;
	s18 =	sshrl.u32 s18, $0x3;
	(pc) =	sbr.rel @!p2 .LBB2_28-.Ltmp6, $4  }
0x94: {  	s4 =	sshrl.u32 s4, $0x3;
	s18 =	sadd.s32 s5, s18  }
0x95: {  	[hbm4b:s18+s25] =	stream.strided.scatter [tilespmem:s21], [sflag:$0x5], $0x2000, s26, s25, $0x38;
	[tilespmem:$0x1C000] =	vst v63  }
0x96: {  	s4 =	sadd.s32 s5, s4  }
0x97: {  	[hbm4b:s4+s25] =	stream.strided.scatter [tilespmem:s22], [sflag:$0x6], $0x2000, s26, s25, $0x38;
	[tilespmem:$0x1C000] =	vst v63  }
.Ltmp7:
0x98: {  	(pc) =	sbr.rel .LBB2_10-.Ltmp7, $2  }
0x99: {  	_ =	sdelay $0x2  }
0x9a: {  	p4 =	por $0x1, $0x1;
	p3 =	por $0x0, $0x0  }
.LBB2_3:
0x9b: {  	s4 =	simm.s32 @!p1 $0x20  }
0x9c: {  	v0 =	vld [tilespmem:s4+$0x10];
	_ =	sdelay $0x1  }
0x9d: {  	v3 =	vld [tilespmem:s4+$0xFFFFFFF0]  }
0x9e: {  	v4 =	vld [tilespmem:s4+$0xFFFFFFE0]  }
0x9f: {  	s20 =	simm.s32 $0x60;
	v5 =	vld [tilespmem:s4+$0x0]  }
0xa0: {  	v11 =	vld [tilespmem:s20+$0x10]  }
0xa1: {  	v1 =	vld [tilespmem:s20+$0xFFFFFFF0]  }
0xa2: {  	v2 =	vld [tilespmem:s20+$0xFFFFFFE0]  }
0xa3: {  	v6 =	vld.idx.msk [tilespmem:v0+s30+$0x0], $0xffff  }
0xa4: {  	v8 =	vld.idx.msk [tilespmem:v0+s31+$0x0], $0xffff  }
0xa5: {  	v9 =	vld.idx.msk [tilespmem:v3+s30+$0x0], $0xffff  }
0xa6: {  	v10 =	vld.idx.msk [tilespmem:v4+s30+$0x0], $0xffff  }
0xa7: {  	v0 =	vld [tilespmem:s20+$0x0]  }
0xa8: {  	v12 =	vld.idx.msk [tilespmem:v4+s31+$0x0], $0xffff  }
0xa9: {  	s23 =	simm.s32 @!p1 $0x14020;
	v13 =	vld.idx.msk [tilespmem:v3+s31+$0x0], $0xffff  }
0xaa: {  	v7 =	vld.idx.msk [tilespmem:v5+s30+$0x0], $0xffff;
	[tilespmem:s23+$0x10] =	vst v6  }
0xab: {  	v3 =	vld.idx.msk [tilespmem:v11+s31+$0x0], $0xffff;
	[tilespmem:s23+$0xFFFFFFE0] =	vst v10  }
0xac: {  	s28 =	simm.s32 @!p1 $0x16020;
	v6 =	vld.idx.msk [tilespmem:v5+s31+$0x0], $0xffff;
	[tilespmem:s23+$0xFFFFFFF0] =	vst v9  }
0xad: {  	v5 =	vld.idx.msk [tilespmem:v11+s30+$0x0], $0xffff;
	[tilespmem:s28+$0x10] =	vst v8  }
0xae: {  	v4 =	vld.idx.msk [tilespmem:v1+s30+$0x0], $0xffff;
	[tilespmem:s28+$0xFFFFFFE0] =	vst v12  }
0xaf: {  	s17 =	simm.s32 $0xA0;
	s4 =	simm.s32 $0x4;
	v8 =	vld.idx.msk [tilespmem:v2+s30+$0x0], $0xffff;
	[tilespmem:s28+$0xFFFFFFF0] =	vst v13  }
.LBB2_4:
0xb0: {  	v9 =	vld [tilespmem:s17+$0x10];
	[tilespmem:s23+$0x0] =	vst v7  }
0xb1: {  	s4 =	sadd.s32 $0x4, s4;
	s23 =	sadd.s32 $0x40, s23;
	v10 =	vld [tilespmem:s17+$0xFFFFFFF0];
	[tilespmem:s28+$0x0] =	vst v6  }
0xb2: {  	p2 =	slt.u32 s4, $0x1FC;
	s28 =	sadd.s32 $0x40, s28;
	v11 =	vld [tilespmem:s17+$0x0];
	[tilespmem:s23+$0x10] =	vst v5  }
0xb3: {  	v12 =	vld [tilespmem:s17+$0xFFFFFFE0];
	[tilespmem:s28+$0x10] =	vst v3  }
0xb4: {  	v13 =	vld.idx.msk [tilespmem:v2+s31+$0x0], $0xffff  }
0xb5: {  	[tilespmem:s23+$0xFFFFFFE0] =	vst v8;
	v14 =	vld.idx.msk [tilespmem:v1+s31+$0x0], $0xffff  }
0xb6: {  	[tilespmem:s23+$0xFFFFFFF0] =	vst v4;
	v7 =	vld.idx.msk [tilespmem:v0+s30+$0x0], $0xffff;
	v1 =	vmov v10  }
.Ltmp8:
0xb7: {  	v6 =	vld.idx.msk [tilespmem:v0+s31+$0x0], $0xffff;
	v0 =	vmov v11;
	(pc) =	sbr.rel @p2 .LBB2_4-.Ltmp8, $4  }
0xb8: {  	v5 =	vld.idx.msk [tilespmem:v9+s30+$0x0], $0xffff;
	v2 =	vmov v12  }
0xb9: {  	v3 =	vld.idx.msk [tilespmem:v9+s31+$0x0], $0xffff  }
0xba: {  	v4 =	vld.idx.msk [tilespmem:v10+s30+$0x0], $0xffff;
	[tilespmem:s28+$0xFFFFFFE0] =	vst v13  }
0xbb: {  	s17 =	sadd.s32 $0x40, s17;
	v8 =	vld.idx.msk [tilespmem:v12+s30+$0x0], $0xffff;
	[tilespmem:s28+$0xFFFFFFF0] =	vst v14  }
0xbc: {  	_ =	sdelay $0x2  }
0xbd: {  	[tilespmem:s23+$0x0] =	vst v7  }
0xbe: {  	v62 =	vld.idx.msk [tilespmem:v0+s30+$0x0], $0xffff;
	s4 =	sadd.s32 $0x40, s23;
	[tilespmem:s28+$0x0] =	vst v6  }
0xbf: {  	v2 =	vld.idx.msk [tilespmem:v2+s31+$0x0], $0xffff;
	[tilespmem:s4+$0x10] =	vst v5  }
0xc0: {  	v1 =	vld.idx.msk [tilespmem:v1+s31+$0x0], $0xffff;
	[tilespmem:s4+$0xFFFFFFF0] =	vst v4  }
0xc1: {  	[tilespmem:s4+$0xFFFFFFE0] =	vst v8  }
0xc2: {  	s17 =	sshll.u32 s11, $0xF;
	v63 =	vld.idx.msk [tilespmem:v0+s31+$0x0], $0xffff;
	s18 =	rddreg [dreg:$0xd]  }
0xc3: {  	s28 =	sadd.s32 $0x40, s28;
	[tilespmem:s4+$0x0] =	vst v62;
	s17 =	sadd.s32 s17, s18  }
0xc4: {  	s23 =	sshll.u32 s11, $0x9;
	[tilespmem:s28+$0x10] =	vst v3;
	s20 =	sand.u32 $0xFFFF0000, s17  }
0xc5: {  	[tilespmem:s28+$0xFFFFFFE0] =	vst v2;
	s17 =	sand.u32 $0x200, s23;
	s4 =	sadd.s32 s19, s20  }
0xc6: {  	p5 =	seq.s32 s11, $0xB;
	[tilespmem:s28+$0xFFFFFFF0] =	vst v1;
	s4 =	sor.u32 s17, s4  }
.Ltmp9:
0xc7: {  	[tilespmem:s28+$0x0] =	vst v63;
	s28 =	rddreg [dreg:$0x3];
	s4 =	sshrl.u32 s4, $0x3;
	(pc) =	sbr.rel @p5 .LBB2_12-.Ltmp9, $4  }
0xc8: {  	p4 =	por $0x0, $0x0;
	s4 =	sadd.s32 s28, s4  }
0xc9: {  	[hbm4b:s4+s25] =	stream.strided.scatter [tilespmem:s21], [sflag:$0x5], $0x2000, s26, s25, $0x38;
	[tilespmem:$0x1C000] =	vst v63  }
0xca: {  	p3 =	por $0x1, $0x1;
	p2 =	por $0x1, $0x1;
	s4 =	sadd.s32 $0x10, s4  }
0xcb: {  	[hbm4b:s4+s25] =	stream.strided.scatter [tilespmem:s22], [sflag:$0x6], $0x2000, s26, s25, $0x38;
	[tilespmem:$0x1C000] =	vst v63  }
.LBB2_10:
0xcc: {  	s4 =	sshll.u32 s11, $0x2  }
.Ltmp10:
0xcd: {  	s17 =	sadd.s32 $0xFFFFFFE4, s4;
	(pc) =	sbr.rel .LBB2_11-.Ltmp10, $4  }
0xce: {  	s4 =	sshll.u32 s17, $0xE  }
0xcf: {  	s4 =	sadd.s32 s15, s4  }
0xd0: {  	s4 =	sand.u32 $0xFFFE0000, s4  }
0xd1: {  	s18 =	smov.u32 s1;
	s17 =	sshll.u32 s17, $0x7;
	s4 =	sadd.s32 s16, s4  }
.LBB2_28:
0xd2: {  	s17 =	sadd.s32 $0x2, s14  }
0xd3: {  	s4 =	sshll.u32 s17, $0xF  }
0xd4: {  	s4 =	sadd.s32 s7, s4  }
0xd5: {  	p4 =	por $0x1, $0x1;
	p3 =	por $0x0, $0x0;
	s4 =	sand.u32 $0x3E0000, s4  }
0xd6: {  	s18 =	smov.u32 s3;
	s17 =	sshll.u32 s17, $0x8;
	s4 =	sadd.s32 s8, s4  }
.LBB2_11:
0xd7: {  	s17 =	sand.u32 $0x200, s17  }
0xd8: {  	s4 =	sor.u32 s17, s4  }
0xd9: {  	s4 =	sshrl.u32 s4, $0x3  }
0xda: {  	s4 =	sadd.s32 s18, s4  }
0xdb: {  	[tilespmem:s30], [sflag:$0x1] =	stream.strided.gather [hbm4b:s4+s25], $0x4000, s26, s25, $0x38;
	[tilespmem:$0x1C000] =	vst v63  }
0xdc: {  	p2 =	por $0x0, $0x0;
	s4 =	sadd.s32 $0x10, s4  }
0xdd: {  	[tilespmem:s31], [sflag:$0x2] =	stream.strided.gather [hbm4b:s4+s25], $0x4000, s26, s25, $0x38;
	[tilespmem:$0x1C000] =	vst v63  }
.LBB2_12:
0xde: {  	_ =	swait.ge [sflag:s9], $0x4000  }
0xdf: {  	[sflag:s9] =	ssyncset.done $0x0  }
0xe0: {  	[sflag:s9] =	ssyncadd.s32 $0xFFFFC000  }
0xe1: {  	_ =	swait.ge [sflag:s10], $0x4000  }
0xe2: {  	[sflag:s10] =	ssyncset.done $0x0  }
0xe3: {  	s4 =	simm.s32 @!p1 $0x7;
	[sflag:s10] =	ssyncadd.s32 $0xFFFFC000  }
0xe4: {  	_ =	swait.ge @!p1 [sflag:s4], $0x2000  }
.Ltmp11:
0xe5: {  	[sflag:s4] =	ssyncset.done @!p1 $0x0;
	(pc) =	sbr.rel @!p4 .LBB2_16-.Ltmp11, $4  }
0xe6: {  	[sflag:s4] =	ssyncadd.s32 @!p1 $0xFFFFE000;
	s4 =	simm.s32 @!p1 $0x8  }
0xe7: {  	_ =	swait.ge @!p1 [sflag:s4], $0x2000  }
0xe8: {  	[sflag:s4] =	ssyncset.done @!p1 $0x0  }
0xe9: {  	[sflag:s4] =	ssyncadd.s32 @!p1 $0xFFFFE000  }
0xea: {  	s4 =	simm.s32 $0x20  }
0xeb: {  	v0 =	vld [tilespmem:s4+$0x10]  }
0xec: {  	v1 =	vld [tilespmem:s4+$0xFFFFFFF0]  }
0xed: {  	v2 =	vld [tilespmem:s4+$0xFFFFFFE0]  }
0xee: {  	s17 =	simm.s32 $0x2020;
	v3 =	vld [tilespmem:s4+$0x0]  }
0xef: {  	s23 =	simm.s32 $0x60;
	v4 =	vld [tilespmem:s17+$0x10]  }
0xf0: {  	v11 =	vld [tilespmem:s23+$0xFFFFFFF0]  }
0xf1: {  	v12 =	vld [tilespmem:s23+$0x0]  }
0xf2: {  	v13 =	vld [tilespmem:s17+$0xFFFFFFE0]  }
0xf3: {  	v14 =	vld [tilespmem:s17+$0xFFFFFFF0]  }
0xf4: {  	v15 =	vld [tilespmem:s17+$0x0]  }
0xf5: {  	v5 =	vld.idx.msk [tilespmem:v0+s2+$0x0], $0xffff  }
0xf6: {  	v0 =	vld.idx.msk [tilespmem:v0+s0+$0x0], $0xffff  }
0xf7: {  	v6 =	vld.idx.msk [tilespmem:v1+s2+$0x0], $0xffff  }
0xf8: {  	v8 =	vld.idx.msk [tilespmem:v1+s0+$0x0], $0xffff  }
0xf9: {  	s28 =	simm.s32 $0x2060;
	v1 =	vld [tilespmem:s23+$0x10]  }
0xfa: {  	v16 =	vld [tilespmem:s28+$0x10]  }
0xfb: {  	v9 =	vld.idx.msk [tilespmem:v3+s2+$0x0], $0xffff  }
0xfc: {  	v10 =	vld.idx.msk [tilespmem:v3+s0+$0x0], $0xffff  }
0xfd: {  	v3 =	vld [tilespmem:s23+$0xFFFFFFE0];
	v5 =	vmul.f32 v4, v5  }
0xfe: {  	v7 =	vld.idx.msk [tilespmem:v2+s2+$0x0], $0xffff;
	v0 =	vmul.f32 v4, v0;
	v4 =	vmul.f32 v14, v6  }
0xff: {  	s17 =	simm.s32 $0x18020;
	v2 =	vld.idx.msk [tilespmem:v2+s0+$0x0], $0xffff  }
0x100: {  	[tilespmem:s17+$0xFFFFFFF0] =	vst v4;
	v4 =	vld.idx.msk [tilespmem:v12+s2+$0x0], $0xffff  }
0x101: {  	v17 =	vld.idx.msk [tilespmem:v1+s2+$0x0], $0xffff  }
0x102: {  	s23 =	simm.s32 $0x1A020;
	[tilespmem:s17+$0x10] =	vst v5;
	v5 =	vmul.f32 v14, v8;
	v18 =	vld.idx.msk [tilespmem:v1+s0+$0x0], $0xffff  }
0x103: {  	v1 =	vmul.f32 v13, v7;
	[tilespmem:s23+$0x10] =	vst v0;
	v0 =	vld.idx.msk [tilespmem:v11+s2+$0x0], $0xffff  }
0x104: {  	v9 =	vmul.f32 v15, v9;
	[tilespmem:s23+$0xFFFFFFF0] =	vst v5;
	v5 =	vld.idx.msk [tilespmem:v12+s0+$0x0], $0xffff  }
0x105: {  	v2 =	vmul.f32 v13, v2;
	[tilespmem:s17+$0xFFFFFFE0] =	vst v1;
	v1 =	vld.idx.msk [tilespmem:v3+s2+$0x0], $0xffff  }
0x106: {  	s18 =	simm.s32 $0x4;
	[tilespmem:s17+$0x0] =	vst v9;
	v3 =	vld.idx.msk [tilespmem:v3+s0+$0x0], $0xffff;
	v8 =	vmul.f32 v16, v17  }
0x107: {  	s20 =	simm.s32 $0xA0;
	s4 =	simm.s32 $0x18060;
	v6 =	vmul.f32 v15, v10;
	s17 =	simm.s32 $0x1A020;
	[tilespmem:s23+$0xFFFFFFE0] =	vst v2;
	v2 =	vld.idx.msk [tilespmem:v11+s0+$0x0], $0xffff;
	v7 =	vmul.f32 v16, v18  }
.LBB2_14:
0x108: {  	v9 =	vld [tilespmem:s20+$0x10];
	[tilespmem:s4+$0x10] =	vst v8;
	s23 =	sadd.s32 $0x40, s23  }
0x109: {  	s18 =	sadd.s32 $0x4, s18;
	v8 =	vld [tilespmem:s20+$0xFFFFFFF0];
	[tilespmem:s23+$0x10] =	vst v7  }
0x10a: {  	p1 =	slt.u32 s18, $0x1FC;
	v7 =	vld [tilespmem:s20+$0x0];
	[tilespmem:s17+$0x0] =	vst v6;
	s17 =	smov.u32 s23  }
0x10b: {  	v10 =	vld [tilespmem:s20+$0xFFFFFFE0]  }
0x10c: {  	v6 =	vld [tilespmem:s28+$0xFFFFFFE0]  }
0x10d: {  	v11 =	vld [tilespmem:s28+$0xFFFFFFF0]  }
0x10e: {  	v12 =	vld [tilespmem:s28+$0x0];
	s28 =	sadd.s32 $0x40, s28  }
0x10f: {  	v13 =	vld [tilespmem:s28+$0x10]  }
0x110: {  	v14 =	vld.idx.msk [tilespmem:v9+s2+$0x0], $0xffff  }
0x111: {  	v9 =	vld.idx.msk [tilespmem:v9+s0+$0x0], $0xffff;
	v15 =	vmul.f32 v6, v1;
	v16 =	vmul.f32 v6, v3  }
0x112: {  	v17 =	vmul.f32 v11, v0;
	v0 =	vld.idx.msk [tilespmem:v8+s2+$0x0], $0xffff;
	v11 =	vmul.f32 v11, v2  }
.Ltmp12:
0x113: {  	v1 =	vld.idx.msk [tilespmem:v10+s2+$0x0], $0xffff;
	[tilespmem:s4+$0xFFFFFFE0] =	vst v15;
	v15 =	vmul.f32 v12, v4;
	v6 =	vmul.f32 v12, v5;
	(pc) =	sbr.rel @p1 .LBB2_14-.Ltmp12, $4  }
0x114: {  	v3 =	vld.idx.msk [tilespmem:v10+s0+$0x0], $0xffff;
	[tilespmem:s23+$0xFFFFFFE0] =	vst v16  }
0x115: {  	v2 =	vld.idx.msk [tilespmem:v8+s0+$0x0], $0xffff;
	[tilespmem:s4+$0xFFFFFFF0] =	vst v17  }
0x116: {  	v8 =	vmul.f32 v13, v14;
	v4 =	vld.idx.msk [tilespmem:v7+s2+$0x0], $0xffff;
	[tilespmem:s23+$0xFFFFFFF0] =	vst v11  }
0x117: {  	s20 =	sadd.s32 $0x40, s20;
	v5 =	vld.idx.msk [tilespmem:v7+s0+$0x0], $0xffff;
	v7 =	vmul.f32 v13, v9;
	[tilespmem:s4+$0x0] =	vst v15;
	s4 =	sadd.s32 $0x40, s4  }
0x118: {  	v9 =	vld [tilespmem:s28+$0xFFFFFFE0]  }
0x119: {  	v10 =	vld [tilespmem:s28+$0xFFFFFFF0]  }
0x11a: {  	v60 =	vld [tilespmem:s28+$0x0];
	_ =	sdelay $0x1  }
0x11b: {  	[tilespmem:s4+$0x10] =	vst v8  }
0x11c: {  	s18 =	sadd.s32 $0x40, s23;
	[tilespmem:s17+$0x0] =	vst v6;
	v1 =	vmul.f32 v9, v1  }
0x11d: {  	[tilespmem:s18+$0x10] =	vst v7;
	v0 =	vmul.f32 v10, v0  }
0x11e: {  	v62 =	vmul.f32 v60, v4;
	[tilespmem:s4+$0xFFFFFFE0] =	vst v1  }
0x11f: {  	v3 =	vmul.f32 v9, v3;
	[tilespmem:s4+$0xFFFFFFF0] =	vst v0  }
0x120: {  	v61 =	vmul.f32 v10, v2;
	[tilespmem:s4+$0x0] =	vst v62  }
0x121: {  	v63 =	vmul.f32 v60, v5;
	[tilespmem:s18+$0xFFFFFFE0] =	vst v3  }
0x122: {  	[tilespmem:s18+$0xFFFFFFF0] =	vst v61  }
0x123: {  	[tilespmem:s18+$0x0] =	vst v63  }
.LBB2_16:
.Ltmp13:
0x124: {  	(pc) =	sbr.rel @!p3 .LBB2_20-.Ltmp13, $1  }
0x125: {  	_ =	sdelay $0x3  }
0x126: {  	s4 =	simm.s32 $0x20  }
0x127: {  	v0 =	vld [tilespmem:s4+$0x10];
	_ =	sdelay $0x1  }
0x128: {  	v3 =	vld [tilespmem:s4+$0xFFFFFFF0]  }
0x129: {  	v4 =	vld [tilespmem:s4+$0xFFFFFFE0]  }
0x12a: {  	s28 =	simm.s32 $0x60;
	v5 =	vld [tilespmem:s4+$0x0]  }
0x12b: {  	v11 =	vld [tilespmem:s28+$0x10]  }
0x12c: {  	v1 =	vld [tilespmem:s28+$0xFFFFFFF0]  }
0x12d: {  	v2 =	vld [tilespmem:s28+$0xFFFFFFE0]  }
0x12e: {  	v6 =	vld.idx.msk [tilespmem:v0+s2+$0x0], $0xffff  }
0x12f: {  	v8 =	vld.idx.msk [tilespmem:v0+s0+$0x0], $0xffff  }
0x130: {  	v9 =	vld.idx.msk [tilespmem:v3+s2+$0x0], $0xffff  }
0x131: {  	v10 =	vld.idx.msk [tilespmem:v4+s2+$0x0], $0xffff  }
0x132: {  	v0 =	vld [tilespmem:s28+$0x0]  }
0x133: {  	v12 =	vld.idx.msk [tilespmem:v4+s0+$0x0], $0xffff  }
0x134: {  	s17 =	simm.s32 $0x18020;
	v13 =	vld.idx.msk [tilespmem:v3+s0+$0x0], $0xffff  }
0x135: {  	v7 =	vld.idx.msk [tilespmem:v5+s2+$0x0], $0xffff;
	[tilespmem:s17+$0x10] =	vst v6  }
0x136: {  	v4 =	vld.idx.msk [tilespmem:v5+s0+$0x0], $0xffff;
	[tilespmem:s17+$0xFFFFFFE0] =	vst v10  }
0x137: {  	s4 =	simm.s32 $0x1A020;
	v3 =	vld.idx.msk [tilespmem:v11+s0+$0x0], $0xffff;
	[tilespmem:s17+$0xFFFFFFF0] =	vst v9  }
0x138: {  	v6 =	vld.idx.msk [tilespmem:v11+s2+$0x0], $0xffff;
	[tilespmem:s4+$0x10] =	vst v8  }
0x139: {  	v5 =	vld.idx.msk [tilespmem:v1+s2+$0x0], $0xffff;
	[tilespmem:s4+$0xFFFFFFE0] =	vst v12  }
0x13a: {  	s18 =	simm.s32 $0x4;
	s20 =	simm.s32 $0xA0;
	v8 =	vld.idx.msk [tilespmem:v2+s2+$0x0], $0xffff;
	[tilespmem:s4+$0xFFFFFFF0] =	vst v13  }
.LBB2_18:
0x13b: {  	v9 =	vld [tilespmem:s20+$0x10];
	[tilespmem:s17+$0x0] =	vst v7  }
0x13c: {  	s18 =	sadd.s32 $0x4, s18;
	s17 =	sadd.s32 $0x40, s17;
	v10 =	vld [tilespmem:s20+$0xFFFFFFF0];
	[tilespmem:s4+$0x0] =	vst v4  }
0x13d: {  	p1 =	slt.u32 s18, $0x1FC;
	s4 =	sadd.s32 $0x40, s4;
	v11 =	vld [tilespmem:s20+$0x0];
	[tilespmem:s17+$0x10] =	vst v6  }
0x13e: {  	v12 =	vld [tilespmem:s20+$0xFFFFFFE0];
	[tilespmem:s4+$0x10] =	vst v3  }
0x13f: {  	v13 =	vld.idx.msk [tilespmem:v2+s0+$0x0], $0xffff  }
0x140: {  	[tilespmem:s17+$0xFFFFFFE0] =	vst v8;
	v14 =	vld.idx.msk [tilespmem:v1+s0+$0x0], $0xffff  }
0x141: {  	[tilespmem:s17+$0xFFFFFFF0] =	vst v5;
	v7 =	vld.idx.msk [tilespmem:v0+s2+$0x0], $0xffff;
	v1 =	vmov v10  }
.Ltmp14:
0x142: {  	v4 =	vld.idx.msk [tilespmem:v0+s0+$0x0], $0xffff;
	v0 =	vmov v11;
	(pc) =	sbr.rel @p1 .LBB2_18-.Ltmp14, $4  }
0x143: {  	v6 =	vld.idx.msk [tilespmem:v9+s2+$0x0], $0xffff;
	v2 =	vmov v12  }
0x144: {  	v3 =	vld.idx.msk [tilespmem:v9+s0+$0x0], $0xffff  }
0x145: {  	v5 =	vld.idx.msk [tilespmem:v10+s2+$0x0], $0xffff;
	[tilespmem:s4+$0xFFFFFFE0] =	vst v13  }
0x146: {  	s20 =	sadd.s32 $0x40, s20;
	v8 =	vld.idx.msk [tilespmem:v12+s2+$0x0], $0xffff;
	[tilespmem:s4+$0xFFFFFFF0] =	vst v14  }
0x147: {  	_ =	sdelay $0x2  }
0x148: {  	[tilespmem:s17+$0x0] =	vst v7;
	s28 =	sadd.s32 $0x40, s17  }
0x149: {  	v9 =	vld.idx.msk [tilespmem:v0+s2+$0x0], $0xffff;
	s18 =	sshll.u32 s11, $0x2;
	[tilespmem:s28+$0x10] =	vst v6  }
0x14a: {  	v2 =	vld.idx.msk [tilespmem:v2+s0+$0x0], $0xffff;
	s23 =	sadd.s32 $0x40, s4;
	s18 =	sadd.s32 $0xFFFFFFE2, s18;
	[tilespmem:s4+$0x0] =	vst v4  }
0x14b: {  	v1 =	vld.idx.msk [tilespmem:v1+s0+$0x0], $0xffff;
	s20 =	sshll.u32 s18, $0xD;
	[tilespmem:s23+$0x10] =	vst v3  }
0x14c: {  	v63 =	vld.idx.msk [tilespmem:v0+s0+$0x0], $0xffff;
	[tilespmem:s28+$0xFFFFFFF0] =	vst v5;
	s20 =	sadd.s32 s24, s20  }
0x14d: {  	s18 =	sshll.u32 s18, $0x7;
	[tilespmem:s28+$0xFFFFFFE0] =	vst v8;
	s17 =	sand.u32 $0xFFFF0000, s20  }
0x14e: {  	s18 =	sand.u32 $0x300, s18;
	[tilespmem:s28+$0x0] =	vst v9;
	s17 =	sadd.s32 s19, s17  }
.Ltmp15:
0x14f: {  	[tilespmem:s23+$0xFFFFFFE0] =	vst v2;
	s17 =	sor.u32 s18, s17;
	(pc) =	sbr.rel .LBB2_21-.Ltmp15, $4  }
0x150: {  	[tilespmem:s23+$0xFFFFFFF0] =	vst v1;
	s28 =	rddreg [dreg:$0x3];
	s17 =	sshrl.u32 s17, $0x3  }
0x151: {  	[tilespmem:s23+$0x0] =	vst v63;
	s4 =	sadd.s32 s28, s17  }
0x152: {  	[hbm4b:s4+s25] =	stream.strided.scatter [tilespmem:s12], [sflag:$0x7], $0x2000, s26, s25, $0x38;
	[tilespmem:$0x1C000] =	vst v63  }
0x153: {  	s4 =	sadd.s32 $0x10, s4  }
.LBB2_22:
0x154: {  	s4 =	simm.s32 $0x5  }
0x155: {  	_ =	swait.ge [sflag:s4], $0x2000  }
0x156: {  	[sflag:s4] =	ssyncset.done $0x0  }
0x157: {  	s20 =	simm.s32 $0x6;
	[sflag:s4] =	ssyncadd.s32 $0xFFFFE000  }
0x158: {  	_ =	swait.ge [sflag:s20], $0x2000  }
0x159: {  	[sflag:s20] =	ssyncset.done $0x0  }
0x15a: {  	s23 =	simm.s32 $0x7;
	[sflag:s20] =	ssyncadd.s32 $0xFFFFE000  }
0x15b: {  	_ =	swait.ge [sflag:s23], $0x2000  }
.Ltmp16:
0x15c: {  	[sflag:s23] =	ssyncset.done $0x0;
	(pc) =	sbr.rel @p0 .LBB2_26-.Ltmp16, $4  }
0x15d: {  	s28 =	simm.s32 $0x8;
	[sflag:s23] =	ssyncadd.s32 $0xFFFFE000  }
0x15e: {  	_ =	swait.ge [sflag:s28], $0x2000  }
0x15f: {  	[sflag:s28] =	ssyncset.done $0x0  }
0x160: {  	s11 =	rddreg [dreg:$0x12];
	[sflag:s28] =	ssyncadd.s32 $0xFFFFE000  }
0x161: {  	s4 =	rddreg [dreg:$0xe];
	s11 =	simm.s32 $0x200;
	s20 =	simm.s32 $0x9  }
0x162: {  	[tilespmem:s30], [sflag:$0x9] =	stream.strided.gather [hbm4b:s4+s25], $0x4000, s11, s25, $0x38;
	[tilespmem:$0x1C000] =	vst v63  }
0x163: {  	_ =	swait.ge [sflag:s20], $0x4000  }
0x164: {  	[sflag:s20] =	ssyncset.done $0x0  }
0x165: {  	s23 =	simm.s32 $0x20;
	[sflag:s20] =	ssyncadd.s32 $0xFFFFC000  }
0x166: {  	v0 =	vld [tilespmem:s23+$0x10];
	_ =	sdelay $0x1  }
0x167: {  	v2 =	vld [tilespmem:s23+$0xFFFFFFE0]  }
0x168: {  	v3 =	vld [tilespmem:s23+$0xFFFFFFF0]  }
0x169: {  	s28 =	simm.s32 $0x60;
	v4 =	vld [tilespmem:s23+$0x0]  }
0x16a: {  	v7 =	vld [tilespmem:s28+$0x10]  }
0x16b: {  	v1 =	vld [tilespmem:s28+$0xFFFFFFF0]  }
0x16c: {  	v6 =	vld [tilespmem:s28+$0xFFFFFFE0]  }
0x16d: {  	v8 =	vld.idx.msk [tilespmem:v0+s30+$0x0], $0xffff  }
0x16e: {  	v0 =	vld [tilespmem:s28+$0x0]  }
0x16f: {  	v5 =	vld.idx.msk [tilespmem:v2+s30+$0x0], $0xffff  }
0x170: {  	v2 =	vld.idx.msk [tilespmem:v3+s30+$0x0], $0xffff  }
0x171: {  	s4 =	simm.s32 $0x14020;
	v3 =	vld.idx.msk [tilespmem:v4+s30+$0x0], $0xffff  }
0x172: {  	s14 =	simm.s32 $0xA0;
	s11 =	simm.s32 $0x4;
	v4 =	vld.idx.msk [tilespmem:v7+s30+$0x0], $0xffff;
	[tilespmem:s4+$0x10] =	vst v8  }
.LBB2_24:
0x173: {  	v7 =	vld [tilespmem:s14+$0x10];
	s11 =	sadd.s32 $0x4, s11  }
0x174: {  	v8 =	vld [tilespmem:s14+$0xFFFFFFF0];
	p1 =	slt.u32 s11, $0x1FC;
	[tilespmem:s4+$0xFFFFFFE0] =	vst v5  }
0x175: {  	v9 =	vld [tilespmem:s14+$0x0];
	[tilespmem:s4+$0xFFFFFFF0] =	vst v2  }
0x176: {  	v10 =	vld [tilespmem:s14+$0xFFFFFFE0];
	[tilespmem:s4+$0x0] =	vst v3  }
.Ltmp17:
0x177: {  	s4 =	sadd.s32 $0x40, s4;
	v5 =	vld.idx.msk [tilespmem:v6+s30+$0x0], $0xffff;
	(pc) =	sbr.rel @p1 .LBB2_24-.Ltmp17, $4  }
0x178: {  	v2 =	vld.idx.msk [tilespmem:v1+s30+$0x0], $0xffff;
	[tilespmem:s4+$0x10] =	vst v4  }
0x179: {  	v3 =	vld.idx.msk [tilespmem:v0+s30+$0x0], $0xffff;
	v1 =	vmov v8  }
0x17a: {  	v0 =	vmov v9  }
0x17b: {  	s14 =	sadd.s32 $0x40, s14;
	v4 =	vld.idx.msk [tilespmem:v7+s30+$0x0], $0xffff;
	v6 =	vmov v10  }
0x17c: {  	_ =	sdelay $0x3  }
0x17d: {  	v6 =	vld.idx.msk [tilespmem:v6+s30+$0x0], $0xffff  }
0x17e: {  	[tilespmem:s4+$0xFFFFFFE0] =	vst v5;
	v1 =	vld.idx.msk [tilespmem:v1+s30+$0x0], $0xffff  }
0x17f: {  	v0 =	vld.idx.msk [tilespmem:v0+s30+$0x0], $0xffff;
	[tilespmem:s4+$0xFFFFFFF0] =	vst v2  }
0x180: {  	s23 =	sadd.s32 $0x40, s4;
	[tilespmem:s4+$0x0] =	vst v3  }
0x181: {  	[tilespmem:s23+$0x10] =	vst v4  }
0x182: {  	[tilespmem:s23+$0xFFFFFFE0] =	vst v6  }
0x183: {  	[tilespmem:s23+$0xFFFFFFF0] =	vst v1  }
0x184: {  	s11 =	simm.s32 $0x200;
	[tilespmem:s23+$0x0] =	vst v0  }
.Ltmp18:
0x185: {  	s28 =	simm.s32 $0x9;
	s4 =	rddreg [dreg:$0xf];
	(pc) =	sbr.rel .LBB2_26-.Ltmp18, $4  }
0x186: {  	[hbm4b:s4+s25] =	stream.strided.scatter [tilespmem:s21], [sflag:$0x9], $0x2000, s11, s25, $0x38;
	[tilespmem:$0x1C000] =	vst v63  }
0x187: {  	_ =	swait.ge [sflag:s28], $0x2000  }
0x188: {  	[sflag:s28] =	ssyncset.done $0x0  }
0x189: {  	s11 =	rddreg [dreg:$0x12];
	[sflag:s28] =	ssyncadd.s32 $0xFFFFE000  }
.LBB2_27:
0x18a: {  	_ =	sfence.sel $0x180000  }
0x18b: {  	[bflag:$0x0] =	sbarrier.arrive $0xFFFF  }
0x18c: {  	_ =	strace $0x9000004A  }
0x18d: {  	s0 =	stileid.u32;
	[bflag:$0x2] =	sbarrier.arrive $0xFFFF  }
0x18e: {  	p0 =	sne.s32 s0, $0x0;
	s0 =	rddreg [dreg:$0x5]  }
0x18f: {  	s0 =	sadd.s32 @!p0 $0x100000, s0  }
0x190: {  	[sflag:s0] =	ssyncadd.tile.s32 @!p0 $0x1;
	_ =	shalt  }
.Lfunc_end2:
_tile_overlayer_lowered:
.L_overlay_start_2:
0x191: {  	(tag) =	ssettag $0x2  }
0x192: {  	s0 =	rddreg [dreg:$0x0];
	s2 =	stileid.u32  }
0x193: {  	s1 =	rddreg [dreg:$0x1];
	p0 =	sne.s32 s2, $0x0  }
0x194: {  	s3 =	rddreg [dreg:$0x2];
	[bflag:$0x3] =	sbarrier.arrive $0xFFFF;
	s2 =	simm.s32 @!p0 $0x1C09  }
0x195: {  	[timem:s3], [sflag:s2] =	dma.local @!p0 [hbm:s0], s1  }
0x196: {  	s0 =	simm.s32 @!p0 $0x9  }
0x197: {  	_ =	swait.ge @!p0 [sflag:s0], s1  }
0x198: {  	s1 =	ssub.s32 @!p0 $0x0, s1;
	[sflag:s0] =	ssyncset.done @!p0 $0x0  }
0x199: {  	[sflag:s0] =	ssyncadd.s32 @!p0 s1  }
0x19a: {  	[bflag:$0x3] =	sbarrier.arrive $0xFFFF  }
0x19b: {  	_ =	shalt  }

</sc_bundles>
